<compile_context>
chip_gen: v7x
topology: tpu7x:2x2x1
jax: 0.10.2.dev20260603
libtpu: 0.0.44.dev20260713+nightly
codegen_flags: <defaults>
</compile_context>

<pallas_src>
import jax
import jax.numpy as jnp
from jax import lax
from jax.experimental import pallas as pl

N = 50000
E = 800000
FEAT = 128
HID = 64

_BN = 2000
_BE = 6400



def _h0_body(x_ref, w_ref, b_ref, o_ref):
    o_ref[...] = jax.nn.relu(
        jnp.dot(x_ref[...], w_ref[...], preferred_element_type=jnp.float32)
        + b_ref[...]
    )


def _h0(x, W_in, b_in):
    return pl.pallas_call(
        _h0_body,
        grid=(N // _BN,),
        in_specs=[
            pl.BlockSpec((_BN, FEAT), lambda i: (i, 0)),
            pl.BlockSpec((FEAT, HID), lambda i: (0, 0)),
            pl.BlockSpec((1, HID), lambda i: (0, 0)),
        ],
        out_specs=pl.BlockSpec((_BN, HID), lambda i: (i, 0)),
        out_shape=jax.ShapeDtypeStruct((N, HID), jnp.float32),
    )(x, W_in, b_in.reshape(1, HID))



def _edgew_body(ea_ref, we1_ref, be1_ref, we2_ref, be2_ref, o_ref):
    ea = ea_ref[...]
    for l in range(3):
        h16 = jax.nn.relu(
            jnp.dot(ea, we1_ref[l], preferred_element_type=jnp.float32)
            + be1_ref[l]
        )
        w = jax.nn.sigmoid(
            jnp.dot(h16, we2_ref[l], preferred_element_type=jnp.float32)
            + be2_ref[l]
        )
        o_ref[l, :] = w[:, 0]


def _edge_w(edge_attr, We1, be1, We2, be2):
    return pl.pallas_call(
        _edgew_body,
        grid=(E // _BE,),
        in_specs=[
            pl.BlockSpec((_BE, 3), lambda i: (i, 0)),
            pl.BlockSpec((3, 3, 16), lambda i: (0, 0, 0)),
            pl.BlockSpec((3, 1, 16), lambda i: (0, 0, 0)),
            pl.BlockSpec((3, 16, 1), lambda i: (0, 0, 0)),
            pl.BlockSpec((3, 1, 1), lambda i: (0, 0, 0)),
        ],
        out_specs=pl.BlockSpec((3, _BE), lambda i: (0, i)),
        out_shape=jax.ShapeDtypeStruct((3, E), jnp.float32),
    )(edge_attr, We1, be1, We2, be2)



def _upd_body(h_ref, agg_ref, cnt_ref, wn_ref, bn_ref, g_ref, b_ref, o_ref):
    h = h_ref[...]
    cnt = jnp.clip(cnt_ref[...], 1e-12, None)
    agg = agg_ref[...] / cnt
    upd = jax.nn.relu(
        jnp.dot(h, wn_ref[0], preferred_element_type=jnp.float32)
        + jnp.dot(agg, wn_ref[1], preferred_element_type=jnp.float32)
        + bn_ref[...]
    )
    r = h + upd
    mu = jnp.mean(r, axis=-1, keepdims=True)
    var = jnp.mean((r - mu) ** 2, axis=-1, keepdims=True)
    o_ref[...] = (r - mu) * lax.rsqrt(var + 1e-5) * g_ref[...] + b_ref[...]


def _layer_update(h, agg, cnt, Wn, bn, g, b):
    return pl.pallas_call(
        _upd_body,
        grid=(N // _BN,),
        in_specs=[
            pl.BlockSpec((_BN, HID), lambda i: (i, 0)),
            pl.BlockSpec((_BN, HID), lambda i: (i, 0)),
            pl.BlockSpec((_BN, 1), lambda i: (i, 0)),
            pl.BlockSpec((2, HID, HID), lambda i: (0, 0, 0)),
            pl.BlockSpec((1, HID), lambda i: (0, 0)),
            pl.BlockSpec((1, HID), lambda i: (0, 0)),
            pl.BlockSpec((1, HID), lambda i: (0, 0)),
        ],
        out_specs=pl.BlockSpec((_BN, HID), lambda i: (i, 0)),
        out_shape=jax.ShapeDtypeStruct((N, HID), jnp.float32),
    )(h, agg, cnt, Wn, bn.reshape(1, HID), g.reshape(1, HID), b.reshape(1, HID))



def _head_body(h_ref, w1_ref, b1_ref, w2_ref, b2_ref, o_ref):
    z = jax.nn.relu(
        jnp.dot(h_ref[...], w1_ref[...], preferred_element_type=jnp.float32)
        + b1_ref[...]
    )
    o_ref[...] = (
        jnp.dot(z, w2_ref[...], preferred_element_type=jnp.float32) + b2_ref[...]
    )


def _head(h, Wh1, bh1, Wh2, bh2):
    return pl.pallas_call(
        _head_body,
        grid=(N // _BN,),
        in_specs=[
            pl.BlockSpec((_BN, HID), lambda i: (i, 0)),
            pl.BlockSpec((HID, HID // 2), lambda i: (0, 0)),
            pl.BlockSpec((1, HID // 2), lambda i: (0, 0)),
            pl.BlockSpec((HID // 2, 1), lambda i: (0, 0)),
            pl.BlockSpec((1, 1), lambda i: (0, 0)),
        ],
        out_specs=pl.BlockSpec((_BN, 1), lambda i: (i, 0)),
        out_shape=jax.ShapeDtypeStruct((N, 1), jnp.float32),
    )(h, Wh1, bh1.reshape(1, HID // 2), Wh2, bh2.reshape(1, 1))



def kernel(x, edge_index, edge_attr, params):
    src = edge_index[0]
    dst = edge_index[1]
    lp = params["layers"]

    We1 = jnp.stack([l["We1"] for l in lp])
    be1 = jnp.stack([l["be1"].reshape(1, 16) for l in lp])
    We2 = jnp.stack([l["We2"] for l in lp])
    be2 = jnp.stack([l["be2"].reshape(1, 1) for l in lp])

    w_all = _edge_w(edge_attr, We1, be1, We2, be2)
    h = _h0(x, params["W_in"], params["b_in"])

    for l in range(3):
        w = w_all[l][:, None]
        agg = jnp.zeros((N, HID), jnp.float32).at[dst].add(h[src] * w)
        cnt = jnp.zeros((N, 1), jnp.float32).at[dst].add(w)
        Wn = jnp.stack([lp[l]["Wn"][:HID], lp[l]["Wn"][HID:]])
        h = _layer_update(h, agg, cnt, Wn, lp[l]["bn"], lp[l]["ln_g"], lp[l]["ln_b"])

    return _head(h, params["Wh1"], params["bh1"], params["Wh2"], params["bh2"])

# --- scband reference (transcript-rebuilt; emitter-appended) ---
"""Pipeline reference for scband-sageprolongation-gnn-64295660421654 (READ-ONLY COPY).

The authoritative reference and input builder live on the scoring server;
editing this copy changes nothing except your own understanding.
"""

import jax, jax.numpy as jnp
import numpy as np

N = 50000
E = 800000
FEAT = 128
HID = 64
EDGE_DIM = 3
NUM_LAYERS = 3


def setup_inputs(seed: int = 0) -> dict:
    key = jax.random.key(seed)
    ks = jax.random.split(key, 8 + 8 * NUM_LAYERS)
    x = jax.random.normal(ks[0], (N, FEAT), dtype=jnp.float32)
    edge_index = jax.random.randint(ks[1], (2, E), 0, N, dtype=jnp.int32)
    edge_attr = jax.random.uniform(ks[2], (E, EDGE_DIM), dtype=jnp.float32)

    def lin(k, fan_in, fan_out):
        bound = 1.0 / np.sqrt(fan_in)
        k1, k2 = jax.random.split(k)
        W = jax.random.uniform(k1, (fan_in, fan_out), minval=-bound, maxval=bound, dtype=jnp.float32)
        b = jax.random.uniform(k2, (fan_out,), minval=-bound, maxval=bound, dtype=jnp.float32)
        return W, b

    W_in, b_in = lin(ks[3], FEAT, HID)
    layers = []
    for l in range(NUM_LAYERS):
        base = 8 + 8 * l
        We1, be1 = lin(ks[base + 0], EDGE_DIM, 16)
        We2, be2 = lin(ks[base + 1], 16, 1)
        Wn, bn = lin(ks[base + 2], 2 * HID, HID)
        layers.append({
            'We1': We1, 'be1': be1,
            'We2': We2, 'be2': be2,
            'Wn': Wn, 'bn': bn,
            'ln_g': jnp.ones((HID,), jnp.float32),
            'ln_b': jnp.zeros((HID,), jnp.float32),
        })
    Wh1, bh1 = lin(ks[4], HID, HID // 2)
    Wh2, bh2 = lin(ks[5], HID // 2, 1)
    params = {
        'W_in': W_in, 'b_in': b_in,
        'layers': layers,
        'Wh1': Wh1, 'bh1': bh1,
        'Wh2': Wh2, 'bh2': bh2,
    }
    return {'x': x, 'edge_index': edge_index, 'edge_attr': edge_attr, 'params': params}


def _layer_norm(h, g, b, eps=1e-5):
    mu = jnp.mean(h, axis=-1, keepdims=True)
    var = jnp.mean((h - mu) ** 2, axis=-1, keepdims=True)
    return (h - mu) / jnp.sqrt(var + eps) * g + b


def reference(x, edge_index, edge_attr, params):
    src = edge_index[0]
    dst = edge_index[1]
    h = jax.nn.relu(x @ params['W_in'] + params['b_in'])
    n = h.shape[0]
    for lp in params['layers']:
        e = jax.nn.relu(edge_attr @ lp['We1'] + lp['be1'])
        w = jax.nn.sigmoid(e @ lp['We2'] + lp['be2'])  # (E, 1)
        agg = jnp.zeros((n, h.shape[1]), h.dtype).at[dst].add(h[src] * w)
        cnt = jnp.zeros((n, 1), h.dtype).at[dst].add(w)
        agg = agg / jnp.clip(cnt, 1e-12, None)
        upd = jax.nn.relu(jnp.concatenate([h, agg], axis=1) @ lp['Wn'] + lp['bn'])
        h = _layer_norm(h + upd, lp['ln_g'], lp['ln_b'])
    z = jax.nn.relu(h @ params['Wh1'] + params['bh1'])
    return z @ params['Wh2'] + params['bh2']

if __name__ == "__main__":
    import jax
    _d = setup_inputs()
    print(jax.jit(kernel)(*tuple(_d.values())))

</pallas_src>

<mosaic_0001>
module attributes {stable_mosaic.version = 14 : i64} {
  func.func @_edgew_body(%arg0: i32, %arg1: memref<6400x3xf32, #tpu.memory_space<vmem>>, %arg2: memref<3x3x16xf32, #tpu.memory_space<vmem>>, %arg3: memref<3x1x16xf32, #tpu.memory_space<vmem>>, %arg4: memref<3x16x1xf32, #tpu.memory_space<vmem>>, %arg5: memref<3x1x1xf32, #tpu.memory_space<vmem>>, %arg6: memref<3x6400xf32, #tpu.memory_space<vmem>>) attributes {dimension_semantics = [#tpu.dimension_semantics<arbitrary>], iteration_bounds = array<i64: 125>, scalar_prefetch = 0 : i64, scratch_operands = 0 : i64, tpu.core_type = #tpu.core_type<tc>, window_params = [{transform_indices = @transform_0, window_bounds = array<i64: 6400, 3>}, {pipeline_mode = #tpu.pipeline_mode<synchronous>, transform_indices = @transform_1, window_bounds = array<i64: 3, 3, 16>}, {pipeline_mode = #tpu.pipeline_mode<synchronous>, transform_indices = @transform_2, window_bounds = array<i64: 3, 1, 16>}, {pipeline_mode = #tpu.pipeline_mode<synchronous>, transform_indices = @transform_3, window_bounds = array<i64: 3, 16, 1>}, {pipeline_mode = #tpu.pipeline_mode<synchronous>, transform_indices = @transform_4, window_bounds = array<i64: 3, 1, 1>}, {transform_indices = @transform_5, window_bounds = array<i64: 3, 6400>}]} {
    %get3A = arith.constant 0 : index
    %get3A_0 = arith.constant 0 : index
    %get3A_1 = vector.load %arg1[%get3A, %get3A_0] : memref<6400x3xf32, #tpu.memory_space<vmem>>, vector<6400x3xf32>
    %get3A_2 = arith.constant 0 : index
    %get3A_3 = arith.constant 0 : index
    %get3A_4 = arith.constant 0 : index
    %get3A_5 = vector.load %arg2[%get3A_2, %get3A_3, %get3A_4] : memref<3x3x16xf32, #tpu.memory_space<vmem>>, vector<1x3x16xf32>
    %get3A_6 = vector.shape_cast %get3A_5 : vector<1x3x16xf32> to vector<3x16xf32>
    %dot_general3A = arith.constant dense<0.000000e+00> : vector<6400x16xf32>
    %dot_general3A_7 = tpu.matmul %get3A_1, %get3A_6, %dot_general3A {dimension_numbers = #tpu.dot_dimension_numbers<[1], [0], [0], [1], [0, 0, 1, 1], [], []>, transpose_lhs_hint = false} : vector<6400x3xf32>, vector<3x16xf32>, vector<6400x16xf32> -> vector<6400x16xf32>
    %get3A_8 = arith.constant 0 : index
    %get3A_9 = arith.constant 0 : index
    %get3A_10 = arith.constant 0 : index
    %get3A_11 = vector.load %arg3[%get3A_8, %get3A_9, %get3A_10] : memref<3x1x16xf32, #tpu.memory_space<vmem>>, vector<1x1x16xf32>
    %get3A_12 = vector.shape_cast %get3A_11 : vector<1x1x16xf32> to vector<1x16xf32>
    %add3A = vector.broadcast %get3A_12 : vector<1x16xf32> to vector<6400x16xf32>
    %add3A_13 = arith.addf %dot_general3A_7, %add3A : vector<6400x16xf32>
    %max3A = arith.constant 0.000000e+00 : f32
    %max3A_14 = vector.broadcast %max3A : f32 to vector<6400x16xf32>
    %max3A_15 = arith.maximumf %add3A_13, %max3A_14 : vector<6400x16xf32>
    %get3A_16 = arith.constant 0 : index
    %get3A_17 = arith.constant 0 : index
    %get3A_18 = arith.constant 0 : index
    %get3A_19 = vector.load %arg4[%get3A_16, %get3A_17, %get3A_18] : memref<3x16x1xf32, #tpu.memory_space<vmem>>, vector<1x16x1xf32>
    %get3A_20 = vector.shape_cast %get3A_19 : vector<1x16x1xf32> to vector<16x1xf32>
    %dot_general3A_21 = arith.constant dense<0.000000e+00> : vector<6400x1xf32>
    %dot_general3A_22 = tpu.matmul %max3A_15, %get3A_20, %dot_general3A_21 {dimension_numbers = #tpu.dot_dimension_numbers<[1], [0], [0], [1], [0, 0, 1, 1], [], []>, transpose_lhs_hint = false} : vector<6400x16xf32>, vector<16x1xf32>, vector<6400x1xf32> -> vector<6400x1xf32>
    %get3A_23 = arith.constant 0 : index
    %get3A_24 = arith.constant 0 : index
    %get3A_25 = arith.constant 0 : index
    %get3A_26 = vector.load %arg5[%get3A_23, %get3A_24, %get3A_25] : memref<3x1x1xf32, #tpu.memory_space<vmem>>, vector<1x1x1xf32>
    %get3A_27 = vector.shape_cast %get3A_26 : vector<1x1x1xf32> to vector<1x1xf32>
    %add3A_28 = vector.broadcast %get3A_27 : vector<1x1xf32> to vector<6400x1xf32>
    %add3A_29 = arith.addf %dot_general3A_22, %add3A_28 : vector<6400x1xf32>
    %logistic3A = arith.negf %add3A_29 : vector<6400x1xf32>
    %logistic3A_30 = math.exp %logistic3A : vector<6400x1xf32>
    %logistic3A_31 = arith.constant 1.000000e+00 : f32
    %logistic3A_32 = vector.broadcast %logistic3A_31 : f32 to vector<6400x1xf32>
    %logistic3A_33 = arith.addf %logistic3A_32, %logistic3A_30 : vector<6400x1xf32>
    %logistic3A_34 = arith.divf %logistic3A_32, %logistic3A_33 : vector<6400x1xf32>
    %squeeze3A = vector.shape_cast %logistic3A_34 : vector<6400x1xf32> to vector<6400xf32>
    %swap3A = arith.constant 0 : index
    %swap3A_35 = arith.constant 0 : index
    %swap3A_36 = vector.load %arg6[%swap3A, %swap3A_35] : memref<3x6400xf32, #tpu.memory_space<vmem>>, vector<1x6400xf32>
    %swap3A_37 = vector.shape_cast %swap3A_36 : vector<1x6400xf32> to vector<6400xf32>
    %swap3A_38 = vector.shape_cast %squeeze3A : vector<6400xf32> to vector<1x6400xf32>
    tpu.vector_store %arg6[%swap3A, %swap3A_35], %swap3A_38 {strides = array<i32>} : memref<3x6400xf32, #tpu.memory_space<vmem>>, vector<1x6400xf32>,
    %get3A_39 = arith.constant 1 : index
    %get3A_40 = arith.constant 0 : index
    %get3A_41 = arith.constant 0 : index
    %get3A_42 = vector.load %arg2[%get3A_39, %get3A_40, %get3A_41] : memref<3x3x16xf32, #tpu.memory_space<vmem>>, vector<1x3x16xf32>
    %get3A_43 = vector.shape_cast %get3A_42 : vector<1x3x16xf32> to vector<3x16xf32>
    %dot_general3A_44 = arith.constant dense<0.000000e+00> : vector<6400x16xf32>
    %dot_general3A_45 = tpu.matmul %get3A_1, %get3A_43, %dot_general3A_44 {dimension_numbers = #tpu.dot_dimension_numbers<[1], [0], [0], [1], [0, 0, 1, 1], [], []>, transpose_lhs_hint = false} : vector<6400x3xf32>, vector<3x16xf32>, vector<6400x16xf32> -> vector<6400x16xf32>
    %get3A_46 = arith.constant 1 : index
    %get3A_47 = arith.constant 0 : index
    %get3A_48 = arith.constant 0 : index
    %get3A_49 = vector.load %arg3[%get3A_46, %get3A_47, %get3A_48] : memref<3x1x16xf32, #tpu.memory_space<vmem>>, vector<1x1x16xf32>
    %get3A_50 = vector.shape_cast %get3A_49 : vector<1x1x16xf32> to vector<1x16xf32>
    %add3A_51 = vector.broadcast %get3A_50 : vector<1x16xf32> to vector<6400x16xf32>
    %add3A_52 = arith.addf %dot_general3A_45, %add3A_51 : vector<6400x16xf32>
    %max3A_53 = arith.constant 0.000000e+00 : f32
    %max3A_54 = vector.broadcast %max3A_53 : f32 to vector<6400x16xf32>
    %max3A_55 = arith.maximumf %add3A_52, %max3A_54 : vector<6400x16xf32>
    %get3A_56 = arith.constant 1 : index
    %get3A_57 = arith.constant 0 : index
    %get3A_58 = arith.constant 0 : index
    %get3A_59 = vector.load %arg4[%get3A_56, %get3A_57, %get3A_58] : memref<3x16x1xf32, #tpu.memory_space<vmem>>, vector<1x16x1xf32>
    %get3A_60 = vector.shape_cast %get3A_59 : vector<1x16x1xf32> to vector<16x1xf32>
    %dot_general3A_61 = arith.constant dense<0.000000e+00> : vector<6400x1xf32>
    %dot_general3A_62 = tpu.matmul %max3A_55, %get3A_60, %dot_general3A_61 {dimension_numbers = #tpu.dot_dimension_numbers<[1], [0], [0], [1], [0, 0, 1, 1], [], []>, transpose_lhs_hint = false} : vector<6400x16xf32>, vector<16x1xf32>, vector<6400x1xf32> -> vector<6400x1xf32>
    %get3A_63 = arith.constant 1 : index
    %get3A_64 = arith.constant 0 : index
    %get3A_65 = arith.constant 0 : index
    %get3A_66 = vector.load %arg5[%get3A_63, %get3A_64, %get3A_65] : memref<3x1x1xf32, #tpu.memory_space<vmem>>, vector<1x1x1xf32>
    %get3A_67 = vector.shape_cast %get3A_66 : vector<1x1x1xf32> to vector<1x1xf32>
    %add3A_68 = vector.broadcast %get3A_67 : vector<1x1xf32> to vector<6400x1xf32>
    %add3A_69 = arith.addf %dot_general3A_62, %add3A_68 : vector<6400x1xf32>
    %logistic3A_70 = arith.negf %add3A_69 : vector<6400x1xf32>
    %logistic3A_71 = math.exp %logistic3A_70 : vector<6400x1xf32>
    %logistic3A_72 = arith.constant 1.000000e+00 : f32
    %logistic3A_73 = vector.broadcast %logistic3A_72 : f32 to vector<6400x1xf32>
    %logistic3A_74 = arith.addf %logistic3A_73, %logistic3A_71 : vector<6400x1xf32>
    %logistic3A_75 = arith.divf %logistic3A_73, %logistic3A_74 : vector<6400x1xf32>
    %squeeze3A_76 = vector.shape_cast %logistic3A_75 : vector<6400x1xf32> to vector<6400xf32>
    %swap3A_77 = arith.constant 1 : index
    %swap3A_78 = arith.constant 0 : index
    %swap3A_79 = vector.load %arg6[%swap3A_77, %swap3A_78] : memref<3x6400xf32, #tpu.memory_space<vmem>>, vector<1x6400xf32>
    %swap3A_80 = vector.shape_cast %swap3A_79 : vector<1x6400xf32> to vector<6400xf32>
    %swap3A_81 = vector.shape_cast %squeeze3A_76 : vector<6400xf32> to vector<1x6400xf32>
    tpu.vector_store %arg6[%swap3A_77, %swap3A_78], %swap3A_81 {strides = array<i32>} : memref<3x6400xf32, #tpu.memory_space<vmem>>, vector<1x6400xf32>,
    %get3A_82 = arith.constant 2 : index
    %get3A_83 = arith.constant 0 : index
    %get3A_84 = arith.constant 0 : index
    %get3A_85 = vector.load %arg2[%get3A_82, %get3A_83, %get3A_84] : memref<3x3x16xf32, #tpu.memory_space<vmem>>, vector<1x3x16xf32>
    %get3A_86 = vector.shape_cast %get3A_85 : vector<1x3x16xf32> to vector<3x16xf32>
    %dot_general3A_87 = arith.constant dense<0.000000e+00> : vector<6400x16xf32>
    %dot_general3A_88 = tpu.matmul %get3A_1, %get3A_86, %dot_general3A_87 {dimension_numbers = #tpu.dot_dimension_numbers<[1], [0], [0], [1], [0, 0, 1, 1], [], []>, transpose_lhs_hint = false} : vector<6400x3xf32>, vector<3x16xf32>, vector<6400x16xf32> -> vector<6400x16xf32>
    %get3A_89 = arith.constant 2 : index
    %get3A_90 = arith.constant 0 : index
    %get3A_91 = arith.constant 0 : index
    %get3A_92 = vector.load %arg3[%get3A_89, %get3A_90, %get3A_91] : memref<3x1x16xf32, #tpu.memory_space<vmem>>, vector<1x1x16xf32>
    %get3A_93 = vector.shape_cast %get3A_92 : vector<1x1x16xf32> to vector<1x16xf32>
    %add3A_94 = vector.broadcast %get3A_93 : vector<1x16xf32> to vector<6400x16xf32>
    %add3A_95 = arith.addf %dot_general3A_88, %add3A_94 : vector<6400x16xf32>
    %max3A_96 = arith.constant 0.000000e+00 : f32
    %max3A_97 = vector.broadcast %max3A_96 : f32 to vector<6400x16xf32>
    %max3A_98 = arith.maximumf %add3A_95, %max3A_97 : vector<6400x16xf32>
    %get3A_99 = arith.constant 2 : index
    %get3A_100 = arith.constant 0 : index
    %get3A_101 = arith.constant 0 : index
    %get3A_102 = vector.load %arg4[%get3A_99, %get3A_100, %get3A_101] : memref<3x16x1xf32, #tpu.memory_space<vmem>>, vector<1x16x1xf32>
    %get3A_103 = vector.shape_cast %get3A_102 : vector<1x16x1xf32> to vector<16x1xf32>
    %dot_general3A_104 = arith.constant dense<0.000000e+00> : vector<6400x1xf32>
    %dot_general3A_105 = tpu.matmul %max3A_98, %get3A_103, %dot_general3A_104 {dimension_numbers = #tpu.dot_dimension_numbers<[1], [0], [0], [1], [0, 0, 1, 1], [], []>, transpose_lhs_hint = false} : vector<6400x16xf32>, vector<16x1xf32>, vector<6400x1xf32> -> vector<6400x1xf32>
    %get3A_106 = arith.constant 2 : index
    %get3A_107 = arith.constant 0 : index
    %get3A_108 = arith.constant 0 : index
    %get3A_109 = vector.load %arg5[%get3A_106, %get3A_107, %get3A_108] : memref<3x1x1xf32, #tpu.memory_space<vmem>>, vector<1x1x1xf32>
    %get3A_110 = vector.shape_cast %get3A_109 : vector<1x1x1xf32> to vector<1x1xf32>
    %add3A_111 = vector.broadcast %get3A_110 : vector<1x1xf32> to vector<6400x1xf32>
    %add3A_112 = arith.addf %dot_general3A_105, %add3A_111 : vector<6400x1xf32>
    %logistic3A_113 = arith.negf %add3A_112 : vector<6400x1xf32>
    %logistic3A_114 = math.exp %logistic3A_113 : vector<6400x1xf32>
    %logistic3A_115 = arith.constant 1.000000e+00 : f32
    %logistic3A_116 = vector.broadcast %logistic3A_115 : f32 to vector<6400x1xf32>
    %logistic3A_117 = arith.addf %logistic3A_116, %logistic3A_114 : vector<6400x1xf32>
    %logistic3A_118 = arith.divf %logistic3A_116, %logistic3A_117 : vector<6400x1xf32>
    %squeeze3A_119 = vector.shape_cast %logistic3A_118 : vector<6400x1xf32> to vector<6400xf32>
    %swap3A_120 = arith.constant 2 : index
    %swap3A_121 = arith.constant 0 : index
    %swap3A_122 = vector.load %arg6[%swap3A_120, %swap3A_121] : memref<3x6400xf32, #tpu.memory_space<vmem>>, vector<1x6400xf32>
    %swap3A_123 = vector.shape_cast %swap3A_122 : vector<1x6400xf32> to vector<6400xf32>
    %swap3A_124 = vector.shape_cast %squeeze3A_119 : vector<6400xf32> to vector<1x6400xf32>
    tpu.vector_store %arg6[%swap3A_120, %swap3A_121], %swap3A_124 {strides = array<i32>} : memref<3x6400xf32, #tpu.memory_space<vmem>>, vector<1x6400xf32>,
    return
  }
  func.func @transform_0(%arg0: i32) -> (i32, i32) {
    %c0_i32 = arith.constant 0 : i32
    %c0_i32_0 = arith.constant 0 : i32
    return %arg0, %c0_i32 : i32, i32
  }
  func.func @transform_1(%arg0: i32) -> (i32, i32, i32) {
    %c0_i32 = arith.constant 0 : i32
    %c0_i32_0 = arith.constant 0 : i32
    %c0_i32_1 = arith.constant 0 : i32
    %c0_i32_2 = arith.constant 0 : i32
    return %c0_i32, %c0_i32_0, %c0_i32_1 : i32, i32, i32
  }
  func.func @transform_2(%arg0: i32) -> (i32, i32, i32) {
    %c0_i32 = arith.constant 0 : i32
    %c0_i32_0 = arith.constant 0 : i32
    %c0_i32_1 = arith.constant 0 : i32
    %c0_i32_2 = arith.constant 0 : i32
    return %c0_i32, %c0_i32_0, %c0_i32_1 : i32, i32, i32
  }
  func.func @transform_3(%arg0: i32) -> (i32, i32, i32) {
    %c0_i32 = arith.constant 0 : i32
    %c0_i32_0 = arith.constant 0 : i32
    %c0_i32_1 = arith.constant 0 : i32
    %c0_i32_2 = arith.constant 0 : i32
    return %c0_i32, %c0_i32_0, %c0_i32_1 : i32, i32, i32
  }
  func.func @transform_4(%arg0: i32) -> (i32, i32, i32) {
    %c0_i32 = arith.constant 0 : i32
    %c0_i32_0 = arith.constant 0 : i32
    %c0_i32_1 = arith.constant 0 : i32
    %c0_i32_2 = arith.constant 0 : i32
    return %c0_i32, %c0_i32_0, %c0_i32_1 : i32, i32, i32
  }
  func.func @transform_5(%arg0: i32) -> (i32, i32) {
    %c0_i32 = arith.constant 0 : i32
    %c0_i32_0 = arith.constant 0 : i32
    return %c0_i32, %arg0 : i32, i32
  }
}

module attributes {stable_mosaic.version = 14 : i64} {
  func.func @_h0_body(%arg0: i32, %arg1: memref<2000x128xf32, #tpu.memory_space<vmem>>, %arg2: memref<128x64xf32, #tpu.memory_space<vmem>>, %arg3: memref<1x64xf32, #tpu.memory_space<vmem>>, %arg4: memref<2000x64xf32, #tpu.memory_space<vmem>>) attributes {dimension_semantics = [#tpu.dimension_semantics<arbitrary>], iteration_bounds = array<i64: 25>, scalar_prefetch = 0 : i64, scratch_operands = 0 : i64, tpu.core_type = #tpu.core_type<tc>, window_params = [{transform_indices = @transform_0, window_bounds = array<i64: 2000, 128>}, {pipeline_mode = #tpu.pipeline_mode<synchronous>, transform_indices = @transform_1, window_bounds = array<i64: 128, 64>}, {pipeline_mode = #tpu.pipeline_mode<synchronous>, transform_indices = @transform_2, window_bounds = array<i64: 1, 64>}, {transform_indices = @transform_3, window_bounds = array<i64: 2000, 64>}]} {
    %get3A = arith.constant 0 : index
    %get3A_0 = arith.constant 0 : index
    %get3A_1 = vector.load %arg1[%get3A, %get3A_0] : memref<2000x128xf32, #tpu.memory_space<vmem>>, vector<2000x128xf32>
    %get3A_2 = arith.constant 0 : index
    %get3A_3 = arith.constant 0 : index
    %get3A_4 = vector.load %arg2[%get3A_2, %get3A_3] : memref<128x64xf32, #tpu.memory_space<vmem>>, vector<128x64xf32>
    %dot_general3A = arith.constant dense<0.000000e+00> : vector<2000x64xf32>
    %dot_general3A_5 = tpu.matmul %get3A_1, %get3A_4, %dot_general3A {dimension_numbers = #tpu.dot_dimension_numbers<[1], [0], [0], [1], [0, 0, 1, 1], [], []>, transpose_lhs_hint = false} : vector<2000x128xf32>, vector<128x64xf32>, vector<2000x64xf32> -> vector<2000x64xf32>
    %get3A_6 = arith.constant 0 : index
    %get3A_7 = arith.constant 0 : index
    %get3A_8 = vector.load %arg3[%get3A_6, %get3A_7] : memref<1x64xf32, #tpu.memory_space<vmem>>, vector<1x64xf32>
    %add3A = vector.broadcast %get3A_8 : vector<1x64xf32> to vector<2000x64xf32>
    %add3A_9 = arith.addf %dot_general3A_5, %add3A : vector<2000x64xf32>
    %max3A = arith.constant 0.000000e+00 : f32
    %max3A_10 = vector.broadcast %max3A : f32 to vector<2000x64xf32>
    %max3A_11 = arith.maximumf %add3A_9, %max3A_10 : vector<2000x64xf32>
    %swap3A = arith.constant 0 : index
    %swap3A_12 = arith.constant 0 : index
    %swap3A_13 = vector.load %arg4[%swap3A, %swap3A_12] : memref<2000x64xf32, #tpu.memory_space<vmem>>, vector<2000x64xf32>
    tpu.vector_store %arg4[%swap3A, %swap3A_12], %max3A_11 {strides = array<i32>} : memref<2000x64xf32, #tpu.memory_space<vmem>>, vector<2000x64xf32>,
    return
  }
  func.func @transform_0(%arg0: i32) -> (i32, i32) {
    %c0_i32 = arith.constant 0 : i32
    %c0_i32_0 = arith.constant 0 : i32
    return %arg0, %c0_i32 : i32, i32
  }
  func.func @transform_1(%arg0: i32) -> (i32, i32) {
    %c0_i32 = arith.constant 0 : i32
    %c0_i32_0 = arith.constant 0 : i32
    %c0_i32_1 = arith.constant 0 : i32
    return %c0_i32, %c0_i32_0 : i32, i32
  }
  func.func @transform_2(%arg0: i32) -> (i32, i32) {
    %c0_i32 = arith.constant 0 : i32
    %c0_i32_0 = arith.constant 0 : i32
    %c0_i32_1 = arith.constant 0 : i32
    return %c0_i32, %c0_i32_0 : i32, i32
  }
  func.func @transform_3(%arg0: i32) -> (i32, i32) {
    %c0_i32 = arith.constant 0 : i32
    %c0_i32_0 = arith.constant 0 : i32
    return %arg0, %c0_i32 : i32, i32
  }
}

module attributes {stable_mosaic.version = 14 : i64} {
  func.func @_upd_body(%arg0: i32, %arg1: memref<2000x64xf32, #tpu.memory_space<vmem>>, %arg2: memref<2000x64xf32, #tpu.memory_space<vmem>>, %arg3: memref<2000x1xf32, #tpu.memory_space<vmem>>, %arg4: memref<2x64x64xf32, #tpu.memory_space<vmem>>, %arg5: memref<1x64xf32, #tpu.memory_space<vmem>>, %arg6: memref<1x64xf32, #tpu.memory_space<vmem>>, %arg7: memref<1x64xf32, #tpu.memory_space<vmem>>, %arg8: memref<2000x64xf32, #tpu.memory_space<vmem>>) attributes {dimension_semantics = [#tpu.dimension_semantics<arbitrary>], iteration_bounds = array<i64: 25>, scalar_prefetch = 0 : i64, scratch_operands = 0 : i64, tpu.core_type = #tpu.core_type<tc>, window_params = [{transform_indices = @transform_0, window_bounds = array<i64: 2000, 64>}, {transform_indices = @transform_1, window_bounds = array<i64: 2000, 64>}, {transform_indices = @transform_2, window_bounds = array<i64: 2000, 1>}, {pipeline_mode = #tpu.pipeline_mode<synchronous>, transform_indices = @transform_3, window_bounds = array<i64: 2, 64, 64>}, {pipeline_mode = #tpu.pipeline_mode<synchronous>, transform_indices = @transform_4, window_bounds = array<i64: 1, 64>}, {pipeline_mode = #tpu.pipeline_mode<synchronous>, transform_indices = @transform_5, window_bounds = array<i64: 1, 64>}, {pipeline_mode = #tpu.pipeline_mode<synchronous>, transform_indices = @transform_6, window_bounds = array<i64: 1, 64>}, {transform_indices = @transform_7, window_bounds = array<i64: 2000, 64>}]} {
    %get3A = arith.constant 0 : index
    %get3A_0 = arith.constant 0 : index
    %get3A_1 = vector.load %arg1[%get3A, %get3A_0] : memref<2000x64xf32, #tpu.memory_space<vmem>>, vector<2000x64xf32>
    %get3A_2 = arith.constant 0 : index
    %get3A_3 = arith.constant 0 : index
    %get3A_4 = vector.load %arg3[%get3A_2, %get3A_3] : memref<2000x1xf32, #tpu.memory_space<vmem>>, vector<2000x1xf32>
    %jit3A = arith.constant 9.99999996E-13 : f32
    %max3A = vector.broadcast %jit3A : f32 to vector<2000x1xf32>
    %max3A_5 = arith.maximumf %max3A, %get3A_4 : vector<2000x1xf32>
    %get3A_6 = arith.constant 0 : index
    %get3A_7 = arith.constant 0 : index
    %get3A_8 = vector.load %arg2[%get3A_6, %get3A_7] : memref<2000x64xf32, #tpu.memory_space<vmem>>, vector<2000x64xf32>
    %div3A = vector.broadcast %max3A_5 : vector<2000x1xf32> to vector<2000x64xf32>
    %div3A_9 = arith.divf %get3A_8, %div3A : vector<2000x64xf32>
    %get3A_10 = arith.constant 0 : index
    %get3A_11 = arith.constant 0 : index
    %get3A_12 = arith.constant 0 : index
    %get3A_13 = vector.load %arg4[%get3A_10, %get3A_11, %get3A_12] : memref<2x64x64xf32, #tpu.memory_space<vmem>>, vector<1x64x64xf32>
    %get3A_14 = vector.shape_cast %get3A_13 : vector<1x64x64xf32> to vector<64x64xf32>
    %dot_general3A = arith.constant dense<0.000000e+00> : vector<2000x64xf32>
    %dot_general3A_15 = tpu.matmul %get3A_1, %get3A_14, %dot_general3A {dimension_numbers = #tpu.dot_dimension_numbers<[1], [0], [0], [1], [0, 0, 1, 1], [], []>, transpose_lhs_hint = false} : vector<2000x64xf32>, vector<64x64xf32>, vector<2000x64xf32> -> vector<2000x64xf32>
    %get3A_16 = arith.constant 1 : index
    %get3A_17 = arith.constant 0 : index
    %get3A_18 = arith.constant 0 : index
    %get3A_19 = vector.load %arg4[%get3A_16, %get3A_17, %get3A_18] : memref<2x64x64xf32, #tpu.memory_space<vmem>>, vector<1x64x64xf32>
    %get3A_20 = vector.shape_cast %get3A_19 : vector<1x64x64xf32> to vector<64x64xf32>
    %dot_general3A_21 = arith.constant dense<0.000000e+00> : vector<2000x64xf32>
    %dot_general3A_22 = tpu.matmul %div3A_9, %get3A_20, %dot_general3A_21 {dimension_numbers = #tpu.dot_dimension_numbers<[1], [0], [0], [1], [0, 0, 1, 1], [], []>, transpose_lhs_hint = false} : vector<2000x64xf32>, vector<64x64xf32>, vector<2000x64xf32> -> vector<2000x64xf32>
    %add3A = arith.addf %dot_general3A_15, %dot_general3A_22 : vector<2000x64xf32>
    %get3A_23 = arith.constant 0 : index
    %get3A_24 = arith.constant 0 : index
    %get3A_25 = vector.load %arg5[%get3A_23, %get3A_24] : memref<1x64xf32, #tpu.memory_space<vmem>>, vector<1x64xf32>
    %add3A_26 = vector.broadcast %get3A_25 : vector<1x64xf32> to vector<2000x64xf32>
    %add3A_27 = arith.addf %add3A, %add3A_26 : vector<2000x64xf32>
    %max3A_28 = arith.constant 0.000000e+00 : f32
    %max3A_29 = vector.broadcast %max3A_28 : f32 to vector<2000x64xf32>
    %max3A_30 = arith.maximumf %add3A_27, %max3A_29 : vector<2000x64xf32>
    %add3A_31 = arith.addf %get3A_1, %max3A_30 : vector<2000x64xf32>
    %reduce_sum3A = arith.constant dense<0.000000e+00> : vector<2000xf32>
    %reduce_sum3A_32 = vector.multi_reduction <add>, %add3A_31, %reduce_sum3A [1] : vector<2000x64xf32> to vector<2000xf32>
    %broadcast_in_dim3A = vector.shape_cast %reduce_sum3A_32 : vector<2000xf32> to vector<2000x1xf32>
    %div3A_33 = arith.constant 6.400000e+01 : f32
    %div3A_34 = vector.broadcast %div3A_33 : f32 to vector<2000x1xf32>
    %div3A_35 = arith.divf %broadcast_in_dim3A, %div3A_34 : vector<2000x1xf32>
    %sub3A = vector.broadcast %div3A_35 : vector<2000x1xf32> to vector<2000x64xf32>
    %sub3A_36 = arith.subf %add3A_31, %sub3A : vector<2000x64xf32>
    %integer_pow3A = arith.mulf %sub3A_36, %sub3A_36 : vector<2000x64xf32>
    %reduce_sum3A_37 = arith.constant dense<0.000000e+00> : vector<2000xf32>
    %reduce_sum3A_38 = vector.multi_reduction <add>, %integer_pow3A, %reduce_sum3A_37 [1] : vector<2000x64xf32> to vector<2000xf32>
    %broadcast_in_dim3A_39 = vector.shape_cast %reduce_sum3A_38 : vector<2000xf32> to vector<2000x1xf32>
    %div3A_40 = arith.constant 6.400000e+01 : f32
    %div3A_41 = vector.broadcast %div3A_40 : f32 to vector<2000x1xf32>
    %div3A_42 = arith.divf %broadcast_in_dim3A_39, %div3A_41 : vector<2000x1xf32>
    %sub3A_43 = vector.broadcast %div3A_35 : vector<2000x1xf32> to vector<2000x64xf32>
    %sub3A_44 = arith.subf %add3A_31, %sub3A_43 : vector<2000x64xf32>
    %add3A_45 = arith.constant 9.99999974E-6 : f32
    %add3A_46 = vector.broadcast %add3A_45 : f32 to vector<2000x1xf32>
    %add3A_47 = arith.addf %div3A_42, %add3A_46 : vector<2000x1xf32>
    %rsqrt3A = math.rsqrt %add3A_47 : vector<2000x1xf32>
    %mul3A = vector.broadcast %rsqrt3A : vector<2000x1xf32> to vector<2000x64xf32>
    %mul3A_48 = arith.mulf %sub3A_44, %mul3A : vector<2000x64xf32>
    %get3A_49 = arith.constant 0 : index
    %get3A_50 = arith.constant 0 : index
    %get3A_51 = vector.load %arg6[%get3A_49, %get3A_50] : memref<1x64xf32, #tpu.memory_space<vmem>>, vector<1x64xf32>
    %mul3A_52 = vector.broadcast %get3A_51 : vector<1x64xf32> to vector<2000x64xf32>
    %mul3A_53 = arith.mulf %mul3A_48, %mul3A_52 : vector<2000x64xf32>
    %get3A_54 = arith.constant 0 : index
    %get3A_55 = arith.constant 0 : index
    %get3A_56 = vector.load %arg7[%get3A_54, %get3A_55] : memref<1x64xf32, #tpu.memory_space<vmem>>, vector<1x64xf32>
    %add3A_57 = vector.broadcast %get3A_56 : vector<1x64xf32> to vector<2000x64xf32>
    %add3A_58 = arith.addf %mul3A_53, %add3A_57 : vector<2000x64xf32>
    %swap3A = arith.constant 0 : index
    %swap3A_59 = arith.constant 0 : index
    %swap3A_60 = vector.load %arg8[%swap3A, %swap3A_59] : memref<2000x64xf32, #tpu.memory_space<vmem>>, vector<2000x64xf32>
    tpu.vector_store %arg8[%swap3A, %swap3A_59], %add3A_58 {strides = array<i32>} : memref<2000x64xf32, #tpu.memory_space<vmem>>, vector<2000x64xf32>,
    return
  }
  func.func @transform_0(%arg0: i32) -> (i32, i32) {
    %c0_i32 = arith.constant 0 : i32
    %c0_i32_0 = arith.constant 0 : i32
    return %arg0, %c0_i32 : i32, i32
  }
  func.func @transform_1(%arg0: i32) -> (i32, i32) {
    %c0_i32 = arith.constant 0 : i32
    %c0_i32_0 = arith.constant 0 : i32
    return %arg0, %c0_i32 : i32, i32
  }
  func.func @transform_2(%arg0: i32) -> (i32, i32) {
    %c0_i32 = arith.constant 0 : i32
    %c0_i32_0 = arith.constant 0 : i32
    return %arg0, %c0_i32 : i32, i32
  }
  func.func @transform_3(%arg0: i32) -> (i32, i32, i32) {
    %c0_i32 = arith.constant 0 : i32
    %c0_i32_0 = arith.constant 0 : i32
    %c0_i32_1 = arith.constant 0 : i32
    %c0_i32_2 = arith.constant 0 : i32
    return %c0_i32, %c0_i32_0, %c0_i32_1 : i32, i32, i32
  }
  func.func @transform_4(%arg0: i32) -> (i32, i32) {
    %c0_i32 = arith.constant 0 : i32
    %c0_i32_0 = arith.constant 0 : i32
    %c0_i32_1 = arith.constant 0 : i32
    return %c0_i32, %c0_i32_0 : i32, i32
  }
  func.func @transform_5(%arg0: i32) -> (i32, i32) {
    %c0_i32 = arith.constant 0 : i32
    %c0_i32_0 = arith.constant 0 : i32
    %c0_i32_1 = arith.constant 0 : i32
    return %c0_i32, %c0_i32_0 : i32, i32
  }
  func.func @transform_6(%arg0: i32) -> (i32, i32) {
    %c0_i32 = arith.constant 0 : i32
    %c0_i32_0 = arith.constant 0 : i32
    %c0_i32_1 = arith.constant 0 : i32
    return %c0_i32, %c0_i32_0 : i32, i32
  }
  func.func @transform_7(%arg0: i32) -> (i32, i32) {
    %c0_i32 = arith.constant 0 : i32
    %c0_i32_0 = arith.constant 0 : i32
    return %arg0, %c0_i32 : i32, i32
  }
}

module attributes {stable_mosaic.version = 14 : i64} {
  func.func @_head_body(%arg0: i32, %arg1: memref<2000x64xf32, #tpu.memory_space<vmem>>, %arg2: memref<64x32xf32, #tpu.memory_space<vmem>>, %arg3: memref<1x32xf32, #tpu.memory_space<vmem>>, %arg4: memref<32x1xf32, #tpu.memory_space<vmem>>, %arg5: memref<1x1xf32, #tpu.memory_space<vmem>>, %arg6: memref<2000x1xf32, #tpu.memory_space<vmem>>) attributes {dimension_semantics = [#tpu.dimension_semantics<arbitrary>], iteration_bounds = array<i64: 25>, scalar_prefetch = 0 : i64, scratch_operands = 0 : i64, tpu.core_type = #tpu.core_type<tc>, window_params = [{transform_indices = @transform_0, window_bounds = array<i64: 2000, 64>}, {pipeline_mode = #tpu.pipeline_mode<synchronous>, transform_indices = @transform_1, window_bounds = array<i64: 64, 32>}, {pipeline_mode = #tpu.pipeline_mode<synchronous>, transform_indices = @transform_2, window_bounds = array<i64: 1, 32>}, {pipeline_mode = #tpu.pipeline_mode<synchronous>, transform_indices = @transform_3, window_bounds = array<i64: 32, 1>}, {pipeline_mode = #tpu.pipeline_mode<synchronous>, transform_indices = @transform_4, window_bounds = array<i64: 1, 1>}, {transform_indices = @transform_5, window_bounds = array<i64: 2000, 1>}]} {
    %get3A = arith.constant 0 : index
    %get3A_0 = arith.constant 0 : index
    %get3A_1 = vector.load %arg1[%get3A, %get3A_0] : memref<2000x64xf32, #tpu.memory_space<vmem>>, vector<2000x64xf32>
    %get3A_2 = arith.constant 0 : index
    %get3A_3 = arith.constant 0 : index
    %get3A_4 = vector.load %arg2[%get3A_2, %get3A_3] : memref<64x32xf32, #tpu.memory_space<vmem>>, vector<64x32xf32>
    %dot_general3A = arith.constant dense<0.000000e+00> : vector<2000x32xf32>
    %dot_general3A_5 = tpu.matmul %get3A_1, %get3A_4, %dot_general3A {dimension_numbers = #tpu.dot_dimension_numbers<[1], [0], [0], [1], [0, 0, 1, 1], [], []>, transpose_lhs_hint = false} : vector<2000x64xf32>, vector<64x32xf32>, vector<2000x32xf32> -> vector<2000x32xf32>
    %get3A_6 = arith.constant 0 : index
    %get3A_7 = arith.constant 0 : index
    %get3A_8 = vector.load %arg3[%get3A_6, %get3A_7] : memref<1x32xf32, #tpu.memory_space<vmem>>, vector<1x32xf32>
    %add3A = vector.broadcast %get3A_8 : vector<1x32xf32> to vector<2000x32xf32>
    %add3A_9 = arith.addf %dot_general3A_5, %add3A : vector<2000x32xf32>
    %max3A = arith.constant 0.000000e+00 : f32
    %max3A_10 = vector.broadcast %max3A : f32 to vector<2000x32xf32>
    %max3A_11 = arith.maximumf %add3A_9, %max3A_10 : vector<2000x32xf32>
    %get3A_12 = arith.constant 0 : index
    %get3A_13 = arith.constant 0 : index
    %get3A_14 = vector.load %arg4[%get3A_12, %get3A_13] : memref<32x1xf32, #tpu.memory_space<vmem>>, vector<32x1xf32>
    %dot_general3A_15 = arith.constant dense<0.000000e+00> : vector<2000x1xf32>
    %dot_general3A_16 = tpu.matmul %max3A_11, %get3A_14, %dot_general3A_15 {dimension_numbers = #tpu.dot_dimension_numbers<[1], [0], [0], [1], [0, 0, 1, 1], [], []>, transpose_lhs_hint = false} : vector<2000x32xf32>, vector<32x1xf32>, vector<2000x1xf32> -> vector<2000x1xf32>
    %get3A_17 = arith.constant 0 : index
    %get3A_18 = arith.constant 0 : index
    %get3A_19 = vector.load %arg5[%get3A_17, %get3A_18] : memref<1x1xf32, #tpu.memory_space<vmem>>, vector<1x1xf32>
    %add3A_20 = vector.broadcast %get3A_19 : vector<1x1xf32> to vector<2000x1xf32>
    %add3A_21 = arith.addf %dot_general3A_16, %add3A_20 : vector<2000x1xf32>
    %swap3A = arith.constant 0 : index
    %swap3A_22 = arith.constant 0 : index
    %swap3A_23 = vector.load %arg6[%swap3A, %swap3A_22] : memref<2000x1xf32, #tpu.memory_space<vmem>>, vector<2000x1xf32>
    tpu.vector_store %arg6[%swap3A, %swap3A_22], %add3A_21 {strides = array<i32>} : memref<2000x1xf32, #tpu.memory_space<vmem>>, vector<2000x1xf32>,
    return
  }
  func.func @transform_0(%arg0: i32) -> (i32, i32) {
    %c0_i32 = arith.constant 0 : i32
    %c0_i32_0 = arith.constant 0 : i32
    return %arg0, %c0_i32 : i32, i32
  }
  func.func @transform_1(%arg0: i32) -> (i32, i32) {
    %c0_i32 = arith.constant 0 : i32
    %c0_i32_0 = arith.constant 0 : i32
    %c0_i32_1 = arith.constant 0 : i32
    return %c0_i32, %c0_i32_0 : i32, i32
  }
  func.func @transform_2(%arg0: i32) -> (i32, i32) {
    %c0_i32 = arith.constant 0 : i32
    %c0_i32_0 = arith.constant 0 : i32
    %c0_i32_1 = arith.constant 0 : i32
    return %c0_i32, %c0_i32_0 : i32, i32
  }
  func.func @transform_3(%arg0: i32) -> (i32, i32) {
    %c0_i32 = arith.constant 0 : i32
    %c0_i32_0 = arith.constant 0 : i32
    %c0_i32_1 = arith.constant 0 : i32
    return %c0_i32, %c0_i32_0 : i32, i32
  }
  func.func @transform_4(%arg0: i32) -> (i32, i32) {
    %c0_i32 = arith.constant 0 : i32
    %c0_i32_0 = arith.constant 0 : i32
    %c0_i32_1 = arith.constant 0 : i32
    return %c0_i32, %c0_i32_0 : i32, i32
  }
  func.func @transform_5(%arg0: i32) -> (i32, i32) {
    %c0_i32 = arith.constant 0 : i32
    %c0_i32_0 = arith.constant 0 : i32
    return %arg0, %c0_i32 : i32, i32
  }
}

</mosaic_0001>

<sc_bundles>
// kernel: scatter_offload_async_start.1
scs
__scs_entry_jumppad:
0x0: {  	(pc) =	sbr.rel $0x88, $3  }
0x1: {  	(tag) =	ssettag $0x0;
	lr =	simm.s32 $0x1  }
0x2: {  	[smem:$0x3F80] =	sst lr;
	_ =	strace $0xD0000000  }
0x3: {  	_ = 	snop  }
0x4: {  	_ = 	snop  }
0x5: {  	_ = 	snop  }
0x6: {  	_ = 	snop  }
0x7: {  	_ = 	snop  }
__scs_overlays_trampoline_lowered:
0x8: {  	[smem:$0x3F8F] =	sst s0  }
0x9: {  	[smem:$0x3F90] =	sst s1  }
0xa: {  	[smem:$0x3F91] =	sst s2  }
0xb: {  	[smem:$0x3F92] =	sst s3  }
0xc: {  	[smem:$0x3F93] =	sst s4  }
0xd: {  	[smem:$0x3F94] =	sst s5  }
0xe: {  	[smem:$0x3F95] =	sst s6  }
0xf: {  	[smem:$0x3F96] =	sst s7  }
0x10: {  	[smem:$0x3F97] =	sst s8  }
0x11: {  	[smem:$0x3F98] =	sst s9;
	s0 =	simm.s32 @!p0 $0x0  }
0x12: {  	s1 =	sld [smem:$0x3F7E];
	s0 =	simm.s32 @p0 $0x1  }
0x13: {  	[smem:$0x3F99] =	sst s0;
	s0 =	simm.s32 @!p1 $0x0  }
0x14: {  	s2 =	sld [smem:$0x3F7D];
	s0 =	simm.s32 @p1 $0x1  }
0x15: {  	[smem:$0x3F9A] =	sst s0;
	s0 =	simm.s32 @!p2 $0x0  }
0x16: {  	s3 =	sld [smem:$0x3FDB];
	s0 =	simm.s32 @p2 $0x1  }
0x17: {  	s4 =	simm.s32 $0x1BF5;
	[smem:$0x3F9C] =	sst s0  }
0x18: {  	s0 =	sld [smem:$0x3F7F];
	_ =	swait.ge [sflag:s4], $0x0  }
0x19: {  	s7 =	sld [smem:$0x3F80]  }
0x1a: {  	s8 =	sadd.s32 $0xFFFFE003, lr  }
0x1b: {  	s9 =	sadd.s32 $0xFFFFFEF7, lr;
	s5 =	simm.s32 $0xFFFFFFFF;
	p2 =	slt.u32 s8, $0xFFFFF086  }
0x1c: {  	p1 =	slt.u32 s9, $0xF7A;
	s5 =	simm.s32 @!p2 $0x0  }
0x1d: {  	s5 =	simm.s32 @p1 $0x1;
	p0 =	seq.s32 s7, s2  }
0x1e: {  	s7 =	smul.u32 @!p0 $0xF7A, s2;
	p2 =	seq.s32 @!p0 s5, $0x0  }
0x1f: {  	s9 =	smul.u32 $0xF7A, s1;
	s8 =	simm.s32 @!p0 $0x1BF5;
	p2 =	por !p2, p0  }
0x20: {  	[sflag:s8] =	ssyncset.s32 @!p0 $0xFFFFF086;
	s6 =	sadd.s32 @!p0 s3, s7;
	s7 =	simm.s32 @!p0 $0x108  }
0x21: {  	s3 =	sadd.s32 s3, s9;
	s6 =	sadd.s32 @!p0 $0x88, s6;
	s7 =	simm.s32 @p2 $0x1082  }
0x22: {  	[simem:s7], [sflag:s8] =	dma.local @!p0 [hbm:s6], $0xF7A  }
0x23: {  	s9 =	sor.u32 $0xD0000000, s2;
	s6 =	simm.s32 $0x108;
	_ =	swait.ge @!p0 [sflag:s8], $0x0  }
0x24: {  	s3 =	sadd.s32 $0x88, s3;
	s6 =	simm.s32 @!p1 $0x1082;
	[sflag:s4] =	ssyncset.s32 $0xFFFFF086  }
0x25: {  	[simem:s6], [sflag:s4] =	dma.local [hbm:s3], $0xF7A  }
0x26: {  	[smem:$0x3F80] =	sst s1;
	(tag) =	ssettag s2;
	_ =	strace s9  }
0x27: {  	s1 =	sld [smem:$0x3F90]  }
0x28: {  	s2 =	sld [smem:$0x3F91]  }
0x29: {  	s4 =	sld [smem:$0x3F93]  }
0x2a: {  	p0 =	seq.s32 s5, $0x0;
	s5 =	sld [smem:$0x3F94]  }
0x2b: {  	s6 =	sld [smem:$0x3F95]  }
0x2c: {  	s7 =	sld [smem:$0x3F96]  }
0x2d: {  	s3 =	simm.s32 $0x108;
	s8 =	sld [smem:$0x3F97]  }
0x2e: {  	s3 =	simm.s32 @!p0 $0x1082;
	s9 =	sld [smem:$0x3F98]  }
0x2f: {  	lr =	sadd.s32 s0, s3;
	s0 =	sld [smem:$0x3F8F]  }
0x30: {  	s3 =	sld [smem:$0x3F92]  }
0x31: {  	[smem:$0x3F9B] =	sst s10  }
0x32: {  	s10 =	sld [smem:$0x3F99];
	_ =	sdelay $0x3  }
0x33: {  	p0 =	seq.s32 s10, $0x1;
	s10 =	sld [smem:$0x3F9B];
	_ =	sdelay $0x3  }
0x34: {  	[smem:$0x3F9B] =	sst s10  }
0x35: {  	s10 =	sld [smem:$0x3F9A];
	_ =	sdelay $0x3  }
0x36: {  	p1 =	seq.s32 s10, $0x1;
	s10 =	sld [smem:$0x3F9B];
	_ =	sdelay $0x3  }
0x37: {  	[smem:$0x3F9B] =	sst s10  }
0x38: {  	s10 =	sld [smem:$0x3F9C]  }
0x39: {  	_ = 	snop;
	(pc) =	sbr.ind lr, $3  }
0x3a: {  	_ = 	snop  }
0x3b: {  	_ = 	snop  }
0x3c: {  	p2 =	seq.s32 s10, $0x1;
	s10 =	sld [smem:$0x3F9B]  }
0x3d: {  	_ =	shalt  }
0x3e: {  	_ =	shalt  }
0x3f: {  	_ =	shalt  }
0x40: {  	_ =	shalt  }
0x41: {  	_ =	shalt  }
0x42: {  	_ =	shalt  }
0x43: {  	_ =	shalt  }
0x44: {  	_ =	shalt  }
0x45: {  	_ =	shalt  }
0x46: {  	_ =	shalt  }
0x47: {  	_ =	shalt  }
0x48: {  	_ =	shalt  }
0x49: {  	_ =	shalt  }
0x4a: {  	_ =	shalt  }
0x4b: {  	_ =	shalt  }
0x4c: {  	_ =	shalt  }
0x4d: {  	_ =	shalt  }
0x4e: {  	_ =	shalt  }
0x4f: {  	_ =	shalt  }
0x50: {  	_ =	shalt  }
0x51: {  	_ =	shalt  }
0x52: {  	_ =	shalt  }
0x53: {  	_ =	shalt  }
0x54: {  	_ =	shalt  }
0x55: {  	_ =	shalt  }
0x56: {  	_ =	shalt  }
0x57: {  	_ =	shalt  }
0x58: {  	_ =	shalt  }
0x59: {  	_ =	shalt  }
0x5a: {  	_ =	shalt  }
0x5b: {  	_ =	shalt  }
0x5c: {  	_ =	shalt  }
0x5d: {  	_ =	shalt  }
0x5e: {  	_ =	shalt  }
0x5f: {  	_ =	shalt  }
0x60: {  	_ =	shalt  }
0x61: {  	_ =	shalt  }
0x62: {  	_ =	shalt  }
0x63: {  	_ =	shalt  }
0x64: {  	_ =	shalt  }
0x65: {  	_ =	shalt  }
0x66: {  	_ =	shalt  }
0x67: {  	_ =	shalt  }
0x68: {  	_ =	shalt  }
0x69: {  	_ =	shalt  }
0x6a: {  	_ =	shalt  }
0x6b: {  	_ =	shalt  }
0x6c: {  	_ =	shalt  }
0x6d: {  	_ =	shalt  }
0x6e: {  	_ =	shalt  }
0x6f: {  	_ =	shalt  }
0x70: {  	_ =	shalt  }
0x71: {  	_ =	shalt  }
0x72: {  	_ =	shalt  }
0x73: {  	_ =	shalt  }
0x74: {  	_ =	shalt  }
0x75: {  	_ =	shalt  }
0x76: {  	_ =	shalt  }
0x77: {  	_ =	shalt  }
0x78: {  	_ =	shalt  }
0x79: {  	_ =	shalt  }
0x7a: {  	_ =	shalt  }
0x7b: {  	_ =	shalt  }
0x7c: {  	_ =	shalt  }
0x7d: {  	_ =	shalt  }
0x7e: {  	_ =	shalt  }
0x7f: {  	_ =	shalt  }
0x80: {  	_ =	shalt  }
0x81: {  	_ =	shalt  }
0x82: {  	_ =	shalt  }
0x83: {  	_ =	shalt  }
0x84: {  	_ =	shalt  }
0x85: {  	_ =	shalt  }
0x86: {  	_ =	shalt  }
0x87: {  	_ =	shalt  }
.Lfunc_end0:
.L_simem_size_0:
called_computation.1_lowered:
.L_overlay_start_0:
0x88: {  	s0 =	sld [smem:$0x3FD9]  }
0x89: {  	s1 =	sld [smem:$0x3FFE];
	_ =	sdelay $0x3  }
0x8a: {  	s0 =	sadd.s32 s1, s0  }
0x8b: {  	[smem:$0x3FA7] =	sst s0  }
0x8c: {  	_ = 	snop  }
0x8d: {  	(tm) =	ssettm $0x1  }
0x8e: {  	s14 =	sld [smem:$0x3FFB];
	_ =	sdelay $0x3  }
0x8f: {  	_ =	strace s14  }
0x90: {  	s0 =	sld [smem:$0x3FFC];
	_ =	sdelay $0x3  }
0x91: {  	_ =	strace s0  }
0x92: {  	s0 =	sld [smem:$0x3FFD];
	_ =	sdelay $0x3  }
0x93: {  	_ =	strace s0  }
0x94: {  	_ =	strace $0x8FFFFFFF  }
0x95: {  	s15 =	sld [smem:$0x3FDB];
	_ =	sdelay $0x1  }
0x96: {  	s16 =	simm.s32 $_scs_section_size  }
0x97: {  	s2 =	simm.s32 $_size__tile_overlayer_lowered;
	s3 =	simm.s32 $_tile_overlayer_lowered  }
0x98: {  	s4 =	simm.s32 $0x1BFF;
	s17 =	sshll.u32 s3, $0x1;
	s1 =	sadd.s32 s16, s15  }
0x99: {  	s18 =	simm.s32 $0x0;
	s2 =	sshll.u32 s2, $0x1;
	s3 =	sadd.s32 s17, s1  }
0x9a: {  	[timem:s18], [sflag:s4] =	dma.local [hbm:s3], s2  }
0x9b: {  	_ =	swait.ge [sflag:s4], s2  }
0x9c: {  	s2 =	ssub.s32 $0x0, s2;
	[sflag:s4] =	ssyncset.done $0x0  }
0x9d: {  	[sflag:s4] =	ssyncadd.s32 s2;
	_ =	sdelay $0x1  }
0x9e: {  	s19 =	simm.s32 $0x1B8B  }
0x9f: {  	_ =	swait.ge [sflag:s19], $0x1  }
0xa0: {  	[sflag:s19] =	ssyncset.done $0x0  }
0xa1: {  	s21 =	simm.s32 $0x1B8E;
	s20 =	sld [smem:$0x3FFE];
	[sflag:s19] =	ssyncadd.s32 $0xFFFFFFFF  }
0xa2: {  	s22 =	simm.s32 $execute0_lowered;
	[smem:$0x3FD2] =	sst s21  }
0xa3: {  	s3 =	sshll.u32 s22, $0x1;
	_ =	strace $0x80000046;
	[dreg:$0x1] =	wrdreg $0xFFFFFFFF  }
0xa4: {  	s23 =	simm.s32 $_size_execute0_lowered;
	s3 =	sadd.s32 s1, s3;
	[dreg:$0x0] =	wrdreg $0x0  }
0xa5: {  	s4 =	sshll.u32 s23, $0x1;
	[dreg:$0x2] =	wrdreg s3  }
0xa6: {  	[dreg:$0x3] =	wrdreg s4  }
0xa7: {  	[dreg:$0x4] =	wrdreg $0xC0  }
0xa8: {  	s24 =	simm.s32 $execute1_lowered;
	_ =	task [dreg:s18], $0x5FFFF  }
0xa9: {  	s3 =	sshll.u32 s24, $0x1;
	[dreg:$0x1] =	wrdreg $0xFFFFFFFF  }
0xaa: {  	s1 =	sadd.s32 s1, s3;
	[dreg:$0x0] =	wrdreg $0x60  }
0xab: {  	[dreg:$0x2] =	wrdreg s1  }
0xac: {  	[dreg:$0x3] =	wrdreg s20  }
0xad: {  	[dreg:$0x4] =	wrdreg $0xB  }
0xae: {  	_ =	task.clear_ibuf [dreg:s18], $0x5FFFF;
	_ =	strace $0x90000046  }
0xaf: {  	s25 =	simm.s32 $0xB;
	_ =	strace $0x80000048  }
0xb0: {  	_ =	swait.ge [sflag:s25], $0x1  }
0xb1: {  	[sflag:s25] =	ssyncadd.s32 $0xFFFFFFFF  }
0xb2: {  	_ =	strace $0x90000048  }
0xb3: {  	_ =	strace $0x80000049;
	[dreg:$0x1] =	wrdreg $0xFFFFFFFF  }
0xb4: {  	[dreg:$0x0] =	wrdreg $0x2030  }
0xb5: {  	[dreg:$0x2] =	wrdreg s20  }
0xb6: {  	[dreg:$0x3] =	wrdreg $0xC  }
0xb7: {  	_ =	task.clear_ibuf [dreg:s18], $0x4FFFF;
	_ =	strace $0x90000049  }
0xb8: {  	s26 =	simm.s32 $0xC;
	_ =	strace $0x8000004B  }
0xb9: {  	_ =	swait.ge [sflag:s26], $0x1  }
0xba: {  	[sflag:s26] =	ssyncadd.s32 $0xFFFFFFFF  }
0xbb: {  	_ =	strace $0x9000004B  }
0xbc: {  	_ =	sfence  }
0xbd: {  	s28 =	sld [smem:$0x0];
	_ =	sdelay $0x1  }
0xbe: {  	s29 =	srdreg.scid  }
0xbf: {  	s30 =	sshll.u32 s29, $0xD;
	s31 =	sshrl.u32 s29, $0x2  }
0xc0: {  	s2 =	sand.u32 $0x1, s29;
	s3 =	sand.u32 $0x4000, s30;
	s1 =	sadd.s32 s31, s28  }
0xc1: {  	s2 =	sor.u32 s3, s2;
	s1 =	sshll.u32 s1, $0x11  }
0xc2: {  	s1 =	sor.u32 s1, s2  }
0xc3: {  	s1 =	sadd.s32 $0x8F2B, s1  }
0xc4: {  	[sflag:s1] =	ssyncadd.remote.s32 $0x1  }
0xc5: {  	_ =	sfence.sel $0xFFFF  }
0xc6: {  	[dreg:$0x0] =	wrdreg $0xFFFFFFFF;
	(pc) =	sbr.abs _section_cstart, $3  }
0xc7: {  	[dreg:$0x1] =	wrdreg $0xFFFFFFFF  }
0xc8: {  	_ =	task.clear_ibuf [dreg:s18], $0x2FFFF;
	_ =	strace $0x9FFFFFFF  }
0xc9: {  	(tm) =	ssettm $0x7FFFFFFF  }
tec
execute0_lowered:
.L_overlay_start_1:
0x0: {  	(tag) =	ssettag $0x1  }
0x1: {  	s2 =	rddreg [dreg:$0x0]  }
0x2: {  	s4 =	rddreg [dreg:$0x1]  }
0x3: {  	s0 =	rddreg [dreg:$0x2];
	s3 =	stileid.u32  }
0x4: {  	[bflag:$0x3] =	sbarrier.arrive $0xFFFF;
	s1 =	simm.s32 $_size_execute1_lowered;
	p0 =	sne.s32 s3, $0x0  }
0x5: {  	s1 =	sshll.u32 s1, $0x1;
	s5 =	simm.s32 @!p0 $0x1C3F;
	s6 =	simm.s32 @!p0 $0x4060  }
0x6: {  	[timem:s6], [sflag:s5] =	dma.local @!p0 [hbm:s2], s1  }
0x7: {  	s2 =	smul.u32 $0xC40, s3  }
.Ltmp0:
0x8: {  	s31 =	simm.s32 $0x2;
	s7 =	simm.s32 $0xC40;
	(pc) =	sbr.rel .LBB2_1-.Ltmp0, $4  }
0x9: {  	s8 =	simm.s32 $0x24C0;
	s10 =	simm.s32 $0x0;
	s9 =	simm.s32 $0x0  }
0xa: {  	s3 =	simm.s32 $0x1;
	_ =	strace $0x80000047;
	s30 =	sshrl.u32 s2, $0x3  }
0xb: {  	s6 =	simm.s32 $0x0;
	[sflag:s3] =	ssyncpa.u1 $0x0;
	s5 =	sadd.s32 s30, s4  }
0xc: {  	s4 =	sadd.s32 $0xDA6400, s4;
	[sflag:s31] =	ssyncpa.u1 $0x0;
	s5 =	sadd.s32 $0xDA4A00, s5  }
.LBB2_9:
0xd: {  	p1 =	seq.s32 s9, $0x2  }
.Ltmp1:
0xe: {  	_ = 	snop;
	(pc) =	sbr.rel @p1 .LBB2_11-.Ltmp1, $1  }
0xf: {  	_ =	sdelay $0x3  }
.LBB2_10:
0x10: {  	s9 =	sadd.s32 $0x1, s9;
	s10 =	smov.u32 s2  }
.LBB2_1:
0x11: {  	p1 =	sne.s32 s9, $0x0  }
.Ltmp2:
0x12: {  	_ = 	snop;
	(pc) =	sbr.rel @!p1 .LBB2_2-.Ltmp2, $1  }
0x13: {  	_ =	sdelay $0x3  }
0x14: {  	s11 =	sand.u32 $0x1, s9  }
0x15: {  	p1 =	seq.s32 s11, $0x0  }
.Ltmp3:
0x16: {  	_ = 	snop;
	(pc) =	sbr.rel @p1 .LBB2_9-.Ltmp3, $1  }
0x17: {  	_ =	sdelay $0x3  }
0x18: {  	_ =	swait.ge [sflag:s3], $0xC40  }
0x19: {  	[sflag:s3] =	ssyncset.done $0x0  }
0x1a: {  	s16 =	simm.s32 $0xD30;
	[sflag:s3] =	ssyncadd.s32 $0xFFFFF3C0  }
0x1b: {  	v0 =	vld [tilespmem:s16+$0x0]  }
0x1c: {  	v1 =	vld [tilespmem:s16+$0xFFFFFF20]  }
0x1d: {  	v2 =	vld [tilespmem:s16+$0xFFFFFF30]  }
0x1e: {  	v3 =	vld [tilespmem:s16+$0xFFFFFF40]  }
0x1f: {  	s11 =	simm.s32 $0x25B0;
	v4 =	vld [tilespmem:s16+$0xFFFFFF50]  }
0x20: {  	v5 =	vld [tilespmem:s16+$0xFFFFFF60];
	[tilespmem:s11+$0x0] =	vst v0  }
0x21: {  	[tilespmem:s11+$0xFFFFFF20] =	vst v1;
	v0 =	vld [tilespmem:s16+$0xFFFFFF70]  }
0x22: {  	[tilespmem:s11+$0xFFFFFF30] =	vst v2;
	v1 =	vld [tilespmem:s16+$0xFFFFFF80]  }
0x23: {  	[tilespmem:s11+$0xFFFFFF40] =	vst v3;
	v2 =	vld [tilespmem:s16+$0xFFFFFF90]  }
0x24: {  	[tilespmem:s11+$0xFFFFFF50] =	vst v4;
	v3 =	vld [tilespmem:s16+$0xFFFFFFA0]  }
0x25: {  	[tilespmem:s11+$0xFFFFFF60] =	vst v5;
	v5 =	vld [tilespmem:s16+$0xFFFFFFB0]  }
0x26: {  	[tilespmem:s11+$0xFFFFFF70] =	vst v0;
	v0 =	vld [tilespmem:s16+$0xFFFFFFC0]  }
0x27: {  	[tilespmem:s11+$0xFFFFFF80] =	vst v1;
	v1 =	vld [tilespmem:s16+$0xFFFFFFD0]  }
0x28: {  	[tilespmem:s11+$0xFFFFFF90] =	vst v2;
	v2 =	vld [tilespmem:s16+$0xFFFFFFE0]  }
0x29: {  	s15 =	simm.s32 $0x0;
	s12 =	simm.s32 $0xBF0;
	[tilespmem:s11+$0xFFFFFFA0] =	vst v3;
	v3 =	vld [tilespmem:s16+$0xFFFFFFF0]  }
0x2a: {  	s13 =	simm.s32 $0x30C0;
	s14 =	simm.s32 $0x1840;
	v4 =	vld [tilespmem:s16+$0xFFFFFF10];
	[tilespmem:s11+$0xFFFFFFB0] =	vst v5;
	s16 =	simm.s32 $0xE30  }
.LBB2_5:
0x2b: {  	v5 =	vld [tilespmem:s16+$0x0];
	s15 =	sadd.s32 $0x100, s15;
	[tilespmem:s11+$0xFFFFFFC0] =	vst v0  }
0x2c: {  	v0 =	vld [tilespmem:s16+$0xFFFFFF20];
	p1 =	slt.u32 s15, $0xB00;
	[tilespmem:s11+$0xFFFFFFD0] =	vst v1  }
0x2d: {  	v1 =	vld [tilespmem:s16+$0xFFFFFF30];
	[tilespmem:s11+$0xFFFFFFE0] =	vst v2  }
0x2e: {  	v2 =	vld [tilespmem:s16+$0xFFFFFF40];
	[tilespmem:s11+$0xFFFFFFF0] =	vst v3  }
0x2f: {  	v3 =	vld [tilespmem:s16+$0xFFFFFF50];
	[tilespmem:s11+$0xFFFFFF10] =	vst v4;
	s11 =	sadd.s32 $0x100, s11  }
0x30: {  	v4 =	vld [tilespmem:s16+$0xFFFFFF60];
	[tilespmem:s11+$0x0] =	vst v5  }
0x31: {  	[tilespmem:s11+$0xFFFFFF20] =	vst v0;
	v0 =	vld [tilespmem:s16+$0xFFFFFF70]  }
0x32: {  	[tilespmem:s11+$0xFFFFFF30] =	vst v1;
	v1 =	vld [tilespmem:s16+$0xFFFFFF80]  }
0x33: {  	[tilespmem:s11+$0xFFFFFF40] =	vst v2;
	v2 =	vld [tilespmem:s16+$0xFFFFFF90]  }
0x34: {  	[tilespmem:s11+$0xFFFFFF50] =	vst v3;
	v3 =	vld [tilespmem:s16+$0xFFFFFFA0]  }
0x35: {  	[tilespmem:s11+$0xFFFFFF60] =	vst v4;
	v5 =	vld [tilespmem:s16+$0xFFFFFFB0]  }
.Ltmp4:
0x36: {  	[tilespmem:s11+$0xFFFFFF70] =	vst v0;
	v0 =	vld [tilespmem:s16+$0xFFFFFFC0];
	(pc) =	sbr.rel @p1 .LBB2_5-.Ltmp4, $4  }
0x37: {  	[tilespmem:s11+$0xFFFFFF80] =	vst v1;
	v1 =	vld [tilespmem:s16+$0xFFFFFFD0]  }
0x38: {  	[tilespmem:s11+$0xFFFFFF90] =	vst v2;
	v2 =	vld [tilespmem:s16+$0xFFFFFFE0]  }
0x39: {  	[tilespmem:s11+$0xFFFFFFA0] =	vst v3;
	v3 =	vld [tilespmem:s16+$0xFFFFFFF0]  }
0x3a: {  	v4 =	vld [tilespmem:s16+$0xFFFFFF10];
	[tilespmem:s11+$0xFFFFFFB0] =	vst v5;
	s16 =	sadd.s32 $0x100, s16  }
0x3b: {  	[tilespmem:s11+$0xFFFFFFC0] =	vst v0  }
0x3c: {  	[tilespmem:s11+$0xFFFFFFD0] =	vst v1  }
0x3d: {  	[tilespmem:s11+$0xFFFFFFE0] =	vst v2  }
0x3e: {  	[tilespmem:s11+$0xFFFFFFF0] =	vst v3  }
0x3f: {  	[tilespmem:s11+$0xFFFFFF10] =	vst v4  }
.LBB2_7:
0x40: {  	s12 =	sadd.s32 $0x10, s12  }
0x41: {  	v0 =	vld [tilespmem:s14+$0x0];
	p1 =	slt.u32 s12, $0xC30  }
.Ltmp5:
0x42: {  	_ = 	snop;
	(pc) =	sbr.rel @p1 .LBB2_7-.Ltmp5, $2  }
0x43: {  	_ =	sdelay $0x2  }
0x44: {  	s14 =	sadd.s32 $0x10, s14;
	[tilespmem:s13+$0x0] =	vst v0;
	s13 =	sadd.s32 $0x10, s13  }
.Ltmp6:
0x45: {  	(pc) =	sbr.rel .LBB2_9-.Ltmp6, $4  }
0x46: {  	_ = 	snop  }
0x47: {  	s10 =	sshrl.u32 s10, $0x3  }
0x48: {  	s10 =	sadd.s32 s4, s10  }
0x49: {  	[hbm4b:s10+s6] =	stream.linear.scatter [tilespmem:s8], [sflag:$0x2], $0xC40, $0x38;
	[tilespmem:$0x3100] =	vst v63  }
.LBB2_2:
.Ltmp7:
0x4a: {  	(pc) =	sbr.rel .LBB2_10-.Ltmp7, $2  }
0x4b: {  	_ =	sdelay $0x2  }
0x4c: {  	[tilespmem:s7], [sflag:$0x1] =	stream.linear.gather [hbm4b:s5+s6], $0xC40, $0x38;
	[tilespmem:$0x3100] =	vst v63  }
.LBB2_11:
0x4d: {  	s2 =	simm.s32 $0x2  }
0x4e: {  	_ =	swait.ge [sflag:s2], $0xC40  }
0x4f: {  	[sflag:s2] =	ssyncset.done $0x0  }
0x50: {  	[sflag:s2] =	ssyncadd.s32 $0xFFFFF3C0  }
0x51: {  	_ =	sfence.sel $0x180000  }
0x52: {  	s3 =	simm.s32 $0x1;
	[bflag:$0x0] =	sbarrier.arrive $0xFFFF  }
0x53: {  	[sflag:s3] =	ssyncpa.u1 $0x1  }
0x54: {  	[sflag:s2] =	ssyncpa.u1 $0x1  }
0x55: {  	_ =	strace $0x90000047  }
0x56: {  	s0 =	sadd.s32 @!p0 $0x100000, s0;
	[bflag:$0x2] =	sbarrier.arrive $0xFFFF  }
0x57: {  	[sflag:s0] =	ssyncadd.tile.s32 @!p0 $0x1;
	s0 =	simm.s32 @!p0 $0x3F  }
0x58: {  	_ =	swait.ge @!p0 [sflag:s0], s1  }
0x59: {  	s1 =	ssub.s32 @!p0 $0x0, s1;
	[sflag:s0] =	ssyncset.done @!p0 $0x0  }
0x5a: {  	[sflag:s0] =	ssyncadd.s32 @!p0 s1  }
0x5b: {  	[bflag:$0x3] =	sbarrier.arrive $0xFFFF  }
0x5c: {  	_ =	shalt  }
.Lfunc_end2:
execute1_lowered:
.L_overlay_start_2:
0x5d: {  	(tag) =	ssettag $0x2  }
0x5e: {  	s0 =	rddreg [dreg:$0x0];
	s14 =	stileid.u32  }
0x5f: {  	_ =	strace $0x8000004A;
	s2 =	simm.s32 $0x1;
	s1 =	smul.u32 $0x6, s14  }
0x60: {  	v1 =	vimm.s32 $0xFFFFFFFF;
	s3 =	smin.u32 s14, $0x4;
	[sflag:s2] =	ssyncpa.u1 $0x0  }
0x61: {  	[tilespmem:$0x10] =	vst v1;
	s1 =	sadd.s32 s3, s1  }
0x62: {  	v0 =	vimm.f32 $0.0e+00;
	p0 =	slt.u32 s14, $0x4;
	[tilespmem:$0x20] =	vst v1;
	s3 =	smul.u32 $0x1F40, s1;
	s1 =	simm.s32 $0xDAC0  }
0x63: {  	[tilespmem:$0x30] =	vst v0;
	s1 =	simm.s32 @!p0 $0xBB80  }
0x64: {  	[tilespmem:$0x40] =	vst v0;
	s1 =	sadd.s32 s1, s3  }
0x65: {  	[tilespmem:$0x50] =	vst v0;
	s4 =	smin.u32 s1, $0xC3500  }
0x66: {  	[tilespmem:$0x60] =	vst v1;
	s9 =	ssub.s32 s4, s3  }
0x67: {  	s7 =	simm.s32 $0x2;
	s8 =	simm.s32 $0x8;
	[tilespmem:$0x70] =	vst v1;
	p0 =	sgt.s32 s9, $0x0  }
0x68: {  	s31 =	simm.s32 $0x9;
	s16 =	simm.s32 $0x0;
	[tilespmem:$0x80] =	vst v1;
	s9 =	simm.s32 @!p0 $0x0  }
0x69: {  	s17 =	simm.s32 $0xF0;
	s18 =	simm.s32 $0xFFFFFFFF;
	v1 =	vimm.s32 $0x0;
	[tilespmem:$0xB0] =	vst v0;
	s5 =	smulhi.u32 $0x10624DD3, s9  }
0x6a: {  	s19 =	simm.s32 $0xFFFFC280;
	s20 =	simm.s32 $0xFFFFFFFE;
	s21 =	simm.s32 $0xF;
	[tilespmem:$0x90] =	vst v1  }
0x6b: {  	[tilespmem:$0xA0] =	vst v1;
	[sflag:s7] =	ssyncpa.u1 $0x0;
	s7 =	simm.s32 $0x7;
	s10 =	sshrl.u32 s5, $0x9  }
0x6c: {  	s25 =	simm.s32 $0x0;
	[sflag:s7] =	ssyncpa.u1 $0x0;
	s11 =	smul.u32 $0x1F40, s10  }
0x6d: {  	s24 =	simm.s32 $0x0;
	s6 =	sadd.s32 $0xD8C200, s0;
	[sflag:s8] =	ssyncpa.u1 $0x0  }
.Ltmp8:
0x6e: {  	[sflag:s31] =	ssyncpa.u1 $0x0;
	p0 =	sne.s32 s9, s11;
	(pc) =	sbr.rel .LBB3_1-.Ltmp8, $4  }
0x6f: {  	s23 =	smov.u32 s3;
	s1 =	sadd.s32 $0xDA6400, s0;
	s2 =	simm.s32 @!p0 $0x0  }
0x70: {  	s5 =	sadd.s32 $0xD73A00, s0;
	p0 =	por $0x0, $0x0;
	s9 =	sadd.s32 s2, s10  }
0x71: {  	vm0 =	vmmov $0xffff;
	v2 =	vlaneseq.u32;
	s10 =	sshll.u32 s14, $0x1;
	s14 =	sshllo.u32 s14, $0x1;
	s11 =	sadd.s32 $0x1, s9  }
0x72: {  	vm1 =	vmxor vm1, vm1;
	vm2 =	vmmov $0x1;
	vm3 =	vcmask $0x3F3C;
	s12 =	sadd.s32 $0x2, s9;
	s13 =	sor.u32 $0x81, s10;
	s15 =	sor.u32 $0x80, s10  }
.LBB3_9:
0x73: {  	p1 =	slt.u32 s24, $0x3  }
0x74: {  	s0 =	simm.s32 @!p1 $0x2  }
0x75: {  	_ =	swait.ge @!p1 [sflag:s0], $0x1F40  }
0x76: {  	[sflag:s0] =	ssyncset.done @!p1 $0x0  }
0x77: {  	[sflag:s0] =	ssyncadd.s32 @!p1 $0xFFFFE0C0;
	s0 =	simm.s32 @!p1 $0x9  }
0x78: {  	_ =	swait.ge @!p1 [sflag:s0], $0x10  }
0x79: {  	[sflag:s0] =	ssyncset.done @!p1 $0x0  }
0x7a: {  	[sflag:s0] =	ssyncadd.s32 @!p1 $0xFFFFFFF0;
	p1 =	sne.s32 s24, s12  }
.Ltmp9:
0x7b: {  	s2 =	sadd.s32 $0x1F40, s23;
	(pc) =	sbr.rel @!p1 .LBB3_10-.Ltmp9, $4  }
0x7c: {  	s22 =	smov.u32 s3;
	s31 =	sadd.s32 $0x1, s24;
	s17 =	sadd.s32 $0x1F40, s17  }
0x7d: {  	s18 =	sadd.s32 $0x1, s18;
	s25 =	smov.u32 s23;
	p2 =	slt.s32 s2, s4  }
0x7e: {  	p0 =	por !p0, !p0;
	s19 =	sadd.s32 $0x1F40, s19;
	s22 =	smov.u32 @p2 s2  }
0x7f: {  	s20 =	sadd.s32 $0x1, s20;
	s23 =	smov.u32 s22;
	s24 =	smov.u32 s31  }
.LBB3_1:
0x80: {  	p1 =	sge.u32 s24, s9  }
0x81: {  	s0 =	smulhi.u32 @!p1 $0xAAAAAAAB, s24;
	_ =	sdelay $0x1  }
0x82: {  	s0 =	sshrl.u32 @!p1 s0, $0x1  }
0x83: {  	s0 =	smul.u32 @!p1 $0x3, s0;
	_ =	sdelay $0x1  }
0x84: {  	s0 =	ssub.s32 @!p1 s24, s0  }
0x85: {  	s0 =	smul.u32 @!p1 $0x7D00, s0;
	_ =	sdelay $0x1  }
0x86: {  	s2 =	sshrl.u32 @!p1 s23, $0x3;
	s0 =	sshrl.u32 @!p1 s0, $0x2  }
0x87: {  	s22 =	sand.u32 @!p1 $0x7, s23;
	s2 =	sadd.s32 @!p1 s5, s2;
	s0 =	sadd.s32 @!p1 $0x100, s0  }
0x88: {  	[tilespmem:s0], [sflag:$0x7] =	stream.linear.gather @!p1 [hbm4b:s2+s22], $0x1F40, $0x38;
	[tilespmem:$0x11A60] =	vst v63  }
0x89: {  	s0 =	sadd.s32 $0xFFFFFFFF, s24  }
0x8a: {  	p1 =	sge.u32 s0, s9  }
.Ltmp10:
0x8b: {  	_ = 	snop;
	(pc) =	sbr.rel @p1 .LBB3_5-.Ltmp10, $1  }
0x8c: {  	_ =	sdelay $0x3  }
0x8d: {  	s2 =	smulhi.u32 $0xAAAAAAAB, s0;
	_ =	sdelay $0x1  }
0x8e: {  	s2 =	sshrl.u32 s2, $0x1  }
0x8f: {  	s2 =	smul.u32 $0x3, s2;
	_ =	sdelay $0x1  }
0x90: {  	s2 =	ssub.s32 s0, s2  }
0x91: {  	s2 =	smul.u32 $0x7D00, s2  }
0x92: {  	_ =	swait.ge [sflag:s7], $0x1F40  }
0x93: {  	[sflag:s7] =	ssyncset.done $0x0;
	s2 =	sshrl.u32 s2, $0x2  }
0x94: {  	[sflag:s7] =	ssyncadd.s32 $0xFFFFE0C0;
	(ifvalue) =	ssetifvalue $0xFFFFFFFF;
	v3 =	vld.msk [tilespmem:s2+$0x100 ss:$0x1], $0xffff;
	_ =	sdelay $0x2  }
0x95: {  	s30 =	smulhi.u32 $0xAAAAAAAB, s18;
	p1 =	sne.s32 s24, $0x1  }
0x96: {  	v4 =	vimm.s32 @!p1 $0x0  }
0x97: {  	s2 =	sshrl.u32 s30, $0x1;
	v4 =	vperm.xlane @!p1 v3, v4  }
0x98: {  	s22 =	sshll.u32 s24, $0x4;
	s2 =	smul.u32 $0xFFFE8900, s2;
	vm4 =	vlt.u32 v3, $0xC400  }
0x99: {  	s22 =	sand.u32 $0x10, s22;
	v3 =	vnsel vm4, $0xFFFFFFFE, v3;
	vm4 =	vlt.u32 @!p1 v4, $0xC400  }
0x9a: {  	s2 =	sshra.s32 s2, $0x2;
	[tilespmem:s22+$0x60] =	vst v3;
	v3 =	vnsel @!p1 vm4, $0xFFFFFFFE, v4  }
0x9b: {  	s28 =	sadd.s32 s2, s17;
	[tilespmem:$0x80] =	vst @!p1 v3  }
0x9c: {  	v3 =	vld.msk [tilespmem:s28+$0x0 ss:$0x1], $0xffff;
	_ =	sdelay $0x4  }
0x9d: {  	(xrf1) =	vunique.msk.u32 $0xffff, v3;
	_ =	sdelay $0xd  }
0x9e: {  	v4 =	vimm.s32 $0xFFFFFFFF;
	v5, _, _ =	vpop (xrf1)  }
0x9f: {  	vm5 =	vne.s32 v3, v4;
	vm4 =	veq.s32 v5, v2  }
0xa0: {  	vm6 =	vlt.u32 v3, $0xC400;
	vm4 =	vmand vm5, vm4  }
0xa1: {  	vm4 =	vmand vm6, vm4  }
0xa2: {  	v4 =	vnsel vm4, $0xFFFFFFFF, v3  }
0xa3: {  	s31 =	sand.u32 $0x1, s0  }
0xa4: {  	s0 =	simm.s32 $0x1F40;
	p1 =	seq.s32 s31, $0x1  }
0xa5: {  	s0 =	simm.s32 @!p1 $0x0  }
0xa6: {  	s26 =	sadd.s32 $0x7DF0, s0;
	(ifvalue) =	ssetifvalue $0xFFFFFFFF  }
0xa7: {  	v3 =	vperm.xlane v3, v1;
	[tilespmem:s26], [sflag:$0x8] =	stream.indirect_vreg.gather [hbm4b:s1+s16], $0x1, v4, vm0, $0x4038;
	v4 =	vnsel vm6, $0xFFFFFFFE, v4;
	[tilespmem:$0x11A60] =	vst v63  }
0xa8: {  	s2 =	simm.s32 $0x0;
	s22 =	sadd.s32 $0xFFFFFFF0, s28;
	[tilespmem:s28+$0x0] =	vst v4  }
.LBB3_3:
0xa9: {  	v4 =	vld.msk [tilespmem:s22+$0x0 ss:$0x1], $0xffff;
	s2 =	sadd.s32 $0x10, s2;
	v5 =	vmov v3;
	s28 =	smov.u32 s22  }
0xaa: {  	p1 =	slt.u32 s2, $0x1F30;
	_ =	sdelay $0x4  }
0xab: {  	v3 =	vperm.xlane v4, v1;
	(xrf1) =	vunique.msk.u32 $0xffff, v4;
	_ =	sdelay $0xd  }
0xac: {  	v6, _, _ =	vpop (xrf1)  }
0xad: {  	vm5 =	vne.s32 v4, v5;
	vm4 =	veq.s32 v6, v2  }
0xae: {  	vm6 =	vlt.u32 v4, $0xC400;
	vm4 =	vmand vm5, vm4  }
0xaf: {  	vm4 =	vmand vm6, vm4  }
0xb0: {  	v4 =	vnsel vm4, $0xFFFFFFFF, v4  }
.Ltmp11:
0xb1: {  	v5 =	vnsel vm6, $0xFFFFFFFE, v4;
	(pc) =	sbr.rel @p1 .LBB3_3-.Ltmp11, $3  }
0xb2: {  	_ =	sdelay $0x1  }
0xb3: {  	s22 =	sadd.s32 $0xFFFFFFF0, s22;
	s26 =	sadd.s32 $0xFFFFFFF0, s26;
	(ifvalue) =	ssetifvalue $0xFFFFFFFF  }
0xb4: {  	[tilespmem:s26], [sflag:$0x8] =	stream.indirect_vreg.gather [hbm4b:s1+s16], $0x1, v4, vm0, $0x4038;
	[tilespmem:s28+$0x0] =	vst v5  }
0xb5: {  	s2 =	sshrl.u32 s25, $0x3  }
0xb6: {  	s0 =	sadd.s32 $0x9D40, s0;
	s2 =	sadd.s32 s6, s2  }
0xb7: {  	[tilespmem:s0], [sflag:$0x8] =	stream.linear.gather [hbm:s2], $0x1F40, $0x38;
	[tilespmem:$0x11A60] =	vst v63  }
.LBB3_5:
0xb8: {  	p1 =	slt.u32 s24, $0x2  }
0xb9: {  	p2 =	sge.u32 @!p1 s24, s12  }
0xba: {  	p1 =	por p1, p2  }
.Ltmp12:
0xbb: {  	_ = 	snop;
	(pc) =	sbr.rel @p1 .LBB3_9-.Ltmp12, $1  }
0xbc: {  	_ =	sdelay $0x3  }
0xbd: {  	s0 =	sadd.s32 $0xFFFFFFFE, s24  }
0xbe: {  	s2 =	smulhi.u32 $0xAAAAAAAB, s0;
	_ =	sdelay $0x1  }
0xbf: {  	s2 =	sshrl.u32 s2, $0x1  }
0xc0: {  	s2 =	smul.u32 $0x3, s2;
	_ =	sdelay $0x1  }
0xc1: {  	s0 =	ssub.s32 s0, s2  }
0xc2: {  	_ =	swait.ge [sflag:s8], $0x3E80;
	s0 =	smul.u32 $0x1F40, s0  }
0xc3: {  	p1 =	sne.s32 s24, s11;
	[sflag:s8] =	ssyncset.done $0x0  }
0xc4: {  	[sflag:s8] =	ssyncadd.s32 $0xFFFFC180;
	s2 =	sadd.s32 @!p1 $0x203F, s0  }
0xc5: {  	[spmem:s13] =	stream.linear.scatter @!p1 [tilespmem:s2], [sflag:$0x1], $0x1, $0x38;
	[tilespmem:$0x11A60] =	vst v63  }
0xc6: {  	s2 =	simm.s32 @!p1 $0x1  }
0xc7: {  	_ =	swait.ge @!p1 [sflag:s2], $0x1  }
0xc8: {  	s22 =	sshll.u32 s24, $0x4;
	[sflag:s2] =	ssyncset.done @!p1 $0x0  }
0xc9: {  	s25 =	sand.u32 $0x10, s22;
	[sflag:s2] =	ssyncadd.s32 @!p1 $0xFFFFFFFF  }
0xca: {  	s2 =	sxor.u32 $0x10, s25;
	v4 =	vld [tilespmem:s25+$0x10]  }
0xcb: {  	v5 =	vld [tilespmem:s2+$0x60]  }
0xcc: {  	v3 =	vld [tilespmem:$0x80];
	_ =	sdelay $0x2  }
0xcd: {  	(v2sf) =	vpush v4, $0x0  }
0xce: {  	(v2sf) =	vpush v5, $0x0  }
0xcf: {  	(v2sf) =	vpush v3, $0x0;
	_ =	sdelay $0xc  }
0xd0: {  	s22 =	spop (v2sf)  }
0xd1: {  	s26 =	spop (v2sf)  }
0xd2: {  	s28 =	spop (v2sf)  }
0xd3: {  	p2 =	seq.s32 s22, s26;
	p3 =	seq.s32 s28, s22  }
0xd4: {  	p3 =	por p2, p3  }
0xd5: {  	s26 =	sand.u32 $0x1, s24;
	v4 =	vpsel p3, $0xFFFFFFFF, v4  }
0xd6: {  	s29 =	smul.u32 $0x1F40, s26;
	[tilespmem:s25+$0x10] =	vst.msk $0x1, v4  }
0xd7: {  	v4 =	vld [tilespmem:$0x30]  }
0xd8: {  	v5 =	vld [tilespmem:s29+$0x9D40]  }
0xd9: {  	v6 =	vld [tilespmem:s25+$0x40];
	_ =	sdelay $0x3  }
0xda: {  	vm4 =	vmmov vm1;
	v5 =	vadd.f32 v5, v4  }
0xdb: {  	vm5 =	vmmov vm2;
	vm4 =	vmmov @p2 vm2;
	s22 =	sshll.u32 s26, $0x4;
	v4 =	vadd.f32 v6, v4  }
0xdc: {  	s26 =	sor.u32 $0x11A40, s22;
	vm5 =	vmmov @p3 vm1;
	[tilespmem:s29+$0x9D40] =	vst.msk vm4, v5  }
0xdd: {  	[tilespmem:s26+$0x0] =	vst.msk vm5, v4  }
0xde: {  	v4 =	vld [tilespmem:s29+$0x7DF0];
	_ =	sdelay $0x3  }
0xdf: {  	v5 =	vimm.f32 $0.0e+00  }
0xe0: {  	v4 =	vshift.insert v4, v5, s21  }
0xe1: {  	s22 =	sor.u32 $0x40, s2  }
0xe2: {  	[tilespmem:s22+$0x0] =	vst.msk $0x1, v4  }
0xe3: {  	[tilespmem:s29+$0x7DFF] =	vst.msk $0x1, v5  }
0xe4: {  	v4 =	vld [tilespmem:s0+$0x2030];
	_ =	sdelay $0x1  }
0xe5: {  	s22 =	smulhi.u32 $0xAAAAAAAB, s20;
	s0 =	simm.s32 $0x1  }
0xe6: {  	s0 =	simm.s32 @!p0 $0x0  }
0xe7: {  	s22 =	sshrl.u32 s22, $0x1;
	s0 =	smul.u32 $0x7D00, s0  }
0xe8: {  	s22 =	smul.u32 $0xFFFE8900, s22;
	v4 =	vshift.insert v4, v1, s21  }
0xe9: {  	s0 =	sshrl.u32 s0, $0x2  }
0xea: {  	s22 =	sshra.s32 s22, $0x2;
	s30 =	sadd.s32 $0x9D40, s0;
	[tilespmem:s2+$0x10] =	vst.msk $0x1, v4  }
0xeb: {  	s22 =	sadd.s32 s22, s19;
	v6 =	vld [tilespmem:s30+$0x0]  }
0xec: {  	v7 =	vld [tilespmem:s22+$0x0];
	_ =	sdelay $0x3  }
0xed: {  	v5 =	vadd.f32 v6, v5  }
0xee: {  	vm4 =	vne.s32 v7, $0xFFFFFFFF  }
0xef: {  	(xrf2) =	vadd.seg.scan.f32 vm4, v5;
	_ =	sdelay $0x3  }
0xf0: {  	s31 =	sadd.s32 $0x5EC0, s0;
	v5 =	vperm.xlane v4, v1  }
0xf1: {  	v6 =	vld [tilespmem:s31+$0x0]  }
0xf2: {  	vm5 =	veq.s32 v7, v3;
	vm6 =	veq.s32 v7, v5  }
0xf3: {  	vm7 =	vgt.u32 v7, $0xFFFFFFFD;
	vm6 =	vmor vm6, vm5  }
0xf4: {  	vm6 =	vmor vm6, vm7  }
0xf5: {  	v9 =	vld [tilespmem:$0xA0];
	v7 =	vsel vm6, $0xFFFFFFFF, v7  }
0xf6: {  	v10 =	vld [tilespmem:$0x90];
	v6 =	vsel vm5, $0x0, v6;
	v8, _, _ =	vpop (xrf2)  }
0xf7: {  	v6 =	vadd.f32 v8, v6  }
0xf8: {  	s0 =	sadd.s32 $0xDBC0, s0  }
0xf9: {  	vm4 =	vmand vm4, vm3;
	[tilespmem:s0+$0x0] =	vst v6;
	(ifvalue) =	ssetifvalue $0xFFFFFFFF  }
0xfa: {  	vm6 =	veq.s32 v9, $0x1;
	[hbm4b:s1+s16] =	stream.indirect_vreg.scatter [tilespmem:s0], [sflag:$0x2], $0x1, v7, vm0, $0x4038;
	v7 =	vsel vm4, $0x0, v8;
	[tilespmem:$0x11A60] =	vst v63  }
0xfb: {  	s2 =	simm.s32 $0x0;
	s22 =	sadd.s32 $0x10, s22;
	vm4 =	vmor vm6, vm5;
	v6 =	vsel vm5, v8, v10;
	v7 =	vshift.insert v7, v0, s21  }
.LBB3_7:
0xfc: {  	v8 =	vld [tilespmem:s22+$0x0];
	s30 =	sadd.s32 $0x10, s30  }
0xfd: {  	s31 =	sadd.s32 $0x10, s31;
	v9 =	vld [tilespmem:s30+$0x0]  }
0xfe: {  	s2 =	sadd.s32 $0x10, s2;
	v10 =	vld [tilespmem:s31+$0x0]  }
0xff: {  	p2 =	slt.u32 s2, $0x1F30;
	_ =	sdelay $0x2  }
0x100: {  	v7 =	vadd.f32 v9, v7  }
0x101: {  	vm5 =	vne.s32 v8, $0xFFFFFFFF  }
0x102: {  	vm6 =	vmand vm5, vm3;
	(xrf2) =	vadd.seg.scan.f32 vm5, v7;
	_ =	sdelay $0x5  }
0x103: {  	vm7 =	veq.s32 v8, v5;
	vm5 =	veq.s32 v8, v3  }
0x104: {  	vm8 =	vgt.u32 v8, $0xFFFFFFFD;
	vm4 =	vmor vm4, vm5;
	vm7 =	vmor vm7, vm5  }
0x105: {  	vm7 =	vmor vm7, vm8  }
0x106: {  	v8 =	vsel vm7, $0xFFFFFFFF, v8  }
.Ltmp13:
0x107: {  	v7 =	vsel vm5, $0x0, v10;
	v9, _, _ =	vpop (xrf2);
	(pc) =	sbr.rel @p2 .LBB3_7-.Ltmp13, $4  }
0x108: {  	v6 =	vsel vm5, v9, v6;
	v10 =	vadd.f32 v9, v7;
	v7 =	vsel vm6, $0x0, v9  }
0x109: {  	s0 =	sadd.s32 $0x10, s0;
	v7 =	vshift.insert v7, v0, s21  }
0x10a: {  	s22 =	sadd.s32 $0x10, s22;
	[tilespmem:s0+$0x0] =	vst v10;
	(ifvalue) =	ssetifvalue $0xFFFFFFFF  }
0x10b: {  	[hbm4b:s1+s16] =	stream.indirect_vreg.scatter [tilespmem:s0], [sflag:$0x2], $0x1, v8, vm0, $0x4038;
	[tilespmem:$0x11A60] =	vst v63  }
0x10c: {  	v3 =	vld [tilespmem:s29+$0xFAF0];
	_ =	sdelay $0x4  }
0x10d: {  	v3 =	vshift.insert v3, v0, s21  }
0x10e: {  	s0 =	simm.s32 $0x30  }
0x10f: {  	[tilespmem:s0+$0x0] =	vst.msk $0x1, v3  }
0x110: {  	v3 =	vsel vm4, $0x1, v1;
	[tilespmem:$0x90] =	vst v6  }
0x111: {  	s0 =	sadd.s32 @!p1 $0xFAFF, s29;
	[tilespmem:$0xA0] =	vst v3  }
0x112: {  	[spmem:s14] =	stream.linear.scatter @!p1 [tilespmem:s0], [sflag:$0x1], $0x1, $0x38;
	[tilespmem:$0x11A60] =	vst v63  }
0x113: {  	s0 =	simm.s32 @!p1 $0x1  }
0x114: {  	v3 =	vmctz.xlane @!p1 vm4;
	_ =	swait.ge @!p1 [sflag:s0], $0x1  }
0x115: {  	(v2sf) =	vpush @!p1 v4, $0x0  }
0x116: {  	(v2sf) =	vpush @!p1 v3, $0x0;
	_ =	sdelay $0xd  }
0x117: {  	s2 =	spop @!p1 (v2sf)  }
0x118: {  	s22 =	spop @!p1 (v2sf)  }
0x119: {  	p2 =	sne.s32 @!p1 s28, s2;
	p3 =	slt.s32 @!p1 s22, $0xF  }
0x11a: {  	[sflag:s0] =	ssyncset.done @!p1 $0x0;
	p2 =	por p2, p1;
	p3 =	por !p3, p1  }
0x11b: {  	[sflag:s0] =	ssyncadd.s32 @!p1 $0xFFFFFFFF;
	v3 =	vimm.s32 @!p2 $0xFFFFFFFF;
	s22 =	simm.s32 @p3 $0xF  }
0x11c: {  	[tilespmem:$0x80] =	vst @!p2 v3;
	s2 =	sadd.s32 @!p1 $0x90, s22  }
0x11d: {  	[spmem:s10] =	stream.linear.scatter @!p1 [tilespmem:s2], [sflag:$0x1], $0x1, $0x38;
	[tilespmem:$0x11A60] =	vst v63  }
0x11e: {  	_ =	swait.ge @!p1 [sflag:s0], $0x1  }
0x11f: {  	[sflag:s0] =	ssyncset.done @!p1 $0x0  }
0x120: {  	s2 =	simm.s32 @!p1 $0x80;
	[sflag:s0] =	ssyncadd.s32 @!p1 $0xFFFFFFFF  }
0x121: {  	[spmem:s15] =	stream.linear.scatter @!p1 [tilespmem:s2], [sflag:$0x1], $0x1, $0x38;
	[tilespmem:$0x11A60] =	vst v63  }
0x122: {  	_ =	swait.ge @!p1 [sflag:s0], $0x1  }
0x123: {  	[sflag:s0] =	ssyncset.done @!p1 $0x0  }
0x124: {  	[sflag:s0] =	ssyncadd.s32 @!p1 $0xFFFFFFFF;
	(ifvalue) =	ssetifvalue $0xFFFFFFFF;
	v3 =	vld [tilespmem:s25+$0x10];
	_ =	sdelay $0x3  }
.Ltmp14:
0x125: {  	_ = 	snop;
	(pc) =	sbr.rel .LBB3_9-.Ltmp14, $3  }
0x126: {  	_ =	sdelay $0x1  }
0x127: {  	(ifvalue) =	ssetifvalue $0xFFFFFFFF  }
0x128: {  	[hbm4b:s1+s16] =	stream.indirect_vreg.scatter [tilespmem:s26], [sflag:$0x9], $0x1, v3, vm0, $0x4038;
	[tilespmem:$0x11A60] =	vst v63  }
.LBB3_10:
0x129: {  	_ =	sfence.sel $0x180000  }
0x12a: {  	s0 =	simm.s32 $0x7;
	[bflag:$0x0] =	sbarrier.arrive $0xFFFF  }
0x12b: {  	s26 =	simm.s32 $0x8;
	[sflag:s0] =	ssyncpa.u1 $0x1  }
0x12c: {  	s28 =	simm.s32 $0x9;
	[sflag:s26] =	ssyncpa.u1 $0x1  }
0x12d: {  	[sflag:s28] =	ssyncpa.u1 $0x1  }
0x12e: {  	_ =	sfence.stream.spmem  }
0x12f: {  	s29 =	simm.s32 $0x3;
	[bflag:$0x0] =	sbarrier.arrive $0xFFFF  }
0x130: {  	s30 =	simm.s32 $0x4;
	[sflag:s29] =	ssyncpa.u1 $0x1  }
0x131: {  	s31 =	simm.s32 $0x3C;
	s2 =	stileid.u32;
	[sflag:s30] =	ssyncpa.u1 $0x1  }
0x132: {  	p0 =	sne.s32 s2, $0x0;
	[sflag:s31] =	ssyncpa.u1 $0x1  }
0x133: {  	s0 =	simm.s32 @p0 $0x1;
	_ =	sfence @p0  }
0x134: {  	[sflag:s0] =	ssyncpa.u1 @p0 $0x1;
	s0 =	simm.s32 @p0 $0x2  }
0x135: {  	[sflag:s0] =	ssyncpa.u1 @p0 $0x1  }
0x136: {  	_ =	strace @p0 $0x9000004A  }
0x137: {  	[bflag:$0x2] =	sbarrier.arrive @p0 $0xFFFF  }
0x138: {  	_ =	shalt @p0  }
.LBB3_11:
0x139: {  	_ =	sfence.stream.spmem;
	s0 =	simm.s32 $0x5  }
0x13a: {  	s2 =	simm.s32 $0x80;
	s3 =	simm.s32 $0xC0;
	[sflag:s0] =	ssyncpa.u1 $0x0  }
0x13b: {  	[tilespmem:s3], [sflag:$0x5] =	stream.linear.gather [spmem:s2], $0x20, $0x38;
	[tilespmem:$0x11A60] =	vst v63  }
0x13c: {  	s2 =	simm.s32 $0x0;
	s3 =	simm.s32 $0xE0  }
0x13d: {  	[tilespmem:s3], [sflag:$0x5] =	stream.linear.gather [spmem:s2], $0x20, $0x38;
	[tilespmem:$0x11A60] =	vst v63  }
.Ltmp15:
0x13e: {  	_ = 	snop;
	(pc) =	sbr.rel .LBB3_12-.Ltmp15, $4  }
0x13f: {  	_ =	swait.ge [sflag:s0], $0x40  }
0x140: {  	[sflag:s0] =	ssyncset.done $0x0  }
0x141: {  	s31 =	simm.s32 $0x6;
	[sflag:s0] =	ssyncadd.s32 $0xFFFFFFC0  }
0x142: {  	s4 =	simm.s32 $0x0;
	[sflag:s31] =	ssyncpa.u1 $0x0  }
.LBB3_17:
0x143: {  	p0 =	sgt.u32 s5, $0xC3FF  }
0x144: {  	s0 =	sshrl.u32 @!p0 s5, $0x3  }
0x145: {  	s5 =	sand.u32 @!p0 $0x7, s5;
	s6 =	simm.s32 @!p0 $0xB0;
	s0 =	sadd.s32 @!p0 s1, s0  }
0x146: {  	[tilespmem:s6], [sflag:$0x6] =	stream.linear.gather @!p0 [hbm4b:s0+s5], $0x1, $0x38;
	[tilespmem:$0x11A60] =	vst v63  }
0x147: {  	s0 =	simm.s32 @!p0 $0x6  }
0x148: {  	_ =	swait.ge @!p0 [sflag:s0], $0x1  }
0x149: {  	[sflag:s0] =	ssyncset.done @!p0 $0x0  }
0x14a: {  	[sflag:s0] =	ssyncadd.s32 @!p0 $0xFFFFFFFF  }
0x14b: {  	v2 =	vmov @!p0 s4;
	v1 =	vld.msk @!p0 [tilespmem:$0xB0], $0x1;
	_ =	sdelay $0x3  }
0x14c: {  	s0 =	simm.s32 @!p0 $0xE0  }
0x14d: {  	[tilespmem:v2+s0+$0x0], v1 =	vst.idx.ret.add.f32.msk @!p0 $0x1, v1  }
0x14e: {  	[tilespmem:s2+$0xC0] =	vst.msk $0x1, v0  }
0x14f: {  	v0 =	vld.msk [tilespmem:s4+$0xE0], $0x1;
	_ =	sdelay $0x4  }
0x150: {  	[tilespmem:s2+$0xE0] =	vst.msk $0x1, v0;
	s2 =	sadd.s32 $0x1, s2  }
.LBB3_19:
0x151: {  	s4 =	sadd.s32 $0x1, s4  }
0x152: {  	p0 =	sne.s32 s4, $0x20  }
.Ltmp16:
0x153: {  	_ = 	snop;
	(pc) =	sbr.rel @!p0 .LBB3_20-.Ltmp16, $1  }
0x154: {  	_ =	sdelay $0x3  }
.LBB3_12:
0x155: {  	v0 =	vld.msk [tilespmem:s4+$0xC0], $0x1;
	_ =	sdelay $0x4  }
0x156: {  	(v2sf) =	vpush v0, $0x0;
	_ =	sdelay $0xe  }
0x157: {  	s5 =	spop (v2sf)  }
0x158: {  	p0 =	seq.s32 s5, $0xFFFFFFFF  }
.Ltmp17:
0x159: {  	_ = 	snop;
	(pc) =	sbr.rel @p0 .LBB3_19-.Ltmp17, $1  }
0x15a: {  	_ =	sdelay $0x3  }
0x15b: {  	p0 =	slt.s32 s2, $0x1  }
.Ltmp18:
0x15c: {  	_ = 	snop;
	(pc) =	sbr.rel @p0 .LBB3_17-.Ltmp18, $1  }
0x15d: {  	_ =	sdelay $0x3  }
0x15e: {  	s0 =	simm.s32 $0xC0;
	p0 =	por $0x0, $0x0  }
0x15f: {  	v1 =	vld.msk @!p0 [tilespmem:s0+$0x0], $0x1;
	_ =	sdelay $0x4  }
0x160: {  	(v2sf) =	vpush @!p0 v1, $0x0;
	_ =	sdelay $0xd  }
0x161: {  	p2 =	sne.s32 s2, $0x1  }
.Ltmp19:
0x162: {  	s6 =	spop @!p0 (v2sf);
	(pc) =	sbr.rel @!p2 .LBB3_16-.Ltmp19, $4  }
0x163: {  	p1 =	seq.s32 @!p0 s5, s6  }
0x164: {  	s6 =	simm.s32 $0x0;
	p1 =	por !p1, p0  }
0x165: {  	s8 =	simm.s32 $0xFFFFFFFF;
	s6 =	simm.s32 @p1 $0xFFFFFFFF  }
0x166: {  	s7 =	simm.s32 $0x1;
	s6 =	smov.u32 @p0 s8  }
.LBB3_15:
0x167: {  	s8 =	smov.u32 s6;
	p0 =	sne.s32 s6, $0xFFFFFFFF  }
0x168: {  	s0 =	sadd.s32 $0x1, s0;
	s6 =	smov.u32 s7;
	s7 =	sadd.s32 $0x1, s7  }
0x169: {  	p1 =	sne.s32 s2, s7;
	v1 =	vld.msk @!p0 [tilespmem:s0+$0x0], $0x1;
	_ =	sdelay $0x4  }
0x16a: {  	(v2sf) =	vpush @!p0 v1, $0x0;
	_ =	sdelay $0xe  }
.Ltmp20:
0x16b: {  	s9 =	spop @!p0 (v2sf);
	(pc) =	sbr.rel @p1 .LBB3_15-.Ltmp20, $4  }
0x16c: {  	p2 =	seq.s32 @!p0 s5, s9  }
0x16d: {  	p2 =	por !p2, p0  }
0x16e: {  	s6 =	simm.s32 @p2 $0xFFFFFFFF  }
0x16f: {  	s6 =	smov.u32 @p0 s8  }
.LBB3_16:
0x170: {  	p0 =	sne.s32 s6, $0xFFFFFFFF  }
.Ltmp21:
0x171: {  	_ = 	snop;
	(pc) =	sbr.rel @!p0 .LBB3_17-.Ltmp21, $1  }
0x172: {  	_ =	sdelay $0x3  }
0x173: {  	v0 =	vld.msk [tilespmem:s4+$0xE0], $0x1;
	v1 =	vmov s6  }
.Ltmp22:
0x174: {  	_ = 	snop;
	(pc) =	sbr.rel .LBB3_19-.Ltmp22, $2  }
0x175: {  	_ =	sdelay $0x2  }
0x176: {  	[tilespmem:v1+s3+$0x0], v0 =	vst.idx.ret.add.f32.msk $0x1, v0  }
.LBB3_20:
0x177: {  	p0 =	slt.s32 s2, $0x1  }
.Ltmp23:
0x178: {  	_ = 	snop;
	(pc) =	sbr.rel @p0 .LBB3_24-.Ltmp23, $3  }
0x179: {  	_ =	sdelay $0x1  }
0x17a: {  	s0 =	simm.s32 $0x6  }
0x17b: {  	s3 =	simm.s32 $0x0;
	[sflag:s0] =	ssyncpa.u1 $0x1  }
0x17c: {  	s0 =	simm.s32 $0xC0  }
0x17d: {  	v0 =	vld.msk [tilespmem:s0+$0x0], $0x1;
	_ =	sdelay $0x4  }
0x17e: {  	(v2sf) =	vpush v0, $0x0;
	_ =	sdelay $0xe  }
0x17f: {  	s2 =	sadd.s32 $0xFFFFFFFF, s2;
	s4 =	spop (v2sf)  }
0x180: {  	p1 =	sne.s32 s2, $0x0;
	p0 =	sgt.u32 s4, $0xC3FF  }
.Ltmp24:
0x181: {  	s5 =	sshrl.u32 @!p0 s4, $0x3;
	(pc) =	sbr.rel @!p1 .LBB3_23-.Ltmp24, $4  }
0x182: {  	s0 =	simm.s32 $0xE0;
	s4 =	sand.u32 @!p0 $0x7, s4;
	s5 =	sadd.s32 @!p0 s1, s5  }
0x183: {  	[hbm4b:s5+s4] =	stream.linear.scatter @!p0 [tilespmem:s0], [sflag:$0x5], $0x1, $0x38;
	[tilespmem:$0x11A60] =	vst v63  }
0x184: {  	s5 =	simm.s32 $0x0  }
0x185: {  	s4 =	simm.s32 $0xC1;
	s5 =	simm.s32 @!p0 $0x4  }
.LBB3_22:
0x186: {  	v0 =	vld.msk [tilespmem:s4+$0x0], $0x1;
	s2 =	sadd.s32 $0xFFFFFFFF, s2;
	s3 =	sadd.s32 s3, s5  }
0x187: {  	p0 =	sne.s32 s2, $0x0;
	_ =	sdelay $0x3  }
0x188: {  	(v2sf) =	vpush v0, $0x0;
	_ =	sdelay $0xe  }
.Ltmp25:
0x189: {  	s6 =	spop (v2sf);
	(pc) =	sbr.rel @p0 .LBB3_22-.Ltmp25, $4  }
0x18a: {  	s5 =	simm.s32 $0x0;
	p1 =	sgt.u32 s6, $0xC3FF  }
0x18b: {  	s0 =	sadd.s32 $0x1, s0;
	s5 =	simm.s32 @!p1 $0x4;
	s7 =	sshrl.u32 @!p1 s6, $0x3  }
0x18c: {  	s4 =	sadd.s32 $0x1, s4;
	s6 =	sand.u32 @!p1 $0x7, s6;
	s7 =	sadd.s32 @!p1 s1, s7  }
0x18d: {  	[hbm4b:s7+s6] =	stream.linear.scatter @!p1 [tilespmem:s0], [sflag:$0x5], $0x1, $0x38;
	[tilespmem:$0x11A60] =	vst v63  }
.LBB3_23:
0x18e: {  	s0 =	sadd.s32 s3, s5  }
0x18f: {  	s3 =	sshrl.u32 s0, $0x2  }
.LBB3_24:
0x190: {  	s0 =	simm.s32 $0x5  }
0x191: {  	_ =	swait.ge [sflag:s0], s3  }
0x192: {  	s1 =	ssub.s32 $0x0, s3;
	[sflag:s0] =	ssyncset.done $0x0  }
0x193: {  	[sflag:s0] =	ssyncadd.s32 s1  }
0x194: {  	[sflag:s0] =	ssyncpa.u1 $0x1  }
0x195: {  	s29 =	simm.s32 $0x1;
	_ =	sfence  }
0x196: {  	s30 =	simm.s32 $0x2;
	[sflag:s29] =	ssyncpa.u1 $0x1  }
0x197: {  	[sflag:s30] =	ssyncpa.u1 $0x1  }
0x198: {  	_ =	strace $0x9000004A  }
0x199: {  	[bflag:$0x2] =	sbarrier.arrive $0xFFFF  }
0x19a: {  	s31 =	rddreg [dreg:$0x1]  }
0x19b: {  	s0 =	sadd.s32 $0x100000, s31  }
0x19c: {  	[sflag:s0] =	ssyncadd.tile.s32 $0x1;
	_ =	shalt  }
.Lfunc_end3:
_tile_overlayer_lowered:
.L_overlay_start_3:
0x19d: {  	(tag) =	ssettag $0x3  }
0x19e: {  	s0 =	rddreg [dreg:$0x0];
	s2 =	stileid.u32  }
0x19f: {  	s1 =	rddreg [dreg:$0x1];
	p0 =	sne.s32 s2, $0x0  }
0x1a0: {  	s3 =	rddreg [dreg:$0x2];
	[bflag:$0x3] =	sbarrier.arrive $0xFFFF;
	s2 =	simm.s32 @!p0 $0x1C01  }
0x1a1: {  	[timem:s3], [sflag:s2] =	dma.local @!p0 [hbm:s0], s1  }
0x1a2: {  	s0 =	simm.s32 @!p0 $0x1  }
0x1a3: {  	_ =	swait.ge @!p0 [sflag:s0], s1  }
0x1a4: {  	s1 =	ssub.s32 @!p0 $0x0, s1;
	[sflag:s0] =	ssyncset.done @!p0 $0x0  }
0x1a5: {  	[sflag:s0] =	ssyncadd.s32 @!p0 s1  }
0x1a6: {  	[bflag:$0x3] =	sbarrier.arrive $0xFFFF  }
0x1a7: {  	_ =	shalt  }

// kernel: scatter_offload_async_start.2
scs
__scs_entry_jumppad:
0x0: {  	(pc) =	sbr.rel $0x88, $3  }
0x1: {  	(tag) =	ssettag $0x0;
	lr =	simm.s32 $0x1  }
0x2: {  	[smem:$0x3F80] =	sst lr;
	_ =	strace $0xD0000000  }
0x3: {  	_ = 	snop  }
0x4: {  	_ = 	snop  }
0x5: {  	_ = 	snop  }
0x6: {  	_ = 	snop  }
0x7: {  	_ = 	snop  }
__scs_overlays_trampoline_lowered:
0x8: {  	[smem:$0x3F8F] =	sst s0  }
0x9: {  	[smem:$0x3F90] =	sst s1  }
0xa: {  	[smem:$0x3F91] =	sst s2  }
0xb: {  	[smem:$0x3F92] =	sst s3  }
0xc: {  	[smem:$0x3F93] =	sst s4  }
0xd: {  	[smem:$0x3F94] =	sst s5  }
0xe: {  	[smem:$0x3F95] =	sst s6  }
0xf: {  	[smem:$0x3F96] =	sst s7  }
0x10: {  	[smem:$0x3F97] =	sst s8  }
0x11: {  	[smem:$0x3F98] =	sst s9;
	s0 =	simm.s32 @!p0 $0x0  }
0x12: {  	s1 =	sld [smem:$0x3F7E];
	s0 =	simm.s32 @p0 $0x1  }
0x13: {  	[smem:$0x3F99] =	sst s0;
	s0 =	simm.s32 @!p1 $0x0  }
0x14: {  	s2 =	sld [smem:$0x3F7D];
	s0 =	simm.s32 @p1 $0x1  }
0x15: {  	[smem:$0x3F9A] =	sst s0;
	s0 =	simm.s32 @!p2 $0x0  }
0x16: {  	s3 =	sld [smem:$0x3FDB];
	s0 =	simm.s32 @p2 $0x1  }
0x17: {  	s4 =	simm.s32 $0x1BF5;
	[smem:$0x3F9C] =	sst s0  }
0x18: {  	s0 =	sld [smem:$0x3F7F];
	_ =	swait.ge [sflag:s4], $0x0  }
0x19: {  	s7 =	sld [smem:$0x3F80]  }
0x1a: {  	s8 =	sadd.s32 $0xFFFFE003, lr  }
0x1b: {  	s9 =	sadd.s32 $0xFFFFFEF7, lr;
	s5 =	simm.s32 $0xFFFFFFFF;
	p2 =	slt.u32 s8, $0xFFFFF086  }
0x1c: {  	p1 =	slt.u32 s9, $0xF7A;
	s5 =	simm.s32 @!p2 $0x0  }
0x1d: {  	s5 =	simm.s32 @p1 $0x1;
	p0 =	seq.s32 s7, s2  }
0x1e: {  	s7 =	smul.u32 @!p0 $0xF7A, s2;
	p2 =	seq.s32 @!p0 s5, $0x0  }
0x1f: {  	s9 =	smul.u32 $0xF7A, s1;
	s8 =	simm.s32 @!p0 $0x1BF5;
	p2 =	por !p2, p0  }
0x20: {  	[sflag:s8] =	ssyncset.s32 @!p0 $0xFFFFF086;
	s6 =	sadd.s32 @!p0 s3, s7;
	s7 =	simm.s32 @!p0 $0x108  }
0x21: {  	s3 =	sadd.s32 s3, s9;
	s6 =	sadd.s32 @!p0 $0x88, s6;
	s7 =	simm.s32 @p2 $0x1082  }
0x22: {  	[simem:s7], [sflag:s8] =	dma.local @!p0 [hbm:s6], $0xF7A  }
0x23: {  	s9 =	sor.u32 $0xD0000000, s2;
	s6 =	simm.s32 $0x108;
	_ =	swait.ge @!p0 [sflag:s8], $0x0  }
0x24: {  	s3 =	sadd.s32 $0x88, s3;
	s6 =	simm.s32 @!p1 $0x1082;
	[sflag:s4] =	ssyncset.s32 $0xFFFFF086  }
0x25: {  	[simem:s6], [sflag:s4] =	dma.local [hbm:s3], $0xF7A  }
0x26: {  	[smem:$0x3F80] =	sst s1;
	(tag) =	ssettag s2;
	_ =	strace s9  }
0x27: {  	s1 =	sld [smem:$0x3F90]  }
0x28: {  	s2 =	sld [smem:$0x3F91]  }
0x29: {  	s4 =	sld [smem:$0x3F93]  }
0x2a: {  	p0 =	seq.s32 s5, $0x0;
	s5 =	sld [smem:$0x3F94]  }
0x2b: {  	s6 =	sld [smem:$0x3F95]  }
0x2c: {  	s7 =	sld [smem:$0x3F96]  }
0x2d: {  	s3 =	simm.s32 $0x108;
	s8 =	sld [smem:$0x3F97]  }
0x2e: {  	s3 =	simm.s32 @!p0 $0x1082;
	s9 =	sld [smem:$0x3F98]  }
0x2f: {  	lr =	sadd.s32 s0, s3;
	s0 =	sld [smem:$0x3F8F]  }
0x30: {  	s3 =	sld [smem:$0x3F92]  }
0x31: {  	[smem:$0x3F9B] =	sst s10  }
0x32: {  	s10 =	sld [smem:$0x3F99];
	_ =	sdelay $0x3  }
0x33: {  	p0 =	seq.s32 s10, $0x1;
	s10 =	sld [smem:$0x3F9B];
	_ =	sdelay $0x3  }
0x34: {  	[smem:$0x3F9B] =	sst s10  }
0x35: {  	s10 =	sld [smem:$0x3F9A];
	_ =	sdelay $0x3  }
0x36: {  	p1 =	seq.s32 s10, $0x1;
	s10 =	sld [smem:$0x3F9B];
	_ =	sdelay $0x3  }
0x37: {  	[smem:$0x3F9B] =	sst s10  }
0x38: {  	s10 =	sld [smem:$0x3F9C]  }
0x39: {  	_ = 	snop;
	(pc) =	sbr.ind lr, $3  }
0x3a: {  	_ = 	snop  }
0x3b: {  	_ = 	snop  }
0x3c: {  	p2 =	seq.s32 s10, $0x1;
	s10 =	sld [smem:$0x3F9B]  }
0x3d: {  	_ =	shalt  }
0x3e: {  	_ =	shalt  }
0x3f: {  	_ =	shalt  }
0x40: {  	_ =	shalt  }
0x41: {  	_ =	shalt  }
0x42: {  	_ =	shalt  }
0x43: {  	_ =	shalt  }
0x44: {  	_ =	shalt  }
0x45: {  	_ =	shalt  }
0x46: {  	_ =	shalt  }
0x47: {  	_ =	shalt  }
0x48: {  	_ =	shalt  }
0x49: {  	_ =	shalt  }
0x4a: {  	_ =	shalt  }
0x4b: {  	_ =	shalt  }
0x4c: {  	_ =	shalt  }
0x4d: {  	_ =	shalt  }
0x4e: {  	_ =	shalt  }
0x4f: {  	_ =	shalt  }
0x50: {  	_ =	shalt  }
0x51: {  	_ =	shalt  }
0x52: {  	_ =	shalt  }
0x53: {  	_ =	shalt  }
0x54: {  	_ =	shalt  }
0x55: {  	_ =	shalt  }
0x56: {  	_ =	shalt  }
0x57: {  	_ =	shalt  }
0x58: {  	_ =	shalt  }
0x59: {  	_ =	shalt  }
0x5a: {  	_ =	shalt  }
0x5b: {  	_ =	shalt  }
0x5c: {  	_ =	shalt  }
0x5d: {  	_ =	shalt  }
0x5e: {  	_ =	shalt  }
0x5f: {  	_ =	shalt  }
0x60: {  	_ =	shalt  }
0x61: {  	_ =	shalt  }
0x62: {  	_ =	shalt  }
0x63: {  	_ =	shalt  }
0x64: {  	_ =	shalt  }
0x65: {  	_ =	shalt  }
0x66: {  	_ =	shalt  }
0x67: {  	_ =	shalt  }
0x68: {  	_ =	shalt  }
0x69: {  	_ =	shalt  }
0x6a: {  	_ =	shalt  }
0x6b: {  	_ =	shalt  }
0x6c: {  	_ =	shalt  }
0x6d: {  	_ =	shalt  }
0x6e: {  	_ =	shalt  }
0x6f: {  	_ =	shalt  }
0x70: {  	_ =	shalt  }
0x71: {  	_ =	shalt  }
0x72: {  	_ =	shalt  }
0x73: {  	_ =	shalt  }
0x74: {  	_ =	shalt  }
0x75: {  	_ =	shalt  }
0x76: {  	_ =	shalt  }
0x77: {  	_ =	shalt  }
0x78: {  	_ =	shalt  }
0x79: {  	_ =	shalt  }
0x7a: {  	_ =	shalt  }
0x7b: {  	_ =	shalt  }
0x7c: {  	_ =	shalt  }
0x7d: {  	_ =	shalt  }
0x7e: {  	_ =	shalt  }
0x7f: {  	_ =	shalt  }
0x80: {  	_ =	shalt  }
0x81: {  	_ =	shalt  }
0x82: {  	_ =	shalt  }
0x83: {  	_ =	shalt  }
0x84: {  	_ =	shalt  }
0x85: {  	_ =	shalt  }
0x86: {  	_ =	shalt  }
0x87: {  	_ =	shalt  }
.Lfunc_end0:
.L_simem_size_0:
called_computation.2_lowered:
.L_overlay_start_0:
0x88: {  	s2 =	sld [smem:$0x3FD9]  }
0x89: {  	s3 =	sld [smem:$0x3FFE];
	_ =	sdelay $0x1  }
0x8a: {  	s1 =	srdreg.scid  }
0x8b: {  	s0 =	sand.u32 $0x1, s1  }
0x8c: {  	s12 =	sshll.u32 s0, $0xA;
	s2 =	sadd.s32 s3, s2  }
0x8d: {  	s2 =	sadd.s32 s2, s12  }
0x8e: {  	[smem:$0x3FA7] =	sst s2  }
0x8f: {  	_ = 	snop  }
0x90: {  	(tm) =	ssettm $0x1  }
0x91: {  	s13 =	sld [smem:$0x3FFB];
	_ =	sdelay $0x3  }
0x92: {  	_ =	strace s13  }
0x93: {  	s2 =	sld [smem:$0x3FFC];
	_ =	sdelay $0x3  }
0x94: {  	_ =	strace s2  }
0x95: {  	s2 =	sld [smem:$0x3FFD];
	_ =	sdelay $0x3  }
0x96: {  	_ =	strace s2  }
0x97: {  	_ =	strace $0x8FFFFFFF  }
0x98: {  	s14 =	sld [smem:$0x3FDB];
	_ =	sdelay $0x1  }
0x99: {  	s15 =	simm.s32 $_scs_section_size  }
0x9a: {  	s4 =	simm.s32 $_size__tile_overlayer_lowered;
	s5 =	simm.s32 $_tile_overlayer_lowered  }
0x9b: {  	s19 =	simm.s32 $0x1BFF;
	s17 =	sshll.u32 s5, $0x1;
	s6 =	sadd.s32 s15, s14  }
0x9c: {  	s20 =	simm.s32 $0x0;
	s16 =	sshll.u32 s4, $0x1;
	s18 =	sadd.s32 s17, s6  }
0x9d: {  	[timem:s20], [sflag:s19] =	dma.local [hbm:s18], s16  }
0x9e: {  	_ =	swait.ge [sflag:s19], s16  }
0x9f: {  	s3 =	ssub.s32 $0x0, s16;
	[sflag:s19] =	ssyncset.done $0x0  }
0xa0: {  	[sflag:s19] =	ssyncadd.s32 s3;
	_ =	sdelay $0x1  }
0xa1: {  	s21 =	simm.s32 $0x1B8B  }
0xa2: {  	_ =	swait.ge [sflag:s21], $0x1  }
0xa3: {  	[sflag:s21] =	ssyncset.done $0x0  }
0xa4: {  	[sflag:s21] =	ssyncadd.s32 $0xFFFFFFFF  }
0xa5: {  	s3 =	sld [smem:$0x0]  }
0xa6: {  	s4 =	sand.u32 $0xFFFFFFFE, s1  }
0xa7: {  	p0 =	sne.s32 s1, s4  }
0xa8: {  	s4 =	sshll.u32 @p0 s4, $0xE  }
0xa9: {  	s5 =	sadd.s32 @p0 $0x11B8D, s4;
	s7 =	sshll.u32 @p0 s3, $0x11  }
0xaa: {  	s5 =	sor.u32 @p0 s7, s5  }
0xab: {  	[sflag:s5] =	ssyncadd.remote.s32 @p0 $0x1;
	_ =	sdelay $0x1  }
0xac: {  	s5 =	simm.s32 @p0 $0x1B8D  }
0xad: {  	_ =	swait.eq @p0 [sflag:s5], $0x1  }
0xae: {  	[sflag:s5] =	ssyncadd.s32 @p0 $0xFFFFFFFF  }
0xaf: {  	s7 =	sshll.u32 @!p0 s1, $0xE  }
0xb0: {  	s7 =	sor.u32 @!p0 $0x4000, s7;
	s5 =	simm.s32 @!p0 $0x1B8D  }
0xb1: {  	s9 =	sshll.u32 @!p0 s3, $0x11;
	s8 =	sadd.s32 @!p0 $0x11B8D, s7;
	_ =	swait.eq @!p0 [sflag:s5], $0x1  }
0xb2: {  	[sflag:s5] =	ssyncadd.s32 @!p0 $0xFFFFFFFF;
	s5 =	sor.u32 @!p0 s9, s8  }
0xb3: {  	s23 =	simm.s32 $0x1B8E;
	s22 =	sld [smem:$0x3FFE];
	[sflag:s5] =	ssyncadd.remote.s32 @!p0 $0x1  }
0xb4: {  	s24 =	simm.s32 $execute0_lowered;
	[smem:$0x3FD2] =	sst s23  }
0xb5: {  	s8 =	sshll.u32 s24, $0x1;
	_ =	strace $0x80000058;
	[dreg:$0x1] =	wrdreg $0xFFFFFFFF  }
0xb6: {  	s25 =	simm.s32 $_size_execute0_lowered;
	s8 =	sadd.s32 s6, s8;
	[dreg:$0x0] =	wrdreg $0x0  }
0xb7: {  	s9 =	sshll.u32 s25, $0x1;
	[dreg:$0x2] =	wrdreg s8  }
0xb8: {  	[dreg:$0x3] =	wrdreg s9  }
0xb9: {  	[dreg:$0x4] =	wrdreg $0xC0  }
0xba: {  	s26 =	simm.s32 $execute1_lowered;
	_ =	task [dreg:s20], $0x5FFFF  }
0xbb: {  	s8 =	sshll.u32 s26, $0x1;
	[dreg:$0x1] =	wrdreg $0xFFFFFFFF  }
0xbc: {  	s6 =	sadd.s32 s6, s8;
	[dreg:$0x0] =	wrdreg $0x60  }
0xbd: {  	[dreg:$0x2] =	wrdreg s6  }
0xbe: {  	[dreg:$0x3] =	wrdreg s22  }
0xbf: {  	[dreg:$0x4] =	wrdreg $0x9  }
0xc0: {  	_ =	task.clear_ibuf [dreg:s20], $0x5FFFF;
	_ =	strace $0x90000058  }
0xc1: {  	s28 =	simm.s32 $0x9;
	_ =	strace $0x8000005A  }
0xc2: {  	_ =	swait.ge [sflag:s28], $0x1  }
0xc3: {  	[sflag:s28] =	ssyncadd.s32 $0xFFFFFFFF  }
0xc4: {  	_ =	strace $0x9000005A  }
0xc5: {  	s6 =	sld [smem:$0x0];
	_ =	sdelay $0x3  }
0xc6: {  	s4 =	sadd.s32 @p0 $0x11BF3, s4;
	s8 =	sshll.u32 @p0 s6, $0x11  }
0xc7: {  	s4 =	sor.u32 @p0 s8, s4  }
0xc8: {  	[sflag:s4] =	ssyncadd.remote.s32 @p0 $0x1;
	_ =	sdelay $0x1  }
0xc9: {  	s4 =	simm.s32 @p0 $0x1BF3  }
0xca: {  	_ =	swait.eq @p0 [sflag:s4], $0x1  }
0xcb: {  	[sflag:s4] =	ssyncadd.s32 @p0 $0xFFFFFFFF;
	_ =	sdelay $0x1  }
0xcc: {  	s4 =	simm.s32 @!p0 $0x1BF3  }
0xcd: {  	s7 =	sadd.s32 @!p0 $0x11BF3, s7;
	s6 =	sshll.u32 @!p0 s6, $0x11;
	_ =	swait.eq @!p0 [sflag:s4], $0x1  }
0xce: {  	[sflag:s4] =	ssyncadd.s32 @!p0 $0xFFFFFFFF;
	s4 =	sor.u32 @!p0 s6, s7  }
0xcf: {  	[sflag:s4] =	ssyncadd.remote.s32 @!p0 $0x1  }
0xd0: {  	_ =	strace $0x8000005B;
	[dreg:$0x1] =	wrdreg $0xFFFFFFFF  }
0xd1: {  	[dreg:$0x0] =	wrdreg $0x2030  }
0xd2: {  	[dreg:$0x2] =	wrdreg s22  }
0xd3: {  	[dreg:$0x3] =	wrdreg s1  }
0xd4: {  	[dreg:$0x4] =	wrdreg s3  }
0xd5: {  	[dreg:$0x5] =	wrdreg $0xA  }
0xd6: {  	_ =	task.clear_ibuf [dreg:s20], $0x6FFFF;
	_ =	strace $0x9000005B  }
0xd7: {  	s29 =	simm.s32 $0xA;
	_ =	strace $0x8000005D  }
0xd8: {  	_ =	swait.ge [sflag:s29], $0x1  }
0xd9: {  	[sflag:s29] =	ssyncadd.s32 $0xFFFFFFFF  }
0xda: {  	_ =	strace $0x9000005D  }
0xdb: {  	_ =	sfence  }
0xdc: {  	s30 =	sld [smem:$0x0];
	_ =	sdelay $0x2  }
0xdd: {  	s31 =	sshll.u32 s1, $0xD;
	s1 =	sshrl.u32 s1, $0x2  }
0xde: {  	s4 =	sand.u32 $0x4000, s31;
	s1 =	sadd.s32 s1, s30  }
0xdf: {  	s0 =	sor.u32 s4, s0;
	s1 =	sshll.u32 s1, $0x11  }
0xe0: {  	s0 =	sor.u32 s1, s0  }
0xe1: {  	s0 =	sadd.s32 $0x8F2B, s0  }
0xe2: {  	[sflag:s0] =	ssyncadd.remote.s32 $0x1  }
0xe3: {  	_ =	sfence.sel $0xFFFF  }
0xe4: {  	[dreg:$0x0] =	wrdreg $0xFFFFFFFF;
	(pc) =	sbr.abs _section_cstart, $3  }
0xe5: {  	[dreg:$0x1] =	wrdreg $0xFFFFFFFF  }
0xe6: {  	_ =	task.clear_ibuf [dreg:s20], $0x2FFFF;
	_ =	strace $0x9FFFFFFF  }
0xe7: {  	(tm) =	ssettm $0x7FFFFFFF  }
tec
execute0_lowered:
.L_overlay_start_1:
0x0: {  	(tag) =	ssettag $0x1  }
0x1: {  	s2 =	rddreg [dreg:$0x0]  }
0x2: {  	s5 =	rddreg [dreg:$0x1]  }
0x3: {  	s0 =	rddreg [dreg:$0x2];
	s3 =	stileid.u32;
	[bflag:$0x3] =	sbarrier.arrive $0xFFFF  }
0x4: {  	s1 =	simm.s32 $_size_execute1_lowered;
	s29 =	srdreg.scid;
	s31 =	simm.s32 $0x2  }
0x5: {  	s13 =	simm.s32 $0x0;
	s8 =	simm.s32 $0x40;
	p0 =	sne.s32 s3, $0x0  }
0x6: {  	s1 =	sshll.u32 s1, $0x1;
	s4 =	simm.s32 @!p0 $0x1C3F;
	s6 =	simm.s32 @!p0 $0x4060  }
0x7: {  	[timem:s6], [sflag:s4] =	dma.local @!p0 [hbm:s2], s1  }
0x8: {  	s9 =	simm.s32 $0x80;
	s11 =	simm.s32 $0x0;
	s2 =	sshll.u32 s29, $0x8  }
.Ltmp0:
0x9: {  	s3 =	sshll.u32 s3, $0x9;
	s30 =	sand.u32 $0x100, s2;
	(pc) =	sbr.rel .LBB2_1-.Ltmp0, $4  }
0xa: {  	s12 =	simm.s32 $0x0;
	_ =	strace $0x80000059;
	s3 =	sor.u32 s3, s30  }
0xb: {  	s4 =	simm.s32 $0x1;
	s2 =	sadd.s32 $0xDC0600, s5;
	s7 =	ssub.s32 $0xC300, s3  }
0xc: {  	s5 =	sadd.s32 $0x7B400, s5;
	[sflag:s4] =	ssyncpa.u1 $0x0;
	s6 =	sshrl.u32 s7, $0xD  }
0xd: {  	[sflag:s31] =	ssyncpa.u1 $0x0;
	s10 =	smov.u32 s3;
	s7 =	sadd.s32 $0x2, s6  }
.LBB2_5:
0xe: {  	_ =	sdelay $0x3  }
0xf: {  	[tilespmem:v3+s18+$0x0 ss:$0x1] =	vst.idx.msk $0xffff, v1  }
0x10: {  	[tilespmem:v3+s17+$0x0 ss:$0x1] =	vst.idx.msk $0xffff, v2  }
0x11: {  	[tilespmem:v3+s16+$0x0 ss:$0x1] =	vst.idx.msk $0xffff, v4  }
0x12: {  	[tilespmem:v3+s19+$0x0 ss:$0x1] =	vst.idx.msk $0xffff, v5  }
.LBB2_6:
0x13: {  	s16 =	sand.u32 $0x1FFFFFF, s11  }
0x14: {  	s17 =	smulhi.u32 $0x14F8B59, s16;
	_ =	sdelay $0x1  }
0x15: {  	s17 =	sshrl.u32 s17, $0x8  }
0x16: {  	s17 =	smul.u32 $0xC350, s17;
	_ =	sdelay $0x1  }
0x17: {  	s16 =	ssub.s32 s16, s17  }
0x18: {  	s16 =	sshll.u32 s16, $0x4  }
0x19: {  	s16 =	sadd.s32 s5, s16  }
0x1a: {  	[hbm4b:s16+s8] =	stream.strided.scatter [tilespmem:s15], [sflag:$0x2], s14, s9, s8, $0x38;
	[tilespmem:$0x10000] =	vst v63  }
.LBB2_7:
0x1b: {  	p1 =	slt.u32 s12, $0x2  }
0x1c: {  	p2 =	sgt.s32 @!p1 s13, $0xC250  }
0x1d: {  	s14 =	smov.u32 s13;
	s15 =	sshra.s32 @!p1 s13, $0x1F;
	p2 =	por !p2, p1  }
0x1e: {  	s13 =	sand.u32 @!p1 s15, s13;
	s14 =	simm.s32 @p2 $0xC250  }
0x1f: {  	s13 =	ssub.s32 @!p1 s14, s13  }
0x20: {  	s13 =	sadd.s32 @!p1 $0xFFFF3DB0, s13  }
0x21: {  	s14 =	sshll.u32 @!p1 s13, $0x8  }
0x22: {  	p2 =	sgt.s32 @!p1 s13, $0xFF;
	s13 =	ssub.s32 @!p1 $0x10000, s14  }
0x23: {  	s15 =	sadd.s32 $0x2000, s10;
	p2 =	por !p2, p1;
	s13 =	sshrl.u32 @!p1 s13, $0x2  }
0x24: {  	s13 =	simm.s32 @!p2 $0x0;
	p2 =	sgt.s32 s15, $0xC34F  }
0x25: {  	s15 =	smov.u32 @p2 s3;
	p2 =	sne.s32 s12, s7  }
.Ltmp1:
0x26: {  	_ = 	snop;
	(pc) =	sbr.rel @!p2 .LBB2_8-.Ltmp1, $4  }
0x27: {  	s14 =	simm.s32 @!p1 $0x2  }
0x28: {  	_ =	swait.ge @!p1 [sflag:s14], s13;
	s16 =	ssub.s32 @!p1 $0x0, s13  }
0x29: {  	s13 =	smov.u32 s11;
	s12 =	sadd.s32 $0x1, s12;
	[sflag:s14] =	ssyncset.done @!p1 $0x0  }
0x2a: {  	s11 =	smov.u32 s10;
	s10 =	smov.u32 s15;
	[sflag:s14] =	ssyncadd.s32 @!p1 s16  }
.LBB2_1:
0x2b: {  	p1 =	sgt.u32 s12, s6  }
0x2c: {  	s15 =	smov.u32 s10;
	p2 =	sgt.s32 @!p1 s10, $0xC250  }
0x2d: {  	s14 =	sand.u32 @!p1 $0x1FFFFFF, s10;
	s16 =	sshra.s32 @!p1 s10, $0x1F;
	p2 =	por !p2, p1  }
0x2e: {  	s17 =	smulhi.u32 @!p1 $0x14F8B59, s14;
	s16 =	sand.u32 @!p1 s16, s10;
	s15 =	simm.s32 @p2 $0xC250  }
0x2f: {  	s15 =	ssub.s32 @!p1 s15, s16  }
0x30: {  	s16 =	sshrl.u32 @!p1 s17, $0x8;
	s15 =	sadd.s32 @!p1 $0xFFFF3DB0, s15  }
0x31: {  	s17 =	sxor.u32 @!p1 $0xFFFFFFFF, s12;
	s16 =	smul.u32 @!p1 $0xC350, s16;
	s18 =	sshll.u32 @!p1 s15, $0x8  }
0x32: {  	s17 =	sshll.u32 @!p1 s17, $0xE;
	p2 =	sgt.s32 @!p1 s15, $0xFF;
	s15 =	ssub.s32 @!p1 $0x10000, s18  }
0x33: {  	s14 =	ssub.s32 @!p1 s14, s16;
	p2 =	por !p2, p1;
	s16 =	sand.u32 @!p1 $0x4000, s17  }
0x34: {  	s17 =	simm.s32 @!p1 $0x40;
	s15 =	sshrl.u32 @!p1 s15, $0x2;
	s14 =	sshll.u32 @!p1 s14, $0x4  }
0x35: {  	s18 =	simm.s32 @!p1 $0x80;
	s15 =	simm.s32 @!p2 $0x0;
	s14 =	sadd.s32 @!p1 s2, s14  }
0x36: {  	[tilespmem:s16], [sflag:$0x1] =	stream.strided.gather @!p1 [hbm4b:s14+s17], s15, s18, s17, $0x38;
	[tilespmem:$0x10000] =	vst v63  }
0x37: {  	p1 =	seq.s32 s12, $0x0  }
0x38: {  	p2 =	sge.u32 @!p1 s12, s7  }
0x39: {  	p1 =	por p1, p2  }
.Ltmp2:
0x3a: {  	_ = 	snop;
	(pc) =	sbr.rel @p1 .LBB2_7-.Ltmp2, $1  }
0x3b: {  	_ =	sdelay $0x3  }
0x3c: {  	p1 =	sgt.s32 s11, $0xC250;
	s14 =	smov.u32 s11;
	s15 =	sshra.s32 s11, $0x1F  }
0x3d: {  	s14 =	simm.s32 @!p1 $0xC250;
	s15 =	sand.u32 s15, s11  }
0x3e: {  	s14 =	ssub.s32 s14, s15  }
0x3f: {  	s14 =	sadd.s32 $0xFFFF3DB0, s14  }
0x40: {  	s31 =	sshll.u32 s14, $0x8  }
0x41: {  	s15 =	ssub.s32 $0x10000, s31  }
0x42: {  	p1 =	sgt.s32 s14, $0xFF;
	s14 =	sshrl.u32 s15, $0x2;
	s15 =	sadd.s32 $0x100, s11  }
0x43: {  	s14 =	simm.s32 @p1 $0x0;
	p1 =	slt.s32 s15, $0xC350  }
0x44: {  	s15 =	simm.s32 @!p1 $0xC350  }
0x45: {  	s20 =	ssub.s32 s15, s11  }
0x46: {  	p1 =	slt.s32 s20, $0x1  }
.Ltmp3:
0x47: {  	_ = 	snop;
	(pc) =	sbr.rel @p1 .LBB2_6-.Ltmp3, $4  }
0x48: {  	_ = 	snop  }
0x49: {  	s16 =	sshll.u32 s12, $0xE;
	_ =	swait.ge [sflag:s4], s14  }
0x4a: {  	s16 =	sand.u32 $0x4000, s16;
	s17 =	ssub.s32 $0x0, s14;
	[sflag:s4] =	ssyncset.done $0x0  }
0x4b: {  	s15 =	sor.u32 $0x8000, s16;
	[sflag:s4] =	ssyncadd.s32 s17  }
0x4c: {  	v0 =	vmov s16;
	_ =	sdelay $0x2  }
0x4d: {  	s31 =	simm.s32 $0x0;
	p1 =	sne.s32 s20, $0x1  }
.Ltmp4:
0x4e: {  	s18 =	sand.u32 $0x3FC0, s31;
	(pc) =	sbr.rel @!p1 .LBB2_5-.Ltmp4, $4  }
0x4f: {  	s17 =	sor.u32 $0x30, s18;
	v1 =	vld.idx.msk [tilespmem:v0+s18+$0x0 ss:$0x1], $0xffff  }
0x50: {  	v3 =	vmov s15;
	s16 =	sor.u32 $0x10, s18;
	v2 =	vld.idx.msk [tilespmem:v0+s17+$0x0 ss:$0x1], $0xffff  }
0x51: {  	s19 =	sor.u32 $0x20, s18;
	v4 =	vld.idx.msk [tilespmem:v0+s16+$0x0 ss:$0x1], $0xffff  }
0x52: {  	s20 =	sadd.s32 $0xFFFFFFFF, s20;
	s21 =	simm.s32 $0x40;
	v5 =	vld.idx.msk [tilespmem:v0+s19+$0x0 ss:$0x1], $0xffff  }
.LBB2_4:
0x53: {  	s22 =	sand.u32 $0x3FC0, s21  }
0x54: {  	p1 =	sne.s32 s20, $0x1;
	s20 =	sadd.s32 $0xFFFFFFFF, s20;
	s23 =	sor.u32 $0x10, s22  }
.Ltmp5:
0x55: {  	s24 =	sor.u32 $0x20, s22;
	s25 =	sor.u32 $0x30, s22;
	[tilespmem:v3+s18+$0x0 ss:$0x1] =	vst.idx.msk $0xffff, v1;
	v1 =	vld.idx.msk [tilespmem:v0+s22+$0x0 ss:$0x1], $0xffff;
	(pc) =	sbr.rel @p1 .LBB2_4-.Ltmp5, $4  }
0x56: {  	s18 =	smov.u32 s22;
	[tilespmem:v3+s17+$0x0 ss:$0x1] =	vst.idx.msk $0xffff, v2;
	v2 =	vld.idx.msk [tilespmem:v0+s25+$0x0 ss:$0x1], $0xffff;
	s17 =	smov.u32 s25  }
0x57: {  	[tilespmem:v3+s16+$0x0 ss:$0x1] =	vst.idx.msk $0xffff, v4;
	v4 =	vld.idx.msk [tilespmem:v0+s23+$0x0 ss:$0x1], $0xffff;
	s16 =	smov.u32 s23  }
0x58: {  	[tilespmem:v3+s19+$0x0 ss:$0x1] =	vst.idx.msk $0xffff, v5;
	v5 =	vld.idx.msk [tilespmem:v0+s24+$0x0 ss:$0x1], $0xffff;
	s19 =	smov.u32 s24  }
0x59: {  	s21 =	sadd.s32 $0x40, s21  }
.Ltmp6:
0x5a: {  	_ = 	snop;
	(pc) =	sbr.rel .LBB2_5-.Ltmp6, $1  }
0x5b: {  	_ =	sdelay $0x3  }
.LBB2_8:
0x5c: {  	_ =	sfence.sel $0x180000  }
0x5d: {  	s2 =	simm.s32 $0x1;
	[bflag:$0x0] =	sbarrier.arrive $0xFFFF  }
0x5e: {  	s31 =	simm.s32 $0x2;
	[sflag:s2] =	ssyncpa.u1 $0x1  }
0x5f: {  	[sflag:s31] =	ssyncpa.u1 $0x1  }
0x60: {  	_ =	strace $0x90000059  }
0x61: {  	s0 =	sadd.s32 @!p0 $0x100000, s0;
	[bflag:$0x2] =	sbarrier.arrive $0xFFFF  }
0x62: {  	[sflag:s0] =	ssyncadd.tile.s32 @!p0 $0x1;
	s0 =	simm.s32 @!p0 $0x3F  }
0x63: {  	_ =	swait.ge @!p0 [sflag:s0], s1  }
0x64: {  	s1 =	ssub.s32 @!p0 $0x0, s1;
	[sflag:s0] =	ssyncset.done @!p0 $0x0  }
0x65: {  	[sflag:s0] =	ssyncadd.s32 @!p0 s1  }
0x66: {  	[bflag:$0x3] =	sbarrier.arrive $0xFFFF  }
0x67: {  	_ =	shalt  }
.Lfunc_end2:
execute1_lowered:
.L_overlay_start_2:
0x68: {  	(tag) =	ssettag $0x2  }
0x69: {  	s2 =	rddreg [dreg:$0x0]  }
0x6a: {  	s4 =	rddreg [dreg:$0x1];
	_ =	strace $0x8000005C;
	s0 =	simm.s32 $0x1  }
0x6b: {  	s3 =	simm.s32 $0x88;
	v0 =	vimm.s32 $0x0;
	[sflag:s0] =	ssyncpa.u1 $0x0  }
0x6c: {  	[tilespmem:s3+$0x30] =	vst v0  }
0x6d: {  	s1 =	sadd.s32 $0x7B400, s2;
	s0 =	sadd.s32 $0x31C00, s2;
	s6 =	sadd.s32 $0xF78200, s2;
	[tilespmem:s3+$0x20] =	vst v0  }
0x6e: {  	s2 =	sadd.s32 $0xDA7E00, s2;
	s7 =	sand.u32 $0x1, s4;
	s4 =	simm.s32 $0x40;
	[tilespmem:s3+$0x10] =	vst v0  }
.LBB3_1:
0x6f: {  	s4 =	sadd.s32 $0x40, s4  }
0x70: {  	[tilespmem:s3+$0x0] =	vst v0;
	s3 =	sadd.s32 $0x40, s3;
	p0 =	slt.u32 s4, $0x5040  }
.Ltmp7:
0x71: {  	(pc) =	sbr.rel @p0 .LBB3_1-.Ltmp7, $4  }
0x72: {  	_ = 	snop  }
0x73: {  	[tilespmem:s3+$0x30] =	vst v0  }
0x74: {  	[tilespmem:s3+$0x20] =	vst v0  }
0x75: {  	[tilespmem:s3+$0x10] =	vst v0  }
0x76: {  	s8 =	stileid.u32  }
0x77: {  	s4 =	smul.u32 $0x4E, s8  }
0x78: {  	s5 =	smin.u32 s8, $0x2  }
0x79: {  	s4 =	sadd.s32 s5, s4  }
0x7a: {  	p0 =	slt.u32 s8, $0x2;
	s12 =	smul.u32 $0x140, s4;
	s4 =	simm.s32 $0x62C0  }
0x7b: {  	s4 =	simm.s32 @!p0 $0x6180  }
0x7c: {  	s25 =	simm.s32 $0x2;
	s4 =	sadd.s32 s4, s12  }
0x7d: {  	s28 =	simm.s32 $0x9;
	s9 =	simm.s32 $0xA;
	s14 =	smin.u32 s4, $0x61A80  }
0x7e: {  	s30 =	simm.s32 $0xB;
	[dreg:$0x4] =	wrdreg s7;
	s4 =	ssub.s32 s14, s12  }
0x7f: {  	s31 =	smul.u32 $0xC350, s7;
	s13 =	simm.s32 $0x1;
	p0 =	sgt.s32 s4, $0x0  }
0x80: {  	s19 =	simm.s32 $0x0;
	s20 =	simm.s32 $0xA808;
	s4 =	simm.s32 @!p0 $0x0  }
0x81: {  	s21 =	simm.s32 $0xFFFFFFFF;
	p1 =	por $0x0, $0x0;
	s26 =	smulhi.u32 $0x66666667, s4  }
0x82: {  	[tilespmem:s3+$0x0] =	vst v0;
	s23 =	simm.s32 $0x0;
	[sflag:s25] =	ssyncpa.u1 $0x0;
	s18 =	sshll.u32 s8, $0x7  }
0x83: {  	s0 =	sadd.s32 s31, s0;
	[dreg:$0xa] =	wrdreg s18;
	s3 =	sshrl.u32 s26, $0x7  }
0x84: {  	v0 =	vimm.s32 $0xFFFFFFFF;
	s17 =	sadd.s32 s31, s2;
	[dreg:$0x9] =	wrdreg s0;
	s29 =	smul.u32 $0x140, s3  }
0x85: {  	s25 =	simm.s32 $0x0;
	[tilespmem:$0xA108] =	vst v0;
	[sflag:s28] =	ssyncpa.u1 $0x0;
	[dreg:$0x8] =	wrdreg s17  }
.Ltmp8:
0x86: {  	p0 =	sne.s32 s4, s29;
	s4 =	simm.s32 $0x1;
	(pc) =	sbr.rel .LBB3_3-.Ltmp8, $4  }
0x87: {  	[sflag:s9] =	ssyncpa.u1 $0x0;
	[dreg:$0x5] =	wrdreg s12;
	s4 =	simm.s32 @!p0 $0x0  }
0x88: {  	[sflag:s30] =	ssyncpa.u1 $0x0;
	[dreg:$0x6] =	wrdreg s14;
	s15 =	sadd.s32 s4, s3  }
0x89: {  	s24 =	smov.u32 s12;
	s22 =	sadd.s32 $0x1, s15;
	[dreg:$0x7] =	wrdreg s15  }
0x8a: {  	v0 =	vlaneseq.u32;
	s26 =	simm.s32 $0x0;
	p0 =	por $0x1, $0x1;
	[dreg:$0xb] =	wrdreg s22  }
.LBB3_22:
0x8b: {  	s0 =	sshrl.u32 s3, $0x2  }
.LBB3_24:
0x8c: {  	s3 =	simm.s32 $0xC  }
0x8d: {  	_ =	swait.ge [sflag:s3], s0  }
0x8e: {  	s31 =	ssub.s32 $0x0, s0;
	v1 =	vmov s4;
	vm0 =	veq.s32 v0, $0x0;
	[sflag:s3] =	ssyncset.done $0x0  }
0x8f: {  	vm15 =	veq.s32 v0, $0x2;
	v1 =	vsel vm0, s2, v1;
	[sflag:s3] =	ssyncadd.s32 s31  }
0x90: {  	v1 =	vsel vm15, s26, v1;
	[sflag:s3] =	ssyncpa.u1 $0x1  }
0x91: {  	[tilespmem:$0xA108] =	vst v1  }
.LBB3_25:
0x92: {  	s0 =	sadd.s32 $0x140, s24  }
0x93: {  	s2 =	smov.u32 s12;
	p2 =	slt.s32 s0, s14  }
0x94: {  	s2 =	smov.u32 @p2 s0;
	p2 =	sne.s32 s25, s22  }
.Ltmp9:
0x95: {  	_ = 	snop;
	(pc) =	sbr.rel @!p2 .LBB3_26-.Ltmp9, $4  }
0x96: {  	_ = 	snop  }
0x97: {  	s26 =	smov.u32 s23;
	s31 =	sadd.s32 $0x1, s25;
	p0 =	por !p0, !p0  }
0x98: {  	s23 =	smov.u32 s24;
	s20 =	sadd.s32 $0x140, s20;
	s21 =	sadd.s32 $0x1, s21  }
0x99: {  	p1 =	por !p1, !p1;
	s25 =	smov.u32 s31;
	s24 =	smov.u32 s2  }
.LBB3_3:
0x9a: {  	p2 =	sge.u32 s25, s15  }
0x9b: {  	s0 =	smulhi.u32 @!p2 $0xAAAAAAAB, s25  }
0x9c: {  	s2 =	smov.u32 s24;
	p3 =	sgt.s32 @!p2 s24, $0x61940  }
0x9d: {  	s3 =	sshra.s32 @!p2 s24, $0x1F;
	p3 =	por !p3, p2;
	s0 =	sshrl.u32 @!p2 s0, $0x1  }
0x9e: {  	s3 =	sand.u32 @!p2 s3, s24;
	s2 =	simm.s32 @p3 $0x61940;
	s0 =	smul.u32 @!p2 $0x3, s0  }
0x9f: {  	s2 =	ssub.s32 @!p2 s2, s3  }
0xa0: {  	s2 =	sadd.s32 @!p2 $0xFFF9E6C0, s2;
	s0 =	ssub.s32 @!p2 s25, s0  }
0xa1: {  	s3 =	sshll.u32 @!p2 s2, $0x2;
	p3 =	sgt.s32 @!p2 s2, $0x13F;
	s0 =	smul.u32 @!p2 $0x500, s0  }
0xa2: {  	s4 =	sand.u32 @!p2 $0x7, s24;
	s2 =	ssub.s32 @!p2 $0x500, s3;
	p3 =	por !p3, p2  }
0xa3: {  	s3 =	sshrl.u32 @!p2 s24, $0x3;
	s2 =	sshrl.u32 @!p2 s2, $0x2;
	s0 =	sshrl.u32 @!p2 s0, $0x2  }
0xa4: {  	s3 =	sadd.s32 @!p2 s3, s17;
	s2 =	simm.s32 @!p3 $0x0;
	s0 =	sadd.s32 @!p2 $0xA948, s0  }
0xa5: {  	[tilespmem:s0], [sflag:$0xA] =	stream.linear.gather @!p2 [hbm4b:s3+s4], s2, $0x38;
	[tilespmem:$0x1EF88] =	vst v63  }
0xa6: {  	s0 =	sadd.s32 $0xFFFFFFFF, s25  }
0xa7: {  	p2 =	sge.u32 s0, s15  }
.Ltmp10:
0xa8: {  	_ = 	snop;
	(pc) =	sbr.rel @p2 .LBB3_7-.Ltmp10, $1  }
0xa9: {  	_ =	sdelay $0x3  }
0xaa: {  	p2 =	sgt.s32 s23, $0x61940;
	s2 =	smov.u32 s23;
	s3 =	sshra.s32 s23, $0x1F  }
0xab: {  	s2 =	simm.s32 @!p2 $0x61940;
	s3 =	sand.u32 s3, s23  }
0xac: {  	s17 =	smulhi.u32 $0xAAAAAAAB, s21;
	s2 =	ssub.s32 s2, s3  }
0xad: {  	s0 =	sand.u32 $0x1, s0;
	s2 =	sadd.s32 $0xFFF9E6C0, s2  }
0xae: {  	s5 =	simm.s32 $0xA;
	s3 =	sshrl.u32 s17, $0x1;
	s4 =	sshll.u32 s2, $0x2  }
0xaf: {  	s7 =	sshrl.u32 s23, $0x3;
	s3 =	smul.u32 $0xFFFFF100, s3;
	s4 =	ssub.s32 $0x500, s4  }
0xb0: {  	s18 =	smul.u32 $0x500, s0;
	p2 =	sgt.s32 s2, $0x13F;
	s2 =	sshrl.u32 s4, $0x2  }
0xb1: {  	s9 =	sand.u32 $0x7, s23;
	s3 =	sshra.s32 s3, $0x2;
	s2 =	simm.s32 @p2 $0x0  }
0xb2: {  	s0 =	sadd.s32 s3, s20;
	s4 =	sshrl.u32 s18, $0x2;
	_ =	swait.ge [sflag:s5], s2  }
0xb3: {  	s22 =	ssub.s32 $0x0, s2;
	[sflag:s5] =	ssyncset.done $0x0;
	s8 =	rddreg [dreg:$0x9]  }
0xb4: {  	s4 =	sadd.s32 $0xAD08, s4;
	[sflag:s5] =	ssyncadd.s32 s22;
	s3 =	sadd.s32 s7, s8  }
0xb5: {  	[tilespmem:s4], [sflag:$0xB] =	stream.linear.gather [hbm4b:s3+s9], s2, $0x38;
	[tilespmem:$0x1EF88] =	vst v63  }
0xb6: {  	v1 =	vld.msk [tilespmem:s0+$0x0], $0xffff;
	_ =	sdelay $0x4  }
0xb7: {  	v1 =	vshll.u32 v1, $0x4  }
0xb8: {  	(v2sf) =	vpush v1, $0x0  }
0xb9: {  	(v2sf) =	vpush v1, $0x1  }
0xba: {  	(v2sf) =	vpush v1, $0x2;
	_ =	sdelay $0x3  }
0xbb: {  	(v2sf) =	vpush v1, $0x3;
	_ =	sdelay $0x1  }
0xbc: {  	(v2sf) =	vpush v1, $0x4  }
0xbd: {  	s2 =	simm.s32 $0x1;
	(v2sf) =	vpush v1, $0x5  }
0xbe: {  	s2 =	simm.s32 @!p0 $0x0  }
0xbf: {  	s2 =	smul.u32 $0x28000, s2;
	(v2sf) =	vpush v1, $0x6;
	_ =	sdelay $0x1  }
0xc0: {  	s2 =	sshrl.u32 s2, $0x2  }
0xc1: {  	s28 =	sadd.s32 $0xB708, s2  }
0xc2: {  	s12 =	sadd.s32 $0xFFFFF880, s28;
	s17 =	sadd.s32 $0xFFFFF900, s28;
	s10 =	spop (v2sf);
	(v2sf) =	vpush v1, $0x7  }
0xc3: {  	s18 =	sadd.s32 $0xFFFFF980, s28;
	s11 =	sand.u32 $0x1FFFFFF0, s10;
	s14 =	spop (v2sf)  }
0xc4: {  	(v2sf) =	vpush v1, $0x8;
	s2 =	sadd.s32 s6, s11;
	s15 =	sand.u32 $0x1FFFFFF0, s14;
	s16 =	spop (v2sf)  }
0xc5: {  	[tilespmem:s12], [sflag:$0x9] =	stream.linear.gather [hbm4b:s2+s19], $0x40, $0x38;
	[tilespmem:$0x1EF88] =	vst v63  }
0xc6: {  	s5 =	sadd.s32 $0xFFFFFA00, s28;
	s2 =	sadd.s32 s6, s15;
	s3 =	sand.u32 $0x1FFFFFF0, s16  }
0xc7: {  	(v2sf) =	vpush v1, $0x9;
	[tilespmem:s17], [sflag:$0x9] =	stream.linear.gather [hbm4b:s2+s19], $0x40, $0x38;
	[tilespmem:$0x1EF88] =	vst v63  }
0xc8: {  	s7 =	sadd.s32 $0xFFFFFA80, s28;
	s22 =	spop (v2sf);
	s3 =	sadd.s32 s6, s3  }
0xc9: {  	(v2sf) =	vpush v1, $0xA;
	[tilespmem:s18], [sflag:$0x9] =	stream.linear.gather [hbm4b:s3+s19], $0x40, $0x38;
	[tilespmem:$0x1EF88] =	vst v63  }
0xca: {  	s11 =	sadd.s32 $0xFFFFFB00, s28;
	s4 =	spop (v2sf);
	(v2sf) =	vpush v1, $0xB;
	s3 =	sand.u32 $0x1FFFFFF0, s22  }
0xcb: {  	s8 =	spop (v2sf);
	s2 =	sadd.s32 s6, s3;
	s3 =	sand.u32 $0x1FFFFFF0, s4  }
0xcc: {  	(v2sf) =	vpush v1, $0xC;
	[tilespmem:s5], [sflag:$0x9] =	stream.linear.gather [hbm4b:s2+s19], $0x40, $0x38;
	[tilespmem:$0x1EF88] =	vst v63  }
0xcd: {  	s9 =	sand.u32 $0x1FFFFFF0, s8;
	s10 =	spop (v2sf);
	s3 =	sadd.s32 s6, s3  }
0xce: {  	(v2sf) =	vpush v1, $0xD;
	[tilespmem:s7], [sflag:$0x9] =	stream.linear.gather [hbm4b:s3+s19], $0x40, $0x38;
	[tilespmem:$0x1EF88] =	vst v63  }
0xcf: {  	s12 =	sadd.s32 $0xFFFFFB80, s28;
	s2 =	sadd.s32 s6, s9;
	s3 =	sand.u32 $0x1FFFFFF0, s10  }
0xd0: {  	[tilespmem:s11], [sflag:$0x9] =	stream.linear.gather [hbm4b:s2+s19], $0x40, $0x38;
	[tilespmem:$0x1EF88] =	vst v63  }
0xd1: {  	s17 =	sadd.s32 $0xFFFFFC00, s28;
	s3 =	sadd.s32 s6, s3;
	s14 =	spop (v2sf)  }
0xd2: {  	[tilespmem:s12], [sflag:$0x9] =	stream.linear.gather [hbm4b:s3+s19], $0x40, $0x38;
	(v2sf) =	vpush v1, $0xE;
	[tilespmem:$0x1EF88] =	vst v63  }
0xd3: {  	s18 =	sadd.s32 $0xFFFFFC80, s28;
	s15 =	sand.u32 $0x1FFFFFF0, s14;
	s16 =	spop (v2sf)  }
0xd4: {  	s5 =	sadd.s32 $0xFFFFFD00, s28;
	(v2sf) =	vpush v1, $0xF;
	s2 =	sadd.s32 s6, s15;
	s3 =	sand.u32 $0x1FFFFFF0, s16  }
0xd5: {  	[tilespmem:s17], [sflag:$0x9] =	stream.linear.gather [hbm4b:s2+s19], $0x40, $0x38;
	[tilespmem:$0x1EF88] =	vst v63  }
0xd6: {  	s7 =	sadd.s32 $0xFFFFFD80, s28;
	s22 =	spop (v2sf);
	s3 =	sadd.s32 s6, s3  }
0xd7: {  	[tilespmem:s18], [sflag:$0x9] =	stream.linear.gather [hbm4b:s3+s19], $0x40, $0x38;
	[tilespmem:$0x1EF88] =	vst v63  }
0xd8: {  	s11 =	sadd.s32 $0xFFFFFE00, s28;
	s4 =	spop (v2sf);
	s3 =	sand.u32 $0x1FFFFFF0, s22  }
0xd9: {  	s8 =	spop (v2sf);
	s2 =	sadd.s32 s6, s3;
	s3 =	sand.u32 $0x1FFFFFF0, s4  }
0xda: {  	[tilespmem:s5], [sflag:$0x9] =	stream.linear.gather [hbm4b:s2+s19], $0x40, $0x38;
	[tilespmem:$0x1EF88] =	vst v63  }
0xdb: {  	s9 =	sand.u32 $0x1FFFFFF0, s8;
	s10 =	spop (v2sf);
	s3 =	sadd.s32 s6, s3  }
0xdc: {  	[tilespmem:s7], [sflag:$0x9] =	stream.linear.gather [hbm4b:s3+s19], $0x40, $0x38;
	[tilespmem:$0x1EF88] =	vst v63  }
0xdd: {  	s14 =	spop (v2sf);
	s2 =	sadd.s32 s6, s9;
	s3 =	sand.u32 $0x1FFFFFF0, s10  }
0xde: {  	[tilespmem:s11], [sflag:$0x9] =	stream.linear.gather [hbm4b:s2+s19], $0x40, $0x38;
	[tilespmem:$0x1EF88] =	vst v63  }
0xdf: {  	s12 =	sadd.s32 $0xFFFFFE80, s28;
	s15 =	sand.u32 $0x1FFFFFF0, s14;
	s3 =	sadd.s32 s6, s3  }
0xe0: {  	[tilespmem:s12], [sflag:$0x9] =	stream.linear.gather [hbm4b:s3+s19], $0x40, $0x38;
	[tilespmem:$0x1EF88] =	vst v63  }
0xe1: {  	s17 =	sadd.s32 $0xFFFFFF00, s28;
	s2 =	sadd.s32 s6, s15;
	s16 =	spop (v2sf)  }
0xe2: {  	[tilespmem:s17], [sflag:$0x9] =	stream.linear.gather [hbm4b:s2+s19], $0x40, $0x38;
	[tilespmem:$0x1EF88] =	vst v63  }
0xe3: {  	s29 =	simm.s32 $0x0;
	s3 =	sand.u32 $0x1FFFFFF0, s16;
	s18 =	spop (v2sf)  }
0xe4: {  	s22 =	sadd.s32 $0xFFFFFF80, s28;
	s3 =	sadd.s32 s6, s3;
	s2 =	sand.u32 $0x1FFFFFF0, s18  }
0xe5: {  	[tilespmem:s22], [sflag:$0x9] =	stream.linear.gather [hbm4b:s3+s19], $0x40, $0x38;
	[tilespmem:$0x1EF88] =	vst v63  }
0xe6: {  	s31 =	sadd.s32 $0x10, s0;
	s30 =	sadd.s32 $0x800, s28;
	s2 =	sadd.s32 s6, s2  }
.LBB3_5:
0xe7: {  	[tilespmem:s28], [sflag:$0x9] =	stream.linear.gather [hbm4b:s2+s19], $0x40, $0x38;
	[tilespmem:$0x1EF88] =	vst v63  }
0xe8: {  	s29 =	sadd.s32 $0x10, s29;
	s28 =	smov.u32 s30  }
0xe9: {  	p2 =	slt.u32 s29, $0x130;
	v1 =	vld.msk [tilespmem:s31+$0x0], $0xffff;
	_ =	sdelay $0x4  }
0xea: {  	v1 =	vshll.u32 v1, $0x4  }
0xeb: {  	(v2sf) =	vpush v1, $0x0  }
0xec: {  	(v2sf) =	vpush v1, $0x1  }
0xed: {  	(v2sf) =	vpush v1, $0x2;
	_ =	sdelay $0x1  }
0xee: {  	(v2sf) =	vpush v1, $0x3;
	_ =	sdelay $0x1  }
0xef: {  	(v2sf) =	vpush v1, $0x4;
	_ =	sdelay $0x1  }
0xf0: {  	(v2sf) =	vpush v1, $0x5;
	_ =	sdelay $0x1  }
0xf1: {  	(v2sf) =	vpush v1, $0x6  }
0xf2: {  	s4 =	sadd.s32 $0xFFFFFE80, s30;
	s0 =	sadd.s32 $0xFFFFFF00, s30  }
0xf3: {  	s3 =	sadd.s32 $0xFFFFFD00, s30;
	s2 =	sadd.s32 $0xFFFFFD80, s30;
	s5 =	sadd.s32 $0xFFFFFE00, s30;
	(v2sf) =	vpush v1, $0x7  }
0xf4: {  	s10 =	sadd.s32 $0xFFFFFB80, s30;
	s9 =	sadd.s32 $0xFFFFFC00, s30;
	s16 =	sadd.s32 $0xFFFFFC80, s30  }
0xf5: {  	s11 =	sadd.s32 $0xFFFFFA00, s30;
	s12 =	sadd.s32 $0xFFFFFA80, s30;
	s15 =	sadd.s32 $0xFFFFFB00, s30;
	(v2sf) =	vpush v1, $0x8  }
0xf6: {  	s18 =	sadd.s32 $0xFFFFF900, s30;
	s7 =	sadd.s32 $0xFFFFF980, s30;
	s22 =	spop (v2sf)  }
0xf7: {  	s8 =	sadd.s32 $0xFFFFF880, s30;
	s22 =	sand.u32 $0x1FFFFFF0, s22;
	s14 =	spop (v2sf);
	(v2sf) =	vpush v1, $0x9  }
0xf8: {  	s22 =	sadd.s32 s6, s22;
	s14 =	sand.u32 $0x1FFFFFF0, s14;
	s17 =	spop (v2sf)  }
0xf9: {  	[tilespmem:s8], [sflag:$0x9] =	stream.linear.gather [hbm4b:s22+s19], $0x40, $0x38;
	(v2sf) =	vpush v1, $0xA;
	[tilespmem:$0x1EF88] =	vst v63  }
0xfa: {  	s8 =	sadd.s32 s6, s14;
	s14 =	sand.u32 $0x1FFFFFF0, s17;
	s17 =	spop (v2sf)  }
0xfb: {  	[tilespmem:s18], [sflag:$0x9] =	stream.linear.gather [hbm4b:s8+s19], $0x40, $0x38;
	(v2sf) =	vpush v1, $0xB;
	[tilespmem:$0x1EF88] =	vst v63  }
0xfc: {  	s8 =	sadd.s32 s6, s14;
	s14 =	sand.u32 $0x1FFFFFF0, s17;
	s17 =	spop (v2sf)  }
0xfd: {  	[tilespmem:s7], [sflag:$0x9] =	stream.linear.gather [hbm4b:s8+s19], $0x40, $0x38;
	(v2sf) =	vpush v1, $0xC;
	[tilespmem:$0x1EF88] =	vst v63  }
0xfe: {  	s7 =	sadd.s32 s6, s14;
	s8 =	sand.u32 $0x1FFFFFF0, s17;
	s14 =	spop (v2sf)  }
0xff: {  	[tilespmem:s11], [sflag:$0x9] =	stream.linear.gather [hbm4b:s7+s19], $0x40, $0x38;
	(v2sf) =	vpush v1, $0xD;
	[tilespmem:$0x1EF88] =	vst v63  }
0x100: {  	s7 =	sadd.s32 s6, s8;
	s8 =	sand.u32 $0x1FFFFFF0, s14;
	s11 =	spop (v2sf)  }
0x101: {  	[tilespmem:s12], [sflag:$0x9] =	stream.linear.gather [hbm4b:s7+s19], $0x40, $0x38;
	(v2sf) =	vpush v1, $0xE;
	[tilespmem:$0x1EF88] =	vst v63  }
0x102: {  	s7 =	sadd.s32 s6, s8;
	s8 =	sand.u32 $0x1FFFFFF0, s11;
	s11 =	spop (v2sf)  }
0x103: {  	[tilespmem:s15], [sflag:$0x9] =	stream.linear.gather [hbm4b:s7+s19], $0x40, $0x38;
	(v2sf) =	vpush v1, $0xF;
	[tilespmem:$0x1EF88] =	vst v63  }
0x104: {  	s7 =	sadd.s32 s6, s8;
	s8 =	sand.u32 $0x1FFFFFF0, s11;
	s11 =	spop (v2sf)  }
0x105: {  	[tilespmem:s10], [sflag:$0x9] =	stream.linear.gather [hbm4b:s7+s19], $0x40, $0x38;
	[tilespmem:$0x1EF88] =	vst v63  }
0x106: {  	s7 =	sadd.s32 s6, s8;
	s8 =	sand.u32 $0x1FFFFFF0, s11;
	s10 =	spop (v2sf)  }
0x107: {  	[tilespmem:s9], [sflag:$0x9] =	stream.linear.gather [hbm4b:s7+s19], $0x40, $0x38;
	[tilespmem:$0x1EF88] =	vst v63  }
0x108: {  	s7 =	sadd.s32 s6, s8;
	s8 =	sand.u32 $0x1FFFFFF0, s10;
	s9 =	spop (v2sf)  }
0x109: {  	[tilespmem:s16], [sflag:$0x9] =	stream.linear.gather [hbm4b:s7+s19], $0x40, $0x38;
	[tilespmem:$0x1EF88] =	vst v63  }
0x10a: {  	s7 =	sadd.s32 s6, s8;
	s8 =	sand.u32 $0x1FFFFFF0, s9;
	s9 =	spop (v2sf)  }
0x10b: {  	[tilespmem:s3], [sflag:$0x9] =	stream.linear.gather [hbm4b:s7+s19], $0x40, $0x38;
	[tilespmem:$0x1EF88] =	vst v63  }
0x10c: {  	s3 =	sadd.s32 s6, s8;
	s7 =	sand.u32 $0x1FFFFFF0, s9;
	s8 =	spop (v2sf)  }
0x10d: {  	[tilespmem:s2], [sflag:$0x9] =	stream.linear.gather [hbm4b:s3+s19], $0x40, $0x38;
	[tilespmem:$0x1EF88] =	vst v63  }
0x10e: {  	s2 =	sadd.s32 s6, s7;
	s3 =	sand.u32 $0x1FFFFFF0, s8;
	s7 =	spop (v2sf)  }
0x10f: {  	[tilespmem:s5], [sflag:$0x9] =	stream.linear.gather [hbm4b:s2+s19], $0x40, $0x38;
	[tilespmem:$0x1EF88] =	vst v63  }
0x110: {  	s2 =	sadd.s32 s6, s3;
	s3 =	sand.u32 $0x1FFFFFF0, s7;
	s5 =	spop (v2sf)  }
0x111: {  	[tilespmem:s4], [sflag:$0x9] =	stream.linear.gather [hbm4b:s2+s19], $0x40, $0x38;
	[tilespmem:$0x1EF88] =	vst v63  }
0x112: {  	s2 =	sadd.s32 s6, s3  }
.Ltmp11:
0x113: {  	s3 =	sand.u32 $0x1FFFFFF0, s5;
	s4 =	spop (v2sf);
	(pc) =	sbr.rel @p2 .LBB3_5-.Ltmp11, $4  }
0x114: {  	[tilespmem:s0], [sflag:$0x9] =	stream.linear.gather [hbm4b:s2+s19], $0x40, $0x38;
	[tilespmem:$0x1EF88] =	vst v63  }
0x115: {  	s0 =	sadd.s32 s6, s3;
	s2 =	sadd.s32 $0xFFFFFF80, s30;
	s3 =	sand.u32 $0x1FFFFFF0, s4  }
0x116: {  	[tilespmem:s2], [sflag:$0x9] =	stream.linear.gather [hbm4b:s0+s19], $0x40, $0x38;
	[tilespmem:$0x1EF88] =	vst v63  }
0x117: {  	s31 =	sadd.s32 $0x10, s31;
	s30 =	sadd.s32 $0x800, s30;
	s2 =	sadd.s32 s6, s3  }
0x118: {  	[tilespmem:s28], [sflag:$0x9] =	stream.linear.gather [hbm4b:s2+s19], $0x40, $0x38;
	[tilespmem:$0x1EF88] =	vst v63  }
0x119: {  	s12 =	rddreg [dreg:$0x5]  }
0x11a: {  	s14 =	rddreg [dreg:$0x6]  }
0x11b: {  	s15 =	rddreg [dreg:$0x7]  }
0x11c: {  	s17 =	rddreg [dreg:$0x8]  }
0x11d: {  	s18 =	rddreg [dreg:$0xa]  }
0x11e: {  	s22 =	rddreg [dreg:$0xb]  }
.LBB3_7:
0x11f: {  	p2 =	slt.u32 s25, $0x2  }
.Ltmp12:
0x120: {  	_ = 	snop;
	(pc) =	sbr.rel @p2 .LBB3_25-.Ltmp12, $1  }
0x121: {  	_ =	sdelay $0x3  }
0x122: {  	p2 =	sgt.s32 s26, $0x61940;
	s0 =	smov.u32 s26;
	s2 =	sshra.s32 s26, $0x1F  }
0x123: {  	s0 =	simm.s32 @!p2 $0x61940;
	s2 =	sand.u32 s2, s26  }
0x124: {  	s0 =	ssub.s32 s0, s2  }
0x125: {  	s0 =	sadd.s32 $0xFFF9E6C0, s0  }
0x126: {  	s3 =	simm.s32 $0x9;
	s29 =	sshll.u32 s0, $0x2  }
0x127: {  	_ =	swait.ge [sflag:s3], $0x5000;
	s2 =	ssub.s32 $0x500, s29  }
0x128: {  	[sflag:s3] =	ssyncset.done $0x0;
	p2 =	sgt.s32 s0, $0x13F;
	s0 =	sshrl.u32 s2, $0x2  }
0x129: {  	s30 =	simm.s32 $0xB;
	[sflag:s3] =	ssyncadd.s32 $0xFFFFB000;
	s0 =	simm.s32 @p2 $0x0  }
0x12a: {  	_ =	swait.ge [sflag:s30], s0  }
0x12b: {  	s0 =	ssub.s32 $0x0, s0;
	[sflag:s30] =	ssyncset.done $0x0  }
0x12c: {  	[sflag:s30] =	ssyncadd.s32 s0  }
0x12d: {  	v1 =	vld [tilespmem:$0xA108];
	_ =	sdelay $0x4  }
0x12e: {  	(v2sf) =	vpush v1, $0x0  }
0x12f: {  	(v2sf) =	vpush v1, $0x1  }
0x130: {  	(v2sf) =	vpush v1, $0x2;
	_ =	sdelay $0x3  }
0x131: {  	s0 =	sadd.s32 $0x140, s26  }
0x132: {  	s4 =	ssub.s32 $0xC3500, s26;
	p2 =	slt.s32 s14, s0  }
0x133: {  	s0 =	smov.u32 @p2 s14;
	p2 =	sgt.s32 s4, $0x0  }
0x134: {  	s0 =	ssub.s32 s0, s26;
	s4 =	simm.s32 @!p2 $0x0  }
0x135: {  	p2 =	slt.s32 s4, s0  }
0x136: {  	s0 =	smov.u32 @p2 s4  }
0x137: {  	s2 =	simm.s32 $0x1;
	p2 =	slt.s32 s0, $0x1  }
.Ltmp13:
0x138: {  	s2 =	simm.s32 @!p1 $0x0;
	(pc) =	sbr.rel @p2 .LBB3_12-.Ltmp13, $4  }
0x139: {  	s7 =	smul.u32 $0x500, s2  }
0x13a: {  	s3 =	spop (v2sf)  }
0x13b: {  	s31 =	sshrl.u32 s7, $0x2;
	s5 =	spop (v2sf)  }
0x13c: {  	s28 =	sadd.s32 $0xAD08, s31;
	s26 =	spop (v2sf)  }
0x13d: {  	s4 =	smin.u32 s0, $0x10  }
0x13e: {  	v1 =	vmov s4  }
0x13f: {  	p3 =	sgt.s32 s0, $0x10;
	vm1 =	vgt.u32 v1, v0  }
.Ltmp14:
0x140: {  	_ = 	snop;
	(pc) =	sbr.rel @!p3 .LBB3_11-.Ltmp14, $2  }
0x141: {  	_ =	sdelay $0x2  }
0x142: {  	s9 =	simm.s32 $0x10;
	s10 =	sadd.s32 $0xFFFFFFF0, s0;
	s4 =	smov.u32 s28;
	vm0 =	vmmov vm1  }
.LBB3_10:
0x143: {  	s7 =	smin.u32 s10, $0x10;
	s9 =	sadd.s32 $0x10, s9;
	v1 =	vld.msk [tilespmem:s4+$0x0 ss:$0x1], vm1  }
0x144: {  	v2 =	vmov s7;
	p3 =	slt.s32 s9, s0  }
0x145: {  	vm1 =	vgt.u32 v2, v0  }
.Ltmp15:
0x146: {  	(pc) =	sbr.rel @p3 .LBB3_10-.Ltmp15, $3  }
0x147: {  	_ =	sdelay $0x1  }
0x148: {  	v1 =	vshll.u32 v1, $0x4  }
0x149: {  	s10 =	sadd.s32 $0xFFFFFFF0, s10;
	[tilespmem:s4+$0x0] =	vst.msk vm0, v1;
	s4 =	sadd.s32 $0x10, s4;
	vm0 =	vmmov vm1  }
.LBB3_11:
0x14a: {  	_ =	sdelay $0x4  }
0x14b: {  	v1 =	vld.msk [tilespmem:s4+$0x0 ss:$0x1], vm1;
	_ =	sdelay $0x4  }
0x14c: {  	v1 =	vshll.u32 v1, $0x4  }
0x14d: {  	[tilespmem:s4+$0x0] =	vst.msk vm0, v1  }
.LBB3_12:
0x14e: {  	s4 =	sand.u32 $0x1, s25  }
0x14f: {  	s4 =	smul.u32 $0x140, s4  }
0x150: {  	p3 =	sne.s32 s5, $0xFFFFFFFF  }
0x151: {  	v1 =	vld.msk @!p3 [tilespmem:s4+$0xAD08], $0x1;
	_ =	sdelay $0x4  }
0x152: {  	(v2sf) =	vpush @!p3 v1, $0x0;
	_ =	sdelay $0xc  }
.Ltmp16:
0x153: {  	_ = 	snop;
	(pc) =	sbr.rel @p2 .LBB3_23-.Ltmp16, $4  }
0x154: {  	_ = 	snop  }
0x155: {  	s29 =	spop @!p3 (v2sf)  }
0x156: {  	s31 =	simm.s32 $0xC;
	s26 =	simm.s32 @!p3 $0x0;
	s4 =	smov.u32 s29  }
0x157: {  	[sflag:s31] =	ssyncpa.u1 $0x0;
	s29 =	smov.u32 @p3 s3;
	s4 =	smov.u32 @p3 s5  }
0x158: {  	v1 =	vld.msk [tilespmem:s28+$0x0], $0x1;
	_ =	sdelay $0x4  }
0x159: {  	(v2sf) =	vpush v1, $0x0;
	_ =	sdelay $0xe  }
0x15a: {  	s2 =	smul.u32 $0x28000, s2;
	s5 =	spop (v2sf)  }
0x15b: {  	s31 =	ssub.s32 $0x0, s0;
	p2 =	seq.s32 s29, s5  }
0x15c: {  	s3 =	smov.u32 s29;
	s2 =	sshrl.u32 s2, $0x2;
	p3 =	sgt.s32 @!p2 s29, $0x0  }
0x15d: {  	s30 =	sadd.s32 $0xAFA8, s2;
	s2 =	sadd.s32 $0x1, s31;
	p3 =	por !p3, p2  }
0x15e: {  	s3 =	simm.s32 @p3 $0x0;
	p3 =	seq.s32 s2, $0x0  }
.Ltmp17:
0x15f: {  	_ = 	snop;
	(pc) =	sbr.rel @p3 .LBB3_15-.Ltmp17, $4  }
0x160: {  	_ = 	snop  }
0x161: {  	s0 =	simm.s32 $0x0;
	s9 =	simm.s32 @!p2 $0x1;
	s3 =	smin.u32 @!p2 s3, $0xC34F8  }
0x162: {  	s10 =	simm.s32 @!p2 $0x50C8;
	s9 =	smov.u32 @p2 s0;
	s7 =	sand.u32 @!p2 $0xFFFF8, s3  }
0x163: {  	s16 =	sand.u32 @!p2 $0x7, s3;
	s3 =	sadd.s32 $0x1, s28;
	s11 =	sadd.s32 @!p2 s1, s7  }
.LBB3_14:
0x164: {  	s7 =	smov.u32 s9  }
0x165: {  	[tilespmem:s10], [sflag:$0x2] =	stream.linear.gather @!p2 [hbm4b:s11+s16], $0x40, $0x38;
	[tilespmem:$0x1EF88] =	vst v63  }
0x166: {  	s2 =	sadd.s32 $0x1, s2;
	s8 =	smov.u32 s5;
	v1 =	vld.msk [tilespmem:s3+$0x0], $0x1  }
0x167: {  	p3 =	seq.s32 s2, $0x0;
	_ =	sdelay $0x3  }
0x168: {  	(v2sf) =	vpush v1, $0x0;
	_ =	sdelay $0xe  }
0x169: {  	s5 =	spop (v2sf)  }
0x16a: {  	p2 =	seq.s32 s8, s5  }
0x16b: {  	p4 =	sgt.s32 @!p2 s8, $0x0;
	s10 =	sshll.u32 @!p2 s9, $0x8;
	s9 =	sadd.s32 @!p2 $0x1, s9  }
.Ltmp18:
0x16c: {  	p4 =	por !p4, p2;
	s10 =	sshra.s32 @!p2 s10, $0x2;
	(pc) =	sbr.rel @!p3 .LBB3_14-.Ltmp18, $4  }
0x16d: {  	s9 =	smov.u32 @p2 s7;
	s8 =	simm.s32 @p4 $0x0;
	s10 =	sadd.s32 @!p2 $0x50C8, s10  }
0x16e: {  	s7 =	smin.u32 @!p2 s8, $0xC34F8  }
0x16f: {  	s8 =	sand.u32 @!p2 $0xFFFF8, s7;
	s16 =	sand.u32 @!p2 $0x7, s7  }
0x170: {  	s3 =	sadd.s32 $0x1, s3;
	s11 =	sadd.s32 @!p2 s1, s8  }
.LBB3_15:
0x171: {  	[tilespmem:s10], [sflag:$0x2] =	stream.linear.gather @!p2 [hbm4b:s11+s16], $0x40, $0x38;
	[tilespmem:$0x1EF88] =	vst v63  }
.Ltmp19:
0x172: {  	s2 =	sshll.u32 s9, $0x6;
	(pc) =	sbr.rel .LBB3_16-.Ltmp19, $4  }
0x173: {  	s3 =	simm.s32 $0x2;
	s2 =	sand.u32 $0x3FFFFFC0, s2  }
0x174: {  	_ =	swait.ge [sflag:s3], s2  }
0x175: {  	s2 =	ssub.s32 $0x0, s2;
	[sflag:s3] =	ssyncset.done $0x0  }
0x176: {  	[sflag:s3] =	ssyncadd.s32 s2;
	s3 =	simm.s32 $0x0  }
.LBB3_17:
0x177: {  	v1 =	vld [tilespmem:s30+$0xFFFFFFE0];
	_ =	sdelay $0x4  }
0x178: {  	[tilespmem:s5+$0x88] =	vst.add.f32.msk $0xffff, v1  }
0x179: {  	v1 =	vld [tilespmem:s30+$0xFFFFFFF0];
	_ =	sdelay $0x4  }
0x17a: {  	[tilespmem:s5+$0x98] =	vst.add.f32.msk $0xffff, v1  }
0x17b: {  	v1 =	vld [tilespmem:s30+$0x0];
	_ =	sdelay $0x4  }
0x17c: {  	[tilespmem:s5+$0xA8] =	vst.add.f32.msk $0xffff, v1  }
0x17d: {  	v1 =	vld [tilespmem:s30+$0x10];
	_ =	sdelay $0x4  }
0x17e: {  	[tilespmem:s5+$0xB8] =	vst.add.f32.msk $0xffff, v1  }
.LBB3_21:
0x17f: {  	s31 =	sadd.s32 $0x1, s31  }
0x180: {  	p2 =	seq.s32 s31, $0x0  }
.Ltmp20:
0x181: {  	_ = 	snop;
	(pc) =	sbr.rel @p2 .LBB3_22-.Ltmp20, $2  }
0x182: {  	_ =	sdelay $0x2  }
0x183: {  	s30 =	sadd.s32 $0x80, s30;
	s28 =	sadd.s32 $0x1, s28;
	s29 =	smov.u32 s2  }
.LBB3_16:
0x184: {  	v1 =	vld.msk [tilespmem:s28+$0x0], $0x1;
	_ =	sdelay $0x4  }
0x185: {  	(v2sf) =	vpush v1, $0x0;
	_ =	sdelay $0xe  }
0x186: {  	s2 =	spop (v2sf)  }
0x187: {  	p2 =	sne.s32 s29, s2  }
.Ltmp21:
0x188: {  	_ = 	snop;
	(pc) =	sbr.rel @!p2 .LBB3_17-.Ltmp21, $3  }
0x189: {  	_ =	sdelay $0x1  }
0x18a: {  	s5 =	sshll.u32 s26, $0x8  }
0x18b: {  	s5 =	sshra.s32 s5, $0x2  }
0x18c: {  	p2 =	seq.s32 s29, s4  }
.Ltmp22:
0x18d: {  	_ = 	snop;
	(pc) =	sbr.rel @!p2 .LBB3_19-.Ltmp22, $1  }
0x18e: {  	_ =	sdelay $0x3  }
.Ltmp23:
0x18f: {  	s5 =	sadd.s32 $0x88, s5;
	(pc) =	sbr.rel .LBB3_20-.Ltmp23, $4  }
0x190: {  	[spmem:s18] =	stream.linear.scatter [tilespmem:s5], [sflag:$0x1], $0x40, $0x38;
	[tilespmem:$0x1EF88] =	vst v63  }
0x191: {  	_ =	swait.ge [sflag:s13], $0x40  }
0x192: {  	[sflag:s13] =	ssyncset.done $0x0  }
0x193: {  	[sflag:s13] =	ssyncadd.s32 $0xFFFFFFC0  }
.LBB3_19:
0x194: {  	s7 =	sshll.u32 s0, $0x8  }
0x195: {  	s7 =	sshra.s32 s7, $0x2  }
0x196: {  	v1 =	vld [tilespmem:s7+$0x50C8];
	_ =	sdelay $0x4  }
0x197: {  	[tilespmem:s5+$0x88] =	vst.add.f32.msk $0xffff, v1  }
0x198: {  	v1 =	vld [tilespmem:s7+$0x50D8];
	_ =	sdelay $0x4  }
0x199: {  	[tilespmem:s5+$0x98] =	vst.add.f32.msk $0xffff, v1  }
0x19a: {  	v1 =	vld [tilespmem:s7+$0x50E8];
	_ =	sdelay $0x4  }
0x19b: {  	[tilespmem:s5+$0xA8] =	vst.add.f32.msk $0xffff, v1  }
0x19c: {  	v1 =	vld [tilespmem:s7+$0x50F8];
	_ =	sdelay $0x2  }
0x19d: {  	p2 =	sgt.u32 s29, $0xC34F8  }
0x19e: {  	s7 =	sand.u32 @!p2 $0xFFFF8, s29  }
0x19f: {  	s8 =	sadd.s32 $0x88, s5;
	[tilespmem:s5+$0xB8] =	vst.add.f32.msk $0xffff, v1;
	s5 =	sadd.s32 @!p2 s1, s7;
	s7 =	sand.u32 @!p2 $0x7, s29  }
0x1a0: {  	[hbm4b:s5+s7] =	stream.linear.scatter @!p2 [tilespmem:s8], [sflag:$0xC], $0x40, $0x38;
	[tilespmem:$0x1EF88] =	vst v63  }
0x1a1: {  	s5 =	simm.s32 $0x0  }
0x1a2: {  	s5 =	simm.s32 @!p2 $0x100  }
0x1a3: {  	s3 =	sadd.s32 s5, s3  }
.LBB3_20:
0x1a4: {  	s5 =	sadd.s32 $0x1, s26  }
0x1a5: {  	s7 =	smulhi.u32 $0xCCCCCCCD, s5;
	_ =	sdelay $0x1  }
0x1a6: {  	v1 =	vld [tilespmem:s30+$0xFFFFFFE0];
	s7 =	sshrl.u32 s7, $0x8  }
0x1a7: {  	s7 =	smul.u32 $0x140, s7;
	_ =	sdelay $0x1  }
0x1a8: {  	s26 =	ssub.s32 s5, s7  }
0x1a9: {  	s5 =	sshll.u32 s26, $0x6  }
0x1aa: {  	[tilespmem:s5+$0x88] =	vst v1  }
0x1ab: {  	v1 =	vld [tilespmem:s30+$0xFFFFFFF0];
	_ =	sdelay $0x4  }
0x1ac: {  	[tilespmem:s5+$0x98] =	vst v1  }
0x1ad: {  	v1 =	vld [tilespmem:s30+$0x0];
	_ =	sdelay $0x4  }
0x1ae: {  	[tilespmem:s5+$0xA8] =	vst v1  }
0x1af: {  	v1 =	vld [tilespmem:s30+$0x10]  }
.Ltmp24:
0x1b0: {  	_ = 	snop;
	(pc) =	sbr.rel .LBB3_21-.Ltmp24, $2  }
0x1b1: {  	_ =	sdelay $0x2  }
0x1b2: {  	s0 =	sadd.s32 $0x1, s0;
	[tilespmem:s5+$0xB8] =	vst v1  }
.LBB3_23:
.Ltmp25:
0x1b3: {  	(pc) =	sbr.rel .LBB3_24-.Ltmp25, $4  }
0x1b4: {  	_ = 	snop  }
0x1b5: {  	s0 =	simm.s32 $0x2  }
0x1b6: {  	_ =	swait.ge [sflag:s0], $0x0  }
0x1b7: {  	s2 =	smov.u32 s29;
	[sflag:s0] =	ssyncset.done $0x0;
	s0 =	simm.s32 $0x0  }
.LBB3_26:
0x1b8: {  	_ =	sfence.sel $0x180000  }
0x1b9: {  	s0 =	simm.s32 $0x9;
	[bflag:$0x0] =	sbarrier.arrive $0xFFFF  }
0x1ba: {  	s24 =	simm.s32 $0xA;
	[sflag:s0] =	ssyncpa.u1 $0x1  }
0x1bb: {  	s25 =	simm.s32 $0xB;
	[sflag:s24] =	ssyncpa.u1 $0x1  }
0x1bc: {  	s26 =	simm.s32 $0x2;
	[sflag:s25] =	ssyncpa.u1 $0x1  }
0x1bd: {  	[sflag:s26] =	ssyncpa.u1 $0x1  }
0x1be: {  	v0 =	vld [tilespmem:$0xA108];
	_ =	sdelay $0x4  }
0x1bf: {  	(v2sf) =	vpush v0, $0x0  }
0x1c0: {  	(v2sf) =	vpush v0, $0x1;
	_ =	sdelay $0x1  }
0x1c1: {  	(v2sf) =	vpush v0, $0x2;
	_ =	sdelay $0xb  }
0x1c2: {  	s0 =	spop (v2sf)  }
0x1c3: {  	s2 =	spop (v2sf)  }
0x1c4: {  	s3 =	smov.u32 s0;
	p0 =	sne.s32 s0, s2  }
0x1c5: {  	s4 =	spop (v2sf);
	s3 =	simm.s32 @!p0 $0xFFFFFFFF  }
0x1c6: {  	v2 =	vimm.s32 $0x1;
	v3 =	vlaneseq.u32;
	p0 =	seq.s32 s4, $0xFFFFFFFF;
	v1 =	vmov s3  }
0x1c7: {  	s14 =	stileid.u32;
	v0 =	vperm.xlane v0, v2;
	p1 =	sne.s32 @!p0 s0, s2;
	v1 =	vperm.xlane v1, v3  }
0x1c8: {  	vm0 =	vcmask $0x3F04;
	s6 =	simm.s32 $0xA108;
	s0 =	simm.s32 @!p0 $0x1;
	p1 =	por !p1, p0  }
0x1c9: {  	s3 =	sshll.u32 s14, $0x1;
	s2 =	sshll.u32 @!p0 s4, $0x8;
	s0 =	simm.s32 @p1 $0x0;
	v0 =	vsel vm0, v1, v0  }
0x1ca: {  	s5 =	sor.u32 $0x800, s3;
	s2 =	sshra.s32 @!p0 s2, $0x2;
	s0 =	sor.u32 @!p0 s0, s3;
	[tilespmem:$0xA108] =	vst v0  }
0x1cb: {  	[spmem:s5] =	stream.linear.scatter [tilespmem:s6], [sflag:$0x1], $0x2, $0x38;
	[tilespmem:$0x1EF88] =	vst v63  }
0x1cc: {  	s2 =	sadd.s32 @!p0 $0x88, s2;
	s0 =	sshll.u32 @!p0 s0, $0x6  }
0x1cd: {  	[spmem:s0] =	stream.linear.scatter @!p0 [tilespmem:s2], [sflag:$0x1], $0x40, $0x38;
	[tilespmem:$0x1EF88] =	vst v63  }
0x1ce: {  	s0 =	simm.s32 @!p0 $0x42  }
0x1cf: {  	s28 =	simm.s32 $0x1;
	s0 =	simm.s32 @p0 $0x2  }
0x1d0: {  	_ =	swait.ge [sflag:s28], s0  }
0x1d1: {  	s0 =	ssub.s32 $0x0, s0;
	[sflag:s28] =	ssyncset.done $0x0  }
0x1d2: {  	p0 =	sne.s32 s14, $0x0;
	[sflag:s28] =	ssyncadd.s32 s0  }
.Ltmp26:
0x1d3: {  	_ =	sfence.stream.spmem;
	(pc) =	sbr.rel @p0 .LBB3_43-.Ltmp26, $4  }
0x1d4: {  	s29 =	simm.s32 $0x3;
	[bflag:$0x0] =	sbarrier.arrive $0xFFFF  }
0x1d5: {  	s30 =	simm.s32 $0x4;
	[sflag:s29] =	ssyncpa.u1 $0x1  }
0x1d6: {  	s31 =	simm.s32 $0x3C;
	[sflag:s30] =	ssyncpa.u1 $0x1  }
0x1d7: {  	s13 =	rddreg [dreg:$0x4];
	[sflag:s31] =	ssyncpa.u1 $0x1  }
0x1d8: {  	_ =	sfence.stream.spmem;
	s0 =	simm.s32 $0x5  }
0x1d9: {  	s2 =	simm.s32 $0x800;
	s3 =	simm.s32 $0xA118;
	[sflag:s0] =	ssyncpa.u1 $0x0  }
0x1da: {  	[tilespmem:s3], [sflag:$0x5] =	stream.linear.gather [spmem:s2], $0x20, $0x38;
	[tilespmem:$0x1EF88] =	vst v63  }
0x1db: {  	s26 =	simm.s32 $0x0;
	s28 =	simm.s32 $0xA138  }
0x1dc: {  	[tilespmem:s28], [sflag:$0x5] =	stream.linear.gather [spmem:s26], $0x800, $0x38;
	[tilespmem:$0x1EF88] =	vst v63  }
0x1dd: {  	_ =	swait.ge [sflag:s0], $0x820  }
0x1de: {  	[sflag:s0] =	ssyncset.done $0x0  }
0x1df: {  	s29 =	simm.s32 $0x0;
	[sflag:s0] =	ssyncadd.s32 $0xFFFFF7E0  }
0x1e0: {  	v0 =	vld.msk [tilespmem:s29+$0xA118], $0x1;
	_ =	sdelay $0x1  }
0x1e1: {  	s30 =	simm.s32 $0x1  }
0x1e2: {  	v1 =	vld.msk [tilespmem:s30+$0xA118], $0x1;
	_ =	sdelay $0x1  }
0x1e3: {  	(v2sf) =	vpush v0, $0x0;
	_ =	sdelay $0x2  }
0x1e4: {  	(v2sf) =	vpush v1, $0x0;
	_ =	sdelay $0x2  }
0x1e5: {  	s31 =	simm.s32 $0x2  }
0x1e6: {  	v0 =	vld.msk [tilespmem:s31+$0xA118], $0x1;
	_ =	sdelay $0x2  }
0x1e7: {  	s2 =	simm.s32 $0xFFFFFFFF;
	s3 =	simm.s32 $0xFFFFFFFF;
	s0 =	simm.s32 $0xC  }
.LBB3_28:
0x1e8: {  	s4 =	smov.u32 s3;
	s5 =	smov.u32 s2  }
0x1e9: {  	s2 =	sshra.s32 s0, $0x2;
	p1 =	sne.s32 s0, $0x7C;
	s0 =	sadd.s32 $0x4, s0;
	(v2sf) =	vpush v0, $0x0  }
0x1ea: {  	v0 =	vld.msk [tilespmem:s2+$0xA118], $0x1  }
.Ltmp27:
0x1eb: {  	(pc) =	sbr.rel @p1 .LBB3_28-.Ltmp27, $4  }
0x1ec: {  	s3 =	spop (v2sf)  }
0x1ed: {  	p2 =	sne.s32 s5, $0xFFFFFFFF;
	s2 =	smov.u32 s3  }
0x1ee: {  	p3 =	seq.s32 s3, $0xFFFFFFFF;
	s2 =	smov.u32 @p2 s5  }
0x1ef: {  	s3 =	smov.u32 @p3 s4;
	s2 =	smov.u32 @p3 s5  }
0x1f0: {  	(v2sf) =	vpush v0, $0x0;
	_ =	sdelay $0x8  }
0x1f1: {  	s0 =	spop (v2sf)  }
0x1f2: {  	p1 =	sne.s32 s2, $0xFFFFFFFF;
	s4 =	smov.u32 s0  }
0x1f3: {  	s6 =	simm.s32 $0x0;
	p2 =	seq.s32 s0, $0xFFFFFFFF;
	s4 =	smov.u32 @p1 s2  }
0x1f4: {  	s9 =	simm.s32 $0xA0C8;
	s4 =	smov.u32 @p2 s2;
	s2 =	spop (v2sf)  }
0x1f5: {  	s0 =	smov.u32 @p2 s3;
	p1 =	sne.s32 s4, $0xFFFFFFFF;
	s5 =	smov.u32 s2  }
.Ltmp28:
0x1f6: {  	p2 =	seq.s32 s2, $0xFFFFFFFF;
	s5 =	smov.u32 @p1 s4;
	(pc) =	sbr.rel .LBB3_30-.Ltmp28, $4  }
0x1f7: {  	s10 =	simm.s32 $0x0;
	s5 =	smov.u32 @p2 s4;
	s7 =	spop (v2sf)  }
0x1f8: {  	s2 =	smov.u32 @p2 s0;
	p1 =	sne.s32 s5, $0xFFFFFFFF;
	s8 =	smov.u32 s7  }
0x1f9: {  	s0 =	simm.s32 $0x6;
	p2 =	seq.s32 s7, $0xFFFFFFFF;
	s8 =	smov.u32 @p1 s5  }
0x1fa: {  	[sflag:s0] =	ssyncpa.u1 $0x0;
	s7 =	smov.u32 @p2 s2;
	s8 =	smov.u32 @p2 s5  }
.LBB3_36:
0x1fb: {  	p1 =	sgt.u32 s2, $0xC34F8  }
0x1fc: {  	p2 =	seq.s32 @!p1 s2, s8  }
0x1fd: {  	p1 =	por p1, p2  }
0x1fe: {  	p2 =	sne.s32 @!p1 s2, s7  }
0x1ff: {  	p1 =	por p1, !p2  }
0x200: {  	s2 =	sshll.u32 @p1 s10, $0x8  }
0x201: {  	s3 =	sand.u32 @!p1 $0xFFFF8, s2  }
0x202: {  	s2 =	sand.u32 @!p1 $0x7, s2;
	s3 =	sadd.s32 @!p1 s1, s3  }
0x203: {  	[tilespmem:s9], [sflag:$0x6] =	stream.linear.gather @!p1 [hbm4b:s3+s2], $0x40, $0x38;
	[tilespmem:$0x1EF88] =	vst v63  }
0x204: {  	_ =	swait.ge @!p1 [sflag:s0], $0x40  }
0x205: {  	[sflag:s0] =	ssyncset.done @!p1 $0x0  }
0x206: {  	[sflag:s0] =	ssyncadd.s32 @!p1 $0xFFFFFFC0  }
0x207: {  	v1 =	vld @!p1 [tilespmem:$0xA0C8];
	_ =	sdelay $0x2  }
0x208: {  	s2 =	sshll.u32 @!p1 s10, $0x8  }
0x209: {  	s3 =	sshrl.u32 @!p1 s2, $0x2  }
0x20a: {  	[tilespmem:s3+$0xA138] =	vst.add.f32.msk @!p1 $0xffff, v1  }
0x20b: {  	v1 =	vld @!p1 [tilespmem:$0xA0D8];
	_ =	sdelay $0x4  }
0x20c: {  	[tilespmem:s3+$0xA148] =	vst.add.f32.msk @!p1 $0xffff, v1  }
0x20d: {  	v1 =	vld @!p1 [tilespmem:$0xA0E8];
	_ =	sdelay $0x4  }
0x20e: {  	[tilespmem:s3+$0xA158] =	vst.add.f32.msk @!p1 $0xffff, v1  }
0x20f: {  	v1 =	vld @!p1 [tilespmem:$0xA0F8];
	_ =	sdelay $0x4  }
0x210: {  	[tilespmem:s3+$0xA168] =	vst.add.f32.msk @!p1 $0xffff, v1  }
0x211: {  	s2 =	sshrl.u32 s2, $0x2;
	[tilespmem:s6+$0xA118] =	vst.msk $0x1, v0  }
0x212: {  	v0 =	vld [tilespmem:s2+$0xA138];
	_ =	sdelay $0x2  }
0x213: {  	s31 =	sshll.u32 s6, $0x8  }
0x214: {  	s3 =	sshra.s32 s31, $0x2  }
0x215: {  	[tilespmem:s3+$0xA138] =	vst v0  }
0x216: {  	v0 =	vld [tilespmem:s2+$0xA148];
	_ =	sdelay $0x4  }
0x217: {  	[tilespmem:s3+$0xA148] =	vst v0  }
0x218: {  	v0 =	vld [tilespmem:s2+$0xA158];
	_ =	sdelay $0x4  }
0x219: {  	[tilespmem:s3+$0xA158] =	vst v0  }
0x21a: {  	v0 =	vld [tilespmem:s2+$0xA168];
	_ =	sdelay $0x4  }
0x21b: {  	s6 =	sadd.s32 $0x1, s6;
	[tilespmem:s3+$0xA168] =	vst v0  }
.LBB3_37:
0x21c: {  	s10 =	sadd.s32 $0x1, s10  }
0x21d: {  	p1 =	sne.s32 s10, $0x20  }
.Ltmp29:
0x21e: {  	_ = 	snop;
	(pc) =	sbr.rel @!p1 .LBB3_38-.Ltmp29, $1  }
0x21f: {  	_ =	sdelay $0x3  }
.LBB3_30:
0x220: {  	v0 =	vld.msk [tilespmem:s10+$0xA118], $0x1;
	_ =	sdelay $0x4  }
0x221: {  	(v2sf) =	vpush v0, $0x0;
	_ =	sdelay $0xe  }
0x222: {  	s2 =	spop (v2sf)  }
0x223: {  	p1 =	seq.s32 s2, $0xFFFFFFFF  }
.Ltmp30:
0x224: {  	_ = 	snop;
	(pc) =	sbr.rel @p1 .LBB3_37-.Ltmp30, $1  }
0x225: {  	_ =	sdelay $0x3  }
0x226: {  	p1 =	slt.s32 s6, $0x1  }
.Ltmp31:
0x227: {  	_ = 	snop;
	(pc) =	sbr.rel @p1 .LBB3_36-.Ltmp31, $1  }
0x228: {  	_ =	sdelay $0x3  }
0x229: {  	s3 =	simm.s32 $0xA118;
	p1 =	por $0x0, $0x0  }
0x22a: {  	v1 =	vld.msk @!p1 [tilespmem:s3+$0x0], $0x1;
	_ =	sdelay $0x4  }
0x22b: {  	(v2sf) =	vpush @!p1 v1, $0x0;
	_ =	sdelay $0xd  }
0x22c: {  	p3 =	sne.s32 s6, $0x1  }
.Ltmp32:
0x22d: {  	s4 =	spop @!p1 (v2sf);
	(pc) =	sbr.rel @!p3 .LBB3_34-.Ltmp32, $4  }
0x22e: {  	p2 =	seq.s32 @!p1 s2, s4  }
0x22f: {  	s4 =	simm.s32 $0x0;
	p2 =	por !p2, p1  }
0x230: {  	s11 =	simm.s32 $0xFFFFFFFF;
	s4 =	simm.s32 @p2 $0xFFFFFFFF  }
0x231: {  	s5 =	simm.s32 $0x1;
	s4 =	smov.u32 @p1 s11  }
.LBB3_33:
0x232: {  	s11 =	smov.u32 s4;
	p1 =	sne.s32 s4, $0xFFFFFFFF  }
0x233: {  	s3 =	sadd.s32 $0x1, s3;
	s4 =	smov.u32 s5;
	s5 =	sadd.s32 $0x1, s5  }
0x234: {  	p2 =	sne.s32 s6, s5;
	v1 =	vld.msk @!p1 [tilespmem:s3+$0x0], $0x1;
	_ =	sdelay $0x4  }
0x235: {  	(v2sf) =	vpush @!p1 v1, $0x0;
	_ =	sdelay $0xe  }
.Ltmp33:
0x236: {  	s12 =	spop @!p1 (v2sf);
	(pc) =	sbr.rel @p2 .LBB3_33-.Ltmp33, $4  }
0x237: {  	p3 =	seq.s32 @!p1 s2, s12  }
0x238: {  	p3 =	por !p3, p1  }
0x239: {  	s4 =	simm.s32 @p3 $0xFFFFFFFF  }
0x23a: {  	s4 =	smov.u32 @p1 s11  }
.LBB3_34:
0x23b: {  	p1 =	seq.s32 s4, $0xFFFFFFFF  }
.Ltmp34:
0x23c: {  	_ = 	snop;
	(pc) =	sbr.rel @p1 .LBB3_36-.Ltmp34, $1  }
0x23d: {  	_ =	sdelay $0x3  }
0x23e: {  	s2 =	sshll.u32 s10, $0x6  }
0x23f: {  	s2 =	sand.u32 $0x3FFFFFC0, s2  }
0x240: {  	v0 =	vld [tilespmem:s2+$0xA138];
	_ =	sdelay $0x2  }
0x241: {  	s3 =	sshll.u32 s4, $0x8  }
0x242: {  	s3 =	sshra.s32 s3, $0x2  }
0x243: {  	[tilespmem:s3+$0xA138] =	vst.add.f32.msk $0xffff, v0  }
0x244: {  	v0 =	vld [tilespmem:s2+$0xA148];
	_ =	sdelay $0x4  }
0x245: {  	[tilespmem:s3+$0xA148] =	vst.add.f32.msk $0xffff, v0  }
0x246: {  	v0 =	vld [tilespmem:s2+$0xA158];
	_ =	sdelay $0x4  }
0x247: {  	[tilespmem:s3+$0xA158] =	vst.add.f32.msk $0xffff, v0  }
0x248: {  	v0 =	vld [tilespmem:s2+$0xA168]  }
.Ltmp35:
0x249: {  	_ = 	snop;
	(pc) =	sbr.rel .LBB3_37-.Ltmp35, $2  }
0x24a: {  	_ =	sdelay $0x2  }
0x24b: {  	[tilespmem:s3+$0xA168] =	vst.add.f32.msk $0xffff, v0  }
.LBB3_38:
0x24c: {  	s0 =	simm.s32 $0x6;
	p1 =	seq.s32 s6, $0x0  }
0x24d: {  	[sflag:s0] =	ssyncpa.u1 $0x1;
	v0 =	vimm.s32 @p1 $0xFFFFFFFF  }
0x24e: {  	s0 =	sadd.s32 $0xFFFFFFFF, s6;
	[tilespmem:$0xA938] =	vst @p1 v0  }
0x24f: {  	v0 =	vld.msk @!p1 [tilespmem:s0+$0xA118], $0x1;
	_ =	sdelay $0x1  }
0x250: {  	v1 =	vld.msk @!p1 [tilespmem:$0xA118], $0x1;
	_ =	sdelay $0x2  }
0x251: {  	p2 =	seq.s32 @!p1 s0, $0x0;
	v0 =	vbroadcast @!p1 v0, $0x0  }
0x252: {  	vm0 =	vmmov @!p1 $0x1;
	p2 =	por !p2, p1  }
0x253: {  	v1 =	vnsel @!p1 vm0, $0xFFFFFFFF, v1;
	vm0 =	vcmask @!p1 $0x308;
	v0 =	vpsel !p2, $0xFFFFFFFF, v0  }
0x254: {  	p2 =	sne.s32 @!p1 s8, s7;
	v0 =	vsel @!p1 vm0, v1, v0  }
0x255: {  	s2 =	simm.s32 @!p1 $0xA138;
	s3 =	simm.s32 @!p1 $0x0;
	p3 =	por !p2, p1;
	[tilespmem:$0xA938] =	vst @!p1 v0  }
0x256: {  	[spmem:s3] =	stream.linear.scatter @!p1 [tilespmem:s2], [sflag:$0x1], $0x40, $0x38;
	[tilespmem:$0x1EF88] =	vst v63  }
0x257: {  	s2 =	sshll.u32 @!p3 s0, $0x8  }
0x258: {  	s2 =	sshra.s32 @!p3 s2, $0x2  }
0x259: {  	s3 =	simm.s32 @!p3 $0x40;
	s2 =	sadd.s32 @!p3 $0xA138, s2  }
0x25a: {  	[spmem:s3] =	stream.linear.scatter @!p3 [tilespmem:s2], [sflag:$0x1], $0x40, $0x38;
	[tilespmem:$0x1EF88] =	vst v63  }
0x25b: {  	s2 =	simm.s32 @!p3 $0x1  }
0x25c: {  	_ =	swait.ge @!p3 [sflag:s2], $0x80  }
0x25d: {  	p1 =	por p2, p1;
	[sflag:s2] =	ssyncset.done @!p3 $0x0  }
0x25e: {  	[sflag:s2] =	ssyncadd.s32 @!p3 $0xFFFFFF80;
	s2 =	simm.s32 @!p1 $0x1  }
0x25f: {  	_ =	swait.ge @!p1 [sflag:s2], $0x40  }
0x260: {  	s29 =	simm.s32 $0xA938;
	[sflag:s2] =	ssyncset.done @!p1 $0x0  }
0x261: {  	s30 =	simm.s32 $0x800;
	s31 =	simm.s32 $0x1;
	[sflag:s2] =	ssyncadd.s32 @!p1 $0xFFFFFFC0  }
0x262: {  	[spmem:s30] =	stream.linear.scatter [tilespmem:s29], [sflag:$0x1], $0x10, $0x38;
	[tilespmem:$0x1EF88] =	vst v63  }
0x263: {  	_ =	swait.ge [sflag:s31], $0x10  }
0x264: {  	[sflag:s31] =	ssyncset.done $0x0  }
0x265: {  	p1 =	seq.s32 s13, $0x0;
	s9 =	rddreg [dreg:$0x1];
	[sflag:s31] =	ssyncadd.s32 $0xFFFFFFF0  }
0x266: {  	s3 =	sshll.u32 @p1 s9, $0xE;
	s8 =	rddreg [dreg:$0x2]  }
0x267: {  	s2 =	sadd.s32 @p1 $0x15C3C, s3;
	s3 =	sshll.u32 @p1 s8, $0x11  }
0x268: {  	_ =	sfence.stream.spmem;
	s2 =	sor.u32 @p1 s3, s2  }
0x269: {  	[sflag:s2] =	ssyncadd.remote.s32 @p1 $0x1;
	s2 =	simm.s32 @p1 $0x4  }
0x26a: {  	s4 =	simm.s32 @!p1 $0x3C;
	s3 =	sand.u32 $0xFFFFFFFE, s9;
	_ =	swait.ge @p1 [sflag:s2], $0x12  }
0x26b: {  	s5 =	simm.s32 @!p1 $0x0;
	s3 =	sadd.s32 @!p1 $0x4, s3;
	[sflag:s2] =	ssyncset.done @p1 $0x0  }
0x26c: {  	s7 =	simm.s32 @!p1 $0x80;
	[sflag:s2] =	ssyncadd.s32 @p1 $0xFFFFFFEE;
	s2 =	sshll.u32 @!p1 s3, $0x1A  }
0x26d: {  	s3 =	sshll.u32 @!p1 s3, $0xD;
	s2 =	sor.u32 @!p1 s2, s8;
	_ =	swait.eq @!p1 [sflag:s4], $0x1  }
0x26e: {  	s3 =	sor.u32 @!p1 $0x1C04, s3;
	s4 =	simm.s32 @!p1 $0x1C03;
	s2 =	sor.u32 @!p1 $0x80004000, s2  }
0x26f: {  	[spmem:s7], [sflag:s3] =	dma.general @!p1 [spmem:s5], [sflag:s4], length:$0x10, [dreg:$0x0], stride_count:$0x0, ici_dest:s2, dma_misc:DstOpCode:WRITE  }
0x270: {  	p2 =	slt.s32 s0, $0x2;
	s5 =	simm.s32 @!p1 $0x100;
	s7 =	simm.s32 @!p1 $0x102  }
0x271: {  	[spmem:s7], [sflag:s3] =	dma.general @!p1 [spmem:s5], [sflag:s4], length:$0x2, [dreg:$0x0], stride_count:$0x0, ici_dest:s2, dma_misc:DstOpCode:WRITE  }
.Ltmp36:
0x272: {  	s2 =	simm.s32 @!p1 $0x3;
	(pc) =	sbr.rel @p2 .LBB3_42-.Ltmp36, $4  }
0x273: {  	s3 =	sshll.u32 @!p1 s9, $0xE;
	_ =	swait.ge @!p1 [sflag:s2], $0x12  }
0x274: {  	s4 =	sshll.u32 @!p1 s8, $0x11;
	s3 =	sadd.s32 @!p1 $0x11C3C, s3;
	[sflag:s2] =	ssyncset.done @!p1 $0x0  }
0x275: {  	[sflag:s2] =	ssyncadd.s32 @!p1 $0xFFFFFFEE;
	s2 =	sor.u32 @!p1 s4, s3  }
0x276: {  	s0 =	simm.s32 $0x0;
	[sflag:s2] =	ssyncadd.remote.s32 @!p1 $0xFFFFFFFF  }
0x277: {  	s0 =	simm.s32 $0xA119  }
0x278: {  	v0 =	vld.msk [tilespmem:s0+$0x0], $0x1;
	_ =	sdelay $0x4  }
0x279: {  	(v2sf) =	vpush v0, $0x0;
	_ =	sdelay $0xc  }
0x27a: {  	s2 =	sadd.s32 $0xFFFFFFFE, s6  }
0x27b: {  	s2 =	sadd.s32 $0xFFFFFFFF, s2  }
0x27c: {  	p2 =	sne.s32 s2, $0x0;
	s3 =	spop (v2sf)  }
.Ltmp37:
0x27d: {  	p1 =	sgt.u32 s3, $0xC34F8;
	(pc) =	sbr.rel @!p2 .LBB3_41-.Ltmp37, $4  }
0x27e: {  	s5 =	simm.s32 $0x0;
	s4 =	sand.u32 @!p1 $0xFFFF8, s3  }
0x27f: {  	s0 =	simm.s32 $0xA178;
	s3 =	sand.u32 @!p1 $0x7, s3;
	s4 =	sadd.s32 @!p1 s1, s4  }
0x280: {  	[hbm4b:s4+s3] =	stream.linear.scatter @!p1 [tilespmem:s0], [sflag:$0x5], $0x40, $0x38;
	[tilespmem:$0x1EF88] =	vst v63  }
0x281: {  	s5 =	simm.s32 @!p1 $0x100;
	s3 =	simm.s32 $0x0;
	s4 =	simm.s32 $0xA11A  }
.LBB3_40:
0x282: {  	v0 =	vld.msk [tilespmem:s4+$0x0], $0x1;
	s2 =	sadd.s32 $0xFFFFFFFF, s2;
	s3 =	sadd.s32 s3, s5  }
0x283: {  	p1 =	sne.s32 s2, $0x0;
	_ =	sdelay $0x3  }
0x284: {  	(v2sf) =	vpush v0, $0x0;
	_ =	sdelay $0xe  }
.Ltmp38:
0x285: {  	s6 =	spop (v2sf);
	(pc) =	sbr.rel @p1 .LBB3_40-.Ltmp38, $4  }
0x286: {  	s5 =	simm.s32 $0x0;
	p2 =	sgt.u32 s6, $0xC34F8  }
0x287: {  	s0 =	sadd.s32 $0x40, s0;
	s5 =	simm.s32 @!p2 $0x100;
	s7 =	sand.u32 @!p2 $0xFFFF8, s6  }
0x288: {  	s4 =	sadd.s32 $0x1, s4;
	s6 =	sand.u32 @!p2 $0x7, s6;
	s7 =	sadd.s32 @!p2 s1, s7  }
0x289: {  	[hbm4b:s7+s6] =	stream.linear.scatter @!p2 [tilespmem:s0], [sflag:$0x5], $0x40, $0x38;
	[tilespmem:$0x1EF88] =	vst v63  }
.LBB3_41:
0x28a: {  	s0 =	sadd.s32 s3, s5  }
0x28b: {  	s0 =	sshrl.u32 s0, $0x2  }
.LBB3_42:
0x28c: {  	s2 =	simm.s32 $0x5  }
0x28d: {  	_ =	swait.ge [sflag:s2], s0  }
0x28e: {  	s31 =	ssub.s32 $0x0, s0;
	[sflag:s2] =	ssyncset.done $0x0  }
0x28f: {  	[sflag:s2] =	ssyncadd.s32 s31  }
0x290: {  	[sflag:s2] =	ssyncpa.u1 $0x1  }
.LBB3_43:
0x291: {  	s0 =	sor.u32 s13, s14  }
0x292: {  	p1 =	sne.s32 s0, $0x0  }
.Ltmp39:
0x293: {  	_ = 	snop;
	(pc) =	sbr.rel @p1 .LBB3_58-.Ltmp39, $3  }
0x294: {  	_ =	sdelay $0x1  }
0x295: {  	[bflag:$0x0] =	sbarrier.arrive $0xFFFF  }
0x296: {  	_ =	sfence  }
0x297: {  	s2 =	simm.s32 $0x7  }
0x298: {  	s0 =	simm.s32 $0x800;
	s3 =	simm.s32 $0xA118;
	[sflag:s2] =	ssyncpa.u1 $0x0  }
0x299: {  	[tilespmem:s3], [sflag:$0x7] =	stream.linear.gather [spmem:s0], $0x20, $0x38;
	[tilespmem:$0x1EF88] =	vst v63  }
0x29a: {  	s30 =	simm.s32 $0xA138;
	s0 =	simm.s32 $0x0  }
0x29b: {  	[tilespmem:s30], [sflag:$0x7] =	stream.linear.gather [spmem:s0], $0x800, $0x38;
	[tilespmem:$0x1EF88] =	vst v63  }
.Ltmp40:
0x29c: {  	_ = 	snop;
	(pc) =	sbr.rel .LBB3_45-.Ltmp40, $4  }
0x29d: {  	_ =	swait.ge [sflag:s2], $0x820  }
0x29e: {  	[sflag:s2] =	ssyncset.done $0x0  }
0x29f: {  	s31 =	simm.s32 $0x8;
	[sflag:s2] =	ssyncadd.s32 $0xFFFFF7E0  }
0x2a0: {  	s2 =	simm.s32 $0x0;
	[sflag:s31] =	ssyncpa.u1 $0x0  }
.LBB3_51:
0x2a1: {  	p1 =	slt.u32 s3, $0xC34F9  }
0x2a2: {  	s4 =	sand.u32 @p1 $0xFFFF8, s3  }
0x2a3: {  	s3 =	sand.u32 @p1 $0x7, s3;
	s5 =	simm.s32 @p1 $0xA0C8;
	s4 =	sadd.s32 @p1 s1, s4  }
0x2a4: {  	[tilespmem:s5], [sflag:$0x8] =	stream.linear.gather @p1 [hbm4b:s4+s3], $0x40, $0x38;
	[tilespmem:$0x1EF88] =	vst v63  }
0x2a5: {  	s3 =	simm.s32 @p1 $0x8  }
0x2a6: {  	_ =	swait.ge @p1 [sflag:s3], $0x40  }
0x2a7: {  	[sflag:s3] =	ssyncset.done @p1 $0x0  }
0x2a8: {  	[sflag:s3] =	ssyncadd.s32 @p1 $0xFFFFFFC0  }
0x2a9: {  	v1 =	vld @p1 [tilespmem:$0xA0C8];
	_ =	sdelay $0x2  }
0x2aa: {  	s3 =	sshll.u32 @p1 s2, $0x8  }
0x2ab: {  	s4 =	sshrl.u32 @p1 s3, $0x2  }
0x2ac: {  	[tilespmem:s4+$0xA138] =	vst.add.f32.msk @p1 $0xffff, v1  }
0x2ad: {  	v1 =	vld @p1 [tilespmem:$0xA0D8];
	_ =	sdelay $0x4  }
0x2ae: {  	[tilespmem:s4+$0xA148] =	vst.add.f32.msk @p1 $0xffff, v1  }
0x2af: {  	v1 =	vld @p1 [tilespmem:$0xA0E8];
	_ =	sdelay $0x4  }
0x2b0: {  	[tilespmem:s4+$0xA158] =	vst.add.f32.msk @p1 $0xffff, v1  }
0x2b1: {  	v1 =	vld @p1 [tilespmem:$0xA0F8];
	_ =	sdelay $0x3  }
0x2b2: {  	s5 =	sshll.u32 @!p1 s2, $0x8  }
0x2b3: {  	s5 =	smov.u32 @p1 s3;
	[tilespmem:s4+$0xA168] =	vst.add.f32.msk @p1 $0xffff, v1  }
0x2b4: {  	s3 =	sshrl.u32 s5, $0x2;
	[tilespmem:s0+$0xA118] =	vst.msk $0x1, v0  }
0x2b5: {  	v0 =	vld [tilespmem:s3+$0xA138];
	_ =	sdelay $0x2  }
0x2b6: {  	s31 =	sshll.u32 s0, $0x8  }
0x2b7: {  	s4 =	sshra.s32 s31, $0x2  }
0x2b8: {  	[tilespmem:s4+$0xA138] =	vst v0  }
0x2b9: {  	v0 =	vld [tilespmem:s3+$0xA148];
	_ =	sdelay $0x4  }
0x2ba: {  	[tilespmem:s4+$0xA148] =	vst v0  }
0x2bb: {  	v0 =	vld [tilespmem:s3+$0xA158];
	_ =	sdelay $0x4  }
0x2bc: {  	[tilespmem:s4+$0xA158] =	vst v0  }
0x2bd: {  	v0 =	vld [tilespmem:s3+$0xA168];
	_ =	sdelay $0x4  }
0x2be: {  	s0 =	sadd.s32 $0x1, s0;
	[tilespmem:s4+$0xA168] =	vst v0  }
.LBB3_52:
0x2bf: {  	s2 =	sadd.s32 $0x1, s2  }
0x2c0: {  	p1 =	sne.s32 s2, $0x20  }
.Ltmp41:
0x2c1: {  	_ = 	snop;
	(pc) =	sbr.rel @!p1 .LBB3_53-.Ltmp41, $1  }
0x2c2: {  	_ =	sdelay $0x3  }
.LBB3_45:
0x2c3: {  	v0 =	vld.msk [tilespmem:s2+$0xA118], $0x1;
	_ =	sdelay $0x4  }
0x2c4: {  	(v2sf) =	vpush v0, $0x0;
	_ =	sdelay $0xe  }
0x2c5: {  	s3 =	spop (v2sf)  }
0x2c6: {  	p1 =	seq.s32 s3, $0xFFFFFFFF  }
.Ltmp42:
0x2c7: {  	_ = 	snop;
	(pc) =	sbr.rel @p1 .LBB3_52-.Ltmp42, $1  }
0x2c8: {  	_ =	sdelay $0x3  }
0x2c9: {  	p1 =	slt.s32 s0, $0x1  }
.Ltmp43:
0x2ca: {  	_ = 	snop;
	(pc) =	sbr.rel @p1 .LBB3_51-.Ltmp43, $1  }
0x2cb: {  	_ =	sdelay $0x3  }
0x2cc: {  	s4 =	simm.s32 $0xA118;
	p1 =	por $0x0, $0x0  }
0x2cd: {  	v1 =	vld.msk @!p1 [tilespmem:s4+$0x0], $0x1;
	_ =	sdelay $0x4  }
0x2ce: {  	(v2sf) =	vpush @!p1 v1, $0x0;
	_ =	sdelay $0xd  }
0x2cf: {  	p3 =	sne.s32 s0, $0x1  }
.Ltmp44:
0x2d0: {  	s5 =	spop @!p1 (v2sf);
	(pc) =	sbr.rel @!p3 .LBB3_49-.Ltmp44, $4  }
0x2d1: {  	p2 =	seq.s32 @!p1 s3, s5  }
0x2d2: {  	s5 =	simm.s32 $0x0;
	p2 =	por !p2, p1  }
0x2d3: {  	s7 =	simm.s32 $0xFFFFFFFF;
	s5 =	simm.s32 @p2 $0xFFFFFFFF  }
0x2d4: {  	s6 =	simm.s32 $0x1;
	s5 =	smov.u32 @p1 s7  }
.LBB3_48:
0x2d5: {  	s7 =	smov.u32 s5;
	p1 =	sne.s32 s5, $0xFFFFFFFF  }
0x2d6: {  	s4 =	sadd.s32 $0x1, s4;
	s5 =	smov.u32 s6;
	s6 =	sadd.s32 $0x1, s6  }
0x2d7: {  	p2 =	sne.s32 s0, s6;
	v1 =	vld.msk @!p1 [tilespmem:s4+$0x0], $0x1;
	_ =	sdelay $0x4  }
0x2d8: {  	(v2sf) =	vpush @!p1 v1, $0x0;
	_ =	sdelay $0xe  }
.Ltmp45:
0x2d9: {  	s8 =	spop @!p1 (v2sf);
	(pc) =	sbr.rel @p2 .LBB3_48-.Ltmp45, $4  }
0x2da: {  	p3 =	seq.s32 @!p1 s3, s8  }
0x2db: {  	p3 =	por !p3, p1  }
0x2dc: {  	s5 =	simm.s32 @p3 $0xFFFFFFFF  }
0x2dd: {  	s5 =	smov.u32 @p1 s7  }
.LBB3_49:
0x2de: {  	p1 =	seq.s32 s5, $0xFFFFFFFF  }
.Ltmp46:
0x2df: {  	_ = 	snop;
	(pc) =	sbr.rel @p1 .LBB3_51-.Ltmp46, $1  }
0x2e0: {  	_ =	sdelay $0x3  }
0x2e1: {  	s3 =	sshll.u32 s2, $0x6  }
0x2e2: {  	s3 =	sand.u32 $0x3FFFFFC0, s3  }
0x2e3: {  	v0 =	vld [tilespmem:s3+$0xA138];
	_ =	sdelay $0x2  }
0x2e4: {  	s4 =	sshll.u32 s5, $0x8  }
0x2e5: {  	s4 =	sshra.s32 s4, $0x2  }
0x2e6: {  	[tilespmem:s4+$0xA138] =	vst.add.f32.msk $0xffff, v0  }
0x2e7: {  	v0 =	vld [tilespmem:s3+$0xA148];
	_ =	sdelay $0x4  }
0x2e8: {  	[tilespmem:s4+$0xA148] =	vst.add.f32.msk $0xffff, v0  }
0x2e9: {  	v0 =	vld [tilespmem:s3+$0xA158];
	_ =	sdelay $0x4  }
0x2ea: {  	[tilespmem:s4+$0xA158] =	vst.add.f32.msk $0xffff, v0  }
0x2eb: {  	v0 =	vld [tilespmem:s3+$0xA168]  }
.Ltmp47:
0x2ec: {  	_ = 	snop;
	(pc) =	sbr.rel .LBB3_52-.Ltmp47, $2  }
0x2ed: {  	_ =	sdelay $0x2  }
0x2ee: {  	[tilespmem:s4+$0xA168] =	vst.add.f32.msk $0xffff, v0  }
.LBB3_53:
0x2ef: {  	p1 =	slt.s32 s0, $0x1  }
.Ltmp48:
0x2f0: {  	_ = 	snop;
	(pc) =	sbr.rel @p1 .LBB3_57-.Ltmp48, $3  }
0x2f1: {  	_ =	sdelay $0x1  }
0x2f2: {  	s2 =	simm.s32 $0x8  }
0x2f3: {  	[sflag:s2] =	ssyncpa.u1 $0x1;
	s2 =	simm.s32 $0x0  }
0x2f4: {  	s3 =	simm.s32 $0xA118  }
0x2f5: {  	v0 =	vld.msk [tilespmem:s3+$0x0], $0x1;
	_ =	sdelay $0x4  }
0x2f6: {  	(v2sf) =	vpush v0, $0x0;
	_ =	sdelay $0xe  }
0x2f7: {  	s0 =	sadd.s32 $0xFFFFFFFF, s0;
	s4 =	spop (v2sf)  }
0x2f8: {  	p2 =	sne.s32 s0, $0x0;
	p1 =	sgt.u32 s4, $0xC34F8  }
.Ltmp49:
0x2f9: {  	s5 =	sand.u32 @!p1 $0xFFFF8, s4;
	(pc) =	sbr.rel @!p2 .LBB3_56-.Ltmp49, $4  }
0x2fa: {  	s3 =	simm.s32 $0xA138;
	s4 =	sand.u32 @!p1 $0x7, s4;
	s5 =	sadd.s32 @!p1 s1, s5  }
0x2fb: {  	[hbm4b:s5+s4] =	stream.linear.scatter @!p1 [tilespmem:s3], [sflag:$0x7], $0x40, $0x38;
	[tilespmem:$0x1EF88] =	vst v63  }
0x2fc: {  	s5 =	simm.s32 $0x0  }
0x2fd: {  	s4 =	simm.s32 $0xA119;
	s5 =	simm.s32 @!p1 $0x100  }
.LBB3_55:
0x2fe: {  	v0 =	vld.msk [tilespmem:s4+$0x0], $0x1;
	s0 =	sadd.s32 $0xFFFFFFFF, s0;
	s2 =	sadd.s32 s2, s5  }
0x2ff: {  	p1 =	sne.s32 s0, $0x0;
	_ =	sdelay $0x3  }
0x300: {  	(v2sf) =	vpush v0, $0x0;
	_ =	sdelay $0xe  }
.Ltmp50:
0x301: {  	s6 =	spop (v2sf);
	(pc) =	sbr.rel @p1 .LBB3_55-.Ltmp50, $4  }
0x302: {  	s5 =	simm.s32 $0x0;
	p2 =	sgt.u32 s6, $0xC34F8  }
0x303: {  	s3 =	sadd.s32 $0x40, s3;
	s5 =	simm.s32 @!p2 $0x100;
	s7 =	sand.u32 @!p2 $0xFFFF8, s6  }
0x304: {  	s4 =	sadd.s32 $0x1, s4;
	s6 =	sand.u32 @!p2 $0x7, s6;
	s7 =	sadd.s32 @!p2 s1, s7  }
0x305: {  	[hbm4b:s7+s6] =	stream.linear.scatter @!p2 [tilespmem:s3], [sflag:$0x7], $0x40, $0x38;
	[tilespmem:$0x1EF88] =	vst v63  }
.LBB3_56:
0x306: {  	s0 =	sadd.s32 s2, s5  }
0x307: {  	s2 =	sshrl.u32 s0, $0x2  }
.LBB3_57:
0x308: {  	s0 =	simm.s32 $0x7  }
0x309: {  	_ =	swait.ge [sflag:s0], s2  }
0x30a: {  	s1 =	ssub.s32 $0x0, s2;
	[sflag:s0] =	ssyncset.done $0x0  }
0x30b: {  	[sflag:s0] =	ssyncadd.s32 s1  }
0x30c: {  	[sflag:s0] =	ssyncpa.u1 $0x1  }
.LBB3_58:
0x30d: {  	_ =	sfence;
	s0 =	simm.s32 $0x1  }
0x30e: {  	[sflag:s0] =	ssyncpa.u1 $0x1  }
0x30f: {  	_ =	strace $0x9000005C  }
0x310: {  	[bflag:$0x2] =	sbarrier.arrive $0xFFFF  }
0x311: {  	s0 =	rddreg [dreg:$0x3]  }
0x312: {  	s0 =	sadd.s32 @!p0 $0x100000, s0  }
0x313: {  	[sflag:s0] =	ssyncadd.tile.s32 @!p0 $0x1;
	_ =	shalt  }
.Lfunc_end3:
_tile_overlayer_lowered:
.L_overlay_start_3:
0x314: {  	(tag) =	ssettag $0x3  }
0x315: {  	s0 =	rddreg [dreg:$0x0];
	s2 =	stileid.u32  }
0x316: {  	s1 =	rddreg [dreg:$0x1];
	p0 =	sne.s32 s2, $0x0  }
0x317: {  	s3 =	rddreg [dreg:$0x2];
	[bflag:$0x3] =	sbarrier.arrive $0xFFFF;
	s2 =	simm.s32 @!p0 $0x1C01  }
0x318: {  	[timem:s3], [sflag:s2] =	dma.local @!p0 [hbm:s0], s1  }
0x319: {  	s0 =	simm.s32 @!p0 $0x1  }
0x31a: {  	_ =	swait.ge @!p0 [sflag:s0], s1  }
0x31b: {  	s1 =	ssub.s32 @!p0 $0x0, s1;
	[sflag:s0] =	ssyncset.done @!p0 $0x0  }
0x31c: {  	[sflag:s0] =	ssyncadd.s32 @!p0 s1  }
0x31d: {  	[bflag:$0x3] =	sbarrier.arrive $0xFFFF  }
0x31e: {  	_ =	shalt  }

// kernel: scatter_offload_async_start.3
scs
__scs_entry_jumppad:
0x0: {  	(pc) =	sbr.rel $0x88, $3  }
0x1: {  	(tag) =	ssettag $0x0;
	lr =	simm.s32 $0x1  }
0x2: {  	[smem:$0x3F80] =	sst lr;
	_ =	strace $0xD0000000  }
0x3: {  	_ = 	snop  }
0x4: {  	_ = 	snop  }
0x5: {  	_ = 	snop  }
0x6: {  	_ = 	snop  }
0x7: {  	_ = 	snop  }
__scs_overlays_trampoline_lowered:
0x8: {  	[smem:$0x3F8F] =	sst s0  }
0x9: {  	[smem:$0x3F90] =	sst s1  }
0xa: {  	[smem:$0x3F91] =	sst s2  }
0xb: {  	[smem:$0x3F92] =	sst s3  }
0xc: {  	[smem:$0x3F93] =	sst s4  }
0xd: {  	[smem:$0x3F94] =	sst s5  }
0xe: {  	[smem:$0x3F95] =	sst s6  }
0xf: {  	[smem:$0x3F96] =	sst s7  }
0x10: {  	[smem:$0x3F97] =	sst s8  }
0x11: {  	[smem:$0x3F98] =	sst s9;
	s0 =	simm.s32 @!p0 $0x0  }
0x12: {  	s1 =	sld [smem:$0x3F7E];
	s0 =	simm.s32 @p0 $0x1  }
0x13: {  	[smem:$0x3F99] =	sst s0;
	s0 =	simm.s32 @!p1 $0x0  }
0x14: {  	s2 =	sld [smem:$0x3F7D];
	s0 =	simm.s32 @p1 $0x1  }
0x15: {  	[smem:$0x3F9A] =	sst s0;
	s0 =	simm.s32 @!p2 $0x0  }
0x16: {  	s3 =	sld [smem:$0x3FDB];
	s0 =	simm.s32 @p2 $0x1  }
0x17: {  	s4 =	simm.s32 $0x1BF5;
	[smem:$0x3F9C] =	sst s0  }
0x18: {  	s0 =	sld [smem:$0x3F7F];
	_ =	swait.ge [sflag:s4], $0x0  }
0x19: {  	s7 =	sld [smem:$0x3F80]  }
0x1a: {  	s8 =	sadd.s32 $0xFFFFE003, lr  }
0x1b: {  	s9 =	sadd.s32 $0xFFFFFEF7, lr;
	s5 =	simm.s32 $0xFFFFFFFF;
	p2 =	slt.u32 s8, $0xFFFFF086  }
0x1c: {  	p1 =	slt.u32 s9, $0xF7A;
	s5 =	simm.s32 @!p2 $0x0  }
0x1d: {  	s5 =	simm.s32 @p1 $0x1;
	p0 =	seq.s32 s7, s2  }
0x1e: {  	s7 =	smul.u32 @!p0 $0xF7A, s2;
	p2 =	seq.s32 @!p0 s5, $0x0  }
0x1f: {  	s9 =	smul.u32 $0xF7A, s1;
	s8 =	simm.s32 @!p0 $0x1BF5;
	p2 =	por !p2, p0  }
0x20: {  	[sflag:s8] =	ssyncset.s32 @!p0 $0xFFFFF086;
	s6 =	sadd.s32 @!p0 s3, s7;
	s7 =	simm.s32 @!p0 $0x108  }
0x21: {  	s3 =	sadd.s32 s3, s9;
	s6 =	sadd.s32 @!p0 $0x88, s6;
	s7 =	simm.s32 @p2 $0x1082  }
0x22: {  	[simem:s7], [sflag:s8] =	dma.local @!p0 [hbm:s6], $0xF7A  }
0x23: {  	s9 =	sor.u32 $0xD0000000, s2;
	s6 =	simm.s32 $0x108;
	_ =	swait.ge @!p0 [sflag:s8], $0x0  }
0x24: {  	s3 =	sadd.s32 $0x88, s3;
	s6 =	simm.s32 @!p1 $0x1082;
	[sflag:s4] =	ssyncset.s32 $0xFFFFF086  }
0x25: {  	[simem:s6], [sflag:s4] =	dma.local [hbm:s3], $0xF7A  }
0x26: {  	[smem:$0x3F80] =	sst s1;
	(tag) =	ssettag s2;
	_ =	strace s9  }
0x27: {  	s1 =	sld [smem:$0x3F90]  }
0x28: {  	s2 =	sld [smem:$0x3F91]  }
0x29: {  	s4 =	sld [smem:$0x3F93]  }
0x2a: {  	p0 =	seq.s32 s5, $0x0;
	s5 =	sld [smem:$0x3F94]  }
0x2b: {  	s6 =	sld [smem:$0x3F95]  }
0x2c: {  	s7 =	sld [smem:$0x3F96]  }
0x2d: {  	s3 =	simm.s32 $0x108;
	s8 =	sld [smem:$0x3F97]  }
0x2e: {  	s3 =	simm.s32 @!p0 $0x1082;
	s9 =	sld [smem:$0x3F98]  }
0x2f: {  	lr =	sadd.s32 s0, s3;
	s0 =	sld [smem:$0x3F8F]  }
0x30: {  	s3 =	sld [smem:$0x3F92]  }
0x31: {  	[smem:$0x3F9B] =	sst s10  }
0x32: {  	s10 =	sld [smem:$0x3F99];
	_ =	sdelay $0x3  }
0x33: {  	p0 =	seq.s32 s10, $0x1;
	s10 =	sld [smem:$0x3F9B];
	_ =	sdelay $0x3  }
0x34: {  	[smem:$0x3F9B] =	sst s10  }
0x35: {  	s10 =	sld [smem:$0x3F9A];
	_ =	sdelay $0x3  }
0x36: {  	p1 =	seq.s32 s10, $0x1;
	s10 =	sld [smem:$0x3F9B];
	_ =	sdelay $0x3  }
0x37: {  	[smem:$0x3F9B] =	sst s10  }
0x38: {  	s10 =	sld [smem:$0x3F9C]  }
0x39: {  	_ = 	snop;
	(pc) =	sbr.ind lr, $3  }
0x3a: {  	_ = 	snop  }
0x3b: {  	_ = 	snop  }
0x3c: {  	p2 =	seq.s32 s10, $0x1;
	s10 =	sld [smem:$0x3F9B]  }
0x3d: {  	_ =	shalt  }
0x3e: {  	_ =	shalt  }
0x3f: {  	_ =	shalt  }
0x40: {  	_ =	shalt  }
0x41: {  	_ =	shalt  }
0x42: {  	_ =	shalt  }
0x43: {  	_ =	shalt  }
0x44: {  	_ =	shalt  }
0x45: {  	_ =	shalt  }
0x46: {  	_ =	shalt  }
0x47: {  	_ =	shalt  }
0x48: {  	_ =	shalt  }
0x49: {  	_ =	shalt  }
0x4a: {  	_ =	shalt  }
0x4b: {  	_ =	shalt  }
0x4c: {  	_ =	shalt  }
0x4d: {  	_ =	shalt  }
0x4e: {  	_ =	shalt  }
0x4f: {  	_ =	shalt  }
0x50: {  	_ =	shalt  }
0x51: {  	_ =	shalt  }
0x52: {  	_ =	shalt  }
0x53: {  	_ =	shalt  }
0x54: {  	_ =	shalt  }
0x55: {  	_ =	shalt  }
0x56: {  	_ =	shalt  }
0x57: {  	_ =	shalt  }
0x58: {  	_ =	shalt  }
0x59: {  	_ =	shalt  }
0x5a: {  	_ =	shalt  }
0x5b: {  	_ =	shalt  }
0x5c: {  	_ =	shalt  }
0x5d: {  	_ =	shalt  }
0x5e: {  	_ =	shalt  }
0x5f: {  	_ =	shalt  }
0x60: {  	_ =	shalt  }
0x61: {  	_ =	shalt  }
0x62: {  	_ =	shalt  }
0x63: {  	_ =	shalt  }
0x64: {  	_ =	shalt  }
0x65: {  	_ =	shalt  }
0x66: {  	_ =	shalt  }
0x67: {  	_ =	shalt  }
0x68: {  	_ =	shalt  }
0x69: {  	_ =	shalt  }
0x6a: {  	_ =	shalt  }
0x6b: {  	_ =	shalt  }
0x6c: {  	_ =	shalt  }
0x6d: {  	_ =	shalt  }
0x6e: {  	_ =	shalt  }
0x6f: {  	_ =	shalt  }
0x70: {  	_ =	shalt  }
0x71: {  	_ =	shalt  }
0x72: {  	_ =	shalt  }
0x73: {  	_ =	shalt  }
0x74: {  	_ =	shalt  }
0x75: {  	_ =	shalt  }
0x76: {  	_ =	shalt  }
0x77: {  	_ =	shalt  }
0x78: {  	_ =	shalt  }
0x79: {  	_ =	shalt  }
0x7a: {  	_ =	shalt  }
0x7b: {  	_ =	shalt  }
0x7c: {  	_ =	shalt  }
0x7d: {  	_ =	shalt  }
0x7e: {  	_ =	shalt  }
0x7f: {  	_ =	shalt  }
0x80: {  	_ =	shalt  }
0x81: {  	_ =	shalt  }
0x82: {  	_ =	shalt  }
0x83: {  	_ =	shalt  }
0x84: {  	_ =	shalt  }
0x85: {  	_ =	shalt  }
0x86: {  	_ =	shalt  }
0x87: {  	_ =	shalt  }
.Lfunc_end0:
.L_simem_size_0:
called_computation.3_lowered:
.L_overlay_start_0:
0x88: {  	s0 =	sld [smem:$0x3FD9]  }
0x89: {  	s1 =	sld [smem:$0x3FFE];
	_ =	sdelay $0x3  }
0x8a: {  	s0 =	sadd.s32 s1, s0  }
0x8b: {  	[smem:$0x3FA7] =	sst s0  }
0x8c: {  	_ = 	snop  }
0x8d: {  	(tm) =	ssettm $0x1  }
0x8e: {  	s14 =	sld [smem:$0x3FFB];
	_ =	sdelay $0x3  }
0x8f: {  	_ =	strace s14  }
0x90: {  	s0 =	sld [smem:$0x3FFC];
	_ =	sdelay $0x3  }
0x91: {  	_ =	strace s0  }
0x92: {  	s0 =	sld [smem:$0x3FFD];
	_ =	sdelay $0x3  }
0x93: {  	_ =	strace s0  }
0x94: {  	_ =	strace $0x8FFFFFFF  }
0x95: {  	s15 =	sld [smem:$0x3FDB];
	_ =	sdelay $0x1  }
0x96: {  	s16 =	simm.s32 $_scs_section_size  }
0x97: {  	s2 =	simm.s32 $_size__tile_overlayer_lowered;
	s3 =	simm.s32 $_tile_overlayer_lowered  }
0x98: {  	s4 =	simm.s32 $0x1BFF;
	s17 =	sshll.u32 s3, $0x1;
	s1 =	sadd.s32 s16, s15  }
0x99: {  	s18 =	simm.s32 $0x0;
	s2 =	sshll.u32 s2, $0x1;
	s3 =	sadd.s32 s17, s1  }
0x9a: {  	[timem:s18], [sflag:s4] =	dma.local [hbm:s3], s2  }
0x9b: {  	_ =	swait.ge [sflag:s4], s2  }
0x9c: {  	s2 =	ssub.s32 $0x0, s2;
	[sflag:s4] =	ssyncset.done $0x0  }
0x9d: {  	[sflag:s4] =	ssyncadd.s32 s2;
	_ =	sdelay $0x1  }
0x9e: {  	s19 =	simm.s32 $0x1B8B  }
0x9f: {  	_ =	swait.ge [sflag:s19], $0x1  }
0xa0: {  	[sflag:s19] =	ssyncset.done $0x0  }
0xa1: {  	s21 =	simm.s32 $0x1B8E;
	s20 =	sld [smem:$0x3FFE];
	[sflag:s19] =	ssyncadd.s32 $0xFFFFFFFF  }
0xa2: {  	s22 =	simm.s32 $execute0_lowered;
	[smem:$0x3FD2] =	sst s21  }
0xa3: {  	s3 =	sshll.u32 s22, $0x1;
	_ =	strace $0x80000052;
	[dreg:$0x1] =	wrdreg $0xFFFFFFFF  }
0xa4: {  	s23 =	simm.s32 $_size_execute0_lowered;
	s3 =	sadd.s32 s1, s3;
	[dreg:$0x0] =	wrdreg $0x0  }
0xa5: {  	s4 =	sshll.u32 s23, $0x1;
	[dreg:$0x2] =	wrdreg s3  }
0xa6: {  	[dreg:$0x3] =	wrdreg s4  }
0xa7: {  	[dreg:$0x4] =	wrdreg $0xC0  }
0xa8: {  	s24 =	simm.s32 $execute1_lowered;
	_ =	task [dreg:s18], $0x5FFFF  }
0xa9: {  	s3 =	sshll.u32 s24, $0x1;
	[dreg:$0x1] =	wrdreg $0xFFFFFFFF  }
0xaa: {  	s1 =	sadd.s32 s1, s3;
	[dreg:$0x0] =	wrdreg $0x60  }
0xab: {  	[dreg:$0x2] =	wrdreg s1  }
0xac: {  	[dreg:$0x3] =	wrdreg s20  }
0xad: {  	[dreg:$0x4] =	wrdreg $0xB  }
0xae: {  	_ =	task.clear_ibuf [dreg:s18], $0x5FFFF;
	_ =	strace $0x90000052  }
0xaf: {  	s25 =	simm.s32 $0xB;
	_ =	strace $0x80000054  }
0xb0: {  	_ =	swait.ge [sflag:s25], $0x1  }
0xb1: {  	[sflag:s25] =	ssyncadd.s32 $0xFFFFFFFF  }
0xb2: {  	_ =	strace $0x90000054  }
0xb3: {  	_ =	strace $0x80000055;
	[dreg:$0x1] =	wrdreg $0xFFFFFFFF  }
0xb4: {  	[dreg:$0x0] =	wrdreg $0x2030  }
0xb5: {  	[dreg:$0x2] =	wrdreg s20  }
0xb6: {  	[dreg:$0x3] =	wrdreg $0xC  }
0xb7: {  	_ =	task.clear_ibuf [dreg:s18], $0x4FFFF;
	_ =	strace $0x90000055  }
0xb8: {  	s26 =	simm.s32 $0xC;
	_ =	strace $0x80000057  }
0xb9: {  	_ =	swait.ge [sflag:s26], $0x1  }
0xba: {  	[sflag:s26] =	ssyncadd.s32 $0xFFFFFFFF  }
0xbb: {  	_ =	strace $0x90000057  }
0xbc: {  	_ =	sfence  }
0xbd: {  	s28 =	sld [smem:$0x0];
	_ =	sdelay $0x1  }
0xbe: {  	s29 =	srdreg.scid  }
0xbf: {  	s30 =	sshll.u32 s29, $0xD;
	s31 =	sshrl.u32 s29, $0x2  }
0xc0: {  	s2 =	sand.u32 $0x1, s29;
	s3 =	sand.u32 $0x4000, s30;
	s1 =	sadd.s32 s31, s28  }
0xc1: {  	s2 =	sor.u32 s3, s2;
	s1 =	sshll.u32 s1, $0x11  }
0xc2: {  	s1 =	sor.u32 s1, s2  }
0xc3: {  	s1 =	sadd.s32 $0x8F2B, s1  }
0xc4: {  	[sflag:s1] =	ssyncadd.remote.s32 $0x1  }
0xc5: {  	_ =	sfence.sel $0xFFFF  }
0xc6: {  	[dreg:$0x0] =	wrdreg $0xFFFFFFFF;
	(pc) =	sbr.abs _section_cstart, $3  }
0xc7: {  	[dreg:$0x1] =	wrdreg $0xFFFFFFFF  }
0xc8: {  	_ =	task.clear_ibuf [dreg:s18], $0x2FFFF;
	_ =	strace $0x9FFFFFFF  }
0xc9: {  	(tm) =	ssettm $0x7FFFFFFF  }
tec
execute0_lowered:
.L_overlay_start_1:
0x0: {  	(tag) =	ssettag $0x1  }
0x1: {  	s2 =	rddreg [dreg:$0x0]  }
0x2: {  	s4 =	rddreg [dreg:$0x1]  }
0x3: {  	s0 =	rddreg [dreg:$0x2];
	s3 =	stileid.u32  }
0x4: {  	[bflag:$0x3] =	sbarrier.arrive $0xFFFF;
	s1 =	simm.s32 $_size_execute1_lowered;
	p0 =	sne.s32 s3, $0x0  }
0x5: {  	s1 =	sshll.u32 s1, $0x1;
	s5 =	simm.s32 @!p0 $0x1C3F;
	s6 =	simm.s32 @!p0 $0x4060  }
0x6: {  	[timem:s6], [sflag:s5] =	dma.local @!p0 [hbm:s2], s1  }
0x7: {  	s2 =	smul.u32 $0xC40, s3  }
.Ltmp0:
0x8: {  	s31 =	simm.s32 $0x2;
	s7 =	simm.s32 $0xC40;
	(pc) =	sbr.rel .LBB2_1-.Ltmp0, $4  }
0x9: {  	s8 =	simm.s32 $0x24C0;
	s10 =	simm.s32 $0x0;
	s9 =	simm.s32 $0x0  }
0xa: {  	s3 =	simm.s32 $0x1;
	_ =	strace $0x80000053;
	s30 =	sshrl.u32 s2, $0x3  }
0xb: {  	s6 =	simm.s32 $0x0;
	[sflag:s3] =	ssyncpa.u1 $0x0;
	s5 =	sadd.s32 s30, s4  }
0xc: {  	s4 =	sadd.s32 $0xDA6400, s4;
	[sflag:s31] =	ssyncpa.u1 $0x0;
	s5 =	sadd.s32 $0xDA4A00, s5  }
.LBB2_9:
0xd: {  	p1 =	seq.s32 s9, $0x2  }
.Ltmp1:
0xe: {  	_ = 	snop;
	(pc) =	sbr.rel @p1 .LBB2_11-.Ltmp1, $1  }
0xf: {  	_ =	sdelay $0x3  }
.LBB2_10:
0x10: {  	s9 =	sadd.s32 $0x1, s9;
	s10 =	smov.u32 s2  }
.LBB2_1:
0x11: {  	p1 =	sne.s32 s9, $0x0  }
.Ltmp2:
0x12: {  	_ = 	snop;
	(pc) =	sbr.rel @!p1 .LBB2_2-.Ltmp2, $1  }
0x13: {  	_ =	sdelay $0x3  }
0x14: {  	s11 =	sand.u32 $0x1, s9  }
0x15: {  	p1 =	seq.s32 s11, $0x0  }
.Ltmp3:
0x16: {  	_ = 	snop;
	(pc) =	sbr.rel @p1 .LBB2_9-.Ltmp3, $1  }
0x17: {  	_ =	sdelay $0x3  }
0x18: {  	_ =	swait.ge [sflag:s3], $0xC40  }
0x19: {  	[sflag:s3] =	ssyncset.done $0x0  }
0x1a: {  	s16 =	simm.s32 $0xD30;
	[sflag:s3] =	ssyncadd.s32 $0xFFFFF3C0  }
0x1b: {  	v0 =	vld [tilespmem:s16+$0x0]  }
0x1c: {  	v1 =	vld [tilespmem:s16+$0xFFFFFF20]  }
0x1d: {  	v2 =	vld [tilespmem:s16+$0xFFFFFF30]  }
0x1e: {  	v3 =	vld [tilespmem:s16+$0xFFFFFF40]  }
0x1f: {  	s11 =	simm.s32 $0x25B0;
	v4 =	vld [tilespmem:s16+$0xFFFFFF50]  }
0x20: {  	v5 =	vld [tilespmem:s16+$0xFFFFFF60];
	[tilespmem:s11+$0x0] =	vst v0  }
0x21: {  	[tilespmem:s11+$0xFFFFFF20] =	vst v1;
	v0 =	vld [tilespmem:s16+$0xFFFFFF70]  }
0x22: {  	[tilespmem:s11+$0xFFFFFF30] =	vst v2;
	v1 =	vld [tilespmem:s16+$0xFFFFFF80]  }
0x23: {  	[tilespmem:s11+$0xFFFFFF40] =	vst v3;
	v2 =	vld [tilespmem:s16+$0xFFFFFF90]  }
0x24: {  	[tilespmem:s11+$0xFFFFFF50] =	vst v4;
	v3 =	vld [tilespmem:s16+$0xFFFFFFA0]  }
0x25: {  	[tilespmem:s11+$0xFFFFFF60] =	vst v5;
	v5 =	vld [tilespmem:s16+$0xFFFFFFB0]  }
0x26: {  	[tilespmem:s11+$0xFFFFFF70] =	vst v0;
	v0 =	vld [tilespmem:s16+$0xFFFFFFC0]  }
0x27: {  	[tilespmem:s11+$0xFFFFFF80] =	vst v1;
	v1 =	vld [tilespmem:s16+$0xFFFFFFD0]  }
0x28: {  	[tilespmem:s11+$0xFFFFFF90] =	vst v2;
	v2 =	vld [tilespmem:s16+$0xFFFFFFE0]  }
0x29: {  	s15 =	simm.s32 $0x0;
	s12 =	simm.s32 $0xBF0;
	[tilespmem:s11+$0xFFFFFFA0] =	vst v3;
	v3 =	vld [tilespmem:s16+$0xFFFFFFF0]  }
0x2a: {  	s13 =	simm.s32 $0x30C0;
	s14 =	simm.s32 $0x1840;
	v4 =	vld [tilespmem:s16+$0xFFFFFF10];
	[tilespmem:s11+$0xFFFFFFB0] =	vst v5;
	s16 =	simm.s32 $0xE30  }
.LBB2_5:
0x2b: {  	v5 =	vld [tilespmem:s16+$0x0];
	s15 =	sadd.s32 $0x100, s15;
	[tilespmem:s11+$0xFFFFFFC0] =	vst v0  }
0x2c: {  	v0 =	vld [tilespmem:s16+$0xFFFFFF20];
	p1 =	slt.u32 s15, $0xB00;
	[tilespmem:s11+$0xFFFFFFD0] =	vst v1  }
0x2d: {  	v1 =	vld [tilespmem:s16+$0xFFFFFF30];
	[tilespmem:s11+$0xFFFFFFE0] =	vst v2  }
0x2e: {  	v2 =	vld [tilespmem:s16+$0xFFFFFF40];
	[tilespmem:s11+$0xFFFFFFF0] =	vst v3  }
0x2f: {  	v3 =	vld [tilespmem:s16+$0xFFFFFF50];
	[tilespmem:s11+$0xFFFFFF10] =	vst v4;
	s11 =	sadd.s32 $0x100, s11  }
0x30: {  	v4 =	vld [tilespmem:s16+$0xFFFFFF60];
	[tilespmem:s11+$0x0] =	vst v5  }
0x31: {  	[tilespmem:s11+$0xFFFFFF20] =	vst v0;
	v0 =	vld [tilespmem:s16+$0xFFFFFF70]  }
0x32: {  	[tilespmem:s11+$0xFFFFFF30] =	vst v1;
	v1 =	vld [tilespmem:s16+$0xFFFFFF80]  }
0x33: {  	[tilespmem:s11+$0xFFFFFF40] =	vst v2;
	v2 =	vld [tilespmem:s16+$0xFFFFFF90]  }
0x34: {  	[tilespmem:s11+$0xFFFFFF50] =	vst v3;
	v3 =	vld [tilespmem:s16+$0xFFFFFFA0]  }
0x35: {  	[tilespmem:s11+$0xFFFFFF60] =	vst v4;
	v5 =	vld [tilespmem:s16+$0xFFFFFFB0]  }
.Ltmp4:
0x36: {  	[tilespmem:s11+$0xFFFFFF70] =	vst v0;
	v0 =	vld [tilespmem:s16+$0xFFFFFFC0];
	(pc) =	sbr.rel @p1 .LBB2_5-.Ltmp4, $4  }
0x37: {  	[tilespmem:s11+$0xFFFFFF80] =	vst v1;
	v1 =	vld [tilespmem:s16+$0xFFFFFFD0]  }
0x38: {  	[tilespmem:s11+$0xFFFFFF90] =	vst v2;
	v2 =	vld [tilespmem:s16+$0xFFFFFFE0]  }
0x39: {  	[tilespmem:s11+$0xFFFFFFA0] =	vst v3;
	v3 =	vld [tilespmem:s16+$0xFFFFFFF0]  }
0x3a: {  	v4 =	vld [tilespmem:s16+$0xFFFFFF10];
	[tilespmem:s11+$0xFFFFFFB0] =	vst v5;
	s16 =	sadd.s32 $0x100, s16  }
0x3b: {  	[tilespmem:s11+$0xFFFFFFC0] =	vst v0  }
0x3c: {  	[tilespmem:s11+$0xFFFFFFD0] =	vst v1  }
0x3d: {  	[tilespmem:s11+$0xFFFFFFE0] =	vst v2  }
0x3e: {  	[tilespmem:s11+$0xFFFFFFF0] =	vst v3  }
0x3f: {  	[tilespmem:s11+$0xFFFFFF10] =	vst v4  }
.LBB2_7:
0x40: {  	s12 =	sadd.s32 $0x10, s12  }
0x41: {  	v0 =	vld [tilespmem:s14+$0x0];
	p1 =	slt.u32 s12, $0xC30  }
.Ltmp5:
0x42: {  	_ = 	snop;
	(pc) =	sbr.rel @p1 .LBB2_7-.Ltmp5, $2  }
0x43: {  	_ =	sdelay $0x2  }
0x44: {  	s14 =	sadd.s32 $0x10, s14;
	[tilespmem:s13+$0x0] =	vst v0;
	s13 =	sadd.s32 $0x10, s13  }
.Ltmp6:
0x45: {  	(pc) =	sbr.rel .LBB2_9-.Ltmp6, $4  }
0x46: {  	_ = 	snop  }
0x47: {  	s10 =	sshrl.u32 s10, $0x3  }
0x48: {  	s10 =	sadd.s32 s4, s10  }
0x49: {  	[hbm4b:s10+s6] =	stream.linear.scatter [tilespmem:s8], [sflag:$0x2], $0xC40, $0x38;
	[tilespmem:$0x3100] =	vst v63  }
.LBB2_2:
.Ltmp7:
0x4a: {  	(pc) =	sbr.rel .LBB2_10-.Ltmp7, $2  }
0x4b: {  	_ =	sdelay $0x2  }
0x4c: {  	[tilespmem:s7], [sflag:$0x1] =	stream.linear.gather [hbm4b:s5+s6], $0xC40, $0x38;
	[tilespmem:$0x3100] =	vst v63  }
.LBB2_11:
0x4d: {  	s2 =	simm.s32 $0x2  }
0x4e: {  	_ =	swait.ge [sflag:s2], $0xC40  }
0x4f: {  	[sflag:s2] =	ssyncset.done $0x0  }
0x50: {  	[sflag:s2] =	ssyncadd.s32 $0xFFFFF3C0  }
0x51: {  	_ =	sfence.sel $0x180000  }
0x52: {  	s3 =	simm.s32 $0x1;
	[bflag:$0x0] =	sbarrier.arrive $0xFFFF  }
0x53: {  	[sflag:s3] =	ssyncpa.u1 $0x1  }
0x54: {  	[sflag:s2] =	ssyncpa.u1 $0x1  }
0x55: {  	_ =	strace $0x90000053  }
0x56: {  	s0 =	sadd.s32 @!p0 $0x100000, s0;
	[bflag:$0x2] =	sbarrier.arrive $0xFFFF  }
0x57: {  	[sflag:s0] =	ssyncadd.tile.s32 @!p0 $0x1;
	s0 =	simm.s32 @!p0 $0x3F  }
0x58: {  	_ =	swait.ge @!p0 [sflag:s0], s1  }
0x59: {  	s1 =	ssub.s32 @!p0 $0x0, s1;
	[sflag:s0] =	ssyncset.done @!p0 $0x0  }
0x5a: {  	[sflag:s0] =	ssyncadd.s32 @!p0 s1  }
0x5b: {  	[bflag:$0x3] =	sbarrier.arrive $0xFFFF  }
0x5c: {  	_ =	shalt  }
.Lfunc_end2:
execute1_lowered:
.L_overlay_start_2:
0x5d: {  	(tag) =	ssettag $0x2  }
0x5e: {  	s0 =	rddreg [dreg:$0x0];
	s14 =	stileid.u32  }
0x5f: {  	_ =	strace $0x80000056;
	s2 =	simm.s32 $0x1;
	s1 =	smul.u32 $0x6, s14  }
0x60: {  	v1 =	vimm.s32 $0xFFFFFFFF;
	s3 =	smin.u32 s14, $0x4;
	[sflag:s2] =	ssyncpa.u1 $0x0  }
0x61: {  	[tilespmem:$0x10] =	vst v1;
	s1 =	sadd.s32 s3, s1  }
0x62: {  	v0 =	vimm.f32 $0.0e+00;
	p0 =	slt.u32 s14, $0x4;
	[tilespmem:$0x20] =	vst v1;
	s3 =	smul.u32 $0x1F40, s1;
	s1 =	simm.s32 $0xDAC0  }
0x63: {  	[tilespmem:$0x30] =	vst v0;
	s1 =	simm.s32 @!p0 $0xBB80  }
0x64: {  	[tilespmem:$0x40] =	vst v0;
	s1 =	sadd.s32 s1, s3  }
0x65: {  	[tilespmem:$0x50] =	vst v0;
	s4 =	smin.u32 s1, $0xC3500  }
0x66: {  	[tilespmem:$0x60] =	vst v1;
	s9 =	ssub.s32 s4, s3  }
0x67: {  	s7 =	simm.s32 $0x2;
	s8 =	simm.s32 $0x8;
	[tilespmem:$0x70] =	vst v1;
	p0 =	sgt.s32 s9, $0x0  }
0x68: {  	s31 =	simm.s32 $0x9;
	s16 =	simm.s32 $0x0;
	[tilespmem:$0x80] =	vst v1;
	s9 =	simm.s32 @!p0 $0x0  }
0x69: {  	s17 =	simm.s32 $0xF0;
	s18 =	simm.s32 $0xFFFFFFFF;
	v1 =	vimm.s32 $0x0;
	[tilespmem:$0xB0] =	vst v0;
	s5 =	smulhi.u32 $0x10624DD3, s9  }
0x6a: {  	s19 =	simm.s32 $0xFFFFC280;
	s20 =	simm.s32 $0xFFFFFFFE;
	s21 =	simm.s32 $0xF;
	[tilespmem:$0x90] =	vst v1  }
0x6b: {  	[tilespmem:$0xA0] =	vst v1;
	[sflag:s7] =	ssyncpa.u1 $0x0;
	s7 =	simm.s32 $0x7;
	s10 =	sshrl.u32 s5, $0x9  }
0x6c: {  	s25 =	simm.s32 $0x0;
	[sflag:s7] =	ssyncpa.u1 $0x0;
	s11 =	smul.u32 $0x1F40, s10  }
0x6d: {  	s24 =	simm.s32 $0x0;
	s6 =	sadd.s32 $0xF5FA00, s0;
	[sflag:s8] =	ssyncpa.u1 $0x0  }
.Ltmp8:
0x6e: {  	[sflag:s31] =	ssyncpa.u1 $0x0;
	p0 =	sne.s32 s9, s11;
	(pc) =	sbr.rel .LBB3_1-.Ltmp8, $4  }
0x6f: {  	s23 =	smov.u32 s3;
	s1 =	sadd.s32 $0xDA6400, s0;
	s2 =	simm.s32 @!p0 $0x0  }
0x70: {  	s5 =	sadd.s32 $0xF47200, s0;
	p0 =	por $0x0, $0x0;
	s9 =	sadd.s32 s2, s10  }
0x71: {  	vm0 =	vmmov $0xffff;
	v2 =	vlaneseq.u32;
	s10 =	sshll.u32 s14, $0x1;
	s14 =	sshllo.u32 s14, $0x1;
	s11 =	sadd.s32 $0x1, s9  }
0x72: {  	vm1 =	vmxor vm1, vm1;
	vm2 =	vmmov $0x1;
	vm3 =	vcmask $0x3F3C;
	s12 =	sadd.s32 $0x2, s9;
	s13 =	sor.u32 $0x81, s10;
	s15 =	sor.u32 $0x80, s10  }
.LBB3_9:
0x73: {  	p1 =	slt.u32 s24, $0x3  }
0x74: {  	s0 =	simm.s32 @!p1 $0x2  }
0x75: {  	_ =	swait.ge @!p1 [sflag:s0], $0x1F40  }
0x76: {  	[sflag:s0] =	ssyncset.done @!p1 $0x0  }
0x77: {  	[sflag:s0] =	ssyncadd.s32 @!p1 $0xFFFFE0C0;
	s0 =	simm.s32 @!p1 $0x9  }
0x78: {  	_ =	swait.ge @!p1 [sflag:s0], $0x10  }
0x79: {  	[sflag:s0] =	ssyncset.done @!p1 $0x0  }
0x7a: {  	[sflag:s0] =	ssyncadd.s32 @!p1 $0xFFFFFFF0;
	p1 =	sne.s32 s24, s12  }
.Ltmp9:
0x7b: {  	s2 =	sadd.s32 $0x1F40, s23;
	(pc) =	sbr.rel @!p1 .LBB3_10-.Ltmp9, $4  }
0x7c: {  	s22 =	smov.u32 s3;
	s31 =	sadd.s32 $0x1, s24;
	s17 =	sadd.s32 $0x1F40, s17  }
0x7d: {  	s18 =	sadd.s32 $0x1, s18;
	s25 =	smov.u32 s23;
	p2 =	slt.s32 s2, s4  }
0x7e: {  	p0 =	por !p0, !p0;
	s19 =	sadd.s32 $0x1F40, s19;
	s22 =	smov.u32 @p2 s2  }
0x7f: {  	s20 =	sadd.s32 $0x1, s20;
	s23 =	smov.u32 s22;
	s24 =	smov.u32 s31  }
.LBB3_1:
0x80: {  	p1 =	sge.u32 s24, s9  }
0x81: {  	s0 =	smulhi.u32 @!p1 $0xAAAAAAAB, s24;
	_ =	sdelay $0x1  }
0x82: {  	s0 =	sshrl.u32 @!p1 s0, $0x1  }
0x83: {  	s0 =	smul.u32 @!p1 $0x3, s0;
	_ =	sdelay $0x1  }
0x84: {  	s0 =	ssub.s32 @!p1 s24, s0  }
0x85: {  	s0 =	smul.u32 @!p1 $0x7D00, s0;
	_ =	sdelay $0x1  }
0x86: {  	s2 =	sshrl.u32 @!p1 s23, $0x3;
	s0 =	sshrl.u32 @!p1 s0, $0x2  }
0x87: {  	s22 =	sand.u32 @!p1 $0x7, s23;
	s2 =	sadd.s32 @!p1 s5, s2;
	s0 =	sadd.s32 @!p1 $0x100, s0  }
0x88: {  	[tilespmem:s0], [sflag:$0x7] =	stream.linear.gather @!p1 [hbm4b:s2+s22], $0x1F40, $0x38;
	[tilespmem:$0x11A60] =	vst v63  }
0x89: {  	s0 =	sadd.s32 $0xFFFFFFFF, s24  }
0x8a: {  	p1 =	sge.u32 s0, s9  }
.Ltmp10:
0x8b: {  	_ = 	snop;
	(pc) =	sbr.rel @p1 .LBB3_5-.Ltmp10, $1  }
0x8c: {  	_ =	sdelay $0x3  }
0x8d: {  	s2 =	smulhi.u32 $0xAAAAAAAB, s0;
	_ =	sdelay $0x1  }
0x8e: {  	s2 =	sshrl.u32 s2, $0x1  }
0x8f: {  	s2 =	smul.u32 $0x3, s2;
	_ =	sdelay $0x1  }
0x90: {  	s2 =	ssub.s32 s0, s2  }
0x91: {  	s2 =	smul.u32 $0x7D00, s2  }
0x92: {  	_ =	swait.ge [sflag:s7], $0x1F40  }
0x93: {  	[sflag:s7] =	ssyncset.done $0x0;
	s2 =	sshrl.u32 s2, $0x2  }
0x94: {  	[sflag:s7] =	ssyncadd.s32 $0xFFFFE0C0;
	(ifvalue) =	ssetifvalue $0xFFFFFFFF;
	v3 =	vld.msk [tilespmem:s2+$0x100 ss:$0x1], $0xffff;
	_ =	sdelay $0x2  }
0x95: {  	s30 =	smulhi.u32 $0xAAAAAAAB, s18;
	p1 =	sne.s32 s24, $0x1  }
0x96: {  	v4 =	vimm.s32 @!p1 $0x0  }
0x97: {  	s2 =	sshrl.u32 s30, $0x1;
	v4 =	vperm.xlane @!p1 v3, v4  }
0x98: {  	s22 =	sshll.u32 s24, $0x4;
	s2 =	smul.u32 $0xFFFE8900, s2;
	vm4 =	vlt.u32 v3, $0xC400  }
0x99: {  	s22 =	sand.u32 $0x10, s22;
	v3 =	vnsel vm4, $0xFFFFFFFE, v3;
	vm4 =	vlt.u32 @!p1 v4, $0xC400  }
0x9a: {  	s2 =	sshra.s32 s2, $0x2;
	[tilespmem:s22+$0x60] =	vst v3;
	v3 =	vnsel @!p1 vm4, $0xFFFFFFFE, v4  }
0x9b: {  	s28 =	sadd.s32 s2, s17;
	[tilespmem:$0x80] =	vst @!p1 v3  }
0x9c: {  	v3 =	vld.msk [tilespmem:s28+$0x0 ss:$0x1], $0xffff;
	_ =	sdelay $0x4  }
0x9d: {  	(xrf1) =	vunique.msk.u32 $0xffff, v3;
	_ =	sdelay $0xd  }
0x9e: {  	v4 =	vimm.s32 $0xFFFFFFFF;
	v5, _, _ =	vpop (xrf1)  }
0x9f: {  	vm5 =	vne.s32 v3, v4;
	vm4 =	veq.s32 v5, v2  }
0xa0: {  	vm6 =	vlt.u32 v3, $0xC400;
	vm4 =	vmand vm5, vm4  }
0xa1: {  	vm4 =	vmand vm6, vm4  }
0xa2: {  	v4 =	vnsel vm4, $0xFFFFFFFF, v3  }
0xa3: {  	s31 =	sand.u32 $0x1, s0  }
0xa4: {  	s0 =	simm.s32 $0x1F40;
	p1 =	seq.s32 s31, $0x1  }
0xa5: {  	s0 =	simm.s32 @!p1 $0x0  }
0xa6: {  	s26 =	sadd.s32 $0x7DF0, s0;
	(ifvalue) =	ssetifvalue $0xFFFFFFFF  }
0xa7: {  	v3 =	vperm.xlane v3, v1;
	[tilespmem:s26], [sflag:$0x8] =	stream.indirect_vreg.gather [hbm4b:s1+s16], $0x1, v4, vm0, $0x4038;
	v4 =	vnsel vm6, $0xFFFFFFFE, v4;
	[tilespmem:$0x11A60] =	vst v63  }
0xa8: {  	s2 =	simm.s32 $0x0;
	s22 =	sadd.s32 $0xFFFFFFF0, s28;
	[tilespmem:s28+$0x0] =	vst v4  }
.LBB3_3:
0xa9: {  	v4 =	vld.msk [tilespmem:s22+$0x0 ss:$0x1], $0xffff;
	s2 =	sadd.s32 $0x10, s2;
	v5 =	vmov v3;
	s28 =	smov.u32 s22  }
0xaa: {  	p1 =	slt.u32 s2, $0x1F30;
	_ =	sdelay $0x4  }
0xab: {  	v3 =	vperm.xlane v4, v1;
	(xrf1) =	vunique.msk.u32 $0xffff, v4;
	_ =	sdelay $0xd  }
0xac: {  	v6, _, _ =	vpop (xrf1)  }
0xad: {  	vm5 =	vne.s32 v4, v5;
	vm4 =	veq.s32 v6, v2  }
0xae: {  	vm6 =	vlt.u32 v4, $0xC400;
	vm4 =	vmand vm5, vm4  }
0xaf: {  	vm4 =	vmand vm6, vm4  }
0xb0: {  	v4 =	vnsel vm4, $0xFFFFFFFF, v4  }
.Ltmp11:
0xb1: {  	v5 =	vnsel vm6, $0xFFFFFFFE, v4;
	(pc) =	sbr.rel @p1 .LBB3_3-.Ltmp11, $3  }
0xb2: {  	_ =	sdelay $0x1  }
0xb3: {  	s22 =	sadd.s32 $0xFFFFFFF0, s22;
	s26 =	sadd.s32 $0xFFFFFFF0, s26;
	(ifvalue) =	ssetifvalue $0xFFFFFFFF  }
0xb4: {  	[tilespmem:s26], [sflag:$0x8] =	stream.indirect_vreg.gather [hbm4b:s1+s16], $0x1, v4, vm0, $0x4038;
	[tilespmem:s28+$0x0] =	vst v5  }
0xb5: {  	s2 =	sshrl.u32 s25, $0x3  }
0xb6: {  	s0 =	sadd.s32 $0x9D40, s0;
	s2 =	sadd.s32 s6, s2  }
0xb7: {  	[tilespmem:s0], [sflag:$0x8] =	stream.linear.gather [hbm:s2], $0x1F40, $0x38;
	[tilespmem:$0x11A60] =	vst v63  }
.LBB3_5:
0xb8: {  	p1 =	slt.u32 s24, $0x2  }
0xb9: {  	p2 =	sge.u32 @!p1 s24, s12  }
0xba: {  	p1 =	por p1, p2  }
.Ltmp12:
0xbb: {  	_ = 	snop;
	(pc) =	sbr.rel @p1 .LBB3_9-.Ltmp12, $1  }
0xbc: {  	_ =	sdelay $0x3  }
0xbd: {  	s0 =	sadd.s32 $0xFFFFFFFE, s24  }
0xbe: {  	s2 =	smulhi.u32 $0xAAAAAAAB, s0;
	_ =	sdelay $0x1  }
0xbf: {  	s2 =	sshrl.u32 s2, $0x1  }
0xc0: {  	s2 =	smul.u32 $0x3, s2;
	_ =	sdelay $0x1  }
0xc1: {  	s0 =	ssub.s32 s0, s2  }
0xc2: {  	_ =	swait.ge [sflag:s8], $0x3E80;
	s0 =	smul.u32 $0x1F40, s0  }
0xc3: {  	p1 =	sne.s32 s24, s11;
	[sflag:s8] =	ssyncset.done $0x0  }
0xc4: {  	[sflag:s8] =	ssyncadd.s32 $0xFFFFC180;
	s2 =	sadd.s32 @!p1 $0x203F, s0  }
0xc5: {  	[spmem:s13] =	stream.linear.scatter @!p1 [tilespmem:s2], [sflag:$0x1], $0x1, $0x38;
	[tilespmem:$0x11A60] =	vst v63  }
0xc6: {  	s2 =	simm.s32 @!p1 $0x1  }
0xc7: {  	_ =	swait.ge @!p1 [sflag:s2], $0x1  }
0xc8: {  	s22 =	sshll.u32 s24, $0x4;
	[sflag:s2] =	ssyncset.done @!p1 $0x0  }
0xc9: {  	s25 =	sand.u32 $0x10, s22;
	[sflag:s2] =	ssyncadd.s32 @!p1 $0xFFFFFFFF  }
0xca: {  	s2 =	sxor.u32 $0x10, s25;
	v4 =	vld [tilespmem:s25+$0x10]  }
0xcb: {  	v5 =	vld [tilespmem:s2+$0x60]  }
0xcc: {  	v3 =	vld [tilespmem:$0x80];
	_ =	sdelay $0x2  }
0xcd: {  	(v2sf) =	vpush v4, $0x0  }
0xce: {  	(v2sf) =	vpush v5, $0x0  }
0xcf: {  	(v2sf) =	vpush v3, $0x0;
	_ =	sdelay $0xc  }
0xd0: {  	s22 =	spop (v2sf)  }
0xd1: {  	s26 =	spop (v2sf)  }
0xd2: {  	s28 =	spop (v2sf)  }
0xd3: {  	p2 =	seq.s32 s22, s26;
	p3 =	seq.s32 s28, s22  }
0xd4: {  	p3 =	por p2, p3  }
0xd5: {  	s26 =	sand.u32 $0x1, s24;
	v4 =	vpsel p3, $0xFFFFFFFF, v4  }
0xd6: {  	s29 =	smul.u32 $0x1F40, s26;
	[tilespmem:s25+$0x10] =	vst.msk $0x1, v4  }
0xd7: {  	v4 =	vld [tilespmem:$0x30]  }
0xd8: {  	v5 =	vld [tilespmem:s29+$0x9D40]  }
0xd9: {  	v6 =	vld [tilespmem:s25+$0x40];
	_ =	sdelay $0x3  }
0xda: {  	vm4 =	vmmov vm1;
	v5 =	vadd.f32 v5, v4  }
0xdb: {  	vm5 =	vmmov vm2;
	vm4 =	vmmov @p2 vm2;
	s22 =	sshll.u32 s26, $0x4;
	v4 =	vadd.f32 v6, v4  }
0xdc: {  	s26 =	sor.u32 $0x11A40, s22;
	vm5 =	vmmov @p3 vm1;
	[tilespmem:s29+$0x9D40] =	vst.msk vm4, v5  }
0xdd: {  	[tilespmem:s26+$0x0] =	vst.msk vm5, v4  }
0xde: {  	v4 =	vld [tilespmem:s29+$0x7DF0];
	_ =	sdelay $0x3  }
0xdf: {  	v5 =	vimm.f32 $0.0e+00  }
0xe0: {  	v4 =	vshift.insert v4, v5, s21  }
0xe1: {  	s22 =	sor.u32 $0x40, s2  }
0xe2: {  	[tilespmem:s22+$0x0] =	vst.msk $0x1, v4  }
0xe3: {  	[tilespmem:s29+$0x7DFF] =	vst.msk $0x1, v5  }
0xe4: {  	v4 =	vld [tilespmem:s0+$0x2030];
	_ =	sdelay $0x1  }
0xe5: {  	s22 =	smulhi.u32 $0xAAAAAAAB, s20;
	s0 =	simm.s32 $0x1  }
0xe6: {  	s0 =	simm.s32 @!p0 $0x0  }
0xe7: {  	s22 =	sshrl.u32 s22, $0x1;
	s0 =	smul.u32 $0x7D00, s0  }
0xe8: {  	s22 =	smul.u32 $0xFFFE8900, s22;
	v4 =	vshift.insert v4, v1, s21  }
0xe9: {  	s0 =	sshrl.u32 s0, $0x2  }
0xea: {  	s22 =	sshra.s32 s22, $0x2;
	s30 =	sadd.s32 $0x9D40, s0;
	[tilespmem:s2+$0x10] =	vst.msk $0x1, v4  }
0xeb: {  	s22 =	sadd.s32 s22, s19;
	v6 =	vld [tilespmem:s30+$0x0]  }
0xec: {  	v7 =	vld [tilespmem:s22+$0x0];
	_ =	sdelay $0x3  }
0xed: {  	v5 =	vadd.f32 v6, v5  }
0xee: {  	vm4 =	vne.s32 v7, $0xFFFFFFFF  }
0xef: {  	(xrf2) =	vadd.seg.scan.f32 vm4, v5;
	_ =	sdelay $0x3  }
0xf0: {  	s31 =	sadd.s32 $0x5EC0, s0;
	v5 =	vperm.xlane v4, v1  }
0xf1: {  	v6 =	vld [tilespmem:s31+$0x0]  }
0xf2: {  	vm5 =	veq.s32 v7, v3;
	vm6 =	veq.s32 v7, v5  }
0xf3: {  	vm7 =	vgt.u32 v7, $0xFFFFFFFD;
	vm6 =	vmor vm6, vm5  }
0xf4: {  	vm6 =	vmor vm6, vm7  }
0xf5: {  	v9 =	vld [tilespmem:$0xA0];
	v7 =	vsel vm6, $0xFFFFFFFF, v7  }
0xf6: {  	v10 =	vld [tilespmem:$0x90];
	v6 =	vsel vm5, $0x0, v6;
	v8, _, _ =	vpop (xrf2)  }
0xf7: {  	v6 =	vadd.f32 v8, v6  }
0xf8: {  	s0 =	sadd.s32 $0xDBC0, s0  }
0xf9: {  	vm4 =	vmand vm4, vm3;
	[tilespmem:s0+$0x0] =	vst v6;
	(ifvalue) =	ssetifvalue $0xFFFFFFFF  }
0xfa: {  	vm6 =	veq.s32 v9, $0x1;
	[hbm4b:s1+s16] =	stream.indirect_vreg.scatter [tilespmem:s0], [sflag:$0x2], $0x1, v7, vm0, $0x4038;
	v7 =	vsel vm4, $0x0, v8;
	[tilespmem:$0x11A60] =	vst v63  }
0xfb: {  	s2 =	simm.s32 $0x0;
	s22 =	sadd.s32 $0x10, s22;
	vm4 =	vmor vm6, vm5;
	v6 =	vsel vm5, v8, v10;
	v7 =	vshift.insert v7, v0, s21  }
.LBB3_7:
0xfc: {  	v8 =	vld [tilespmem:s22+$0x0];
	s30 =	sadd.s32 $0x10, s30  }
0xfd: {  	s31 =	sadd.s32 $0x10, s31;
	v9 =	vld [tilespmem:s30+$0x0]  }
0xfe: {  	s2 =	sadd.s32 $0x10, s2;
	v10 =	vld [tilespmem:s31+$0x0]  }
0xff: {  	p2 =	slt.u32 s2, $0x1F30;
	_ =	sdelay $0x2  }
0x100: {  	v7 =	vadd.f32 v9, v7  }
0x101: {  	vm5 =	vne.s32 v8, $0xFFFFFFFF  }
0x102: {  	vm6 =	vmand vm5, vm3;
	(xrf2) =	vadd.seg.scan.f32 vm5, v7;
	_ =	sdelay $0x5  }
0x103: {  	vm7 =	veq.s32 v8, v5;
	vm5 =	veq.s32 v8, v3  }
0x104: {  	vm8 =	vgt.u32 v8, $0xFFFFFFFD;
	vm4 =	vmor vm4, vm5;
	vm7 =	vmor vm7, vm5  }
0x105: {  	vm7 =	vmor vm7, vm8  }
0x106: {  	v8 =	vsel vm7, $0xFFFFFFFF, v8  }
.Ltmp13:
0x107: {  	v7 =	vsel vm5, $0x0, v10;
	v9, _, _ =	vpop (xrf2);
	(pc) =	sbr.rel @p2 .LBB3_7-.Ltmp13, $4  }
0x108: {  	v6 =	vsel vm5, v9, v6;
	v10 =	vadd.f32 v9, v7;
	v7 =	vsel vm6, $0x0, v9  }
0x109: {  	s0 =	sadd.s32 $0x10, s0;
	v7 =	vshift.insert v7, v0, s21  }
0x10a: {  	s22 =	sadd.s32 $0x10, s22;
	[tilespmem:s0+$0x0] =	vst v10;
	(ifvalue) =	ssetifvalue $0xFFFFFFFF  }
0x10b: {  	[hbm4b:s1+s16] =	stream.indirect_vreg.scatter [tilespmem:s0], [sflag:$0x2], $0x1, v8, vm0, $0x4038;
	[tilespmem:$0x11A60] =	vst v63  }
0x10c: {  	v3 =	vld [tilespmem:s29+$0xFAF0];
	_ =	sdelay $0x4  }
0x10d: {  	v3 =	vshift.insert v3, v0, s21  }
0x10e: {  	s0 =	simm.s32 $0x30  }
0x10f: {  	[tilespmem:s0+$0x0] =	vst.msk $0x1, v3  }
0x110: {  	v3 =	vsel vm4, $0x1, v1;
	[tilespmem:$0x90] =	vst v6  }
0x111: {  	s0 =	sadd.s32 @!p1 $0xFAFF, s29;
	[tilespmem:$0xA0] =	vst v3  }
0x112: {  	[spmem:s14] =	stream.linear.scatter @!p1 [tilespmem:s0], [sflag:$0x1], $0x1, $0x38;
	[tilespmem:$0x11A60] =	vst v63  }
0x113: {  	s0 =	simm.s32 @!p1 $0x1  }
0x114: {  	v3 =	vmctz.xlane @!p1 vm4;
	_ =	swait.ge @!p1 [sflag:s0], $0x1  }
0x115: {  	(v2sf) =	vpush @!p1 v4, $0x0  }
0x116: {  	(v2sf) =	vpush @!p1 v3, $0x0;
	_ =	sdelay $0xd  }
0x117: {  	s2 =	spop @!p1 (v2sf)  }
0x118: {  	s22 =	spop @!p1 (v2sf)  }
0x119: {  	p2 =	sne.s32 @!p1 s28, s2;
	p3 =	slt.s32 @!p1 s22, $0xF  }
0x11a: {  	[sflag:s0] =	ssyncset.done @!p1 $0x0;
	p2 =	por p2, p1;
	p3 =	por !p3, p1  }
0x11b: {  	[sflag:s0] =	ssyncadd.s32 @!p1 $0xFFFFFFFF;
	v3 =	vimm.s32 @!p2 $0xFFFFFFFF;
	s22 =	simm.s32 @p3 $0xF  }
0x11c: {  	[tilespmem:$0x80] =	vst @!p2 v3;
	s2 =	sadd.s32 @!p1 $0x90, s22  }
0x11d: {  	[spmem:s10] =	stream.linear.scatter @!p1 [tilespmem:s2], [sflag:$0x1], $0x1, $0x38;
	[tilespmem:$0x11A60] =	vst v63  }
0x11e: {  	_ =	swait.ge @!p1 [sflag:s0], $0x1  }
0x11f: {  	[sflag:s0] =	ssyncset.done @!p1 $0x0  }
0x120: {  	s2 =	simm.s32 @!p1 $0x80;
	[sflag:s0] =	ssyncadd.s32 @!p1 $0xFFFFFFFF  }
0x121: {  	[spmem:s15] =	stream.linear.scatter @!p1 [tilespmem:s2], [sflag:$0x1], $0x1, $0x38;
	[tilespmem:$0x11A60] =	vst v63  }
0x122: {  	_ =	swait.ge @!p1 [sflag:s0], $0x1  }
0x123: {  	[sflag:s0] =	ssyncset.done @!p1 $0x0  }
0x124: {  	[sflag:s0] =	ssyncadd.s32 @!p1 $0xFFFFFFFF;
	(ifvalue) =	ssetifvalue $0xFFFFFFFF;
	v3 =	vld [tilespmem:s25+$0x10];
	_ =	sdelay $0x3  }
.Ltmp14:
0x125: {  	_ = 	snop;
	(pc) =	sbr.rel .LBB3_9-.Ltmp14, $3  }
0x126: {  	_ =	sdelay $0x1  }
0x127: {  	(ifvalue) =	ssetifvalue $0xFFFFFFFF  }
0x128: {  	[hbm4b:s1+s16] =	stream.indirect_vreg.scatter [tilespmem:s26], [sflag:$0x9], $0x1, v3, vm0, $0x4038;
	[tilespmem:$0x11A60] =	vst v63  }
.LBB3_10:
0x129: {  	_ =	sfence.sel $0x180000  }
0x12a: {  	s0 =	simm.s32 $0x7;
	[bflag:$0x0] =	sbarrier.arrive $0xFFFF  }
0x12b: {  	s26 =	simm.s32 $0x8;
	[sflag:s0] =	ssyncpa.u1 $0x1  }
0x12c: {  	s28 =	simm.s32 $0x9;
	[sflag:s26] =	ssyncpa.u1 $0x1  }
0x12d: {  	[sflag:s28] =	ssyncpa.u1 $0x1  }
0x12e: {  	_ =	sfence.stream.spmem  }
0x12f: {  	s29 =	simm.s32 $0x3;
	[bflag:$0x0] =	sbarrier.arrive $0xFFFF  }
0x130: {  	s30 =	simm.s32 $0x4;
	[sflag:s29] =	ssyncpa.u1 $0x1  }
0x131: {  	s31 =	simm.s32 $0x3C;
	s2 =	stileid.u32;
	[sflag:s30] =	ssyncpa.u1 $0x1  }
0x132: {  	p0 =	sne.s32 s2, $0x0;
	[sflag:s31] =	ssyncpa.u1 $0x1  }
0x133: {  	s0 =	simm.s32 @p0 $0x1;
	_ =	sfence @p0  }
0x134: {  	[sflag:s0] =	ssyncpa.u1 @p0 $0x1;
	s0 =	simm.s32 @p0 $0x2  }
0x135: {  	[sflag:s0] =	ssyncpa.u1 @p0 $0x1  }
0x136: {  	_ =	strace @p0 $0x90000056  }
0x137: {  	[bflag:$0x2] =	sbarrier.arrive @p0 $0xFFFF  }
0x138: {  	_ =	shalt @p0  }
.LBB3_11:
0x139: {  	_ =	sfence.stream.spmem;
	s0 =	simm.s32 $0x5  }
0x13a: {  	s2 =	simm.s32 $0x80;
	s3 =	simm.s32 $0xC0;
	[sflag:s0] =	ssyncpa.u1 $0x0  }
0x13b: {  	[tilespmem:s3], [sflag:$0x5] =	stream.linear.gather [spmem:s2], $0x20, $0x38;
	[tilespmem:$0x11A60] =	vst v63  }
0x13c: {  	s2 =	simm.s32 $0x0;
	s3 =	simm.s32 $0xE0  }
0x13d: {  	[tilespmem:s3], [sflag:$0x5] =	stream.linear.gather [spmem:s2], $0x20, $0x38;
	[tilespmem:$0x11A60] =	vst v63  }
.Ltmp15:
0x13e: {  	_ = 	snop;
	(pc) =	sbr.rel .LBB3_12-.Ltmp15, $4  }
0x13f: {  	_ =	swait.ge [sflag:s0], $0x40  }
0x140: {  	[sflag:s0] =	ssyncset.done $0x0  }
0x141: {  	s31 =	simm.s32 $0x6;
	[sflag:s0] =	ssyncadd.s32 $0xFFFFFFC0  }
0x142: {  	s4 =	simm.s32 $0x0;
	[sflag:s31] =	ssyncpa.u1 $0x0  }
.LBB3_17:
0x143: {  	p0 =	sgt.u32 s5, $0xC3FF  }
0x144: {  	s0 =	sshrl.u32 @!p0 s5, $0x3  }
0x145: {  	s5 =	sand.u32 @!p0 $0x7, s5;
	s6 =	simm.s32 @!p0 $0xB0;
	s0 =	sadd.s32 @!p0 s1, s0  }
0x146: {  	[tilespmem:s6], [sflag:$0x6] =	stream.linear.gather @!p0 [hbm4b:s0+s5], $0x1, $0x38;
	[tilespmem:$0x11A60] =	vst v63  }
0x147: {  	s0 =	simm.s32 @!p0 $0x6  }
0x148: {  	_ =	swait.ge @!p0 [sflag:s0], $0x1  }
0x149: {  	[sflag:s0] =	ssyncset.done @!p0 $0x0  }
0x14a: {  	[sflag:s0] =	ssyncadd.s32 @!p0 $0xFFFFFFFF  }
0x14b: {  	v2 =	vmov @!p0 s4;
	v1 =	vld.msk @!p0 [tilespmem:$0xB0], $0x1;
	_ =	sdelay $0x3  }
0x14c: {  	s0 =	simm.s32 @!p0 $0xE0  }
0x14d: {  	[tilespmem:v2+s0+$0x0], v1 =	vst.idx.ret.add.f32.msk @!p0 $0x1, v1  }
0x14e: {  	[tilespmem:s2+$0xC0] =	vst.msk $0x1, v0  }
0x14f: {  	v0 =	vld.msk [tilespmem:s4+$0xE0], $0x1;
	_ =	sdelay $0x4  }
0x150: {  	[tilespmem:s2+$0xE0] =	vst.msk $0x1, v0;
	s2 =	sadd.s32 $0x1, s2  }
.LBB3_19:
0x151: {  	s4 =	sadd.s32 $0x1, s4  }
0x152: {  	p0 =	sne.s32 s4, $0x20  }
.Ltmp16:
0x153: {  	_ = 	snop;
	(pc) =	sbr.rel @!p0 .LBB3_20-.Ltmp16, $1  }
0x154: {  	_ =	sdelay $0x3  }
.LBB3_12:
0x155: {  	v0 =	vld.msk [tilespmem:s4+$0xC0], $0x1;
	_ =	sdelay $0x4  }
0x156: {  	(v2sf) =	vpush v0, $0x0;
	_ =	sdelay $0xe  }
0x157: {  	s5 =	spop (v2sf)  }
0x158: {  	p0 =	seq.s32 s5, $0xFFFFFFFF  }
.Ltmp17:
0x159: {  	_ = 	snop;
	(pc) =	sbr.rel @p0 .LBB3_19-.Ltmp17, $1  }
0x15a: {  	_ =	sdelay $0x3  }
0x15b: {  	p0 =	slt.s32 s2, $0x1  }
.Ltmp18:
0x15c: {  	_ = 	snop;
	(pc) =	sbr.rel @p0 .LBB3_17-.Ltmp18, $1  }
0x15d: {  	_ =	sdelay $0x3  }
0x15e: {  	s0 =	simm.s32 $0xC0;
	p0 =	por $0x0, $0x0  }
0x15f: {  	v1 =	vld.msk @!p0 [tilespmem:s0+$0x0], $0x1;
	_ =	sdelay $0x4  }
0x160: {  	(v2sf) =	vpush @!p0 v1, $0x0;
	_ =	sdelay $0xd  }
0x161: {  	p2 =	sne.s32 s2, $0x1  }
.Ltmp19:
0x162: {  	s6 =	spop @!p0 (v2sf);
	(pc) =	sbr.rel @!p2 .LBB3_16-.Ltmp19, $4  }
0x163: {  	p1 =	seq.s32 @!p0 s5, s6  }
0x164: {  	s6 =	simm.s32 $0x0;
	p1 =	por !p1, p0  }
0x165: {  	s8 =	simm.s32 $0xFFFFFFFF;
	s6 =	simm.s32 @p1 $0xFFFFFFFF  }
0x166: {  	s7 =	simm.s32 $0x1;
	s6 =	smov.u32 @p0 s8  }
.LBB3_15:
0x167: {  	s8 =	smov.u32 s6;
	p0 =	sne.s32 s6, $0xFFFFFFFF  }
0x168: {  	s0 =	sadd.s32 $0x1, s0;
	s6 =	smov.u32 s7;
	s7 =	sadd.s32 $0x1, s7  }
0x169: {  	p1 =	sne.s32 s2, s7;
	v1 =	vld.msk @!p0 [tilespmem:s0+$0x0], $0x1;
	_ =	sdelay $0x4  }
0x16a: {  	(v2sf) =	vpush @!p0 v1, $0x0;
	_ =	sdelay $0xe  }
.Ltmp20:
0x16b: {  	s9 =	spop @!p0 (v2sf);
	(pc) =	sbr.rel @p1 .LBB3_15-.Ltmp20, $4  }
0x16c: {  	p2 =	seq.s32 @!p0 s5, s9  }
0x16d: {  	p2 =	por !p2, p0  }
0x16e: {  	s6 =	simm.s32 @p2 $0xFFFFFFFF  }
0x16f: {  	s6 =	smov.u32 @p0 s8  }
.LBB3_16:
0x170: {  	p0 =	sne.s32 s6, $0xFFFFFFFF  }
.Ltmp21:
0x171: {  	_ = 	snop;
	(pc) =	sbr.rel @!p0 .LBB3_17-.Ltmp21, $1  }
0x172: {  	_ =	sdelay $0x3  }
0x173: {  	v0 =	vld.msk [tilespmem:s4+$0xE0], $0x1;
	v1 =	vmov s6  }
.Ltmp22:
0x174: {  	_ = 	snop;
	(pc) =	sbr.rel .LBB3_19-.Ltmp22, $2  }
0x175: {  	_ =	sdelay $0x2  }
0x176: {  	[tilespmem:v1+s3+$0x0], v0 =	vst.idx.ret.add.f32.msk $0x1, v0  }
.LBB3_20:
0x177: {  	p0 =	slt.s32 s2, $0x1  }
.Ltmp23:
0x178: {  	_ = 	snop;
	(pc) =	sbr.rel @p0 .LBB3_24-.Ltmp23, $3  }
0x179: {  	_ =	sdelay $0x1  }
0x17a: {  	s0 =	simm.s32 $0x6  }
0x17b: {  	s3 =	simm.s32 $0x0;
	[sflag:s0] =	ssyncpa.u1 $0x1  }
0x17c: {  	s0 =	simm.s32 $0xC0  }
0x17d: {  	v0 =	vld.msk [tilespmem:s0+$0x0], $0x1;
	_ =	sdelay $0x4  }
0x17e: {  	(v2sf) =	vpush v0, $0x0;
	_ =	sdelay $0xe  }
0x17f: {  	s2 =	sadd.s32 $0xFFFFFFFF, s2;
	s4 =	spop (v2sf)  }
0x180: {  	p1 =	sne.s32 s2, $0x0;
	p0 =	sgt.u32 s4, $0xC3FF  }
.Ltmp24:
0x181: {  	s5 =	sshrl.u32 @!p0 s4, $0x3;
	(pc) =	sbr.rel @!p1 .LBB3_23-.Ltmp24, $4  }
0x182: {  	s0 =	simm.s32 $0xE0;
	s4 =	sand.u32 @!p0 $0x7, s4;
	s5 =	sadd.s32 @!p0 s1, s5  }
0x183: {  	[hbm4b:s5+s4] =	stream.linear.scatter @!p0 [tilespmem:s0], [sflag:$0x5], $0x1, $0x38;
	[tilespmem:$0x11A60] =	vst v63  }
0x184: {  	s5 =	simm.s32 $0x0  }
0x185: {  	s4 =	simm.s32 $0xC1;
	s5 =	simm.s32 @!p0 $0x4  }
.LBB3_22:
0x186: {  	v0 =	vld.msk [tilespmem:s4+$0x0], $0x1;
	s2 =	sadd.s32 $0xFFFFFFFF, s2;
	s3 =	sadd.s32 s3, s5  }
0x187: {  	p0 =	sne.s32 s2, $0x0;
	_ =	sdelay $0x3  }
0x188: {  	(v2sf) =	vpush v0, $0x0;
	_ =	sdelay $0xe  }
.Ltmp25:
0x189: {  	s6 =	spop (v2sf);
	(pc) =	sbr.rel @p0 .LBB3_22-.Ltmp25, $4  }
0x18a: {  	s5 =	simm.s32 $0x0;
	p1 =	sgt.u32 s6, $0xC3FF  }
0x18b: {  	s0 =	sadd.s32 $0x1, s0;
	s5 =	simm.s32 @!p1 $0x4;
	s7 =	sshrl.u32 @!p1 s6, $0x3  }
0x18c: {  	s4 =	sadd.s32 $0x1, s4;
	s6 =	sand.u32 @!p1 $0x7, s6;
	s7 =	sadd.s32 @!p1 s1, s7  }
0x18d: {  	[hbm4b:s7+s6] =	stream.linear.scatter @!p1 [tilespmem:s0], [sflag:$0x5], $0x1, $0x38;
	[tilespmem:$0x11A60] =	vst v63  }
.LBB3_23:
0x18e: {  	s0 =	sadd.s32 s3, s5  }
0x18f: {  	s3 =	sshrl.u32 s0, $0x2  }
.LBB3_24:
0x190: {  	s0 =	simm.s32 $0x5  }
0x191: {  	_ =	swait.ge [sflag:s0], s3  }
0x192: {  	s1 =	ssub.s32 $0x0, s3;
	[sflag:s0] =	ssyncset.done $0x0  }
0x193: {  	[sflag:s0] =	ssyncadd.s32 s1  }
0x194: {  	[sflag:s0] =	ssyncpa.u1 $0x1  }
0x195: {  	s29 =	simm.s32 $0x1;
	_ =	sfence  }
0x196: {  	s30 =	simm.s32 $0x2;
	[sflag:s29] =	ssyncpa.u1 $0x1  }
0x197: {  	[sflag:s30] =	ssyncpa.u1 $0x1  }
0x198: {  	_ =	strace $0x90000056  }
0x199: {  	[bflag:$0x2] =	sbarrier.arrive $0xFFFF  }
0x19a: {  	s31 =	rddreg [dreg:$0x1]  }
0x19b: {  	s0 =	sadd.s32 $0x100000, s31  }
0x19c: {  	[sflag:s0] =	ssyncadd.tile.s32 $0x1;
	_ =	shalt  }
.Lfunc_end3:
_tile_overlayer_lowered:
.L_overlay_start_3:
0x19d: {  	(tag) =	ssettag $0x3  }
0x19e: {  	s0 =	rddreg [dreg:$0x0];
	s2 =	stileid.u32  }
0x19f: {  	s1 =	rddreg [dreg:$0x1];
	p0 =	sne.s32 s2, $0x0  }
0x1a0: {  	s3 =	rddreg [dreg:$0x2];
	[bflag:$0x3] =	sbarrier.arrive $0xFFFF;
	s2 =	simm.s32 @!p0 $0x1C01  }
0x1a1: {  	[timem:s3], [sflag:s2] =	dma.local @!p0 [hbm:s0], s1  }
0x1a2: {  	s0 =	simm.s32 @!p0 $0x1  }
0x1a3: {  	_ =	swait.ge @!p0 [sflag:s0], s1  }
0x1a4: {  	s1 =	ssub.s32 @!p0 $0x0, s1;
	[sflag:s0] =	ssyncset.done @!p0 $0x0  }
0x1a5: {  	[sflag:s0] =	ssyncadd.s32 @!p0 s1  }
0x1a6: {  	[bflag:$0x3] =	sbarrier.arrive $0xFFFF  }
0x1a7: {  	_ =	shalt  }

// kernel: scatter_offload_async_start.4
scs
__scs_entry_jumppad:
0x0: {  	(pc) =	sbr.rel $0x88, $3  }
0x1: {  	(tag) =	ssettag $0x0;
	lr =	simm.s32 $0x1  }
0x2: {  	[smem:$0x3F80] =	sst lr;
	_ =	strace $0xD0000000  }
0x3: {  	_ = 	snop  }
0x4: {  	_ = 	snop  }
0x5: {  	_ = 	snop  }
0x6: {  	_ = 	snop  }
0x7: {  	_ = 	snop  }
__scs_overlays_trampoline_lowered:
0x8: {  	[smem:$0x3F8F] =	sst s0  }
0x9: {  	[smem:$0x3F90] =	sst s1  }
0xa: {  	[smem:$0x3F91] =	sst s2  }
0xb: {  	[smem:$0x3F92] =	sst s3  }
0xc: {  	[smem:$0x3F93] =	sst s4  }
0xd: {  	[smem:$0x3F94] =	sst s5  }
0xe: {  	[smem:$0x3F95] =	sst s6  }
0xf: {  	[smem:$0x3F96] =	sst s7  }
0x10: {  	[smem:$0x3F97] =	sst s8  }
0x11: {  	[smem:$0x3F98] =	sst s9;
	s0 =	simm.s32 @!p0 $0x0  }
0x12: {  	s1 =	sld [smem:$0x3F7E];
	s0 =	simm.s32 @p0 $0x1  }
0x13: {  	[smem:$0x3F99] =	sst s0;
	s0 =	simm.s32 @!p1 $0x0  }
0x14: {  	s2 =	sld [smem:$0x3F7D];
	s0 =	simm.s32 @p1 $0x1  }
0x15: {  	[smem:$0x3F9A] =	sst s0;
	s0 =	simm.s32 @!p2 $0x0  }
0x16: {  	s3 =	sld [smem:$0x3FDB];
	s0 =	simm.s32 @p2 $0x1  }
0x17: {  	s4 =	simm.s32 $0x1BF5;
	[smem:$0x3F9C] =	sst s0  }
0x18: {  	s0 =	sld [smem:$0x3F7F];
	_ =	swait.ge [sflag:s4], $0x0  }
0x19: {  	s7 =	sld [smem:$0x3F80]  }
0x1a: {  	s8 =	sadd.s32 $0xFFFFE003, lr  }
0x1b: {  	s9 =	sadd.s32 $0xFFFFFEF7, lr;
	s5 =	simm.s32 $0xFFFFFFFF;
	p2 =	slt.u32 s8, $0xFFFFF086  }
0x1c: {  	p1 =	slt.u32 s9, $0xF7A;
	s5 =	simm.s32 @!p2 $0x0  }
0x1d: {  	s5 =	simm.s32 @p1 $0x1;
	p0 =	seq.s32 s7, s2  }
0x1e: {  	s7 =	smul.u32 @!p0 $0xF7A, s2;
	p2 =	seq.s32 @!p0 s5, $0x0  }
0x1f: {  	s9 =	smul.u32 $0xF7A, s1;
	s8 =	simm.s32 @!p0 $0x1BF5;
	p2 =	por !p2, p0  }
0x20: {  	[sflag:s8] =	ssyncset.s32 @!p0 $0xFFFFF086;
	s6 =	sadd.s32 @!p0 s3, s7;
	s7 =	simm.s32 @!p0 $0x108  }
0x21: {  	s3 =	sadd.s32 s3, s9;
	s6 =	sadd.s32 @!p0 $0x88, s6;
	s7 =	simm.s32 @p2 $0x1082  }
0x22: {  	[simem:s7], [sflag:s8] =	dma.local @!p0 [hbm:s6], $0xF7A  }
0x23: {  	s9 =	sor.u32 $0xD0000000, s2;
	s6 =	simm.s32 $0x108;
	_ =	swait.ge @!p0 [sflag:s8], $0x0  }
0x24: {  	s3 =	sadd.s32 $0x88, s3;
	s6 =	simm.s32 @!p1 $0x1082;
	[sflag:s4] =	ssyncset.s32 $0xFFFFF086  }
0x25: {  	[simem:s6], [sflag:s4] =	dma.local [hbm:s3], $0xF7A  }
0x26: {  	[smem:$0x3F80] =	sst s1;
	(tag) =	ssettag s2;
	_ =	strace s9  }
0x27: {  	s1 =	sld [smem:$0x3F90]  }
0x28: {  	s2 =	sld [smem:$0x3F91]  }
0x29: {  	s4 =	sld [smem:$0x3F93]  }
0x2a: {  	p0 =	seq.s32 s5, $0x0;
	s5 =	sld [smem:$0x3F94]  }
0x2b: {  	s6 =	sld [smem:$0x3F95]  }
0x2c: {  	s7 =	sld [smem:$0x3F96]  }
0x2d: {  	s3 =	simm.s32 $0x108;
	s8 =	sld [smem:$0x3F97]  }
0x2e: {  	s3 =	simm.s32 @!p0 $0x1082;
	s9 =	sld [smem:$0x3F98]  }
0x2f: {  	lr =	sadd.s32 s0, s3;
	s0 =	sld [smem:$0x3F8F]  }
0x30: {  	s3 =	sld [smem:$0x3F92]  }
0x31: {  	[smem:$0x3F9B] =	sst s10  }
0x32: {  	s10 =	sld [smem:$0x3F99];
	_ =	sdelay $0x3  }
0x33: {  	p0 =	seq.s32 s10, $0x1;
	s10 =	sld [smem:$0x3F9B];
	_ =	sdelay $0x3  }
0x34: {  	[smem:$0x3F9B] =	sst s10  }
0x35: {  	s10 =	sld [smem:$0x3F9A];
	_ =	sdelay $0x3  }
0x36: {  	p1 =	seq.s32 s10, $0x1;
	s10 =	sld [smem:$0x3F9B];
	_ =	sdelay $0x3  }
0x37: {  	[smem:$0x3F9B] =	sst s10  }
0x38: {  	s10 =	sld [smem:$0x3F9C]  }
0x39: {  	_ = 	snop;
	(pc) =	sbr.ind lr, $3  }
0x3a: {  	_ = 	snop  }
0x3b: {  	_ = 	snop  }
0x3c: {  	p2 =	seq.s32 s10, $0x1;
	s10 =	sld [smem:$0x3F9B]  }
0x3d: {  	_ =	shalt  }
0x3e: {  	_ =	shalt  }
0x3f: {  	_ =	shalt  }
0x40: {  	_ =	shalt  }
0x41: {  	_ =	shalt  }
0x42: {  	_ =	shalt  }
0x43: {  	_ =	shalt  }
0x44: {  	_ =	shalt  }
0x45: {  	_ =	shalt  }
0x46: {  	_ =	shalt  }
0x47: {  	_ =	shalt  }
0x48: {  	_ =	shalt  }
0x49: {  	_ =	shalt  }
0x4a: {  	_ =	shalt  }
0x4b: {  	_ =	shalt  }
0x4c: {  	_ =	shalt  }
0x4d: {  	_ =	shalt  }
0x4e: {  	_ =	shalt  }
0x4f: {  	_ =	shalt  }
0x50: {  	_ =	shalt  }
0x51: {  	_ =	shalt  }
0x52: {  	_ =	shalt  }
0x53: {  	_ =	shalt  }
0x54: {  	_ =	shalt  }
0x55: {  	_ =	shalt  }
0x56: {  	_ =	shalt  }
0x57: {  	_ =	shalt  }
0x58: {  	_ =	shalt  }
0x59: {  	_ =	shalt  }
0x5a: {  	_ =	shalt  }
0x5b: {  	_ =	shalt  }
0x5c: {  	_ =	shalt  }
0x5d: {  	_ =	shalt  }
0x5e: {  	_ =	shalt  }
0x5f: {  	_ =	shalt  }
0x60: {  	_ =	shalt  }
0x61: {  	_ =	shalt  }
0x62: {  	_ =	shalt  }
0x63: {  	_ =	shalt  }
0x64: {  	_ =	shalt  }
0x65: {  	_ =	shalt  }
0x66: {  	_ =	shalt  }
0x67: {  	_ =	shalt  }
0x68: {  	_ =	shalt  }
0x69: {  	_ =	shalt  }
0x6a: {  	_ =	shalt  }
0x6b: {  	_ =	shalt  }
0x6c: {  	_ =	shalt  }
0x6d: {  	_ =	shalt  }
0x6e: {  	_ =	shalt  }
0x6f: {  	_ =	shalt  }
0x70: {  	_ =	shalt  }
0x71: {  	_ =	shalt  }
0x72: {  	_ =	shalt  }
0x73: {  	_ =	shalt  }
0x74: {  	_ =	shalt  }
0x75: {  	_ =	shalt  }
0x76: {  	_ =	shalt  }
0x77: {  	_ =	shalt  }
0x78: {  	_ =	shalt  }
0x79: {  	_ =	shalt  }
0x7a: {  	_ =	shalt  }
0x7b: {  	_ =	shalt  }
0x7c: {  	_ =	shalt  }
0x7d: {  	_ =	shalt  }
0x7e: {  	_ =	shalt  }
0x7f: {  	_ =	shalt  }
0x80: {  	_ =	shalt  }
0x81: {  	_ =	shalt  }
0x82: {  	_ =	shalt  }
0x83: {  	_ =	shalt  }
0x84: {  	_ =	shalt  }
0x85: {  	_ =	shalt  }
0x86: {  	_ =	shalt  }
0x87: {  	_ =	shalt  }
.Lfunc_end0:
.L_simem_size_0:
called_computation.4_lowered:
.L_overlay_start_0:
0x88: {  	s2 =	sld [smem:$0x3FD9]  }
0x89: {  	s3 =	sld [smem:$0x3FFE];
	_ =	sdelay $0x1  }
0x8a: {  	s1 =	srdreg.scid  }
0x8b: {  	s0 =	sand.u32 $0x1, s1  }
0x8c: {  	s17 =	sshll.u32 s0, $0xA;
	s2 =	sadd.s32 s3, s2  }
0x8d: {  	s2 =	sadd.s32 s2, s17  }
0x8e: {  	[smem:$0x3FA7] =	sst s2  }
0x8f: {  	_ = 	snop  }
0x90: {  	(tm) =	ssettm $0x1  }
0x91: {  	s18 =	sld [smem:$0x3FFB];
	_ =	sdelay $0x3  }
0x92: {  	_ =	strace s18  }
0x93: {  	s2 =	sld [smem:$0x3FFC];
	_ =	sdelay $0x3  }
0x94: {  	_ =	strace s2  }
0x95: {  	s2 =	sld [smem:$0x3FFD];
	_ =	sdelay $0x3  }
0x96: {  	_ =	strace s2  }
0x97: {  	_ =	strace $0x8FFFFFFF  }
0x98: {  	s19 =	sld [smem:$0x3FDB];
	_ =	sdelay $0x1  }
0x99: {  	s20 =	simm.s32 $_scs_section_size  }
0x9a: {  	s4 =	simm.s32 $_size__tile_overlayer_lowered;
	s5 =	simm.s32 $_tile_overlayer_lowered  }
0x9b: {  	s6 =	simm.s32 $0x1BFF;
	s21 =	sshll.u32 s5, $0x1;
	s3 =	sadd.s32 s20, s19  }
0x9c: {  	s22 =	simm.s32 $0x0;
	s4 =	sshll.u32 s4, $0x1;
	s5 =	sadd.s32 s21, s3  }
0x9d: {  	[timem:s22], [sflag:s6] =	dma.local [hbm:s5], s4  }
0x9e: {  	_ =	swait.ge [sflag:s6], s4  }
0x9f: {  	s4 =	ssub.s32 $0x0, s4;
	[sflag:s6] =	ssyncset.done $0x0  }
0xa0: {  	[sflag:s6] =	ssyncadd.s32 s4;
	_ =	sdelay $0x1  }
0xa1: {  	s23 =	simm.s32 $0x1B8B  }
0xa2: {  	_ =	swait.ge [sflag:s23], $0x1  }
0xa3: {  	[sflag:s23] =	ssyncset.done $0x0  }
0xa4: {  	[sflag:s23] =	ssyncadd.s32 $0xFFFFFFFF  }
0xa5: {  	s4 =	sld [smem:$0x0]  }
0xa6: {  	s5 =	sand.u32 $0xFFFFFFFE, s1  }
0xa7: {  	p0 =	sne.s32 s1, s5  }
0xa8: {  	s5 =	sshll.u32 @p0 s5, $0xE  }
0xa9: {  	s5 =	sadd.s32 @p0 $0x11B8D, s5;
	s6 =	sshll.u32 @p0 s4, $0x11  }
0xaa: {  	s5 =	sor.u32 @p0 s6, s5  }
0xab: {  	[sflag:s5] =	ssyncadd.remote.s32 @p0 $0x1;
	_ =	sdelay $0x1  }
0xac: {  	s5 =	simm.s32 @p0 $0x1B8D  }
0xad: {  	_ =	swait.eq @p0 [sflag:s5], $0x1  }
0xae: {  	[sflag:s5] =	ssyncadd.s32 @p0 $0xFFFFFFFF  }
0xaf: {  	s6 =	sshll.u32 @!p0 s1, $0xE  }
0xb0: {  	s6 =	sor.u32 @!p0 $0x4000, s6;
	s5 =	simm.s32 @!p0 $0x1B8D  }
0xb1: {  	s7 =	sshll.u32 @!p0 s4, $0x11;
	s6 =	sadd.s32 @!p0 $0x11B8D, s6;
	_ =	swait.eq @!p0 [sflag:s5], $0x1  }
0xb2: {  	[sflag:s5] =	ssyncadd.s32 @!p0 $0xFFFFFFFF;
	s5 =	sor.u32 @!p0 s7, s6  }
0xb3: {  	s25 =	simm.s32 $0x1B8E;
	s24 =	sld [smem:$0x3FFE];
	[sflag:s5] =	ssyncadd.remote.s32 @!p0 $0x1  }
0xb4: {  	s26 =	simm.s32 $execute0_lowered;
	[smem:$0x3FD2] =	sst s25  }
0xb5: {  	s6 =	sshll.u32 s26, $0x1;
	_ =	strace $0x80000061;
	[dreg:$0x1] =	wrdreg $0xFFFFFFFF  }
0xb6: {  	s28 =	simm.s32 $_size_execute0_lowered;
	s3 =	sadd.s32 s3, s6;
	[dreg:$0x0] =	wrdreg $0x0  }
0xb7: {  	s6 =	sshll.u32 s28, $0x1;
	[dreg:$0x2] =	wrdreg s3  }
0xb8: {  	[dreg:$0x3] =	wrdreg s6  }
0xb9: {  	[dreg:$0x4] =	wrdreg $0xC0  }
0xba: {  	_ =	task [dreg:s22], $0x5FFFF  }
0xbb: {  	[dreg:$0x1] =	wrdreg $0xFFFFFFFF  }
0xbc: {  	[dreg:$0x0] =	wrdreg $0x60  }
0xbd: {  	[dreg:$0x2] =	wrdreg s24  }
0xbe: {  	[dreg:$0x3] =	wrdreg s1  }
0xbf: {  	[dreg:$0x4] =	wrdreg s4  }
0xc0: {  	[dreg:$0x5] =	wrdreg $0x9  }
0xc1: {  	_ =	task.clear_ibuf [dreg:s22], $0x6FFFF;
	_ =	strace $0x90000061  }
0xc2: {  	s29 =	simm.s32 $0x9;
	_ =	strace $0x80000063  }
0xc3: {  	_ =	swait.ge [sflag:s29], $0x1  }
0xc4: {  	[sflag:s29] =	ssyncadd.s32 $0xFFFFFFFF  }
0xc5: {  	_ =	strace $0x90000063  }
0xc6: {  	_ =	sfence  }
0xc7: {  	s30 =	sld [smem:$0x0];
	_ =	sdelay $0x2  }
0xc8: {  	s31 =	sshll.u32 s1, $0xD;
	s1 =	sshrl.u32 s1, $0x2  }
0xc9: {  	s4 =	sand.u32 $0x4000, s31;
	s1 =	sadd.s32 s1, s30  }
0xca: {  	s0 =	sor.u32 s4, s0;
	s1 =	sshll.u32 s1, $0x11  }
0xcb: {  	s0 =	sor.u32 s1, s0  }
0xcc: {  	s0 =	sadd.s32 $0x8F2B, s0  }
0xcd: {  	[sflag:s0] =	ssyncadd.remote.s32 $0x1  }
0xce: {  	_ =	sfence.sel $0xFFFF  }
0xcf: {  	[dreg:$0x0] =	wrdreg $0xFFFFFFFF;
	(pc) =	sbr.abs _section_cstart, $3  }
0xd0: {  	[dreg:$0x1] =	wrdreg $0xFFFFFFFF  }
0xd1: {  	_ =	task.clear_ibuf [dreg:s22], $0x2FFFF;
	_ =	strace $0x9FFFFFFF  }
0xd2: {  	(tm) =	ssettm $0x7FFFFFFF  }
0xd3: {  	_ =	shalt  }
tec
execute0_lowered:
.L_overlay_start_1:
0x0: {  	(tag) =	ssettag $0x1  }
0x1: {  	s2 =	rddreg [dreg:$0x0]  }
0x2: {  	s4 =	rddreg [dreg:$0x1];
	_ =	strace $0x80000062;
	s0 =	simm.s32 $0x1  }
0x3: {  	s3 =	simm.s32 $0x88;
	v0 =	vimm.s32 $0x0;
	[sflag:s0] =	ssyncpa.u1 $0x0  }
0x4: {  	s1 =	sadd.s32 $0xDC0600, s2;
	[tilespmem:s3+$0x30] =	vst v0  }
0x5: {  	s0 =	sadd.s32 $0x31C00, s2;
	s6 =	sadd.s32 $0xE83C00, s2;
	[tilespmem:s3+$0x20] =	vst v0  }
0x6: {  	s2 =	sadd.s32 $0xDA7E00, s2;
	s7 =	sand.u32 $0x1, s4;
	s4 =	simm.s32 $0x40;
	[tilespmem:s3+$0x10] =	vst v0  }
.LBB2_1:
0x7: {  	s4 =	sadd.s32 $0x40, s4  }
0x8: {  	[tilespmem:s3+$0x0] =	vst v0;
	s3 =	sadd.s32 $0x40, s3;
	p0 =	slt.u32 s4, $0x5040  }
.Ltmp0:
0x9: {  	(pc) =	sbr.rel @p0 .LBB2_1-.Ltmp0, $4  }
0xa: {  	_ = 	snop  }
0xb: {  	[tilespmem:s3+$0x30] =	vst v0  }
0xc: {  	[tilespmem:s3+$0x20] =	vst v0  }
0xd: {  	[tilespmem:s3+$0x10] =	vst v0  }
0xe: {  	s8 =	stileid.u32  }
0xf: {  	s4 =	smul.u32 $0x4E, s8  }
0x10: {  	s5 =	smin.u32 s8, $0x2  }
0x11: {  	s4 =	sadd.s32 s5, s4  }
0x12: {  	p0 =	slt.u32 s8, $0x2;
	s12 =	smul.u32 $0x140, s4;
	s4 =	simm.s32 $0x62C0  }
0x13: {  	s4 =	simm.s32 @!p0 $0x6180  }
0x14: {  	s25 =	simm.s32 $0x2;
	s4 =	sadd.s32 s4, s12  }
0x15: {  	s28 =	simm.s32 $0x9;
	s9 =	simm.s32 $0xA;
	s14 =	smin.u32 s4, $0x61A80  }
0x16: {  	s30 =	simm.s32 $0xB;
	[dreg:$0x4] =	wrdreg s7;
	s4 =	ssub.s32 s14, s12  }
0x17: {  	s31 =	smul.u32 $0xC350, s7;
	s13 =	simm.s32 $0x1;
	p0 =	sgt.s32 s4, $0x0  }
0x18: {  	s19 =	simm.s32 $0x0;
	s20 =	simm.s32 $0xA808;
	s4 =	simm.s32 @!p0 $0x0  }
0x19: {  	s21 =	simm.s32 $0xFFFFFFFF;
	p1 =	por $0x0, $0x0;
	s26 =	smulhi.u32 $0x66666667, s4  }
0x1a: {  	[tilespmem:s3+$0x0] =	vst v0;
	s23 =	simm.s32 $0x0;
	[sflag:s25] =	ssyncpa.u1 $0x0;
	s18 =	sshll.u32 s8, $0x7  }
0x1b: {  	s0 =	sadd.s32 s31, s0;
	[dreg:$0xa] =	wrdreg s18;
	s3 =	sshrl.u32 s26, $0x7  }
0x1c: {  	v0 =	vimm.s32 $0xFFFFFFFF;
	s17 =	sadd.s32 s31, s2;
	[dreg:$0x9] =	wrdreg s0;
	s29 =	smul.u32 $0x140, s3  }
0x1d: {  	s25 =	simm.s32 $0x0;
	[tilespmem:$0xA108] =	vst v0;
	[sflag:s28] =	ssyncpa.u1 $0x0;
	[dreg:$0x8] =	wrdreg s17  }
.Ltmp1:
0x1e: {  	p0 =	sne.s32 s4, s29;
	s4 =	simm.s32 $0x1;
	(pc) =	sbr.rel .LBB2_3-.Ltmp1, $4  }
0x1f: {  	[sflag:s9] =	ssyncpa.u1 $0x0;
	[dreg:$0x5] =	wrdreg s12;
	s4 =	simm.s32 @!p0 $0x0  }
0x20: {  	[sflag:s30] =	ssyncpa.u1 $0x0;
	[dreg:$0x6] =	wrdreg s14;
	s15 =	sadd.s32 s4, s3  }
0x21: {  	s24 =	smov.u32 s12;
	s22 =	sadd.s32 $0x1, s15;
	[dreg:$0x7] =	wrdreg s15  }
0x22: {  	v0 =	vlaneseq.u32;
	s26 =	simm.s32 $0x0;
	p0 =	por $0x1, $0x1;
	[dreg:$0xb] =	wrdreg s22  }
.LBB2_22:
0x23: {  	s0 =	sshrl.u32 s3, $0x2  }
.LBB2_24:
0x24: {  	s3 =	simm.s32 $0xC  }
0x25: {  	_ =	swait.ge [sflag:s3], s0  }
0x26: {  	s31 =	ssub.s32 $0x0, s0;
	v1 =	vmov s4;
	vm0 =	veq.s32 v0, $0x0;
	[sflag:s3] =	ssyncset.done $0x0  }
0x27: {  	vm15 =	veq.s32 v0, $0x2;
	v1 =	vsel vm0, s2, v1;
	[sflag:s3] =	ssyncadd.s32 s31  }
0x28: {  	v1 =	vsel vm15, s26, v1;
	[sflag:s3] =	ssyncpa.u1 $0x1  }
0x29: {  	[tilespmem:$0xA108] =	vst v1  }
.LBB2_25:
0x2a: {  	s0 =	sadd.s32 $0x140, s24  }
0x2b: {  	s2 =	smov.u32 s12;
	p2 =	slt.s32 s0, s14  }
0x2c: {  	s2 =	smov.u32 @p2 s0;
	p2 =	sne.s32 s25, s22  }
.Ltmp2:
0x2d: {  	_ = 	snop;
	(pc) =	sbr.rel @!p2 .LBB2_26-.Ltmp2, $4  }
0x2e: {  	_ = 	snop  }
0x2f: {  	s26 =	smov.u32 s23;
	s31 =	sadd.s32 $0x1, s25;
	p0 =	por !p0, !p0  }
0x30: {  	s23 =	smov.u32 s24;
	s20 =	sadd.s32 $0x140, s20;
	s21 =	sadd.s32 $0x1, s21  }
0x31: {  	p1 =	por !p1, !p1;
	s25 =	smov.u32 s31;
	s24 =	smov.u32 s2  }
.LBB2_3:
0x32: {  	p2 =	sge.u32 s25, s15  }
0x33: {  	s0 =	smulhi.u32 @!p2 $0xAAAAAAAB, s25  }
0x34: {  	s2 =	smov.u32 s24;
	p3 =	sgt.s32 @!p2 s24, $0x61940  }
0x35: {  	s3 =	sshra.s32 @!p2 s24, $0x1F;
	p3 =	por !p3, p2;
	s0 =	sshrl.u32 @!p2 s0, $0x1  }
0x36: {  	s3 =	sand.u32 @!p2 s3, s24;
	s2 =	simm.s32 @p3 $0x61940;
	s0 =	smul.u32 @!p2 $0x3, s0  }
0x37: {  	s2 =	ssub.s32 @!p2 s2, s3  }
0x38: {  	s2 =	sadd.s32 @!p2 $0xFFF9E6C0, s2;
	s0 =	ssub.s32 @!p2 s25, s0  }
0x39: {  	s3 =	sshll.u32 @!p2 s2, $0x2;
	p3 =	sgt.s32 @!p2 s2, $0x13F;
	s0 =	smul.u32 @!p2 $0x500, s0  }
0x3a: {  	s4 =	sand.u32 @!p2 $0x7, s24;
	s2 =	ssub.s32 @!p2 $0x500, s3;
	p3 =	por !p3, p2  }
0x3b: {  	s3 =	sshrl.u32 @!p2 s24, $0x3;
	s2 =	sshrl.u32 @!p2 s2, $0x2;
	s0 =	sshrl.u32 @!p2 s0, $0x2  }
0x3c: {  	s3 =	sadd.s32 @!p2 s3, s17;
	s2 =	simm.s32 @!p3 $0x0;
	s0 =	sadd.s32 @!p2 $0xA948, s0  }
0x3d: {  	[tilespmem:s0], [sflag:$0xA] =	stream.linear.gather @!p2 [hbm4b:s3+s4], s2, $0x38;
	[tilespmem:$0x1EF88] =	vst v63  }
0x3e: {  	s0 =	sadd.s32 $0xFFFFFFFF, s25  }
0x3f: {  	p2 =	sge.u32 s0, s15  }
.Ltmp3:
0x40: {  	_ = 	snop;
	(pc) =	sbr.rel @p2 .LBB2_7-.Ltmp3, $1  }
0x41: {  	_ =	sdelay $0x3  }
0x42: {  	p2 =	sgt.s32 s23, $0x61940;
	s2 =	smov.u32 s23;
	s3 =	sshra.s32 s23, $0x1F  }
0x43: {  	s2 =	simm.s32 @!p2 $0x61940;
	s3 =	sand.u32 s3, s23  }
0x44: {  	s17 =	smulhi.u32 $0xAAAAAAAB, s21;
	s2 =	ssub.s32 s2, s3  }
0x45: {  	s0 =	sand.u32 $0x1, s0;
	s2 =	sadd.s32 $0xFFF9E6C0, s2  }
0x46: {  	s5 =	simm.s32 $0xA;
	s3 =	sshrl.u32 s17, $0x1;
	s4 =	sshll.u32 s2, $0x2  }
0x47: {  	s7 =	sshrl.u32 s23, $0x3;
	s3 =	smul.u32 $0xFFFFF100, s3;
	s4 =	ssub.s32 $0x500, s4  }
0x48: {  	s18 =	smul.u32 $0x500, s0;
	p2 =	sgt.s32 s2, $0x13F;
	s2 =	sshrl.u32 s4, $0x2  }
0x49: {  	s9 =	sand.u32 $0x7, s23;
	s3 =	sshra.s32 s3, $0x2;
	s2 =	simm.s32 @p2 $0x0  }
0x4a: {  	s0 =	sadd.s32 s3, s20;
	s4 =	sshrl.u32 s18, $0x2;
	_ =	swait.ge [sflag:s5], s2  }
0x4b: {  	s22 =	ssub.s32 $0x0, s2;
	[sflag:s5] =	ssyncset.done $0x0;
	s8 =	rddreg [dreg:$0x9]  }
0x4c: {  	s4 =	sadd.s32 $0xAD08, s4;
	[sflag:s5] =	ssyncadd.s32 s22;
	s3 =	sadd.s32 s7, s8  }
0x4d: {  	[tilespmem:s4], [sflag:$0xB] =	stream.linear.gather [hbm4b:s3+s9], s2, $0x38;
	[tilespmem:$0x1EF88] =	vst v63  }
0x4e: {  	v1 =	vld.msk [tilespmem:s0+$0x0], $0xffff;
	_ =	sdelay $0x4  }
0x4f: {  	v1 =	vshll.u32 v1, $0x4  }
0x50: {  	(v2sf) =	vpush v1, $0x0  }
0x51: {  	(v2sf) =	vpush v1, $0x1  }
0x52: {  	(v2sf) =	vpush v1, $0x2;
	_ =	sdelay $0x3  }
0x53: {  	(v2sf) =	vpush v1, $0x3;
	_ =	sdelay $0x1  }
0x54: {  	(v2sf) =	vpush v1, $0x4  }
0x55: {  	s2 =	simm.s32 $0x1;
	(v2sf) =	vpush v1, $0x5  }
0x56: {  	s2 =	simm.s32 @!p0 $0x0  }
0x57: {  	s2 =	smul.u32 $0x28000, s2;
	(v2sf) =	vpush v1, $0x6;
	_ =	sdelay $0x1  }
0x58: {  	s2 =	sshrl.u32 s2, $0x2  }
0x59: {  	s28 =	sadd.s32 $0xB708, s2  }
0x5a: {  	s12 =	sadd.s32 $0xFFFFF880, s28;
	s17 =	sadd.s32 $0xFFFFF900, s28;
	s10 =	spop (v2sf);
	(v2sf) =	vpush v1, $0x7  }
0x5b: {  	s18 =	sadd.s32 $0xFFFFF980, s28;
	s11 =	sand.u32 $0x1FFFFFF0, s10;
	s14 =	spop (v2sf)  }
0x5c: {  	(v2sf) =	vpush v1, $0x8;
	s2 =	sadd.s32 s6, s11;
	s15 =	sand.u32 $0x1FFFFFF0, s14;
	s16 =	spop (v2sf)  }
0x5d: {  	[tilespmem:s12], [sflag:$0x9] =	stream.linear.gather [hbm4b:s2+s19], $0x40, $0x38;
	[tilespmem:$0x1EF88] =	vst v63  }
0x5e: {  	s5 =	sadd.s32 $0xFFFFFA00, s28;
	s2 =	sadd.s32 s6, s15;
	s3 =	sand.u32 $0x1FFFFFF0, s16  }
0x5f: {  	(v2sf) =	vpush v1, $0x9;
	[tilespmem:s17], [sflag:$0x9] =	stream.linear.gather [hbm4b:s2+s19], $0x40, $0x38;
	[tilespmem:$0x1EF88] =	vst v63  }
0x60: {  	s7 =	sadd.s32 $0xFFFFFA80, s28;
	s22 =	spop (v2sf);
	s3 =	sadd.s32 s6, s3  }
0x61: {  	(v2sf) =	vpush v1, $0xA;
	[tilespmem:s18], [sflag:$0x9] =	stream.linear.gather [hbm4b:s3+s19], $0x40, $0x38;
	[tilespmem:$0x1EF88] =	vst v63  }
0x62: {  	s11 =	sadd.s32 $0xFFFFFB00, s28;
	s4 =	spop (v2sf);
	(v2sf) =	vpush v1, $0xB;
	s3 =	sand.u32 $0x1FFFFFF0, s22  }
0x63: {  	s8 =	spop (v2sf);
	s2 =	sadd.s32 s6, s3;
	s3 =	sand.u32 $0x1FFFFFF0, s4  }
0x64: {  	(v2sf) =	vpush v1, $0xC;
	[tilespmem:s5], [sflag:$0x9] =	stream.linear.gather [hbm4b:s2+s19], $0x40, $0x38;
	[tilespmem:$0x1EF88] =	vst v63  }
0x65: {  	s9 =	sand.u32 $0x1FFFFFF0, s8;
	s10 =	spop (v2sf);
	s3 =	sadd.s32 s6, s3  }
0x66: {  	(v2sf) =	vpush v1, $0xD;
	[tilespmem:s7], [sflag:$0x9] =	stream.linear.gather [hbm4b:s3+s19], $0x40, $0x38;
	[tilespmem:$0x1EF88] =	vst v63  }
0x67: {  	s12 =	sadd.s32 $0xFFFFFB80, s28;
	s2 =	sadd.s32 s6, s9;
	s3 =	sand.u32 $0x1FFFFFF0, s10  }
0x68: {  	[tilespmem:s11], [sflag:$0x9] =	stream.linear.gather [hbm4b:s2+s19], $0x40, $0x38;
	[tilespmem:$0x1EF88] =	vst v63  }
0x69: {  	s17 =	sadd.s32 $0xFFFFFC00, s28;
	s3 =	sadd.s32 s6, s3;
	s14 =	spop (v2sf)  }
0x6a: {  	[tilespmem:s12], [sflag:$0x9] =	stream.linear.gather [hbm4b:s3+s19], $0x40, $0x38;
	(v2sf) =	vpush v1, $0xE;
	[tilespmem:$0x1EF88] =	vst v63  }
0x6b: {  	s18 =	sadd.s32 $0xFFFFFC80, s28;
	s15 =	sand.u32 $0x1FFFFFF0, s14;
	s16 =	spop (v2sf)  }
0x6c: {  	s5 =	sadd.s32 $0xFFFFFD00, s28;
	(v2sf) =	vpush v1, $0xF;
	s2 =	sadd.s32 s6, s15;
	s3 =	sand.u32 $0x1FFFFFF0, s16  }
0x6d: {  	[tilespmem:s17], [sflag:$0x9] =	stream.linear.gather [hbm4b:s2+s19], $0x40, $0x38;
	[tilespmem:$0x1EF88] =	vst v63  }
0x6e: {  	s7 =	sadd.s32 $0xFFFFFD80, s28;
	s22 =	spop (v2sf);
	s3 =	sadd.s32 s6, s3  }
0x6f: {  	[tilespmem:s18], [sflag:$0x9] =	stream.linear.gather [hbm4b:s3+s19], $0x40, $0x38;
	[tilespmem:$0x1EF88] =	vst v63  }
0x70: {  	s11 =	sadd.s32 $0xFFFFFE00, s28;
	s4 =	spop (v2sf);
	s3 =	sand.u32 $0x1FFFFFF0, s22  }
0x71: {  	s8 =	spop (v2sf);
	s2 =	sadd.s32 s6, s3;
	s3 =	sand.u32 $0x1FFFFFF0, s4  }
0x72: {  	[tilespmem:s5], [sflag:$0x9] =	stream.linear.gather [hbm4b:s2+s19], $0x40, $0x38;
	[tilespmem:$0x1EF88] =	vst v63  }
0x73: {  	s9 =	sand.u32 $0x1FFFFFF0, s8;
	s10 =	spop (v2sf);
	s3 =	sadd.s32 s6, s3  }
0x74: {  	[tilespmem:s7], [sflag:$0x9] =	stream.linear.gather [hbm4b:s3+s19], $0x40, $0x38;
	[tilespmem:$0x1EF88] =	vst v63  }
0x75: {  	s14 =	spop (v2sf);
	s2 =	sadd.s32 s6, s9;
	s3 =	sand.u32 $0x1FFFFFF0, s10  }
0x76: {  	[tilespmem:s11], [sflag:$0x9] =	stream.linear.gather [hbm4b:s2+s19], $0x40, $0x38;
	[tilespmem:$0x1EF88] =	vst v63  }
0x77: {  	s12 =	sadd.s32 $0xFFFFFE80, s28;
	s15 =	sand.u32 $0x1FFFFFF0, s14;
	s3 =	sadd.s32 s6, s3  }
0x78: {  	[tilespmem:s12], [sflag:$0x9] =	stream.linear.gather [hbm4b:s3+s19], $0x40, $0x38;
	[tilespmem:$0x1EF88] =	vst v63  }
0x79: {  	s17 =	sadd.s32 $0xFFFFFF00, s28;
	s2 =	sadd.s32 s6, s15;
	s16 =	spop (v2sf)  }
0x7a: {  	[tilespmem:s17], [sflag:$0x9] =	stream.linear.gather [hbm4b:s2+s19], $0x40, $0x38;
	[tilespmem:$0x1EF88] =	vst v63  }
0x7b: {  	s29 =	simm.s32 $0x0;
	s3 =	sand.u32 $0x1FFFFFF0, s16;
	s18 =	spop (v2sf)  }
0x7c: {  	s22 =	sadd.s32 $0xFFFFFF80, s28;
	s3 =	sadd.s32 s6, s3;
	s2 =	sand.u32 $0x1FFFFFF0, s18  }
0x7d: {  	[tilespmem:s22], [sflag:$0x9] =	stream.linear.gather [hbm4b:s3+s19], $0x40, $0x38;
	[tilespmem:$0x1EF88] =	vst v63  }
0x7e: {  	s31 =	sadd.s32 $0x10, s0;
	s30 =	sadd.s32 $0x800, s28;
	s2 =	sadd.s32 s6, s2  }
.LBB2_5:
0x7f: {  	[tilespmem:s28], [sflag:$0x9] =	stream.linear.gather [hbm4b:s2+s19], $0x40, $0x38;
	[tilespmem:$0x1EF88] =	vst v63  }
0x80: {  	s29 =	sadd.s32 $0x10, s29;
	s28 =	smov.u32 s30  }
0x81: {  	p2 =	slt.u32 s29, $0x130;
	v1 =	vld.msk [tilespmem:s31+$0x0], $0xffff;
	_ =	sdelay $0x4  }
0x82: {  	v1 =	vshll.u32 v1, $0x4  }
0x83: {  	(v2sf) =	vpush v1, $0x0  }
0x84: {  	(v2sf) =	vpush v1, $0x1  }
0x85: {  	(v2sf) =	vpush v1, $0x2;
	_ =	sdelay $0x1  }
0x86: {  	(v2sf) =	vpush v1, $0x3;
	_ =	sdelay $0x1  }
0x87: {  	(v2sf) =	vpush v1, $0x4;
	_ =	sdelay $0x1  }
0x88: {  	(v2sf) =	vpush v1, $0x5;
	_ =	sdelay $0x1  }
0x89: {  	(v2sf) =	vpush v1, $0x6  }
0x8a: {  	s4 =	sadd.s32 $0xFFFFFE80, s30;
	s0 =	sadd.s32 $0xFFFFFF00, s30  }
0x8b: {  	s3 =	sadd.s32 $0xFFFFFD00, s30;
	s2 =	sadd.s32 $0xFFFFFD80, s30;
	s5 =	sadd.s32 $0xFFFFFE00, s30;
	(v2sf) =	vpush v1, $0x7  }
0x8c: {  	s10 =	sadd.s32 $0xFFFFFB80, s30;
	s9 =	sadd.s32 $0xFFFFFC00, s30;
	s16 =	sadd.s32 $0xFFFFFC80, s30  }
0x8d: {  	s11 =	sadd.s32 $0xFFFFFA00, s30;
	s12 =	sadd.s32 $0xFFFFFA80, s30;
	s15 =	sadd.s32 $0xFFFFFB00, s30;
	(v2sf) =	vpush v1, $0x8  }
0x8e: {  	s18 =	sadd.s32 $0xFFFFF900, s30;
	s7 =	sadd.s32 $0xFFFFF980, s30;
	s22 =	spop (v2sf)  }
0x8f: {  	s8 =	sadd.s32 $0xFFFFF880, s30;
	s22 =	sand.u32 $0x1FFFFFF0, s22;
	s14 =	spop (v2sf);
	(v2sf) =	vpush v1, $0x9  }
0x90: {  	s22 =	sadd.s32 s6, s22;
	s14 =	sand.u32 $0x1FFFFFF0, s14;
	s17 =	spop (v2sf)  }
0x91: {  	[tilespmem:s8], [sflag:$0x9] =	stream.linear.gather [hbm4b:s22+s19], $0x40, $0x38;
	(v2sf) =	vpush v1, $0xA;
	[tilespmem:$0x1EF88] =	vst v63  }
0x92: {  	s8 =	sadd.s32 s6, s14;
	s14 =	sand.u32 $0x1FFFFFF0, s17;
	s17 =	spop (v2sf)  }
0x93: {  	[tilespmem:s18], [sflag:$0x9] =	stream.linear.gather [hbm4b:s8+s19], $0x40, $0x38;
	(v2sf) =	vpush v1, $0xB;
	[tilespmem:$0x1EF88] =	vst v63  }
0x94: {  	s8 =	sadd.s32 s6, s14;
	s14 =	sand.u32 $0x1FFFFFF0, s17;
	s17 =	spop (v2sf)  }
0x95: {  	[tilespmem:s7], [sflag:$0x9] =	stream.linear.gather [hbm4b:s8+s19], $0x40, $0x38;
	(v2sf) =	vpush v1, $0xC;
	[tilespmem:$0x1EF88] =	vst v63  }
0x96: {  	s7 =	sadd.s32 s6, s14;
	s8 =	sand.u32 $0x1FFFFFF0, s17;
	s14 =	spop (v2sf)  }
0x97: {  	[tilespmem:s11], [sflag:$0x9] =	stream.linear.gather [hbm4b:s7+s19], $0x40, $0x38;
	(v2sf) =	vpush v1, $0xD;
	[tilespmem:$0x1EF88] =	vst v63  }
0x98: {  	s7 =	sadd.s32 s6, s8;
	s8 =	sand.u32 $0x1FFFFFF0, s14;
	s11 =	spop (v2sf)  }
0x99: {  	[tilespmem:s12], [sflag:$0x9] =	stream.linear.gather [hbm4b:s7+s19], $0x40, $0x38;
	(v2sf) =	vpush v1, $0xE;
	[tilespmem:$0x1EF88] =	vst v63  }
0x9a: {  	s7 =	sadd.s32 s6, s8;
	s8 =	sand.u32 $0x1FFFFFF0, s11;
	s11 =	spop (v2sf)  }
0x9b: {  	[tilespmem:s15], [sflag:$0x9] =	stream.linear.gather [hbm4b:s7+s19], $0x40, $0x38;
	(v2sf) =	vpush v1, $0xF;
	[tilespmem:$0x1EF88] =	vst v63  }
0x9c: {  	s7 =	sadd.s32 s6, s8;
	s8 =	sand.u32 $0x1FFFFFF0, s11;
	s11 =	spop (v2sf)  }
0x9d: {  	[tilespmem:s10], [sflag:$0x9] =	stream.linear.gather [hbm4b:s7+s19], $0x40, $0x38;
	[tilespmem:$0x1EF88] =	vst v63  }
0x9e: {  	s7 =	sadd.s32 s6, s8;
	s8 =	sand.u32 $0x1FFFFFF0, s11;
	s10 =	spop (v2sf)  }
0x9f: {  	[tilespmem:s9], [sflag:$0x9] =	stream.linear.gather [hbm4b:s7+s19], $0x40, $0x38;
	[tilespmem:$0x1EF88] =	vst v63  }
0xa0: {  	s7 =	sadd.s32 s6, s8;
	s8 =	sand.u32 $0x1FFFFFF0, s10;
	s9 =	spop (v2sf)  }
0xa1: {  	[tilespmem:s16], [sflag:$0x9] =	stream.linear.gather [hbm4b:s7+s19], $0x40, $0x38;
	[tilespmem:$0x1EF88] =	vst v63  }
0xa2: {  	s7 =	sadd.s32 s6, s8;
	s8 =	sand.u32 $0x1FFFFFF0, s9;
	s9 =	spop (v2sf)  }
0xa3: {  	[tilespmem:s3], [sflag:$0x9] =	stream.linear.gather [hbm4b:s7+s19], $0x40, $0x38;
	[tilespmem:$0x1EF88] =	vst v63  }
0xa4: {  	s3 =	sadd.s32 s6, s8;
	s7 =	sand.u32 $0x1FFFFFF0, s9;
	s8 =	spop (v2sf)  }
0xa5: {  	[tilespmem:s2], [sflag:$0x9] =	stream.linear.gather [hbm4b:s3+s19], $0x40, $0x38;
	[tilespmem:$0x1EF88] =	vst v63  }
0xa6: {  	s2 =	sadd.s32 s6, s7;
	s3 =	sand.u32 $0x1FFFFFF0, s8;
	s7 =	spop (v2sf)  }
0xa7: {  	[tilespmem:s5], [sflag:$0x9] =	stream.linear.gather [hbm4b:s2+s19], $0x40, $0x38;
	[tilespmem:$0x1EF88] =	vst v63  }
0xa8: {  	s2 =	sadd.s32 s6, s3;
	s3 =	sand.u32 $0x1FFFFFF0, s7;
	s5 =	spop (v2sf)  }
0xa9: {  	[tilespmem:s4], [sflag:$0x9] =	stream.linear.gather [hbm4b:s2+s19], $0x40, $0x38;
	[tilespmem:$0x1EF88] =	vst v63  }
0xaa: {  	s2 =	sadd.s32 s6, s3  }
.Ltmp4:
0xab: {  	s3 =	sand.u32 $0x1FFFFFF0, s5;
	s4 =	spop (v2sf);
	(pc) =	sbr.rel @p2 .LBB2_5-.Ltmp4, $4  }
0xac: {  	[tilespmem:s0], [sflag:$0x9] =	stream.linear.gather [hbm4b:s2+s19], $0x40, $0x38;
	[tilespmem:$0x1EF88] =	vst v63  }
0xad: {  	s0 =	sadd.s32 s6, s3;
	s2 =	sadd.s32 $0xFFFFFF80, s30;
	s3 =	sand.u32 $0x1FFFFFF0, s4  }
0xae: {  	[tilespmem:s2], [sflag:$0x9] =	stream.linear.gather [hbm4b:s0+s19], $0x40, $0x38;
	[tilespmem:$0x1EF88] =	vst v63  }
0xaf: {  	s31 =	sadd.s32 $0x10, s31;
	s30 =	sadd.s32 $0x800, s30;
	s2 =	sadd.s32 s6, s3  }
0xb0: {  	[tilespmem:s28], [sflag:$0x9] =	stream.linear.gather [hbm4b:s2+s19], $0x40, $0x38;
	[tilespmem:$0x1EF88] =	vst v63  }
0xb1: {  	s12 =	rddreg [dreg:$0x5]  }
0xb2: {  	s14 =	rddreg [dreg:$0x6]  }
0xb3: {  	s15 =	rddreg [dreg:$0x7]  }
0xb4: {  	s17 =	rddreg [dreg:$0x8]  }
0xb5: {  	s18 =	rddreg [dreg:$0xa]  }
0xb6: {  	s22 =	rddreg [dreg:$0xb]  }
.LBB2_7:
0xb7: {  	p2 =	slt.u32 s25, $0x2  }
.Ltmp5:
0xb8: {  	_ = 	snop;
	(pc) =	sbr.rel @p2 .LBB2_25-.Ltmp5, $1  }
0xb9: {  	_ =	sdelay $0x3  }
0xba: {  	p2 =	sgt.s32 s26, $0x61940;
	s0 =	smov.u32 s26;
	s2 =	sshra.s32 s26, $0x1F  }
0xbb: {  	s0 =	simm.s32 @!p2 $0x61940;
	s2 =	sand.u32 s2, s26  }
0xbc: {  	s0 =	ssub.s32 s0, s2  }
0xbd: {  	s0 =	sadd.s32 $0xFFF9E6C0, s0  }
0xbe: {  	s3 =	simm.s32 $0x9;
	s29 =	sshll.u32 s0, $0x2  }
0xbf: {  	_ =	swait.ge [sflag:s3], $0x5000;
	s2 =	ssub.s32 $0x500, s29  }
0xc0: {  	[sflag:s3] =	ssyncset.done $0x0;
	p2 =	sgt.s32 s0, $0x13F;
	s0 =	sshrl.u32 s2, $0x2  }
0xc1: {  	s30 =	simm.s32 $0xB;
	[sflag:s3] =	ssyncadd.s32 $0xFFFFB000;
	s0 =	simm.s32 @p2 $0x0  }
0xc2: {  	_ =	swait.ge [sflag:s30], s0  }
0xc3: {  	s0 =	ssub.s32 $0x0, s0;
	[sflag:s30] =	ssyncset.done $0x0  }
0xc4: {  	[sflag:s30] =	ssyncadd.s32 s0  }
0xc5: {  	v1 =	vld [tilespmem:$0xA108];
	_ =	sdelay $0x4  }
0xc6: {  	(v2sf) =	vpush v1, $0x0  }
0xc7: {  	(v2sf) =	vpush v1, $0x1  }
0xc8: {  	(v2sf) =	vpush v1, $0x2;
	_ =	sdelay $0x3  }
0xc9: {  	s0 =	sadd.s32 $0x140, s26  }
0xca: {  	s4 =	ssub.s32 $0xC3500, s26;
	p2 =	slt.s32 s14, s0  }
0xcb: {  	s0 =	smov.u32 @p2 s14;
	p2 =	sgt.s32 s4, $0x0  }
0xcc: {  	s0 =	ssub.s32 s0, s26;
	s4 =	simm.s32 @!p2 $0x0  }
0xcd: {  	p2 =	slt.s32 s4, s0  }
0xce: {  	s0 =	smov.u32 @p2 s4  }
0xcf: {  	s2 =	simm.s32 $0x1;
	p2 =	slt.s32 s0, $0x1  }
.Ltmp6:
0xd0: {  	s2 =	simm.s32 @!p1 $0x0;
	(pc) =	sbr.rel @p2 .LBB2_12-.Ltmp6, $4  }
0xd1: {  	s7 =	smul.u32 $0x500, s2  }
0xd2: {  	s3 =	spop (v2sf)  }
0xd3: {  	s31 =	sshrl.u32 s7, $0x2;
	s5 =	spop (v2sf)  }
0xd4: {  	s28 =	sadd.s32 $0xAD08, s31;
	s26 =	spop (v2sf)  }
0xd5: {  	s4 =	smin.u32 s0, $0x10  }
0xd6: {  	v1 =	vmov s4  }
0xd7: {  	p3 =	sgt.s32 s0, $0x10;
	vm1 =	vgt.u32 v1, v0  }
.Ltmp7:
0xd8: {  	_ = 	snop;
	(pc) =	sbr.rel @!p3 .LBB2_11-.Ltmp7, $2  }
0xd9: {  	_ =	sdelay $0x2  }
0xda: {  	s9 =	simm.s32 $0x10;
	s10 =	sadd.s32 $0xFFFFFFF0, s0;
	s4 =	smov.u32 s28;
	vm0 =	vmmov vm1  }
.LBB2_10:
0xdb: {  	s7 =	smin.u32 s10, $0x10;
	s9 =	sadd.s32 $0x10, s9;
	v1 =	vld.msk [tilespmem:s4+$0x0 ss:$0x1], vm1  }
0xdc: {  	v2 =	vmov s7;
	p3 =	slt.s32 s9, s0  }
0xdd: {  	vm1 =	vgt.u32 v2, v0  }
.Ltmp8:
0xde: {  	(pc) =	sbr.rel @p3 .LBB2_10-.Ltmp8, $3  }
0xdf: {  	_ =	sdelay $0x1  }
0xe0: {  	v1 =	vshll.u32 v1, $0x4  }
0xe1: {  	s10 =	sadd.s32 $0xFFFFFFF0, s10;
	[tilespmem:s4+$0x0] =	vst.msk vm0, v1;
	s4 =	sadd.s32 $0x10, s4;
	vm0 =	vmmov vm1  }
.LBB2_11:
0xe2: {  	_ =	sdelay $0x4  }
0xe3: {  	v1 =	vld.msk [tilespmem:s4+$0x0 ss:$0x1], vm1;
	_ =	sdelay $0x4  }
0xe4: {  	v1 =	vshll.u32 v1, $0x4  }
0xe5: {  	[tilespmem:s4+$0x0] =	vst.msk vm0, v1  }
.LBB2_12:
0xe6: {  	s4 =	sand.u32 $0x1, s25  }
0xe7: {  	s4 =	smul.u32 $0x140, s4  }
0xe8: {  	p3 =	sne.s32 s5, $0xFFFFFFFF  }
0xe9: {  	v1 =	vld.msk @!p3 [tilespmem:s4+$0xAD08], $0x1;
	_ =	sdelay $0x4  }
0xea: {  	(v2sf) =	vpush @!p3 v1, $0x0;
	_ =	sdelay $0xc  }
.Ltmp9:
0xeb: {  	_ = 	snop;
	(pc) =	sbr.rel @p2 .LBB2_23-.Ltmp9, $4  }
0xec: {  	_ = 	snop  }
0xed: {  	s29 =	spop @!p3 (v2sf)  }
0xee: {  	s31 =	simm.s32 $0xC;
	s26 =	simm.s32 @!p3 $0x0;
	s4 =	smov.u32 s29  }
0xef: {  	[sflag:s31] =	ssyncpa.u1 $0x0;
	s29 =	smov.u32 @p3 s3;
	s4 =	smov.u32 @p3 s5  }
0xf0: {  	v1 =	vld.msk [tilespmem:s28+$0x0], $0x1;
	_ =	sdelay $0x4  }
0xf1: {  	(v2sf) =	vpush v1, $0x0;
	_ =	sdelay $0xe  }
0xf2: {  	s2 =	smul.u32 $0x28000, s2;
	s5 =	spop (v2sf)  }
0xf3: {  	s31 =	ssub.s32 $0x0, s0;
	p2 =	seq.s32 s29, s5  }
0xf4: {  	s3 =	smov.u32 s29;
	s2 =	sshrl.u32 s2, $0x2;
	p3 =	sgt.s32 @!p2 s29, $0x0  }
0xf5: {  	s30 =	sadd.s32 $0xAFA8, s2;
	s2 =	sadd.s32 $0x1, s31;
	p3 =	por !p3, p2  }
0xf6: {  	s3 =	simm.s32 @p3 $0x0;
	p3 =	seq.s32 s2, $0x0  }
.Ltmp10:
0xf7: {  	_ = 	snop;
	(pc) =	sbr.rel @p3 .LBB2_15-.Ltmp10, $4  }
0xf8: {  	_ = 	snop  }
0xf9: {  	s0 =	simm.s32 $0x0;
	s9 =	simm.s32 @!p2 $0x1;
	s3 =	smin.u32 @!p2 s3, $0xC34F8  }
0xfa: {  	s10 =	simm.s32 @!p2 $0x50C8;
	s9 =	smov.u32 @p2 s0;
	s7 =	sand.u32 @!p2 $0xFFFF8, s3  }
0xfb: {  	s16 =	sand.u32 @!p2 $0x7, s3;
	s3 =	sadd.s32 $0x1, s28;
	s11 =	sadd.s32 @!p2 s1, s7  }
.LBB2_14:
0xfc: {  	s7 =	smov.u32 s9  }
0xfd: {  	[tilespmem:s10], [sflag:$0x2] =	stream.linear.gather @!p2 [hbm4b:s11+s16], $0x40, $0x38;
	[tilespmem:$0x1EF88] =	vst v63  }
0xfe: {  	s2 =	sadd.s32 $0x1, s2;
	s8 =	smov.u32 s5;
	v1 =	vld.msk [tilespmem:s3+$0x0], $0x1  }
0xff: {  	p3 =	seq.s32 s2, $0x0;
	_ =	sdelay $0x3  }
0x100: {  	(v2sf) =	vpush v1, $0x0;
	_ =	sdelay $0xe  }
0x101: {  	s5 =	spop (v2sf)  }
0x102: {  	p2 =	seq.s32 s8, s5  }
0x103: {  	p4 =	sgt.s32 @!p2 s8, $0x0;
	s10 =	sshll.u32 @!p2 s9, $0x8;
	s9 =	sadd.s32 @!p2 $0x1, s9  }
.Ltmp11:
0x104: {  	p4 =	por !p4, p2;
	s10 =	sshra.s32 @!p2 s10, $0x2;
	(pc) =	sbr.rel @!p3 .LBB2_14-.Ltmp11, $4  }
0x105: {  	s9 =	smov.u32 @p2 s7;
	s8 =	simm.s32 @p4 $0x0;
	s10 =	sadd.s32 @!p2 $0x50C8, s10  }
0x106: {  	s7 =	smin.u32 @!p2 s8, $0xC34F8  }
0x107: {  	s8 =	sand.u32 @!p2 $0xFFFF8, s7;
	s16 =	sand.u32 @!p2 $0x7, s7  }
0x108: {  	s3 =	sadd.s32 $0x1, s3;
	s11 =	sadd.s32 @!p2 s1, s8  }
.LBB2_15:
0x109: {  	[tilespmem:s10], [sflag:$0x2] =	stream.linear.gather @!p2 [hbm4b:s11+s16], $0x40, $0x38;
	[tilespmem:$0x1EF88] =	vst v63  }
.Ltmp12:
0x10a: {  	s2 =	sshll.u32 s9, $0x6;
	(pc) =	sbr.rel .LBB2_16-.Ltmp12, $4  }
0x10b: {  	s3 =	simm.s32 $0x2;
	s2 =	sand.u32 $0x3FFFFFC0, s2  }
0x10c: {  	_ =	swait.ge [sflag:s3], s2  }
0x10d: {  	s2 =	ssub.s32 $0x0, s2;
	[sflag:s3] =	ssyncset.done $0x0  }
0x10e: {  	[sflag:s3] =	ssyncadd.s32 s2;
	s3 =	simm.s32 $0x0  }
.LBB2_17:
0x10f: {  	v1 =	vld [tilespmem:s30+$0xFFFFFFE0];
	_ =	sdelay $0x4  }
0x110: {  	[tilespmem:s5+$0x88] =	vst.add.f32.msk $0xffff, v1  }
0x111: {  	v1 =	vld [tilespmem:s30+$0xFFFFFFF0];
	_ =	sdelay $0x4  }
0x112: {  	[tilespmem:s5+$0x98] =	vst.add.f32.msk $0xffff, v1  }
0x113: {  	v1 =	vld [tilespmem:s30+$0x0];
	_ =	sdelay $0x4  }
0x114: {  	[tilespmem:s5+$0xA8] =	vst.add.f32.msk $0xffff, v1  }
0x115: {  	v1 =	vld [tilespmem:s30+$0x10];
	_ =	sdelay $0x4  }
0x116: {  	[tilespmem:s5+$0xB8] =	vst.add.f32.msk $0xffff, v1  }
.LBB2_21:
0x117: {  	s31 =	sadd.s32 $0x1, s31  }
0x118: {  	p2 =	seq.s32 s31, $0x0  }
.Ltmp13:
0x119: {  	_ = 	snop;
	(pc) =	sbr.rel @p2 .LBB2_22-.Ltmp13, $2  }
0x11a: {  	_ =	sdelay $0x2  }
0x11b: {  	s30 =	sadd.s32 $0x80, s30;
	s28 =	sadd.s32 $0x1, s28;
	s29 =	smov.u32 s2  }
.LBB2_16:
0x11c: {  	v1 =	vld.msk [tilespmem:s28+$0x0], $0x1;
	_ =	sdelay $0x4  }
0x11d: {  	(v2sf) =	vpush v1, $0x0;
	_ =	sdelay $0xe  }
0x11e: {  	s2 =	spop (v2sf)  }
0x11f: {  	p2 =	sne.s32 s29, s2  }
.Ltmp14:
0x120: {  	_ = 	snop;
	(pc) =	sbr.rel @!p2 .LBB2_17-.Ltmp14, $3  }
0x121: {  	_ =	sdelay $0x1  }
0x122: {  	s5 =	sshll.u32 s26, $0x8  }
0x123: {  	s5 =	sshra.s32 s5, $0x2  }
0x124: {  	p2 =	seq.s32 s29, s4  }
.Ltmp15:
0x125: {  	_ = 	snop;
	(pc) =	sbr.rel @!p2 .LBB2_19-.Ltmp15, $1  }
0x126: {  	_ =	sdelay $0x3  }
.Ltmp16:
0x127: {  	s5 =	sadd.s32 $0x88, s5;
	(pc) =	sbr.rel .LBB2_20-.Ltmp16, $4  }
0x128: {  	[spmem:s18] =	stream.linear.scatter [tilespmem:s5], [sflag:$0x1], $0x40, $0x38;
	[tilespmem:$0x1EF88] =	vst v63  }
0x129: {  	_ =	swait.ge [sflag:s13], $0x40  }
0x12a: {  	[sflag:s13] =	ssyncset.done $0x0  }
0x12b: {  	[sflag:s13] =	ssyncadd.s32 $0xFFFFFFC0  }
.LBB2_19:
0x12c: {  	s7 =	sshll.u32 s0, $0x8  }
0x12d: {  	s7 =	sshra.s32 s7, $0x2  }
0x12e: {  	v1 =	vld [tilespmem:s7+$0x50C8];
	_ =	sdelay $0x4  }
0x12f: {  	[tilespmem:s5+$0x88] =	vst.add.f32.msk $0xffff, v1  }
0x130: {  	v1 =	vld [tilespmem:s7+$0x50D8];
	_ =	sdelay $0x4  }
0x131: {  	[tilespmem:s5+$0x98] =	vst.add.f32.msk $0xffff, v1  }
0x132: {  	v1 =	vld [tilespmem:s7+$0x50E8];
	_ =	sdelay $0x4  }
0x133: {  	[tilespmem:s5+$0xA8] =	vst.add.f32.msk $0xffff, v1  }
0x134: {  	v1 =	vld [tilespmem:s7+$0x50F8];
	_ =	sdelay $0x2  }
0x135: {  	p2 =	sgt.u32 s29, $0xC34F8  }
0x136: {  	s7 =	sand.u32 @!p2 $0xFFFF8, s29  }
0x137: {  	s8 =	sadd.s32 $0x88, s5;
	[tilespmem:s5+$0xB8] =	vst.add.f32.msk $0xffff, v1;
	s5 =	sadd.s32 @!p2 s1, s7;
	s7 =	sand.u32 @!p2 $0x7, s29  }
0x138: {  	[hbm4b:s5+s7] =	stream.linear.scatter @!p2 [tilespmem:s8], [sflag:$0xC], $0x40, $0x38;
	[tilespmem:$0x1EF88] =	vst v63  }
0x139: {  	s5 =	simm.s32 $0x0  }
0x13a: {  	s5 =	simm.s32 @!p2 $0x100  }
0x13b: {  	s3 =	sadd.s32 s5, s3  }
.LBB2_20:
0x13c: {  	s5 =	sadd.s32 $0x1, s26  }
0x13d: {  	s7 =	smulhi.u32 $0xCCCCCCCD, s5;
	_ =	sdelay $0x1  }
0x13e: {  	v1 =	vld [tilespmem:s30+$0xFFFFFFE0];
	s7 =	sshrl.u32 s7, $0x8  }
0x13f: {  	s7 =	smul.u32 $0x140, s7;
	_ =	sdelay $0x1  }
0x140: {  	s26 =	ssub.s32 s5, s7  }
0x141: {  	s5 =	sshll.u32 s26, $0x6  }
0x142: {  	[tilespmem:s5+$0x88] =	vst v1  }
0x143: {  	v1 =	vld [tilespmem:s30+$0xFFFFFFF0];
	_ =	sdelay $0x4  }
0x144: {  	[tilespmem:s5+$0x98] =	vst v1  }
0x145: {  	v1 =	vld [tilespmem:s30+$0x0];
	_ =	sdelay $0x4  }
0x146: {  	[tilespmem:s5+$0xA8] =	vst v1  }
0x147: {  	v1 =	vld [tilespmem:s30+$0x10]  }
.Ltmp17:
0x148: {  	_ = 	snop;
	(pc) =	sbr.rel .LBB2_21-.Ltmp17, $2  }
0x149: {  	_ =	sdelay $0x2  }
0x14a: {  	s0 =	sadd.s32 $0x1, s0;
	[tilespmem:s5+$0xB8] =	vst v1  }
.LBB2_23:
.Ltmp18:
0x14b: {  	(pc) =	sbr.rel .LBB2_24-.Ltmp18, $4  }
0x14c: {  	_ = 	snop  }
0x14d: {  	s0 =	simm.s32 $0x2  }
0x14e: {  	_ =	swait.ge [sflag:s0], $0x0  }
0x14f: {  	s2 =	smov.u32 s29;
	[sflag:s0] =	ssyncset.done $0x0;
	s0 =	simm.s32 $0x0  }
.LBB2_26:
0x150: {  	_ =	sfence.sel $0x180000  }
0x151: {  	s0 =	simm.s32 $0x9;
	[bflag:$0x0] =	sbarrier.arrive $0xFFFF  }
0x152: {  	s24 =	simm.s32 $0xA;
	[sflag:s0] =	ssyncpa.u1 $0x1  }
0x153: {  	s25 =	simm.s32 $0xB;
	[sflag:s24] =	ssyncpa.u1 $0x1  }
0x154: {  	s26 =	simm.s32 $0x2;
	[sflag:s25] =	ssyncpa.u1 $0x1  }
0x155: {  	[sflag:s26] =	ssyncpa.u1 $0x1  }
0x156: {  	v0 =	vld [tilespmem:$0xA108];
	_ =	sdelay $0x4  }
0x157: {  	(v2sf) =	vpush v0, $0x0  }
0x158: {  	(v2sf) =	vpush v0, $0x1;
	_ =	sdelay $0x1  }
0x159: {  	(v2sf) =	vpush v0, $0x2;
	_ =	sdelay $0xb  }
0x15a: {  	s0 =	spop (v2sf)  }
0x15b: {  	s2 =	spop (v2sf)  }
0x15c: {  	s3 =	smov.u32 s0;
	p0 =	sne.s32 s0, s2  }
0x15d: {  	s4 =	spop (v2sf);
	s3 =	simm.s32 @!p0 $0xFFFFFFFF  }
0x15e: {  	v2 =	vimm.s32 $0x1;
	v3 =	vlaneseq.u32;
	p0 =	seq.s32 s4, $0xFFFFFFFF;
	v1 =	vmov s3  }
0x15f: {  	s14 =	stileid.u32;
	v0 =	vperm.xlane v0, v2;
	p1 =	sne.s32 @!p0 s0, s2;
	v1 =	vperm.xlane v1, v3  }
0x160: {  	vm0 =	vcmask $0x3F04;
	s6 =	simm.s32 $0xA108;
	s0 =	simm.s32 @!p0 $0x1;
	p1 =	por !p1, p0  }
0x161: {  	s3 =	sshll.u32 s14, $0x1;
	s2 =	sshll.u32 @!p0 s4, $0x8;
	s0 =	simm.s32 @p1 $0x0;
	v0 =	vsel vm0, v1, v0  }
0x162: {  	s5 =	sor.u32 $0x800, s3;
	s2 =	sshra.s32 @!p0 s2, $0x2;
	s0 =	sor.u32 @!p0 s0, s3;
	[tilespmem:$0xA108] =	vst v0  }
0x163: {  	[spmem:s5] =	stream.linear.scatter [tilespmem:s6], [sflag:$0x1], $0x2, $0x38;
	[tilespmem:$0x1EF88] =	vst v63  }
0x164: {  	s2 =	sadd.s32 @!p0 $0x88, s2;
	s0 =	sshll.u32 @!p0 s0, $0x6  }
0x165: {  	[spmem:s0] =	stream.linear.scatter @!p0 [tilespmem:s2], [sflag:$0x1], $0x40, $0x38;
	[tilespmem:$0x1EF88] =	vst v63  }
0x166: {  	s0 =	simm.s32 @!p0 $0x42  }
0x167: {  	s28 =	simm.s32 $0x1;
	s0 =	simm.s32 @p0 $0x2  }
0x168: {  	_ =	swait.ge [sflag:s28], s0  }
0x169: {  	s0 =	ssub.s32 $0x0, s0;
	[sflag:s28] =	ssyncset.done $0x0  }
0x16a: {  	p0 =	sne.s32 s14, $0x0;
	[sflag:s28] =	ssyncadd.s32 s0  }
.Ltmp19:
0x16b: {  	_ =	sfence.stream.spmem;
	(pc) =	sbr.rel @p0 .LBB2_43-.Ltmp19, $4  }
0x16c: {  	s29 =	simm.s32 $0x3;
	[bflag:$0x0] =	sbarrier.arrive $0xFFFF  }
0x16d: {  	s30 =	simm.s32 $0x4;
	[sflag:s29] =	ssyncpa.u1 $0x1  }
0x16e: {  	s31 =	simm.s32 $0x3C;
	[sflag:s30] =	ssyncpa.u1 $0x1  }
0x16f: {  	s13 =	rddreg [dreg:$0x4];
	[sflag:s31] =	ssyncpa.u1 $0x1  }
0x170: {  	_ =	sfence.stream.spmem;
	s0 =	simm.s32 $0x5  }
0x171: {  	s2 =	simm.s32 $0x800;
	s3 =	simm.s32 $0xA118;
	[sflag:s0] =	ssyncpa.u1 $0x0  }
0x172: {  	[tilespmem:s3], [sflag:$0x5] =	stream.linear.gather [spmem:s2], $0x20, $0x38;
	[tilespmem:$0x1EF88] =	vst v63  }
0x173: {  	s26 =	simm.s32 $0x0;
	s28 =	simm.s32 $0xA138  }
0x174: {  	[tilespmem:s28], [sflag:$0x5] =	stream.linear.gather [spmem:s26], $0x800, $0x38;
	[tilespmem:$0x1EF88] =	vst v63  }
0x175: {  	_ =	swait.ge [sflag:s0], $0x820  }
0x176: {  	[sflag:s0] =	ssyncset.done $0x0  }
0x177: {  	s29 =	simm.s32 $0x0;
	[sflag:s0] =	ssyncadd.s32 $0xFFFFF7E0  }
0x178: {  	v0 =	vld.msk [tilespmem:s29+$0xA118], $0x1;
	_ =	sdelay $0x1  }
0x179: {  	s30 =	simm.s32 $0x1  }
0x17a: {  	v1 =	vld.msk [tilespmem:s30+$0xA118], $0x1;
	_ =	sdelay $0x1  }
0x17b: {  	(v2sf) =	vpush v0, $0x0;
	_ =	sdelay $0x2  }
0x17c: {  	(v2sf) =	vpush v1, $0x0;
	_ =	sdelay $0x2  }
0x17d: {  	s31 =	simm.s32 $0x2  }
0x17e: {  	v0 =	vld.msk [tilespmem:s31+$0xA118], $0x1;
	_ =	sdelay $0x2  }
0x17f: {  	s2 =	simm.s32 $0xFFFFFFFF;
	s3 =	simm.s32 $0xFFFFFFFF;
	s0 =	simm.s32 $0xC  }
.LBB2_28:
0x180: {  	s4 =	smov.u32 s3;
	s5 =	smov.u32 s2  }
0x181: {  	s2 =	sshra.s32 s0, $0x2;
	p1 =	sne.s32 s0, $0x7C;
	s0 =	sadd.s32 $0x4, s0;
	(v2sf) =	vpush v0, $0x0  }
0x182: {  	v0 =	vld.msk [tilespmem:s2+$0xA118], $0x1  }
.Ltmp20:
0x183: {  	(pc) =	sbr.rel @p1 .LBB2_28-.Ltmp20, $4  }
0x184: {  	s3 =	spop (v2sf)  }
0x185: {  	p2 =	sne.s32 s5, $0xFFFFFFFF;
	s2 =	smov.u32 s3  }
0x186: {  	p3 =	seq.s32 s3, $0xFFFFFFFF;
	s2 =	smov.u32 @p2 s5  }
0x187: {  	s3 =	smov.u32 @p3 s4;
	s2 =	smov.u32 @p3 s5  }
0x188: {  	(v2sf) =	vpush v0, $0x0;
	_ =	sdelay $0x8  }
0x189: {  	s0 =	spop (v2sf)  }
0x18a: {  	p1 =	sne.s32 s2, $0xFFFFFFFF;
	s4 =	smov.u32 s0  }
0x18b: {  	s6 =	simm.s32 $0x0;
	p2 =	seq.s32 s0, $0xFFFFFFFF;
	s4 =	smov.u32 @p1 s2  }
0x18c: {  	s9 =	simm.s32 $0xA0C8;
	s4 =	smov.u32 @p2 s2;
	s2 =	spop (v2sf)  }
0x18d: {  	s0 =	smov.u32 @p2 s3;
	p1 =	sne.s32 s4, $0xFFFFFFFF;
	s5 =	smov.u32 s2  }
.Ltmp21:
0x18e: {  	p2 =	seq.s32 s2, $0xFFFFFFFF;
	s5 =	smov.u32 @p1 s4;
	(pc) =	sbr.rel .LBB2_30-.Ltmp21, $4  }
0x18f: {  	s10 =	simm.s32 $0x0;
	s5 =	smov.u32 @p2 s4;
	s7 =	spop (v2sf)  }
0x190: {  	s2 =	smov.u32 @p2 s0;
	p1 =	sne.s32 s5, $0xFFFFFFFF;
	s8 =	smov.u32 s7  }
0x191: {  	s0 =	simm.s32 $0x6;
	p2 =	seq.s32 s7, $0xFFFFFFFF;
	s8 =	smov.u32 @p1 s5  }
0x192: {  	[sflag:s0] =	ssyncpa.u1 $0x0;
	s7 =	smov.u32 @p2 s2;
	s8 =	smov.u32 @p2 s5  }
.LBB2_36:
0x193: {  	p1 =	sgt.u32 s2, $0xC34F8  }
0x194: {  	p2 =	seq.s32 @!p1 s2, s8  }
0x195: {  	p1 =	por p1, p2  }
0x196: {  	p2 =	sne.s32 @!p1 s2, s7  }
0x197: {  	p1 =	por p1, !p2  }
0x198: {  	s2 =	sshll.u32 @p1 s10, $0x8  }
0x199: {  	s3 =	sand.u32 @!p1 $0xFFFF8, s2  }
0x19a: {  	s2 =	sand.u32 @!p1 $0x7, s2;
	s3 =	sadd.s32 @!p1 s1, s3  }
0x19b: {  	[tilespmem:s9], [sflag:$0x6] =	stream.linear.gather @!p1 [hbm4b:s3+s2], $0x40, $0x38;
	[tilespmem:$0x1EF88] =	vst v63  }
0x19c: {  	_ =	swait.ge @!p1 [sflag:s0], $0x40  }
0x19d: {  	[sflag:s0] =	ssyncset.done @!p1 $0x0  }
0x19e: {  	[sflag:s0] =	ssyncadd.s32 @!p1 $0xFFFFFFC0  }
0x19f: {  	v1 =	vld @!p1 [tilespmem:$0xA0C8];
	_ =	sdelay $0x2  }
0x1a0: {  	s2 =	sshll.u32 @!p1 s10, $0x8  }
0x1a1: {  	s3 =	sshrl.u32 @!p1 s2, $0x2  }
0x1a2: {  	[tilespmem:s3+$0xA138] =	vst.add.f32.msk @!p1 $0xffff, v1  }
0x1a3: {  	v1 =	vld @!p1 [tilespmem:$0xA0D8];
	_ =	sdelay $0x4  }
0x1a4: {  	[tilespmem:s3+$0xA148] =	vst.add.f32.msk @!p1 $0xffff, v1  }
0x1a5: {  	v1 =	vld @!p1 [tilespmem:$0xA0E8];
	_ =	sdelay $0x4  }
0x1a6: {  	[tilespmem:s3+$0xA158] =	vst.add.f32.msk @!p1 $0xffff, v1  }
0x1a7: {  	v1 =	vld @!p1 [tilespmem:$0xA0F8];
	_ =	sdelay $0x4  }
0x1a8: {  	[tilespmem:s3+$0xA168] =	vst.add.f32.msk @!p1 $0xffff, v1  }
0x1a9: {  	s2 =	sshrl.u32 s2, $0x2;
	[tilespmem:s6+$0xA118] =	vst.msk $0x1, v0  }
0x1aa: {  	v0 =	vld [tilespmem:s2+$0xA138];
	_ =	sdelay $0x2  }
0x1ab: {  	s31 =	sshll.u32 s6, $0x8  }
0x1ac: {  	s3 =	sshra.s32 s31, $0x2  }
0x1ad: {  	[tilespmem:s3+$0xA138] =	vst v0  }
0x1ae: {  	v0 =	vld [tilespmem:s2+$0xA148];
	_ =	sdelay $0x4  }
0x1af: {  	[tilespmem:s3+$0xA148] =	vst v0  }
0x1b0: {  	v0 =	vld [tilespmem:s2+$0xA158];
	_ =	sdelay $0x4  }
0x1b1: {  	[tilespmem:s3+$0xA158] =	vst v0  }
0x1b2: {  	v0 =	vld [tilespmem:s2+$0xA168];
	_ =	sdelay $0x4  }
0x1b3: {  	s6 =	sadd.s32 $0x1, s6;
	[tilespmem:s3+$0xA168] =	vst v0  }
.LBB2_37:
0x1b4: {  	s10 =	sadd.s32 $0x1, s10  }
0x1b5: {  	p1 =	sne.s32 s10, $0x20  }
.Ltmp22:
0x1b6: {  	_ = 	snop;
	(pc) =	sbr.rel @!p1 .LBB2_38-.Ltmp22, $1  }
0x1b7: {  	_ =	sdelay $0x3  }
.LBB2_30:
0x1b8: {  	v0 =	vld.msk [tilespmem:s10+$0xA118], $0x1;
	_ =	sdelay $0x4  }
0x1b9: {  	(v2sf) =	vpush v0, $0x0;
	_ =	sdelay $0xe  }
0x1ba: {  	s2 =	spop (v2sf)  }
0x1bb: {  	p1 =	seq.s32 s2, $0xFFFFFFFF  }
.Ltmp23:
0x1bc: {  	_ = 	snop;
	(pc) =	sbr.rel @p1 .LBB2_37-.Ltmp23, $1  }
0x1bd: {  	_ =	sdelay $0x3  }
0x1be: {  	p1 =	slt.s32 s6, $0x1  }
.Ltmp24:
0x1bf: {  	_ = 	snop;
	(pc) =	sbr.rel @p1 .LBB2_36-.Ltmp24, $1  }
0x1c0: {  	_ =	sdelay $0x3  }
0x1c1: {  	s3 =	simm.s32 $0xA118;
	p1 =	por $0x0, $0x0  }
0x1c2: {  	v1 =	vld.msk @!p1 [tilespmem:s3+$0x0], $0x1;
	_ =	sdelay $0x4  }
0x1c3: {  	(v2sf) =	vpush @!p1 v1, $0x0;
	_ =	sdelay $0xd  }
0x1c4: {  	p3 =	sne.s32 s6, $0x1  }
.Ltmp25:
0x1c5: {  	s4 =	spop @!p1 (v2sf);
	(pc) =	sbr.rel @!p3 .LBB2_34-.Ltmp25, $4  }
0x1c6: {  	p2 =	seq.s32 @!p1 s2, s4  }
0x1c7: {  	s4 =	simm.s32 $0x0;
	p2 =	por !p2, p1  }
0x1c8: {  	s11 =	simm.s32 $0xFFFFFFFF;
	s4 =	simm.s32 @p2 $0xFFFFFFFF  }
0x1c9: {  	s5 =	simm.s32 $0x1;
	s4 =	smov.u32 @p1 s11  }
.LBB2_33:
0x1ca: {  	s11 =	smov.u32 s4;
	p1 =	sne.s32 s4, $0xFFFFFFFF  }
0x1cb: {  	s3 =	sadd.s32 $0x1, s3;
	s4 =	smov.u32 s5;
	s5 =	sadd.s32 $0x1, s5  }
0x1cc: {  	p2 =	sne.s32 s6, s5;
	v1 =	vld.msk @!p1 [tilespmem:s3+$0x0], $0x1;
	_ =	sdelay $0x4  }
0x1cd: {  	(v2sf) =	vpush @!p1 v1, $0x0;
	_ =	sdelay $0xe  }
.Ltmp26:
0x1ce: {  	s12 =	spop @!p1 (v2sf);
	(pc) =	sbr.rel @p2 .LBB2_33-.Ltmp26, $4  }
0x1cf: {  	p3 =	seq.s32 @!p1 s2, s12  }
0x1d0: {  	p3 =	por !p3, p1  }
0x1d1: {  	s4 =	simm.s32 @p3 $0xFFFFFFFF  }
0x1d2: {  	s4 =	smov.u32 @p1 s11  }
.LBB2_34:
0x1d3: {  	p1 =	seq.s32 s4, $0xFFFFFFFF  }
.Ltmp27:
0x1d4: {  	_ = 	snop;
	(pc) =	sbr.rel @p1 .LBB2_36-.Ltmp27, $1  }
0x1d5: {  	_ =	sdelay $0x3  }
0x1d6: {  	s2 =	sshll.u32 s10, $0x6  }
0x1d7: {  	s2 =	sand.u32 $0x3FFFFFC0, s2  }
0x1d8: {  	v0 =	vld [tilespmem:s2+$0xA138];
	_ =	sdelay $0x2  }
0x1d9: {  	s3 =	sshll.u32 s4, $0x8  }
0x1da: {  	s3 =	sshra.s32 s3, $0x2  }
0x1db: {  	[tilespmem:s3+$0xA138] =	vst.add.f32.msk $0xffff, v0  }
0x1dc: {  	v0 =	vld [tilespmem:s2+$0xA148];
	_ =	sdelay $0x4  }
0x1dd: {  	[tilespmem:s3+$0xA148] =	vst.add.f32.msk $0xffff, v0  }
0x1de: {  	v0 =	vld [tilespmem:s2+$0xA158];
	_ =	sdelay $0x4  }
0x1df: {  	[tilespmem:s3+$0xA158] =	vst.add.f32.msk $0xffff, v0  }
0x1e0: {  	v0 =	vld [tilespmem:s2+$0xA168]  }
.Ltmp28:
0x1e1: {  	_ = 	snop;
	(pc) =	sbr.rel .LBB2_37-.Ltmp28, $2  }
0x1e2: {  	_ =	sdelay $0x2  }
0x1e3: {  	[tilespmem:s3+$0xA168] =	vst.add.f32.msk $0xffff, v0  }
.LBB2_38:
0x1e4: {  	s0 =	simm.s32 $0x6;
	p1 =	seq.s32 s6, $0x0  }
0x1e5: {  	[sflag:s0] =	ssyncpa.u1 $0x1;
	v0 =	vimm.s32 @p1 $0xFFFFFFFF  }
0x1e6: {  	s0 =	sadd.s32 $0xFFFFFFFF, s6;
	[tilespmem:$0xA938] =	vst @p1 v0  }
0x1e7: {  	v0 =	vld.msk @!p1 [tilespmem:s0+$0xA118], $0x1;
	_ =	sdelay $0x1  }
0x1e8: {  	v1 =	vld.msk @!p1 [tilespmem:$0xA118], $0x1;
	_ =	sdelay $0x2  }
0x1e9: {  	p2 =	seq.s32 @!p1 s0, $0x0;
	v0 =	vbroadcast @!p1 v0, $0x0  }
0x1ea: {  	vm0 =	vmmov @!p1 $0x1;
	p2 =	por !p2, p1  }
0x1eb: {  	v1 =	vnsel @!p1 vm0, $0xFFFFFFFF, v1;
	vm0 =	vcmask @!p1 $0x308;
	v0 =	vpsel !p2, $0xFFFFFFFF, v0  }
0x1ec: {  	p2 =	sne.s32 @!p1 s8, s7;
	v0 =	vsel @!p1 vm0, v1, v0  }
0x1ed: {  	s2 =	simm.s32 @!p1 $0xA138;
	s3 =	simm.s32 @!p1 $0x0;
	p3 =	por !p2, p1;
	[tilespmem:$0xA938] =	vst @!p1 v0  }
0x1ee: {  	[spmem:s3] =	stream.linear.scatter @!p1 [tilespmem:s2], [sflag:$0x1], $0x40, $0x38;
	[tilespmem:$0x1EF88] =	vst v63  }
0x1ef: {  	s2 =	sshll.u32 @!p3 s0, $0x8  }
0x1f0: {  	s2 =	sshra.s32 @!p3 s2, $0x2  }
0x1f1: {  	s3 =	simm.s32 @!p3 $0x40;
	s2 =	sadd.s32 @!p3 $0xA138, s2  }
0x1f2: {  	[spmem:s3] =	stream.linear.scatter @!p3 [tilespmem:s2], [sflag:$0x1], $0x40, $0x38;
	[tilespmem:$0x1EF88] =	vst v63  }
0x1f3: {  	s2 =	simm.s32 @!p3 $0x1  }
0x1f4: {  	_ =	swait.ge @!p3 [sflag:s2], $0x80  }
0x1f5: {  	p1 =	por p2, p1;
	[sflag:s2] =	ssyncset.done @!p3 $0x0  }
0x1f6: {  	[sflag:s2] =	ssyncadd.s32 @!p3 $0xFFFFFF80;
	s2 =	simm.s32 @!p1 $0x1  }
0x1f7: {  	_ =	swait.ge @!p1 [sflag:s2], $0x40  }
0x1f8: {  	s29 =	simm.s32 $0xA938;
	[sflag:s2] =	ssyncset.done @!p1 $0x0  }
0x1f9: {  	s30 =	simm.s32 $0x800;
	s31 =	simm.s32 $0x1;
	[sflag:s2] =	ssyncadd.s32 @!p1 $0xFFFFFFC0  }
0x1fa: {  	[spmem:s30] =	stream.linear.scatter [tilespmem:s29], [sflag:$0x1], $0x10, $0x38;
	[tilespmem:$0x1EF88] =	vst v63  }
0x1fb: {  	_ =	swait.ge [sflag:s31], $0x10  }
0x1fc: {  	[sflag:s31] =	ssyncset.done $0x0  }
0x1fd: {  	p1 =	seq.s32 s13, $0x0;
	s9 =	rddreg [dreg:$0x1];
	[sflag:s31] =	ssyncadd.s32 $0xFFFFFFF0  }
0x1fe: {  	s3 =	sshll.u32 @p1 s9, $0xE;
	s8 =	rddreg [dreg:$0x2]  }
0x1ff: {  	s2 =	sadd.s32 @p1 $0x15C3C, s3;
	s3 =	sshll.u32 @p1 s8, $0x11  }
0x200: {  	_ =	sfence.stream.spmem;
	s2 =	sor.u32 @p1 s3, s2  }
0x201: {  	[sflag:s2] =	ssyncadd.remote.s32 @p1 $0x1;
	s2 =	simm.s32 @p1 $0x4  }
0x202: {  	s4 =	simm.s32 @!p1 $0x3C;
	s3 =	sand.u32 $0xFFFFFFFE, s9;
	_ =	swait.ge @p1 [sflag:s2], $0x12  }
0x203: {  	s5 =	simm.s32 @!p1 $0x0;
	s3 =	sadd.s32 @!p1 $0x4, s3;
	[sflag:s2] =	ssyncset.done @p1 $0x0  }
0x204: {  	s7 =	simm.s32 @!p1 $0x80;
	[sflag:s2] =	ssyncadd.s32 @p1 $0xFFFFFFEE;
	s2 =	sshll.u32 @!p1 s3, $0x1A  }
0x205: {  	s3 =	sshll.u32 @!p1 s3, $0xD;
	s2 =	sor.u32 @!p1 s2, s8;
	_ =	swait.eq @!p1 [sflag:s4], $0x1  }
0x206: {  	s3 =	sor.u32 @!p1 $0x1C04, s3;
	s4 =	simm.s32 @!p1 $0x1C03;
	s2 =	sor.u32 @!p1 $0x80004000, s2  }
0x207: {  	[spmem:s7], [sflag:s3] =	dma.general @!p1 [spmem:s5], [sflag:s4], length:$0x10, [dreg:$0x0], stride_count:$0x0, ici_dest:s2, dma_misc:DstOpCode:WRITE  }
0x208: {  	p2 =	slt.s32 s0, $0x2;
	s5 =	simm.s32 @!p1 $0x100;
	s7 =	simm.s32 @!p1 $0x102  }
0x209: {  	[spmem:s7], [sflag:s3] =	dma.general @!p1 [spmem:s5], [sflag:s4], length:$0x2, [dreg:$0x0], stride_count:$0x0, ici_dest:s2, dma_misc:DstOpCode:WRITE  }
.Ltmp29:
0x20a: {  	s2 =	simm.s32 @!p1 $0x3;
	(pc) =	sbr.rel @p2 .LBB2_42-.Ltmp29, $4  }
0x20b: {  	s3 =	sshll.u32 @!p1 s9, $0xE;
	_ =	swait.ge @!p1 [sflag:s2], $0x12  }
0x20c: {  	s4 =	sshll.u32 @!p1 s8, $0x11;
	s3 =	sadd.s32 @!p1 $0x11C3C, s3;
	[sflag:s2] =	ssyncset.done @!p1 $0x0  }
0x20d: {  	[sflag:s2] =	ssyncadd.s32 @!p1 $0xFFFFFFEE;
	s2 =	sor.u32 @!p1 s4, s3  }
0x20e: {  	s0 =	simm.s32 $0x0;
	[sflag:s2] =	ssyncadd.remote.s32 @!p1 $0xFFFFFFFF  }
0x20f: {  	s0 =	simm.s32 $0xA119  }
0x210: {  	v0 =	vld.msk [tilespmem:s0+$0x0], $0x1;
	_ =	sdelay $0x4  }
0x211: {  	(v2sf) =	vpush v0, $0x0;
	_ =	sdelay $0xc  }
0x212: {  	s2 =	sadd.s32 $0xFFFFFFFE, s6  }
0x213: {  	s2 =	sadd.s32 $0xFFFFFFFF, s2  }
0x214: {  	p2 =	sne.s32 s2, $0x0;
	s3 =	spop (v2sf)  }
.Ltmp30:
0x215: {  	p1 =	sgt.u32 s3, $0xC34F8;
	(pc) =	sbr.rel @!p2 .LBB2_41-.Ltmp30, $4  }
0x216: {  	s5 =	simm.s32 $0x0;
	s4 =	sand.u32 @!p1 $0xFFFF8, s3  }
0x217: {  	s0 =	simm.s32 $0xA178;
	s3 =	sand.u32 @!p1 $0x7, s3;
	s4 =	sadd.s32 @!p1 s1, s4  }
0x218: {  	[hbm4b:s4+s3] =	stream.linear.scatter @!p1 [tilespmem:s0], [sflag:$0x5], $0x40, $0x38;
	[tilespmem:$0x1EF88] =	vst v63  }
0x219: {  	s5 =	simm.s32 @!p1 $0x100;
	s3 =	simm.s32 $0x0;
	s4 =	simm.s32 $0xA11A  }
.LBB2_40:
0x21a: {  	v0 =	vld.msk [tilespmem:s4+$0x0], $0x1;
	s2 =	sadd.s32 $0xFFFFFFFF, s2;
	s3 =	sadd.s32 s3, s5  }
0x21b: {  	p1 =	sne.s32 s2, $0x0;
	_ =	sdelay $0x3  }
0x21c: {  	(v2sf) =	vpush v0, $0x0;
	_ =	sdelay $0xe  }
.Ltmp31:
0x21d: {  	s6 =	spop (v2sf);
	(pc) =	sbr.rel @p1 .LBB2_40-.Ltmp31, $4  }
0x21e: {  	s5 =	simm.s32 $0x0;
	p2 =	sgt.u32 s6, $0xC34F8  }
0x21f: {  	s0 =	sadd.s32 $0x40, s0;
	s5 =	simm.s32 @!p2 $0x100;
	s7 =	sand.u32 @!p2 $0xFFFF8, s6  }
0x220: {  	s4 =	sadd.s32 $0x1, s4;
	s6 =	sand.u32 @!p2 $0x7, s6;
	s7 =	sadd.s32 @!p2 s1, s7  }
0x221: {  	[hbm4b:s7+s6] =	stream.linear.scatter @!p2 [tilespmem:s0], [sflag:$0x5], $0x40, $0x38;
	[tilespmem:$0x1EF88] =	vst v63  }
.LBB2_41:
0x222: {  	s0 =	sadd.s32 s3, s5  }
0x223: {  	s0 =	sshrl.u32 s0, $0x2  }
.LBB2_42:
0x224: {  	s2 =	simm.s32 $0x5  }
0x225: {  	_ =	swait.ge [sflag:s2], s0  }
0x226: {  	s31 =	ssub.s32 $0x0, s0;
	[sflag:s2] =	ssyncset.done $0x0  }
0x227: {  	[sflag:s2] =	ssyncadd.s32 s31  }
0x228: {  	[sflag:s2] =	ssyncpa.u1 $0x1  }
.LBB2_43:
0x229: {  	s0 =	sor.u32 s13, s14  }
0x22a: {  	p1 =	sne.s32 s0, $0x0  }
.Ltmp32:
0x22b: {  	_ = 	snop;
	(pc) =	sbr.rel @p1 .LBB2_58-.Ltmp32, $3  }
0x22c: {  	_ =	sdelay $0x1  }
0x22d: {  	[bflag:$0x0] =	sbarrier.arrive $0xFFFF  }
0x22e: {  	_ =	sfence  }
0x22f: {  	s2 =	simm.s32 $0x7  }
0x230: {  	s0 =	simm.s32 $0x800;
	s3 =	simm.s32 $0xA118;
	[sflag:s2] =	ssyncpa.u1 $0x0  }
0x231: {  	[tilespmem:s3], [sflag:$0x7] =	stream.linear.gather [spmem:s0], $0x20, $0x38;
	[tilespmem:$0x1EF88] =	vst v63  }
0x232: {  	s30 =	simm.s32 $0xA138;
	s0 =	simm.s32 $0x0  }
0x233: {  	[tilespmem:s30], [sflag:$0x7] =	stream.linear.gather [spmem:s0], $0x800, $0x38;
	[tilespmem:$0x1EF88] =	vst v63  }
.Ltmp33:
0x234: {  	_ = 	snop;
	(pc) =	sbr.rel .LBB2_45-.Ltmp33, $4  }
0x235: {  	_ =	swait.ge [sflag:s2], $0x820  }
0x236: {  	[sflag:s2] =	ssyncset.done $0x0  }
0x237: {  	s31 =	simm.s32 $0x8;
	[sflag:s2] =	ssyncadd.s32 $0xFFFFF7E0  }
0x238: {  	s2 =	simm.s32 $0x0;
	[sflag:s31] =	ssyncpa.u1 $0x0  }
.LBB2_51:
0x239: {  	p1 =	slt.u32 s3, $0xC34F9  }
0x23a: {  	s4 =	sand.u32 @p1 $0xFFFF8, s3  }
0x23b: {  	s3 =	sand.u32 @p1 $0x7, s3;
	s5 =	simm.s32 @p1 $0xA0C8;
	s4 =	sadd.s32 @p1 s1, s4  }
0x23c: {  	[tilespmem:s5], [sflag:$0x8] =	stream.linear.gather @p1 [hbm4b:s4+s3], $0x40, $0x38;
	[tilespmem:$0x1EF88] =	vst v63  }
0x23d: {  	s3 =	simm.s32 @p1 $0x8  }
0x23e: {  	_ =	swait.ge @p1 [sflag:s3], $0x40  }
0x23f: {  	[sflag:s3] =	ssyncset.done @p1 $0x0  }
0x240: {  	[sflag:s3] =	ssyncadd.s32 @p1 $0xFFFFFFC0  }
0x241: {  	v1 =	vld @p1 [tilespmem:$0xA0C8];
	_ =	sdelay $0x2  }
0x242: {  	s3 =	sshll.u32 @p1 s2, $0x8  }
0x243: {  	s4 =	sshrl.u32 @p1 s3, $0x2  }
0x244: {  	[tilespmem:s4+$0xA138] =	vst.add.f32.msk @p1 $0xffff, v1  }
0x245: {  	v1 =	vld @p1 [tilespmem:$0xA0D8];
	_ =	sdelay $0x4  }
0x246: {  	[tilespmem:s4+$0xA148] =	vst.add.f32.msk @p1 $0xffff, v1  }
0x247: {  	v1 =	vld @p1 [tilespmem:$0xA0E8];
	_ =	sdelay $0x4  }
0x248: {  	[tilespmem:s4+$0xA158] =	vst.add.f32.msk @p1 $0xffff, v1  }
0x249: {  	v1 =	vld @p1 [tilespmem:$0xA0F8];
	_ =	sdelay $0x3  }
0x24a: {  	s5 =	sshll.u32 @!p1 s2, $0x8  }
0x24b: {  	s5 =	smov.u32 @p1 s3;
	[tilespmem:s4+$0xA168] =	vst.add.f32.msk @p1 $0xffff, v1  }
0x24c: {  	s3 =	sshrl.u32 s5, $0x2;
	[tilespmem:s0+$0xA118] =	vst.msk $0x1, v0  }
0x24d: {  	v0 =	vld [tilespmem:s3+$0xA138];
	_ =	sdelay $0x2  }
0x24e: {  	s31 =	sshll.u32 s0, $0x8  }
0x24f: {  	s4 =	sshra.s32 s31, $0x2  }
0x250: {  	[tilespmem:s4+$0xA138] =	vst v0  }
0x251: {  	v0 =	vld [tilespmem:s3+$0xA148];
	_ =	sdelay $0x4  }
0x252: {  	[tilespmem:s4+$0xA148] =	vst v0  }
0x253: {  	v0 =	vld [tilespmem:s3+$0xA158];
	_ =	sdelay $0x4  }
0x254: {  	[tilespmem:s4+$0xA158] =	vst v0  }
0x255: {  	v0 =	vld [tilespmem:s3+$0xA168];
	_ =	sdelay $0x4  }
0x256: {  	s0 =	sadd.s32 $0x1, s0;
	[tilespmem:s4+$0xA168] =	vst v0  }
.LBB2_52:
0x257: {  	s2 =	sadd.s32 $0x1, s2  }
0x258: {  	p1 =	sne.s32 s2, $0x20  }
.Ltmp34:
0x259: {  	_ = 	snop;
	(pc) =	sbr.rel @!p1 .LBB2_53-.Ltmp34, $1  }
0x25a: {  	_ =	sdelay $0x3  }
.LBB2_45:
0x25b: {  	v0 =	vld.msk [tilespmem:s2+$0xA118], $0x1;
	_ =	sdelay $0x4  }
0x25c: {  	(v2sf) =	vpush v0, $0x0;
	_ =	sdelay $0xe  }
0x25d: {  	s3 =	spop (v2sf)  }
0x25e: {  	p1 =	seq.s32 s3, $0xFFFFFFFF  }
.Ltmp35:
0x25f: {  	_ = 	snop;
	(pc) =	sbr.rel @p1 .LBB2_52-.Ltmp35, $1  }
0x260: {  	_ =	sdelay $0x3  }
0x261: {  	p1 =	slt.s32 s0, $0x1  }
.Ltmp36:
0x262: {  	_ = 	snop;
	(pc) =	sbr.rel @p1 .LBB2_51-.Ltmp36, $1  }
0x263: {  	_ =	sdelay $0x3  }
0x264: {  	s4 =	simm.s32 $0xA118;
	p1 =	por $0x0, $0x0  }
0x265: {  	v1 =	vld.msk @!p1 [tilespmem:s4+$0x0], $0x1;
	_ =	sdelay $0x4  }
0x266: {  	(v2sf) =	vpush @!p1 v1, $0x0;
	_ =	sdelay $0xd  }
0x267: {  	p3 =	sne.s32 s0, $0x1  }
.Ltmp37:
0x268: {  	s5 =	spop @!p1 (v2sf);
	(pc) =	sbr.rel @!p3 .LBB2_49-.Ltmp37, $4  }
0x269: {  	p2 =	seq.s32 @!p1 s3, s5  }
0x26a: {  	s5 =	simm.s32 $0x0;
	p2 =	por !p2, p1  }
0x26b: {  	s7 =	simm.s32 $0xFFFFFFFF;
	s5 =	simm.s32 @p2 $0xFFFFFFFF  }
0x26c: {  	s6 =	simm.s32 $0x1;
	s5 =	smov.u32 @p1 s7  }
.LBB2_48:
0x26d: {  	s7 =	smov.u32 s5;
	p1 =	sne.s32 s5, $0xFFFFFFFF  }
0x26e: {  	s4 =	sadd.s32 $0x1, s4;
	s5 =	smov.u32 s6;
	s6 =	sadd.s32 $0x1, s6  }
0x26f: {  	p2 =	sne.s32 s0, s6;
	v1 =	vld.msk @!p1 [tilespmem:s4+$0x0], $0x1;
	_ =	sdelay $0x4  }
0x270: {  	(v2sf) =	vpush @!p1 v1, $0x0;
	_ =	sdelay $0xe  }
.Ltmp38:
0x271: {  	s8 =	spop @!p1 (v2sf);
	(pc) =	sbr.rel @p2 .LBB2_48-.Ltmp38, $4  }
0x272: {  	p3 =	seq.s32 @!p1 s3, s8  }
0x273: {  	p3 =	por !p3, p1  }
0x274: {  	s5 =	simm.s32 @p3 $0xFFFFFFFF  }
0x275: {  	s5 =	smov.u32 @p1 s7  }
.LBB2_49:
0x276: {  	p1 =	seq.s32 s5, $0xFFFFFFFF  }
.Ltmp39:
0x277: {  	_ = 	snop;
	(pc) =	sbr.rel @p1 .LBB2_51-.Ltmp39, $1  }
0x278: {  	_ =	sdelay $0x3  }
0x279: {  	s3 =	sshll.u32 s2, $0x6  }
0x27a: {  	s3 =	sand.u32 $0x3FFFFFC0, s3  }
0x27b: {  	v0 =	vld [tilespmem:s3+$0xA138];
	_ =	sdelay $0x2  }
0x27c: {  	s4 =	sshll.u32 s5, $0x8  }
0x27d: {  	s4 =	sshra.s32 s4, $0x2  }
0x27e: {  	[tilespmem:s4+$0xA138] =	vst.add.f32.msk $0xffff, v0  }
0x27f: {  	v0 =	vld [tilespmem:s3+$0xA148];
	_ =	sdelay $0x4  }
0x280: {  	[tilespmem:s4+$0xA148] =	vst.add.f32.msk $0xffff, v0  }
0x281: {  	v0 =	vld [tilespmem:s3+$0xA158];
	_ =	sdelay $0x4  }
0x282: {  	[tilespmem:s4+$0xA158] =	vst.add.f32.msk $0xffff, v0  }
0x283: {  	v0 =	vld [tilespmem:s3+$0xA168]  }
.Ltmp40:
0x284: {  	_ = 	snop;
	(pc) =	sbr.rel .LBB2_52-.Ltmp40, $2  }
0x285: {  	_ =	sdelay $0x2  }
0x286: {  	[tilespmem:s4+$0xA168] =	vst.add.f32.msk $0xffff, v0  }
.LBB2_53:
0x287: {  	p1 =	slt.s32 s0, $0x1  }
.Ltmp41:
0x288: {  	_ = 	snop;
	(pc) =	sbr.rel @p1 .LBB2_57-.Ltmp41, $3  }
0x289: {  	_ =	sdelay $0x1  }
0x28a: {  	s2 =	simm.s32 $0x8  }
0x28b: {  	[sflag:s2] =	ssyncpa.u1 $0x1;
	s2 =	simm.s32 $0x0  }
0x28c: {  	s3 =	simm.s32 $0xA118  }
0x28d: {  	v0 =	vld.msk [tilespmem:s3+$0x0], $0x1;
	_ =	sdelay $0x4  }
0x28e: {  	(v2sf) =	vpush v0, $0x0;
	_ =	sdelay $0xe  }
0x28f: {  	s0 =	sadd.s32 $0xFFFFFFFF, s0;
	s4 =	spop (v2sf)  }
0x290: {  	p2 =	sne.s32 s0, $0x0;
	p1 =	sgt.u32 s4, $0xC34F8  }
.Ltmp42:
0x291: {  	s5 =	sand.u32 @!p1 $0xFFFF8, s4;
	(pc) =	sbr.rel @!p2 .LBB2_56-.Ltmp42, $4  }
0x292: {  	s3 =	simm.s32 $0xA138;
	s4 =	sand.u32 @!p1 $0x7, s4;
	s5 =	sadd.s32 @!p1 s1, s5  }
0x293: {  	[hbm4b:s5+s4] =	stream.linear.scatter @!p1 [tilespmem:s3], [sflag:$0x7], $0x40, $0x38;
	[tilespmem:$0x1EF88] =	vst v63  }
0x294: {  	s5 =	simm.s32 $0x0  }
0x295: {  	s4 =	simm.s32 $0xA119;
	s5 =	simm.s32 @!p1 $0x100  }
.LBB2_55:
0x296: {  	v0 =	vld.msk [tilespmem:s4+$0x0], $0x1;
	s0 =	sadd.s32 $0xFFFFFFFF, s0;
	s2 =	sadd.s32 s2, s5  }
0x297: {  	p1 =	sne.s32 s0, $0x0;
	_ =	sdelay $0x3  }
0x298: {  	(v2sf) =	vpush v0, $0x0;
	_ =	sdelay $0xe  }
.Ltmp43:
0x299: {  	s6 =	spop (v2sf);
	(pc) =	sbr.rel @p1 .LBB2_55-.Ltmp43, $4  }
0x29a: {  	s5 =	simm.s32 $0x0;
	p2 =	sgt.u32 s6, $0xC34F8  }
0x29b: {  	s3 =	sadd.s32 $0x40, s3;
	s5 =	simm.s32 @!p2 $0x100;
	s7 =	sand.u32 @!p2 $0xFFFF8, s6  }
0x29c: {  	s4 =	sadd.s32 $0x1, s4;
	s6 =	sand.u32 @!p2 $0x7, s6;
	s7 =	sadd.s32 @!p2 s1, s7  }
0x29d: {  	[hbm4b:s7+s6] =	stream.linear.scatter @!p2 [tilespmem:s3], [sflag:$0x7], $0x40, $0x38;
	[tilespmem:$0x1EF88] =	vst v63  }
.LBB2_56:
0x29e: {  	s0 =	sadd.s32 s2, s5  }
0x29f: {  	s2 =	sshrl.u32 s0, $0x2  }
.LBB2_57:
0x2a0: {  	s0 =	simm.s32 $0x7  }
0x2a1: {  	_ =	swait.ge [sflag:s0], s2  }
0x2a2: {  	s1 =	ssub.s32 $0x0, s2;
	[sflag:s0] =	ssyncset.done $0x0  }
0x2a3: {  	[sflag:s0] =	ssyncadd.s32 s1  }
0x2a4: {  	[sflag:s0] =	ssyncpa.u1 $0x1  }
.LBB2_58:
0x2a5: {  	_ =	sfence;
	s0 =	simm.s32 $0x1  }
0x2a6: {  	[sflag:s0] =	ssyncpa.u1 $0x1  }
0x2a7: {  	_ =	strace $0x90000062  }
0x2a8: {  	[bflag:$0x2] =	sbarrier.arrive $0xFFFF  }
0x2a9: {  	s0 =	rddreg [dreg:$0x3]  }
0x2aa: {  	s0 =	sadd.s32 @!p0 $0x100000, s0  }
0x2ab: {  	[sflag:s0] =	ssyncadd.tile.s32 @!p0 $0x1;
	_ =	shalt  }
.Lfunc_end2:
_tile_overlayer_lowered:
.L_overlay_start_2:
0x2ac: {  	(tag) =	ssettag $0x2  }
0x2ad: {  	s0 =	rddreg [dreg:$0x0];
	s2 =	stileid.u32  }
0x2ae: {  	s1 =	rddreg [dreg:$0x1];
	p0 =	sne.s32 s2, $0x0  }
0x2af: {  	s3 =	rddreg [dreg:$0x2];
	[bflag:$0x3] =	sbarrier.arrive $0xFFFF;
	s2 =	simm.s32 @!p0 $0x1C01  }
0x2b0: {  	[timem:s3], [sflag:s2] =	dma.local @!p0 [hbm:s0], s1  }
0x2b1: {  	s0 =	simm.s32 @!p0 $0x1  }
0x2b2: {  	_ =	swait.ge @!p0 [sflag:s0], s1  }
0x2b3: {  	s1 =	ssub.s32 @!p0 $0x0, s1;
	[sflag:s0] =	ssyncset.done @!p0 $0x0  }
0x2b4: {  	[sflag:s0] =	ssyncadd.s32 @!p0 s1  }
0x2b5: {  	[bflag:$0x3] =	sbarrier.arrive $0xFFFF  }
0x2b6: {  	_ =	shalt  }

// kernel: scatter_offload_async_start.5
scs
__scs_entry_jumppad:
0x0: {  	(pc) =	sbr.rel $0x88, $3  }
0x1: {  	(tag) =	ssettag $0x0;
	lr =	simm.s32 $0x1  }
0x2: {  	[smem:$0x3F80] =	sst lr;
	_ =	strace $0xD0000000  }
0x3: {  	_ = 	snop  }
0x4: {  	_ = 	snop  }
0x5: {  	_ = 	snop  }
0x6: {  	_ = 	snop  }
0x7: {  	_ = 	snop  }
__scs_overlays_trampoline_lowered:
0x8: {  	[smem:$0x3F8F] =	sst s0  }
0x9: {  	[smem:$0x3F90] =	sst s1  }
0xa: {  	[smem:$0x3F91] =	sst s2  }
0xb: {  	[smem:$0x3F92] =	sst s3  }
0xc: {  	[smem:$0x3F93] =	sst s4  }
0xd: {  	[smem:$0x3F94] =	sst s5  }
0xe: {  	[smem:$0x3F95] =	sst s6  }
0xf: {  	[smem:$0x3F96] =	sst s7  }
0x10: {  	[smem:$0x3F97] =	sst s8  }
0x11: {  	[smem:$0x3F98] =	sst s9;
	s0 =	simm.s32 @!p0 $0x0  }
0x12: {  	s1 =	sld [smem:$0x3F7E];
	s0 =	simm.s32 @p0 $0x1  }
0x13: {  	[smem:$0x3F99] =	sst s0;
	s0 =	simm.s32 @!p1 $0x0  }
0x14: {  	s2 =	sld [smem:$0x3F7D];
	s0 =	simm.s32 @p1 $0x1  }
0x15: {  	[smem:$0x3F9A] =	sst s0;
	s0 =	simm.s32 @!p2 $0x0  }
0x16: {  	s3 =	sld [smem:$0x3FDB];
	s0 =	simm.s32 @p2 $0x1  }
0x17: {  	s4 =	simm.s32 $0x1BF5;
	[smem:$0x3F9C] =	sst s0  }
0x18: {  	s0 =	sld [smem:$0x3F7F];
	_ =	swait.ge [sflag:s4], $0x0  }
0x19: {  	s7 =	sld [smem:$0x3F80]  }
0x1a: {  	s8 =	sadd.s32 $0xFFFFE003, lr  }
0x1b: {  	s9 =	sadd.s32 $0xFFFFFEF7, lr;
	s5 =	simm.s32 $0xFFFFFFFF;
	p2 =	slt.u32 s8, $0xFFFFF086  }
0x1c: {  	p1 =	slt.u32 s9, $0xF7A;
	s5 =	simm.s32 @!p2 $0x0  }
0x1d: {  	s5 =	simm.s32 @p1 $0x1;
	p0 =	seq.s32 s7, s2  }
0x1e: {  	s7 =	smul.u32 @!p0 $0xF7A, s2;
	p2 =	seq.s32 @!p0 s5, $0x0  }
0x1f: {  	s9 =	smul.u32 $0xF7A, s1;
	s8 =	simm.s32 @!p0 $0x1BF5;
	p2 =	por !p2, p0  }
0x20: {  	[sflag:s8] =	ssyncset.s32 @!p0 $0xFFFFF086;
	s6 =	sadd.s32 @!p0 s3, s7;
	s7 =	simm.s32 @!p0 $0x108  }
0x21: {  	s3 =	sadd.s32 s3, s9;
	s6 =	sadd.s32 @!p0 $0x88, s6;
	s7 =	simm.s32 @p2 $0x1082  }
0x22: {  	[simem:s7], [sflag:s8] =	dma.local @!p0 [hbm:s6], $0xF7A  }
0x23: {  	s9 =	sor.u32 $0xD0000000, s2;
	s6 =	simm.s32 $0x108;
	_ =	swait.ge @!p0 [sflag:s8], $0x0  }
0x24: {  	s3 =	sadd.s32 $0x88, s3;
	s6 =	simm.s32 @!p1 $0x1082;
	[sflag:s4] =	ssyncset.s32 $0xFFFFF086  }
0x25: {  	[simem:s6], [sflag:s4] =	dma.local [hbm:s3], $0xF7A  }
0x26: {  	[smem:$0x3F80] =	sst s1;
	(tag) =	ssettag s2;
	_ =	strace s9  }
0x27: {  	s1 =	sld [smem:$0x3F90]  }
0x28: {  	s2 =	sld [smem:$0x3F91]  }
0x29: {  	s4 =	sld [smem:$0x3F93]  }
0x2a: {  	p0 =	seq.s32 s5, $0x0;
	s5 =	sld [smem:$0x3F94]  }
0x2b: {  	s6 =	sld [smem:$0x3F95]  }
0x2c: {  	s7 =	sld [smem:$0x3F96]  }
0x2d: {  	s3 =	simm.s32 $0x108;
	s8 =	sld [smem:$0x3F97]  }
0x2e: {  	s3 =	simm.s32 @!p0 $0x1082;
	s9 =	sld [smem:$0x3F98]  }
0x2f: {  	lr =	sadd.s32 s0, s3;
	s0 =	sld [smem:$0x3F8F]  }
0x30: {  	s3 =	sld [smem:$0x3F92]  }
0x31: {  	[smem:$0x3F9B] =	sst s10  }
0x32: {  	s10 =	sld [smem:$0x3F99];
	_ =	sdelay $0x3  }
0x33: {  	p0 =	seq.s32 s10, $0x1;
	s10 =	sld [smem:$0x3F9B];
	_ =	sdelay $0x3  }
0x34: {  	[smem:$0x3F9B] =	sst s10  }
0x35: {  	s10 =	sld [smem:$0x3F9A];
	_ =	sdelay $0x3  }
0x36: {  	p1 =	seq.s32 s10, $0x1;
	s10 =	sld [smem:$0x3F9B];
	_ =	sdelay $0x3  }
0x37: {  	[smem:$0x3F9B] =	sst s10  }
0x38: {  	s10 =	sld [smem:$0x3F9C]  }
0x39: {  	_ = 	snop;
	(pc) =	sbr.ind lr, $3  }
0x3a: {  	_ = 	snop  }
0x3b: {  	_ = 	snop  }
0x3c: {  	p2 =	seq.s32 s10, $0x1;
	s10 =	sld [smem:$0x3F9B]  }
0x3d: {  	_ =	shalt  }
0x3e: {  	_ =	shalt  }
0x3f: {  	_ =	shalt  }
0x40: {  	_ =	shalt  }
0x41: {  	_ =	shalt  }
0x42: {  	_ =	shalt  }
0x43: {  	_ =	shalt  }
0x44: {  	_ =	shalt  }
0x45: {  	_ =	shalt  }
0x46: {  	_ =	shalt  }
0x47: {  	_ =	shalt  }
0x48: {  	_ =	shalt  }
0x49: {  	_ =	shalt  }
0x4a: {  	_ =	shalt  }
0x4b: {  	_ =	shalt  }
0x4c: {  	_ =	shalt  }
0x4d: {  	_ =	shalt  }
0x4e: {  	_ =	shalt  }
0x4f: {  	_ =	shalt  }
0x50: {  	_ =	shalt  }
0x51: {  	_ =	shalt  }
0x52: {  	_ =	shalt  }
0x53: {  	_ =	shalt  }
0x54: {  	_ =	shalt  }
0x55: {  	_ =	shalt  }
0x56: {  	_ =	shalt  }
0x57: {  	_ =	shalt  }
0x58: {  	_ =	shalt  }
0x59: {  	_ =	shalt  }
0x5a: {  	_ =	shalt  }
0x5b: {  	_ =	shalt  }
0x5c: {  	_ =	shalt  }
0x5d: {  	_ =	shalt  }
0x5e: {  	_ =	shalt  }
0x5f: {  	_ =	shalt  }
0x60: {  	_ =	shalt  }
0x61: {  	_ =	shalt  }
0x62: {  	_ =	shalt  }
0x63: {  	_ =	shalt  }
0x64: {  	_ =	shalt  }
0x65: {  	_ =	shalt  }
0x66: {  	_ =	shalt  }
0x67: {  	_ =	shalt  }
0x68: {  	_ =	shalt  }
0x69: {  	_ =	shalt  }
0x6a: {  	_ =	shalt  }
0x6b: {  	_ =	shalt  }
0x6c: {  	_ =	shalt  }
0x6d: {  	_ =	shalt  }
0x6e: {  	_ =	shalt  }
0x6f: {  	_ =	shalt  }
0x70: {  	_ =	shalt  }
0x71: {  	_ =	shalt  }
0x72: {  	_ =	shalt  }
0x73: {  	_ =	shalt  }
0x74: {  	_ =	shalt  }
0x75: {  	_ =	shalt  }
0x76: {  	_ =	shalt  }
0x77: {  	_ =	shalt  }
0x78: {  	_ =	shalt  }
0x79: {  	_ =	shalt  }
0x7a: {  	_ =	shalt  }
0x7b: {  	_ =	shalt  }
0x7c: {  	_ =	shalt  }
0x7d: {  	_ =	shalt  }
0x7e: {  	_ =	shalt  }
0x7f: {  	_ =	shalt  }
0x80: {  	_ =	shalt  }
0x81: {  	_ =	shalt  }
0x82: {  	_ =	shalt  }
0x83: {  	_ =	shalt  }
0x84: {  	_ =	shalt  }
0x85: {  	_ =	shalt  }
0x86: {  	_ =	shalt  }
0x87: {  	_ =	shalt  }
.Lfunc_end0:
.L_simem_size_0:
called_computation.5_lowered:
.L_overlay_start_0:
0x88: {  	s0 =	sld [smem:$0x3FD9]  }
0x89: {  	s1 =	sld [smem:$0x3FFE];
	_ =	sdelay $0x3  }
0x8a: {  	s0 =	sadd.s32 s1, s0  }
0x8b: {  	[smem:$0x3FA7] =	sst s0  }
0x8c: {  	_ = 	snop  }
0x8d: {  	(tm) =	ssettm $0x1  }
0x8e: {  	s15 =	sld [smem:$0x3FFB];
	_ =	sdelay $0x3  }
0x8f: {  	_ =	strace s15  }
0x90: {  	s0 =	sld [smem:$0x3FFC];
	_ =	sdelay $0x3  }
0x91: {  	_ =	strace s0  }
0x92: {  	s0 =	sld [smem:$0x3FFD];
	_ =	sdelay $0x3  }
0x93: {  	_ =	strace s0  }
0x94: {  	_ =	strace $0x8FFFFFFF  }
0x95: {  	s16 =	sld [smem:$0x3FDB];
	_ =	sdelay $0x1  }
0x96: {  	s17 =	simm.s32 $_scs_section_size  }
0x97: {  	s2 =	simm.s32 $_size__tile_overlayer_lowered;
	s3 =	simm.s32 $_tile_overlayer_lowered  }
0x98: {  	s20 =	simm.s32 $0x1BFF;
	s19 =	sshll.u32 s3, $0x1;
	s0 =	sadd.s32 s17, s16  }
0x99: {  	s4 =	simm.s32 $0x0;
	s18 =	sshll.u32 s2, $0x1;
	s2 =	sadd.s32 s19, s0  }
0x9a: {  	[timem:s4], [sflag:s20] =	dma.local [hbm:s2], s18  }
0x9b: {  	_ =	swait.ge [sflag:s20], s18  }
0x9c: {  	s1 =	ssub.s32 $0x0, s18;
	[sflag:s20] =	ssyncset.done $0x0  }
0x9d: {  	[sflag:s20] =	ssyncadd.s32 s1;
	_ =	sdelay $0x1  }
0x9e: {  	s21 =	simm.s32 $0x1B8B  }
0x9f: {  	_ =	swait.ge [sflag:s21], $0x1  }
0xa0: {  	[sflag:s21] =	ssyncset.done $0x0  }
0xa1: {  	s23 =	simm.s32 $0x1B8E;
	s22 =	sld [smem:$0x3FFE];
	[sflag:s21] =	ssyncadd.s32 $0xFFFFFFFF  }
0xa2: {  	s24 =	simm.s32 $execute0_lowered;
	[smem:$0x3FD2] =	sst s23  }
0xa3: {  	s2 =	sshll.u32 s24, $0x1;
	_ =	strace $0x8000005E;
	[dreg:$0x1] =	wrdreg $0xFFFFFFFF  }
0xa4: {  	s25 =	simm.s32 $_size_execute0_lowered;
	s0 =	sadd.s32 s0, s2;
	[dreg:$0x0] =	wrdreg $0x0  }
0xa5: {  	s2 =	sshll.u32 s25, $0x1;
	[dreg:$0x2] =	wrdreg s0  }
0xa6: {  	[dreg:$0x3] =	wrdreg s2  }
0xa7: {  	[dreg:$0x4] =	wrdreg $0xC0  }
0xa8: {  	_ =	task [dreg:s4], $0x5FFFF  }
0xa9: {  	[dreg:$0x1] =	wrdreg $0xFFFFFFFF  }
0xaa: {  	[dreg:$0x0] =	wrdreg $0x60  }
0xab: {  	[dreg:$0x2] =	wrdreg s22  }
0xac: {  	[dreg:$0x3] =	wrdreg $0xA  }
0xad: {  	_ =	task.clear_ibuf [dreg:s4], $0x4FFFF;
	_ =	strace $0x9000005E  }
0xae: {  	s26 =	simm.s32 $0xA;
	_ =	strace $0x80000060  }
0xaf: {  	_ =	swait.ge [sflag:s26], $0x1  }
0xb0: {  	[sflag:s26] =	ssyncadd.s32 $0xFFFFFFFF  }
0xb1: {  	_ =	strace $0x90000060  }
0xb2: {  	_ =	sfence  }
0xb3: {  	s28 =	sld [smem:$0x0];
	_ =	sdelay $0x1  }
0xb4: {  	s29 =	srdreg.scid  }
0xb5: {  	s30 =	sshll.u32 s29, $0xD;
	s31 =	sshrl.u32 s29, $0x2  }
0xb6: {  	s1 =	sand.u32 $0x1, s29;
	s2 =	sand.u32 $0x4000, s30;
	s0 =	sadd.s32 s31, s28  }
0xb7: {  	s1 =	sor.u32 s2, s1;
	s0 =	sshll.u32 s0, $0x11  }
0xb8: {  	s0 =	sor.u32 s0, s1  }
0xb9: {  	s0 =	sadd.s32 $0x8F2B, s0  }
0xba: {  	[sflag:s0] =	ssyncadd.remote.s32 $0x1  }
0xbb: {  	_ =	sfence.sel $0xFFFF  }
0xbc: {  	[dreg:$0x0] =	wrdreg $0xFFFFFFFF;
	(pc) =	sbr.abs _section_cstart, $3  }
0xbd: {  	[dreg:$0x1] =	wrdreg $0xFFFFFFFF  }
0xbe: {  	_ =	task.clear_ibuf [dreg:s4], $0x2FFFF;
	_ =	strace $0x9FFFFFFF  }
0xbf: {  	(tm) =	ssettm $0x7FFFFFFF  }
tec
execute0_lowered:
.L_overlay_start_1:
0x0: {  	(tag) =	ssettag $0x1  }
0x1: {  	s0 =	rddreg [dreg:$0x0];
	s14 =	stileid.u32  }
0x2: {  	_ =	strace $0x8000005F;
	s2 =	simm.s32 $0x1;
	s1 =	smul.u32 $0x6, s14  }
0x3: {  	v1 =	vimm.s32 $0xFFFFFFFF;
	s3 =	smin.u32 s14, $0x4;
	[sflag:s2] =	ssyncpa.u1 $0x0  }
0x4: {  	[tilespmem:$0x10] =	vst v1;
	s1 =	sadd.s32 s3, s1  }
0x5: {  	v0 =	vimm.f32 $0.0e+00;
	p0 =	slt.u32 s14, $0x4;
	[tilespmem:$0x20] =	vst v1;
	s3 =	smul.u32 $0x1F40, s1;
	s1 =	simm.s32 $0xDAC0  }
0x6: {  	[tilespmem:$0x30] =	vst v0;
	s1 =	simm.s32 @!p0 $0xBB80  }
0x7: {  	[tilespmem:$0x40] =	vst v0;
	s1 =	sadd.s32 s1, s3  }
0x8: {  	[tilespmem:$0x50] =	vst v0;
	s4 =	smin.u32 s1, $0xC3500  }
0x9: {  	[tilespmem:$0x60] =	vst v1;
	s9 =	ssub.s32 s4, s3  }
0xa: {  	s7 =	simm.s32 $0x2;
	s8 =	simm.s32 $0x8;
	[tilespmem:$0x70] =	vst v1;
	p0 =	sgt.s32 s9, $0x0  }
0xb: {  	s31 =	simm.s32 $0x9;
	s16 =	simm.s32 $0x0;
	[tilespmem:$0x80] =	vst v1;
	s9 =	simm.s32 @!p0 $0x0  }
0xc: {  	s17 =	simm.s32 $0xF0;
	s18 =	simm.s32 $0xFFFFFFFF;
	v1 =	vimm.s32 $0x0;
	[tilespmem:$0xB0] =	vst v0;
	s5 =	smulhi.u32 $0x10624DD3, s9  }
0xd: {  	s19 =	simm.s32 $0xFFFFC280;
	s20 =	simm.s32 $0xFFFFFFFE;
	s21 =	simm.s32 $0xF;
	[tilespmem:$0x90] =	vst v1  }
0xe: {  	[tilespmem:$0xA0] =	vst v1;
	[sflag:s7] =	ssyncpa.u1 $0x0;
	s7 =	simm.s32 $0x7;
	s10 =	sshrl.u32 s5, $0x9  }
0xf: {  	s25 =	simm.s32 $0x0;
	[sflag:s7] =	ssyncpa.u1 $0x0;
	s11 =	smul.u32 $0x1F40, s10  }
0x10: {  	s24 =	simm.s32 $0x0;
	s6 =	sadd.s32 $0x4A400, s0;
	[sflag:s8] =	ssyncpa.u1 $0x0  }
.Ltmp0:
0x11: {  	[sflag:s31] =	ssyncpa.u1 $0x0;
	p0 =	sne.s32 s9, s11;
	(pc) =	sbr.rel .LBB2_1-.Ltmp0, $4  }
0x12: {  	s23 =	smov.u32 s3;
	s1 =	sadd.s32 $0xDA4A00, s0;
	s2 =	simm.s32 @!p0 $0x0  }
0x13: {  	s5 =	sadd.s32 $0xC00, s0;
	p0 =	por $0x0, $0x0;
	s9 =	sadd.s32 s2, s10  }
0x14: {  	vm0 =	vmmov $0xffff;
	v2 =	vlaneseq.u32;
	s10 =	sshll.u32 s14, $0x1;
	s14 =	sshllo.u32 s14, $0x1;
	s11 =	sadd.s32 $0x1, s9  }
0x15: {  	vm1 =	vmxor vm1, vm1;
	vm2 =	vmmov $0x1;
	vm3 =	vcmask $0x3F3C;
	s12 =	sadd.s32 $0x2, s9;
	s13 =	sor.u32 $0x81, s10;
	s15 =	sor.u32 $0x80, s10  }
.LBB2_9:
0x16: {  	p1 =	slt.u32 s24, $0x3  }
0x17: {  	s0 =	simm.s32 @!p1 $0x2  }
0x18: {  	_ =	swait.ge @!p1 [sflag:s0], $0x1F40  }
0x19: {  	[sflag:s0] =	ssyncset.done @!p1 $0x0  }
0x1a: {  	[sflag:s0] =	ssyncadd.s32 @!p1 $0xFFFFE0C0;
	s0 =	simm.s32 @!p1 $0x9  }
0x1b: {  	_ =	swait.ge @!p1 [sflag:s0], $0x10  }
0x1c: {  	[sflag:s0] =	ssyncset.done @!p1 $0x0  }
0x1d: {  	[sflag:s0] =	ssyncadd.s32 @!p1 $0xFFFFFFF0;
	p1 =	sne.s32 s24, s12  }
.Ltmp1:
0x1e: {  	s2 =	sadd.s32 $0x1F40, s23;
	(pc) =	sbr.rel @!p1 .LBB2_10-.Ltmp1, $4  }
0x1f: {  	s22 =	smov.u32 s3;
	s31 =	sadd.s32 $0x1, s24;
	s17 =	sadd.s32 $0x1F40, s17  }
0x20: {  	s18 =	sadd.s32 $0x1, s18;
	s25 =	smov.u32 s23;
	p2 =	slt.s32 s2, s4  }
0x21: {  	p0 =	por !p0, !p0;
	s19 =	sadd.s32 $0x1F40, s19;
	s22 =	smov.u32 @p2 s2  }
0x22: {  	s20 =	sadd.s32 $0x1, s20;
	s23 =	smov.u32 s22;
	s24 =	smov.u32 s31  }
.LBB2_1:
0x23: {  	p1 =	sge.u32 s24, s9  }
0x24: {  	s0 =	smulhi.u32 @!p1 $0xAAAAAAAB, s24;
	_ =	sdelay $0x1  }
0x25: {  	s0 =	sshrl.u32 @!p1 s0, $0x1  }
0x26: {  	s0 =	smul.u32 @!p1 $0x3, s0;
	_ =	sdelay $0x1  }
0x27: {  	s0 =	ssub.s32 @!p1 s24, s0  }
0x28: {  	s0 =	smul.u32 @!p1 $0x7D00, s0;
	_ =	sdelay $0x1  }
0x29: {  	s2 =	sshrl.u32 @!p1 s23, $0x3;
	s0 =	sshrl.u32 @!p1 s0, $0x2  }
0x2a: {  	s22 =	sand.u32 @!p1 $0x7, s23;
	s2 =	sadd.s32 @!p1 s5, s2;
	s0 =	sadd.s32 @!p1 $0x100, s0  }
0x2b: {  	[tilespmem:s0], [sflag:$0x7] =	stream.linear.gather @!p1 [hbm4b:s2+s22], $0x1F40, $0x38;
	[tilespmem:$0x11A60] =	vst v63  }
0x2c: {  	s0 =	sadd.s32 $0xFFFFFFFF, s24  }
0x2d: {  	p1 =	sge.u32 s0, s9  }
.Ltmp2:
0x2e: {  	_ = 	snop;
	(pc) =	sbr.rel @p1 .LBB2_5-.Ltmp2, $1  }
0x2f: {  	_ =	sdelay $0x3  }
0x30: {  	s2 =	smulhi.u32 $0xAAAAAAAB, s0;
	_ =	sdelay $0x1  }
0x31: {  	s2 =	sshrl.u32 s2, $0x1  }
0x32: {  	s2 =	smul.u32 $0x3, s2;
	_ =	sdelay $0x1  }
0x33: {  	s2 =	ssub.s32 s0, s2  }
0x34: {  	s2 =	smul.u32 $0x7D00, s2  }
0x35: {  	_ =	swait.ge [sflag:s7], $0x1F40  }
0x36: {  	[sflag:s7] =	ssyncset.done $0x0;
	s2 =	sshrl.u32 s2, $0x2  }
0x37: {  	[sflag:s7] =	ssyncadd.s32 $0xFFFFE0C0;
	(ifvalue) =	ssetifvalue $0xFFFFFFFF;
	v3 =	vld.msk [tilespmem:s2+$0x100 ss:$0x1], $0xffff;
	_ =	sdelay $0x2  }
0x38: {  	s30 =	smulhi.u32 $0xAAAAAAAB, s18;
	p1 =	sne.s32 s24, $0x1  }
0x39: {  	v4 =	vimm.s32 @!p1 $0x0  }
0x3a: {  	s2 =	sshrl.u32 s30, $0x1;
	v4 =	vperm.xlane @!p1 v3, v4  }
0x3b: {  	s22 =	sshll.u32 s24, $0x4;
	s2 =	smul.u32 $0xFFFE8900, s2;
	vm4 =	vlt.u32 v3, $0xC400  }
0x3c: {  	s22 =	sand.u32 $0x10, s22;
	v3 =	vnsel vm4, $0xFFFFFFFE, v3;
	vm4 =	vlt.u32 @!p1 v4, $0xC400  }
0x3d: {  	s2 =	sshra.s32 s2, $0x2;
	[tilespmem:s22+$0x60] =	vst v3;
	v3 =	vnsel @!p1 vm4, $0xFFFFFFFE, v4  }
0x3e: {  	s28 =	sadd.s32 s2, s17;
	[tilespmem:$0x80] =	vst @!p1 v3  }
0x3f: {  	v3 =	vld.msk [tilespmem:s28+$0x0 ss:$0x1], $0xffff;
	_ =	sdelay $0x4  }
0x40: {  	(xrf1) =	vunique.msk.u32 $0xffff, v3;
	_ =	sdelay $0xd  }
0x41: {  	v4 =	vimm.s32 $0xFFFFFFFF;
	v5, _, _ =	vpop (xrf1)  }
0x42: {  	vm5 =	vne.s32 v3, v4;
	vm4 =	veq.s32 v5, v2  }
0x43: {  	vm6 =	vlt.u32 v3, $0xC400;
	vm4 =	vmand vm5, vm4  }
0x44: {  	vm4 =	vmand vm6, vm4  }
0x45: {  	v4 =	vnsel vm4, $0xFFFFFFFF, v3  }
0x46: {  	s31 =	sand.u32 $0x1, s0  }
0x47: {  	s0 =	simm.s32 $0x1F40;
	p1 =	seq.s32 s31, $0x1  }
0x48: {  	s0 =	simm.s32 @!p1 $0x0  }
0x49: {  	s26 =	sadd.s32 $0x7DF0, s0;
	(ifvalue) =	ssetifvalue $0xFFFFFFFF  }
0x4a: {  	v3 =	vperm.xlane v3, v1;
	[tilespmem:s26], [sflag:$0x8] =	stream.indirect_vreg.gather [hbm4b:s1+s16], $0x1, v4, vm0, $0x4038;
	v4 =	vnsel vm6, $0xFFFFFFFE, v4;
	[tilespmem:$0x11A60] =	vst v63  }
0x4b: {  	s2 =	simm.s32 $0x0;
	s22 =	sadd.s32 $0xFFFFFFF0, s28;
	[tilespmem:s28+$0x0] =	vst v4  }
.LBB2_3:
0x4c: {  	v4 =	vld.msk [tilespmem:s22+$0x0 ss:$0x1], $0xffff;
	s2 =	sadd.s32 $0x10, s2;
	v5 =	vmov v3;
	s28 =	smov.u32 s22  }
0x4d: {  	p1 =	slt.u32 s2, $0x1F30;
	_ =	sdelay $0x4  }
0x4e: {  	v3 =	vperm.xlane v4, v1;
	(xrf1) =	vunique.msk.u32 $0xffff, v4;
	_ =	sdelay $0xd  }
0x4f: {  	v6, _, _ =	vpop (xrf1)  }
0x50: {  	vm5 =	vne.s32 v4, v5;
	vm4 =	veq.s32 v6, v2  }
0x51: {  	vm6 =	vlt.u32 v4, $0xC400;
	vm4 =	vmand vm5, vm4  }
0x52: {  	vm4 =	vmand vm6, vm4  }
0x53: {  	v4 =	vnsel vm4, $0xFFFFFFFF, v4  }
.Ltmp3:
0x54: {  	v5 =	vnsel vm6, $0xFFFFFFFE, v4;
	(pc) =	sbr.rel @p1 .LBB2_3-.Ltmp3, $3  }
0x55: {  	_ =	sdelay $0x1  }
0x56: {  	s22 =	sadd.s32 $0xFFFFFFF0, s22;
	s26 =	sadd.s32 $0xFFFFFFF0, s26;
	(ifvalue) =	ssetifvalue $0xFFFFFFFF  }
0x57: {  	[tilespmem:s26], [sflag:$0x8] =	stream.indirect_vreg.gather [hbm4b:s1+s16], $0x1, v4, vm0, $0x4038;
	[tilespmem:s28+$0x0] =	vst v5  }
0x58: {  	s2 =	sshrl.u32 s25, $0x3  }
0x59: {  	s0 =	sadd.s32 $0x9D40, s0;
	s2 =	sadd.s32 s6, s2  }
0x5a: {  	[tilespmem:s0], [sflag:$0x8] =	stream.linear.gather [hbm:s2], $0x1F40, $0x38;
	[tilespmem:$0x11A60] =	vst v63  }
.LBB2_5:
0x5b: {  	p1 =	slt.u32 s24, $0x2  }
0x5c: {  	p2 =	sge.u32 @!p1 s24, s12  }
0x5d: {  	p1 =	por p1, p2  }
.Ltmp4:
0x5e: {  	_ = 	snop;
	(pc) =	sbr.rel @p1 .LBB2_9-.Ltmp4, $1  }
0x5f: {  	_ =	sdelay $0x3  }
0x60: {  	s0 =	sadd.s32 $0xFFFFFFFE, s24  }
0x61: {  	s2 =	smulhi.u32 $0xAAAAAAAB, s0;
	_ =	sdelay $0x1  }
0x62: {  	s2 =	sshrl.u32 s2, $0x1  }
0x63: {  	s2 =	smul.u32 $0x3, s2;
	_ =	sdelay $0x1  }
0x64: {  	s0 =	ssub.s32 s0, s2  }
0x65: {  	_ =	swait.ge [sflag:s8], $0x3E80;
	s0 =	smul.u32 $0x1F40, s0  }
0x66: {  	p1 =	sne.s32 s24, s11;
	[sflag:s8] =	ssyncset.done $0x0  }
0x67: {  	[sflag:s8] =	ssyncadd.s32 $0xFFFFC180;
	s2 =	sadd.s32 @!p1 $0x203F, s0  }
0x68: {  	[spmem:s13] =	stream.linear.scatter @!p1 [tilespmem:s2], [sflag:$0x1], $0x1, $0x38;
	[tilespmem:$0x11A60] =	vst v63  }
0x69: {  	s2 =	simm.s32 @!p1 $0x1  }
0x6a: {  	_ =	swait.ge @!p1 [sflag:s2], $0x1  }
0x6b: {  	s22 =	sshll.u32 s24, $0x4;
	[sflag:s2] =	ssyncset.done @!p1 $0x0  }
0x6c: {  	s25 =	sand.u32 $0x10, s22;
	[sflag:s2] =	ssyncadd.s32 @!p1 $0xFFFFFFFF  }
0x6d: {  	s2 =	sxor.u32 $0x10, s25;
	v4 =	vld [tilespmem:s25+$0x10]  }
0x6e: {  	v5 =	vld [tilespmem:s2+$0x60]  }
0x6f: {  	v3 =	vld [tilespmem:$0x80];
	_ =	sdelay $0x2  }
0x70: {  	(v2sf) =	vpush v4, $0x0  }
0x71: {  	(v2sf) =	vpush v5, $0x0  }
0x72: {  	(v2sf) =	vpush v3, $0x0;
	_ =	sdelay $0xc  }
0x73: {  	s22 =	spop (v2sf)  }
0x74: {  	s26 =	spop (v2sf)  }
0x75: {  	s28 =	spop (v2sf)  }
0x76: {  	p2 =	seq.s32 s22, s26;
	p3 =	seq.s32 s28, s22  }
0x77: {  	p3 =	por p2, p3  }
0x78: {  	s26 =	sand.u32 $0x1, s24;
	v4 =	vpsel p3, $0xFFFFFFFF, v4  }
0x79: {  	s29 =	smul.u32 $0x1F40, s26;
	[tilespmem:s25+$0x10] =	vst.msk $0x1, v4  }
0x7a: {  	v4 =	vld [tilespmem:$0x30]  }
0x7b: {  	v5 =	vld [tilespmem:s29+$0x9D40]  }
0x7c: {  	v6 =	vld [tilespmem:s25+$0x40];
	_ =	sdelay $0x3  }
0x7d: {  	vm4 =	vmmov vm1;
	v5 =	vadd.f32 v5, v4  }
0x7e: {  	vm5 =	vmmov vm2;
	vm4 =	vmmov @p2 vm2;
	s22 =	sshll.u32 s26, $0x4;
	v4 =	vadd.f32 v6, v4  }
0x7f: {  	s26 =	sor.u32 $0x11A40, s22;
	vm5 =	vmmov @p3 vm1;
	[tilespmem:s29+$0x9D40] =	vst.msk vm4, v5  }
0x80: {  	[tilespmem:s26+$0x0] =	vst.msk vm5, v4  }
0x81: {  	v4 =	vld [tilespmem:s29+$0x7DF0];
	_ =	sdelay $0x3  }
0x82: {  	v5 =	vimm.f32 $0.0e+00  }
0x83: {  	v4 =	vshift.insert v4, v5, s21  }
0x84: {  	s22 =	sor.u32 $0x40, s2  }
0x85: {  	[tilespmem:s22+$0x0] =	vst.msk $0x1, v4  }
0x86: {  	[tilespmem:s29+$0x7DFF] =	vst.msk $0x1, v5  }
0x87: {  	v4 =	vld [tilespmem:s0+$0x2030];
	_ =	sdelay $0x1  }
0x88: {  	s22 =	smulhi.u32 $0xAAAAAAAB, s20;
	s0 =	simm.s32 $0x1  }
0x89: {  	s0 =	simm.s32 @!p0 $0x0  }
0x8a: {  	s22 =	sshrl.u32 s22, $0x1;
	s0 =	smul.u32 $0x7D00, s0  }
0x8b: {  	s22 =	smul.u32 $0xFFFE8900, s22;
	v4 =	vshift.insert v4, v1, s21  }
0x8c: {  	s0 =	sshrl.u32 s0, $0x2  }
0x8d: {  	s22 =	sshra.s32 s22, $0x2;
	s30 =	sadd.s32 $0x9D40, s0;
	[tilespmem:s2+$0x10] =	vst.msk $0x1, v4  }
0x8e: {  	s22 =	sadd.s32 s22, s19;
	v6 =	vld [tilespmem:s30+$0x0]  }
0x8f: {  	v7 =	vld [tilespmem:s22+$0x0];
	_ =	sdelay $0x3  }
0x90: {  	v5 =	vadd.f32 v6, v5  }
0x91: {  	vm4 =	vne.s32 v7, $0xFFFFFFFF  }
0x92: {  	(xrf2) =	vadd.seg.scan.f32 vm4, v5;
	_ =	sdelay $0x3  }
0x93: {  	s31 =	sadd.s32 $0x5EC0, s0;
	v5 =	vperm.xlane v4, v1  }
0x94: {  	v6 =	vld [tilespmem:s31+$0x0]  }
0x95: {  	vm5 =	veq.s32 v7, v3;
	vm6 =	veq.s32 v7, v5  }
0x96: {  	vm7 =	vgt.u32 v7, $0xFFFFFFFD;
	vm6 =	vmor vm6, vm5  }
0x97: {  	vm6 =	vmor vm6, vm7  }
0x98: {  	v9 =	vld [tilespmem:$0xA0];
	v7 =	vsel vm6, $0xFFFFFFFF, v7  }
0x99: {  	v10 =	vld [tilespmem:$0x90];
	v6 =	vsel vm5, $0x0, v6;
	v8, _, _ =	vpop (xrf2)  }
0x9a: {  	v6 =	vadd.f32 v8, v6  }
0x9b: {  	s0 =	sadd.s32 $0xDBC0, s0  }
0x9c: {  	vm4 =	vmand vm4, vm3;
	[tilespmem:s0+$0x0] =	vst v6;
	(ifvalue) =	ssetifvalue $0xFFFFFFFF  }
0x9d: {  	vm6 =	veq.s32 v9, $0x1;
	[hbm4b:s1+s16] =	stream.indirect_vreg.scatter [tilespmem:s0], [sflag:$0x2], $0x1, v7, vm0, $0x4038;
	v7 =	vsel vm4, $0x0, v8;
	[tilespmem:$0x11A60] =	vst v63  }
0x9e: {  	s2 =	simm.s32 $0x0;
	s22 =	sadd.s32 $0x10, s22;
	vm4 =	vmor vm6, vm5;
	v6 =	vsel vm5, v8, v10;
	v7 =	vshift.insert v7, v0, s21  }
.LBB2_7:
0x9f: {  	v8 =	vld [tilespmem:s22+$0x0];
	s30 =	sadd.s32 $0x10, s30  }
0xa0: {  	s31 =	sadd.s32 $0x10, s31;
	v9 =	vld [tilespmem:s30+$0x0]  }
0xa1: {  	s2 =	sadd.s32 $0x10, s2;
	v10 =	vld [tilespmem:s31+$0x0]  }
0xa2: {  	p2 =	slt.u32 s2, $0x1F30;
	_ =	sdelay $0x2  }
0xa3: {  	v7 =	vadd.f32 v9, v7  }
0xa4: {  	vm5 =	vne.s32 v8, $0xFFFFFFFF  }
0xa5: {  	vm6 =	vmand vm5, vm3;
	(xrf2) =	vadd.seg.scan.f32 vm5, v7;
	_ =	sdelay $0x5  }
0xa6: {  	vm7 =	veq.s32 v8, v5;
	vm5 =	veq.s32 v8, v3  }
0xa7: {  	vm8 =	vgt.u32 v8, $0xFFFFFFFD;
	vm4 =	vmor vm4, vm5;
	vm7 =	vmor vm7, vm5  }
0xa8: {  	vm7 =	vmor vm7, vm8  }
0xa9: {  	v8 =	vsel vm7, $0xFFFFFFFF, v8  }
.Ltmp5:
0xaa: {  	v7 =	vsel vm5, $0x0, v10;
	v9, _, _ =	vpop (xrf2);
	(pc) =	sbr.rel @p2 .LBB2_7-.Ltmp5, $4  }
0xab: {  	v6 =	vsel vm5, v9, v6;
	v10 =	vadd.f32 v9, v7;
	v7 =	vsel vm6, $0x0, v9  }
0xac: {  	s0 =	sadd.s32 $0x10, s0;
	v7 =	vshift.insert v7, v0, s21  }
0xad: {  	s22 =	sadd.s32 $0x10, s22;
	[tilespmem:s0+$0x0] =	vst v10;
	(ifvalue) =	ssetifvalue $0xFFFFFFFF  }
0xae: {  	[hbm4b:s1+s16] =	stream.indirect_vreg.scatter [tilespmem:s0], [sflag:$0x2], $0x1, v8, vm0, $0x4038;
	[tilespmem:$0x11A60] =	vst v63  }
0xaf: {  	v3 =	vld [tilespmem:s29+$0xFAF0];
	_ =	sdelay $0x4  }
0xb0: {  	v3 =	vshift.insert v3, v0, s21  }
0xb1: {  	s0 =	simm.s32 $0x30  }
0xb2: {  	[tilespmem:s0+$0x0] =	vst.msk $0x1, v3  }
0xb3: {  	v3 =	vsel vm4, $0x1, v1;
	[tilespmem:$0x90] =	vst v6  }
0xb4: {  	s0 =	sadd.s32 @!p1 $0xFAFF, s29;
	[tilespmem:$0xA0] =	vst v3  }
0xb5: {  	[spmem:s14] =	stream.linear.scatter @!p1 [tilespmem:s0], [sflag:$0x1], $0x1, $0x38;
	[tilespmem:$0x11A60] =	vst v63  }
0xb6: {  	s0 =	simm.s32 @!p1 $0x1  }
0xb7: {  	v3 =	vmctz.xlane @!p1 vm4;
	_ =	swait.ge @!p1 [sflag:s0], $0x1  }
0xb8: {  	(v2sf) =	vpush @!p1 v4, $0x0  }
0xb9: {  	(v2sf) =	vpush @!p1 v3, $0x0;
	_ =	sdelay $0xd  }
0xba: {  	s2 =	spop @!p1 (v2sf)  }
0xbb: {  	s22 =	spop @!p1 (v2sf)  }
0xbc: {  	p2 =	sne.s32 @!p1 s28, s2;
	p3 =	slt.s32 @!p1 s22, $0xF  }
0xbd: {  	[sflag:s0] =	ssyncset.done @!p1 $0x0;
	p2 =	por p2, p1;
	p3 =	por !p3, p1  }
0xbe: {  	[sflag:s0] =	ssyncadd.s32 @!p1 $0xFFFFFFFF;
	v3 =	vimm.s32 @!p2 $0xFFFFFFFF;
	s22 =	simm.s32 @p3 $0xF  }
0xbf: {  	[tilespmem:$0x80] =	vst @!p2 v3;
	s2 =	sadd.s32 @!p1 $0x90, s22  }
0xc0: {  	[spmem:s10] =	stream.linear.scatter @!p1 [tilespmem:s2], [sflag:$0x1], $0x1, $0x38;
	[tilespmem:$0x11A60] =	vst v63  }
0xc1: {  	_ =	swait.ge @!p1 [sflag:s0], $0x1  }
0xc2: {  	[sflag:s0] =	ssyncset.done @!p1 $0x0  }
0xc3: {  	s2 =	simm.s32 @!p1 $0x80;
	[sflag:s0] =	ssyncadd.s32 @!p1 $0xFFFFFFFF  }
0xc4: {  	[spmem:s15] =	stream.linear.scatter @!p1 [tilespmem:s2], [sflag:$0x1], $0x1, $0x38;
	[tilespmem:$0x11A60] =	vst v63  }
0xc5: {  	_ =	swait.ge @!p1 [sflag:s0], $0x1  }
0xc6: {  	[sflag:s0] =	ssyncset.done @!p1 $0x0  }
0xc7: {  	[sflag:s0] =	ssyncadd.s32 @!p1 $0xFFFFFFFF;
	(ifvalue) =	ssetifvalue $0xFFFFFFFF;
	v3 =	vld [tilespmem:s25+$0x10];
	_ =	sdelay $0x3  }
.Ltmp6:
0xc8: {  	_ = 	snop;
	(pc) =	sbr.rel .LBB2_9-.Ltmp6, $3  }
0xc9: {  	_ =	sdelay $0x1  }
0xca: {  	(ifvalue) =	ssetifvalue $0xFFFFFFFF  }
0xcb: {  	[hbm4b:s1+s16] =	stream.indirect_vreg.scatter [tilespmem:s26], [sflag:$0x9], $0x1, v3, vm0, $0x4038;
	[tilespmem:$0x11A60] =	vst v63  }
.LBB2_10:
0xcc: {  	_ =	sfence.sel $0x180000  }
0xcd: {  	s0 =	simm.s32 $0x7;
	[bflag:$0x0] =	sbarrier.arrive $0xFFFF  }
0xce: {  	s26 =	simm.s32 $0x8;
	[sflag:s0] =	ssyncpa.u1 $0x1  }
0xcf: {  	s28 =	simm.s32 $0x9;
	[sflag:s26] =	ssyncpa.u1 $0x1  }
0xd0: {  	[sflag:s28] =	ssyncpa.u1 $0x1  }
0xd1: {  	_ =	sfence.stream.spmem  }
0xd2: {  	s29 =	simm.s32 $0x3;
	[bflag:$0x0] =	sbarrier.arrive $0xFFFF  }
0xd3: {  	s30 =	simm.s32 $0x4;
	[sflag:s29] =	ssyncpa.u1 $0x1  }
0xd4: {  	s31 =	simm.s32 $0x3C;
	s2 =	stileid.u32;
	[sflag:s30] =	ssyncpa.u1 $0x1  }
0xd5: {  	p0 =	sne.s32 s2, $0x0;
	[sflag:s31] =	ssyncpa.u1 $0x1  }
0xd6: {  	s0 =	simm.s32 @p0 $0x1;
	_ =	sfence @p0  }
0xd7: {  	[sflag:s0] =	ssyncpa.u1 @p0 $0x1;
	s0 =	simm.s32 @p0 $0x2  }
0xd8: {  	[sflag:s0] =	ssyncpa.u1 @p0 $0x1  }
0xd9: {  	_ =	strace @p0 $0x9000005F  }
0xda: {  	[bflag:$0x2] =	sbarrier.arrive @p0 $0xFFFF  }
0xdb: {  	_ =	shalt @p0  }
.LBB2_11:
0xdc: {  	_ =	sfence.stream.spmem;
	s0 =	simm.s32 $0x5  }
0xdd: {  	s2 =	simm.s32 $0x80;
	s3 =	simm.s32 $0xC0;
	[sflag:s0] =	ssyncpa.u1 $0x0  }
0xde: {  	[tilespmem:s3], [sflag:$0x5] =	stream.linear.gather [spmem:s2], $0x20, $0x38;
	[tilespmem:$0x11A60] =	vst v63  }
0xdf: {  	s2 =	simm.s32 $0x0;
	s3 =	simm.s32 $0xE0  }
0xe0: {  	[tilespmem:s3], [sflag:$0x5] =	stream.linear.gather [spmem:s2], $0x20, $0x38;
	[tilespmem:$0x11A60] =	vst v63  }
.Ltmp7:
0xe1: {  	_ = 	snop;
	(pc) =	sbr.rel .LBB2_12-.Ltmp7, $4  }
0xe2: {  	_ =	swait.ge [sflag:s0], $0x40  }
0xe3: {  	[sflag:s0] =	ssyncset.done $0x0  }
0xe4: {  	s31 =	simm.s32 $0x6;
	[sflag:s0] =	ssyncadd.s32 $0xFFFFFFC0  }
0xe5: {  	s4 =	simm.s32 $0x0;
	[sflag:s31] =	ssyncpa.u1 $0x0  }
.LBB2_17:
0xe6: {  	p0 =	sgt.u32 s5, $0xC3FF  }
0xe7: {  	s0 =	sshrl.u32 @!p0 s5, $0x3  }
0xe8: {  	s5 =	sand.u32 @!p0 $0x7, s5;
	s6 =	simm.s32 @!p0 $0xB0;
	s0 =	sadd.s32 @!p0 s1, s0  }
0xe9: {  	[tilespmem:s6], [sflag:$0x6] =	stream.linear.gather @!p0 [hbm4b:s0+s5], $0x1, $0x38;
	[tilespmem:$0x11A60] =	vst v63  }
0xea: {  	s0 =	simm.s32 @!p0 $0x6  }
0xeb: {  	_ =	swait.ge @!p0 [sflag:s0], $0x1  }
0xec: {  	[sflag:s0] =	ssyncset.done @!p0 $0x0  }
0xed: {  	[sflag:s0] =	ssyncadd.s32 @!p0 $0xFFFFFFFF  }
0xee: {  	v2 =	vmov @!p0 s4;
	v1 =	vld.msk @!p0 [tilespmem:$0xB0], $0x1;
	_ =	sdelay $0x3  }
0xef: {  	s0 =	simm.s32 @!p0 $0xE0  }
0xf0: {  	[tilespmem:v2+s0+$0x0], v1 =	vst.idx.ret.add.f32.msk @!p0 $0x1, v1  }
0xf1: {  	[tilespmem:s2+$0xC0] =	vst.msk $0x1, v0  }
0xf2: {  	v0 =	vld.msk [tilespmem:s4+$0xE0], $0x1;
	_ =	sdelay $0x4  }
0xf3: {  	[tilespmem:s2+$0xE0] =	vst.msk $0x1, v0;
	s2 =	sadd.s32 $0x1, s2  }
.LBB2_19:
0xf4: {  	s4 =	sadd.s32 $0x1, s4  }
0xf5: {  	p0 =	sne.s32 s4, $0x20  }
.Ltmp8:
0xf6: {  	_ = 	snop;
	(pc) =	sbr.rel @!p0 .LBB2_20-.Ltmp8, $1  }
0xf7: {  	_ =	sdelay $0x3  }
.LBB2_12:
0xf8: {  	v0 =	vld.msk [tilespmem:s4+$0xC0], $0x1;
	_ =	sdelay $0x4  }
0xf9: {  	(v2sf) =	vpush v0, $0x0;
	_ =	sdelay $0xe  }
0xfa: {  	s5 =	spop (v2sf)  }
0xfb: {  	p0 =	seq.s32 s5, $0xFFFFFFFF  }
.Ltmp9:
0xfc: {  	_ = 	snop;
	(pc) =	sbr.rel @p0 .LBB2_19-.Ltmp9, $1  }
0xfd: {  	_ =	sdelay $0x3  }
0xfe: {  	p0 =	slt.s32 s2, $0x1  }
.Ltmp10:
0xff: {  	_ = 	snop;
	(pc) =	sbr.rel @p0 .LBB2_17-.Ltmp10, $1  }
0x100: {  	_ =	sdelay $0x3  }
0x101: {  	s0 =	simm.s32 $0xC0;
	p0 =	por $0x0, $0x0  }
0x102: {  	v1 =	vld.msk @!p0 [tilespmem:s0+$0x0], $0x1;
	_ =	sdelay $0x4  }
0x103: {  	(v2sf) =	vpush @!p0 v1, $0x0;
	_ =	sdelay $0xd  }
0x104: {  	p2 =	sne.s32 s2, $0x1  }
.Ltmp11:
0x105: {  	s6 =	spop @!p0 (v2sf);
	(pc) =	sbr.rel @!p2 .LBB2_16-.Ltmp11, $4  }
0x106: {  	p1 =	seq.s32 @!p0 s5, s6  }
0x107: {  	s6 =	simm.s32 $0x0;
	p1 =	por !p1, p0  }
0x108: {  	s8 =	simm.s32 $0xFFFFFFFF;
	s6 =	simm.s32 @p1 $0xFFFFFFFF  }
0x109: {  	s7 =	simm.s32 $0x1;
	s6 =	smov.u32 @p0 s8  }
.LBB2_15:
0x10a: {  	s8 =	smov.u32 s6;
	p0 =	sne.s32 s6, $0xFFFFFFFF  }
0x10b: {  	s0 =	sadd.s32 $0x1, s0;
	s6 =	smov.u32 s7;
	s7 =	sadd.s32 $0x1, s7  }
0x10c: {  	p1 =	sne.s32 s2, s7;
	v1 =	vld.msk @!p0 [tilespmem:s0+$0x0], $0x1;
	_ =	sdelay $0x4  }
0x10d: {  	(v2sf) =	vpush @!p0 v1, $0x0;
	_ =	sdelay $0xe  }
.Ltmp12:
0x10e: {  	s9 =	spop @!p0 (v2sf);
	(pc) =	sbr.rel @p1 .LBB2_15-.Ltmp12, $4  }
0x10f: {  	p2 =	seq.s32 @!p0 s5, s9  }
0x110: {  	p2 =	por !p2, p0  }
0x111: {  	s6 =	simm.s32 @p2 $0xFFFFFFFF  }
0x112: {  	s6 =	smov.u32 @p0 s8  }
.LBB2_16:
0x113: {  	p0 =	sne.s32 s6, $0xFFFFFFFF  }
.Ltmp13:
0x114: {  	_ = 	snop;
	(pc) =	sbr.rel @!p0 .LBB2_17-.Ltmp13, $1  }
0x115: {  	_ =	sdelay $0x3  }
0x116: {  	v0 =	vld.msk [tilespmem:s4+$0xE0], $0x1;
	v1 =	vmov s6  }
.Ltmp14:
0x117: {  	_ = 	snop;
	(pc) =	sbr.rel .LBB2_19-.Ltmp14, $2  }
0x118: {  	_ =	sdelay $0x2  }
0x119: {  	[tilespmem:v1+s3+$0x0], v0 =	vst.idx.ret.add.f32.msk $0x1, v0  }
.LBB2_20:
0x11a: {  	p0 =	slt.s32 s2, $0x1  }
.Ltmp15:
0x11b: {  	_ = 	snop;
	(pc) =	sbr.rel @p0 .LBB2_24-.Ltmp15, $3  }
0x11c: {  	_ =	sdelay $0x1  }
0x11d: {  	s0 =	simm.s32 $0x6  }
0x11e: {  	s3 =	simm.s32 $0x0;
	[sflag:s0] =	ssyncpa.u1 $0x1  }
0x11f: {  	s0 =	simm.s32 $0xC0  }
0x120: {  	v0 =	vld.msk [tilespmem:s0+$0x0], $0x1;
	_ =	sdelay $0x4  }
0x121: {  	(v2sf) =	vpush v0, $0x0;
	_ =	sdelay $0xe  }
0x122: {  	s2 =	sadd.s32 $0xFFFFFFFF, s2;
	s4 =	spop (v2sf)  }
0x123: {  	p1 =	sne.s32 s2, $0x0;
	p0 =	sgt.u32 s4, $0xC3FF  }
.Ltmp16:
0x124: {  	s5 =	sshrl.u32 @!p0 s4, $0x3;
	(pc) =	sbr.rel @!p1 .LBB2_23-.Ltmp16, $4  }
0x125: {  	s0 =	simm.s32 $0xE0;
	s4 =	sand.u32 @!p0 $0x7, s4;
	s5 =	sadd.s32 @!p0 s1, s5  }
0x126: {  	[hbm4b:s5+s4] =	stream.linear.scatter @!p0 [tilespmem:s0], [sflag:$0x5], $0x1, $0x38;
	[tilespmem:$0x11A60] =	vst v63  }
0x127: {  	s5 =	simm.s32 $0x0  }
0x128: {  	s4 =	simm.s32 $0xC1;
	s5 =	simm.s32 @!p0 $0x4  }
.LBB2_22:
0x129: {  	v0 =	vld.msk [tilespmem:s4+$0x0], $0x1;
	s2 =	sadd.s32 $0xFFFFFFFF, s2;
	s3 =	sadd.s32 s3, s5  }
0x12a: {  	p0 =	sne.s32 s2, $0x0;
	_ =	sdelay $0x3  }
0x12b: {  	(v2sf) =	vpush v0, $0x0;
	_ =	sdelay $0xe  }
.Ltmp17:
0x12c: {  	s6 =	spop (v2sf);
	(pc) =	sbr.rel @p0 .LBB2_22-.Ltmp17, $4  }
0x12d: {  	s5 =	simm.s32 $0x0;
	p1 =	sgt.u32 s6, $0xC3FF  }
0x12e: {  	s0 =	sadd.s32 $0x1, s0;
	s5 =	simm.s32 @!p1 $0x4;
	s7 =	sshrl.u32 @!p1 s6, $0x3  }
0x12f: {  	s4 =	sadd.s32 $0x1, s4;
	s6 =	sand.u32 @!p1 $0x7, s6;
	s7 =	sadd.s32 @!p1 s1, s7  }
0x130: {  	[hbm4b:s7+s6] =	stream.linear.scatter @!p1 [tilespmem:s0], [sflag:$0x5], $0x1, $0x38;
	[tilespmem:$0x11A60] =	vst v63  }
.LBB2_23:
0x131: {  	s0 =	sadd.s32 s3, s5  }
0x132: {  	s3 =	sshrl.u32 s0, $0x2  }
.LBB2_24:
0x133: {  	s0 =	simm.s32 $0x5  }
0x134: {  	_ =	swait.ge [sflag:s0], s3  }
0x135: {  	s1 =	ssub.s32 $0x0, s3;
	[sflag:s0] =	ssyncset.done $0x0  }
0x136: {  	[sflag:s0] =	ssyncadd.s32 s1  }
0x137: {  	[sflag:s0] =	ssyncpa.u1 $0x1  }
0x138: {  	s29 =	simm.s32 $0x1;
	_ =	sfence  }
0x139: {  	s30 =	simm.s32 $0x2;
	[sflag:s29] =	ssyncpa.u1 $0x1  }
0x13a: {  	[sflag:s30] =	ssyncpa.u1 $0x1  }
0x13b: {  	_ =	strace $0x9000005F  }
0x13c: {  	[bflag:$0x2] =	sbarrier.arrive $0xFFFF  }
0x13d: {  	s31 =	rddreg [dreg:$0x1]  }
0x13e: {  	s0 =	sadd.s32 $0x100000, s31  }
0x13f: {  	[sflag:s0] =	ssyncadd.tile.s32 $0x1;
	_ =	shalt  }
.Lfunc_end2:
_tile_overlayer_lowered:
.L_overlay_start_2:
0x140: {  	(tag) =	ssettag $0x2  }
0x141: {  	s0 =	rddreg [dreg:$0x0];
	s2 =	stileid.u32  }
0x142: {  	s1 =	rddreg [dreg:$0x1];
	p0 =	sne.s32 s2, $0x0  }
0x143: {  	s3 =	rddreg [dreg:$0x2];
	[bflag:$0x3] =	sbarrier.arrive $0xFFFF;
	s2 =	simm.s32 @!p0 $0x1C01  }
0x144: {  	[timem:s3], [sflag:s2] =	dma.local @!p0 [hbm:s0], s1  }
0x145: {  	s0 =	simm.s32 @!p0 $0x1  }
0x146: {  	_ =	swait.ge @!p0 [sflag:s0], s1  }
0x147: {  	s1 =	ssub.s32 @!p0 $0x0, s1;
	[sflag:s0] =	ssyncset.done @!p0 $0x0  }
0x148: {  	[sflag:s0] =	ssyncadd.s32 @!p0 s1  }
0x149: {  	[bflag:$0x3] =	sbarrier.arrive $0xFFFF  }
0x14a: {  	_ =	shalt  }

// kernel: scatter_offload_async_start
scs
__scs_entry_jumppad:
0x0: {  	(pc) =	sbr.rel $0x88, $3  }
0x1: {  	(tag) =	ssettag $0x0;
	lr =	simm.s32 $0x1  }
0x2: {  	[smem:$0x3F80] =	sst lr;
	_ =	strace $0xD0000000  }
0x3: {  	_ = 	snop  }
0x4: {  	_ = 	snop  }
0x5: {  	_ = 	snop  }
0x6: {  	_ = 	snop  }
0x7: {  	_ = 	snop  }
__scs_overlays_trampoline_lowered:
0x8: {  	[smem:$0x3F8F] =	sst s0  }
0x9: {  	[smem:$0x3F90] =	sst s1  }
0xa: {  	[smem:$0x3F91] =	sst s2  }
0xb: {  	[smem:$0x3F92] =	sst s3  }
0xc: {  	[smem:$0x3F93] =	sst s4  }
0xd: {  	[smem:$0x3F94] =	sst s5  }
0xe: {  	[smem:$0x3F95] =	sst s6  }
0xf: {  	[smem:$0x3F96] =	sst s7  }
0x10: {  	[smem:$0x3F97] =	sst s8  }
0x11: {  	[smem:$0x3F98] =	sst s9;
	s0 =	simm.s32 @!p0 $0x0  }
0x12: {  	s1 =	sld [smem:$0x3F7E];
	s0 =	simm.s32 @p0 $0x1  }
0x13: {  	[smem:$0x3F99] =	sst s0;
	s0 =	simm.s32 @!p1 $0x0  }
0x14: {  	s2 =	sld [smem:$0x3F7D];
	s0 =	simm.s32 @p1 $0x1  }
0x15: {  	[smem:$0x3F9A] =	sst s0;
	s0 =	simm.s32 @!p2 $0x0  }
0x16: {  	s3 =	sld [smem:$0x3FDB];
	s0 =	simm.s32 @p2 $0x1  }
0x17: {  	s4 =	simm.s32 $0x1BF5;
	[smem:$0x3F9C] =	sst s0  }
0x18: {  	s0 =	sld [smem:$0x3F7F];
	_ =	swait.ge [sflag:s4], $0x0  }
0x19: {  	s7 =	sld [smem:$0x3F80]  }
0x1a: {  	s8 =	sadd.s32 $0xFFFFE003, lr  }
0x1b: {  	s9 =	sadd.s32 $0xFFFFFEF7, lr;
	s5 =	simm.s32 $0xFFFFFFFF;
	p2 =	slt.u32 s8, $0xFFFFF086  }
0x1c: {  	p1 =	slt.u32 s9, $0xF7A;
	s5 =	simm.s32 @!p2 $0x0  }
0x1d: {  	s5 =	simm.s32 @p1 $0x1;
	p0 =	seq.s32 s7, s2  }
0x1e: {  	s7 =	smul.u32 @!p0 $0xF7A, s2;
	p2 =	seq.s32 @!p0 s5, $0x0  }
0x1f: {  	s9 =	smul.u32 $0xF7A, s1;
	s8 =	simm.s32 @!p0 $0x1BF5;
	p2 =	por !p2, p0  }
0x20: {  	[sflag:s8] =	ssyncset.s32 @!p0 $0xFFFFF086;
	s6 =	sadd.s32 @!p0 s3, s7;
	s7 =	simm.s32 @!p0 $0x108  }
0x21: {  	s3 =	sadd.s32 s3, s9;
	s6 =	sadd.s32 @!p0 $0x88, s6;
	s7 =	simm.s32 @p2 $0x1082  }
0x22: {  	[simem:s7], [sflag:s8] =	dma.local @!p0 [hbm:s6], $0xF7A  }
0x23: {  	s9 =	sor.u32 $0xD0000000, s2;
	s6 =	simm.s32 $0x108;
	_ =	swait.ge @!p0 [sflag:s8], $0x0  }
0x24: {  	s3 =	sadd.s32 $0x88, s3;
	s6 =	simm.s32 @!p1 $0x1082;
	[sflag:s4] =	ssyncset.s32 $0xFFFFF086  }
0x25: {  	[simem:s6], [sflag:s4] =	dma.local [hbm:s3], $0xF7A  }
0x26: {  	[smem:$0x3F80] =	sst s1;
	(tag) =	ssettag s2;
	_ =	strace s9  }
0x27: {  	s1 =	sld [smem:$0x3F90]  }
0x28: {  	s2 =	sld [smem:$0x3F91]  }
0x29: {  	s4 =	sld [smem:$0x3F93]  }
0x2a: {  	p0 =	seq.s32 s5, $0x0;
	s5 =	sld [smem:$0x3F94]  }
0x2b: {  	s6 =	sld [smem:$0x3F95]  }
0x2c: {  	s7 =	sld [smem:$0x3F96]  }
0x2d: {  	s3 =	simm.s32 $0x108;
	s8 =	sld [smem:$0x3F97]  }
0x2e: {  	s3 =	simm.s32 @!p0 $0x1082;
	s9 =	sld [smem:$0x3F98]  }
0x2f: {  	lr =	sadd.s32 s0, s3;
	s0 =	sld [smem:$0x3F8F]  }
0x30: {  	s3 =	sld [smem:$0x3F92]  }
0x31: {  	[smem:$0x3F9B] =	sst s10  }
0x32: {  	s10 =	sld [smem:$0x3F99];
	_ =	sdelay $0x3  }
0x33: {  	p0 =	seq.s32 s10, $0x1;
	s10 =	sld [smem:$0x3F9B];
	_ =	sdelay $0x3  }
0x34: {  	[smem:$0x3F9B] =	sst s10  }
0x35: {  	s10 =	sld [smem:$0x3F9A];
	_ =	sdelay $0x3  }
0x36: {  	p1 =	seq.s32 s10, $0x1;
	s10 =	sld [smem:$0x3F9B];
	_ =	sdelay $0x3  }
0x37: {  	[smem:$0x3F9B] =	sst s10  }
0x38: {  	s10 =	sld [smem:$0x3F9C]  }
0x39: {  	_ = 	snop;
	(pc) =	sbr.ind lr, $3  }
0x3a: {  	_ = 	snop  }
0x3b: {  	_ = 	snop  }
0x3c: {  	p2 =	seq.s32 s10, $0x1;
	s10 =	sld [smem:$0x3F9B]  }
0x3d: {  	_ =	shalt  }
0x3e: {  	_ =	shalt  }
0x3f: {  	_ =	shalt  }
0x40: {  	_ =	shalt  }
0x41: {  	_ =	shalt  }
0x42: {  	_ =	shalt  }
0x43: {  	_ =	shalt  }
0x44: {  	_ =	shalt  }
0x45: {  	_ =	shalt  }
0x46: {  	_ =	shalt  }
0x47: {  	_ =	shalt  }
0x48: {  	_ =	shalt  }
0x49: {  	_ =	shalt  }
0x4a: {  	_ =	shalt  }
0x4b: {  	_ =	shalt  }
0x4c: {  	_ =	shalt  }
0x4d: {  	_ =	shalt  }
0x4e: {  	_ =	shalt  }
0x4f: {  	_ =	shalt  }
0x50: {  	_ =	shalt  }
0x51: {  	_ =	shalt  }
0x52: {  	_ =	shalt  }
0x53: {  	_ =	shalt  }
0x54: {  	_ =	shalt  }
0x55: {  	_ =	shalt  }
0x56: {  	_ =	shalt  }
0x57: {  	_ =	shalt  }
0x58: {  	_ =	shalt  }
0x59: {  	_ =	shalt  }
0x5a: {  	_ =	shalt  }
0x5b: {  	_ =	shalt  }
0x5c: {  	_ =	shalt  }
0x5d: {  	_ =	shalt  }
0x5e: {  	_ =	shalt  }
0x5f: {  	_ =	shalt  }
0x60: {  	_ =	shalt  }
0x61: {  	_ =	shalt  }
0x62: {  	_ =	shalt  }
0x63: {  	_ =	shalt  }
0x64: {  	_ =	shalt  }
0x65: {  	_ =	shalt  }
0x66: {  	_ =	shalt  }
0x67: {  	_ =	shalt  }
0x68: {  	_ =	shalt  }
0x69: {  	_ =	shalt  }
0x6a: {  	_ =	shalt  }
0x6b: {  	_ =	shalt  }
0x6c: {  	_ =	shalt  }
0x6d: {  	_ =	shalt  }
0x6e: {  	_ =	shalt  }
0x6f: {  	_ =	shalt  }
0x70: {  	_ =	shalt  }
0x71: {  	_ =	shalt  }
0x72: {  	_ =	shalt  }
0x73: {  	_ =	shalt  }
0x74: {  	_ =	shalt  }
0x75: {  	_ =	shalt  }
0x76: {  	_ =	shalt  }
0x77: {  	_ =	shalt  }
0x78: {  	_ =	shalt  }
0x79: {  	_ =	shalt  }
0x7a: {  	_ =	shalt  }
0x7b: {  	_ =	shalt  }
0x7c: {  	_ =	shalt  }
0x7d: {  	_ =	shalt  }
0x7e: {  	_ =	shalt  }
0x7f: {  	_ =	shalt  }
0x80: {  	_ =	shalt  }
0x81: {  	_ =	shalt  }
0x82: {  	_ =	shalt  }
0x83: {  	_ =	shalt  }
0x84: {  	_ =	shalt  }
0x85: {  	_ =	shalt  }
0x86: {  	_ =	shalt  }
0x87: {  	_ =	shalt  }
.Lfunc_end0:
.L_simem_size_0:
called_computation_lowered:
.L_overlay_start_0:
0x88: {  	s2 =	sld [smem:$0x3FD9]  }
0x89: {  	s3 =	sld [smem:$0x3FFE];
	_ =	sdelay $0x1  }
0x8a: {  	s1 =	srdreg.scid  }
0x8b: {  	s0 =	sand.u32 $0x1, s1  }
0x8c: {  	s12 =	sshll.u32 s0, $0xA;
	s2 =	sadd.s32 s3, s2  }
0x8d: {  	s2 =	sadd.s32 s2, s12  }
0x8e: {  	[smem:$0x3FA7] =	sst s2  }
0x8f: {  	_ = 	snop  }
0x90: {  	(tm) =	ssettm $0x1  }
0x91: {  	s13 =	sld [smem:$0x3FFB];
	_ =	sdelay $0x3  }
0x92: {  	_ =	strace s13  }
0x93: {  	s2 =	sld [smem:$0x3FFC];
	_ =	sdelay $0x3  }
0x94: {  	_ =	strace s2  }
0x95: {  	s2 =	sld [smem:$0x3FFD];
	_ =	sdelay $0x3  }
0x96: {  	_ =	strace s2  }
0x97: {  	_ =	strace $0x8FFFFFFF  }
0x98: {  	s14 =	sld [smem:$0x3FDB];
	_ =	sdelay $0x1  }
0x99: {  	s15 =	simm.s32 $_scs_section_size  }
0x9a: {  	s4 =	simm.s32 $_size__tile_overlayer_lowered;
	s5 =	simm.s32 $_tile_overlayer_lowered  }
0x9b: {  	s19 =	simm.s32 $0x1BFF;
	s17 =	sshll.u32 s5, $0x1;
	s6 =	sadd.s32 s15, s14  }
0x9c: {  	s20 =	simm.s32 $0x0;
	s16 =	sshll.u32 s4, $0x1;
	s18 =	sadd.s32 s17, s6  }
0x9d: {  	[timem:s20], [sflag:s19] =	dma.local [hbm:s18], s16  }
0x9e: {  	_ =	swait.ge [sflag:s19], s16  }
0x9f: {  	s3 =	ssub.s32 $0x0, s16;
	[sflag:s19] =	ssyncset.done $0x0  }
0xa0: {  	[sflag:s19] =	ssyncadd.s32 s3;
	_ =	sdelay $0x1  }
0xa1: {  	s21 =	simm.s32 $0x1B8B  }
0xa2: {  	_ =	swait.ge [sflag:s21], $0x1  }
0xa3: {  	[sflag:s21] =	ssyncset.done $0x0  }
0xa4: {  	[sflag:s21] =	ssyncadd.s32 $0xFFFFFFFF  }
0xa5: {  	s3 =	sld [smem:$0x0]  }
0xa6: {  	s4 =	sand.u32 $0xFFFFFFFE, s1  }
0xa7: {  	p0 =	sne.s32 s1, s4  }
0xa8: {  	s4 =	sshll.u32 @p0 s4, $0xE  }
0xa9: {  	s5 =	sadd.s32 @p0 $0x11B8D, s4;
	s7 =	sshll.u32 @p0 s3, $0x11  }
0xaa: {  	s5 =	sor.u32 @p0 s7, s5  }
0xab: {  	[sflag:s5] =	ssyncadd.remote.s32 @p0 $0x1;
	_ =	sdelay $0x1  }
0xac: {  	s5 =	simm.s32 @p0 $0x1B8D  }
0xad: {  	_ =	swait.eq @p0 [sflag:s5], $0x1  }
0xae: {  	[sflag:s5] =	ssyncadd.s32 @p0 $0xFFFFFFFF  }
0xaf: {  	s7 =	sshll.u32 @!p0 s1, $0xE  }
0xb0: {  	s7 =	sor.u32 @!p0 $0x4000, s7;
	s5 =	simm.s32 @!p0 $0x1B8D  }
0xb1: {  	s9 =	sshll.u32 @!p0 s3, $0x11;
	s8 =	sadd.s32 @!p0 $0x11B8D, s7;
	_ =	swait.eq @!p0 [sflag:s5], $0x1  }
0xb2: {  	[sflag:s5] =	ssyncadd.s32 @!p0 $0xFFFFFFFF;
	s5 =	sor.u32 @!p0 s9, s8  }
0xb3: {  	s23 =	simm.s32 $0x1B8E;
	s22 =	sld [smem:$0x3FFE];
	[sflag:s5] =	ssyncadd.remote.s32 @!p0 $0x1  }
0xb4: {  	s24 =	simm.s32 $execute0_lowered;
	[smem:$0x3FD2] =	sst s23  }
0xb5: {  	s8 =	sshll.u32 s24, $0x1;
	_ =	strace $0x8000004C;
	[dreg:$0x1] =	wrdreg $0xFFFFFFFF  }
0xb6: {  	s25 =	simm.s32 $_size_execute0_lowered;
	s8 =	sadd.s32 s6, s8;
	[dreg:$0x0] =	wrdreg $0x0  }
0xb7: {  	s9 =	sshll.u32 s25, $0x1;
	[dreg:$0x2] =	wrdreg s8  }
0xb8: {  	[dreg:$0x3] =	wrdreg s9  }
0xb9: {  	[dreg:$0x4] =	wrdreg $0xC0  }
0xba: {  	s26 =	simm.s32 $execute1_lowered;
	_ =	task [dreg:s20], $0x5FFFF  }
0xbb: {  	s8 =	sshll.u32 s26, $0x1;
	[dreg:$0x1] =	wrdreg $0xFFFFFFFF  }
0xbc: {  	s6 =	sadd.s32 s6, s8;
	[dreg:$0x0] =	wrdreg $0x60  }
0xbd: {  	[dreg:$0x2] =	wrdreg s6  }
0xbe: {  	[dreg:$0x3] =	wrdreg s22  }
0xbf: {  	[dreg:$0x4] =	wrdreg $0x9  }
0xc0: {  	_ =	task.clear_ibuf [dreg:s20], $0x5FFFF;
	_ =	strace $0x9000004C  }
0xc1: {  	s28 =	simm.s32 $0x9;
	_ =	strace $0x8000004E  }
0xc2: {  	_ =	swait.ge [sflag:s28], $0x1  }
0xc3: {  	[sflag:s28] =	ssyncadd.s32 $0xFFFFFFFF  }
0xc4: {  	_ =	strace $0x9000004E  }
0xc5: {  	s6 =	sld [smem:$0x0];
	_ =	sdelay $0x3  }
0xc6: {  	s4 =	sadd.s32 @p0 $0x11BF3, s4;
	s8 =	sshll.u32 @p0 s6, $0x11  }
0xc7: {  	s4 =	sor.u32 @p0 s8, s4  }
0xc8: {  	[sflag:s4] =	ssyncadd.remote.s32 @p0 $0x1;
	_ =	sdelay $0x1  }
0xc9: {  	s4 =	simm.s32 @p0 $0x1BF3  }
0xca: {  	_ =	swait.eq @p0 [sflag:s4], $0x1  }
0xcb: {  	[sflag:s4] =	ssyncadd.s32 @p0 $0xFFFFFFFF;
	_ =	sdelay $0x1  }
0xcc: {  	s4 =	simm.s32 @!p0 $0x1BF3  }
0xcd: {  	s7 =	sadd.s32 @!p0 $0x11BF3, s7;
	s6 =	sshll.u32 @!p0 s6, $0x11;
	_ =	swait.eq @!p0 [sflag:s4], $0x1  }
0xce: {  	[sflag:s4] =	ssyncadd.s32 @!p0 $0xFFFFFFFF;
	s4 =	sor.u32 @!p0 s6, s7  }
0xcf: {  	[sflag:s4] =	ssyncadd.remote.s32 @!p0 $0x1  }
0xd0: {  	_ =	strace $0x8000004F;
	[dreg:$0x1] =	wrdreg $0xFFFFFFFF  }
0xd1: {  	[dreg:$0x0] =	wrdreg $0x2030  }
0xd2: {  	[dreg:$0x2] =	wrdreg s22  }
0xd3: {  	[dreg:$0x3] =	wrdreg s1  }
0xd4: {  	[dreg:$0x4] =	wrdreg s3  }
0xd5: {  	[dreg:$0x5] =	wrdreg $0xA  }
0xd6: {  	_ =	task.clear_ibuf [dreg:s20], $0x6FFFF;
	_ =	strace $0x9000004F  }
0xd7: {  	s29 =	simm.s32 $0xA;
	_ =	strace $0x80000051  }
0xd8: {  	_ =	swait.ge [sflag:s29], $0x1  }
0xd9: {  	[sflag:s29] =	ssyncadd.s32 $0xFFFFFFFF  }
0xda: {  	_ =	strace $0x90000051  }
0xdb: {  	_ =	sfence  }
0xdc: {  	s30 =	sld [smem:$0x0];
	_ =	sdelay $0x2  }
0xdd: {  	s31 =	sshll.u32 s1, $0xD;
	s1 =	sshrl.u32 s1, $0x2  }
0xde: {  	s4 =	sand.u32 $0x4000, s31;
	s1 =	sadd.s32 s1, s30  }
0xdf: {  	s0 =	sor.u32 s4, s0;
	s1 =	sshll.u32 s1, $0x11  }
0xe0: {  	s0 =	sor.u32 s1, s0  }
0xe1: {  	s0 =	sadd.s32 $0x8F2B, s0  }
0xe2: {  	[sflag:s0] =	ssyncadd.remote.s32 $0x1  }
0xe3: {  	_ =	sfence.sel $0xFFFF  }
0xe4: {  	[dreg:$0x0] =	wrdreg $0xFFFFFFFF;
	(pc) =	sbr.abs _section_cstart, $3  }
0xe5: {  	[dreg:$0x1] =	wrdreg $0xFFFFFFFF  }
0xe6: {  	_ =	task.clear_ibuf [dreg:s20], $0x2FFFF;
	_ =	strace $0x9FFFFFFF  }
0xe7: {  	(tm) =	ssettm $0x7FFFFFFF  }
tec
execute0_lowered:
.L_overlay_start_1:
0x0: {  	(tag) =	ssettag $0x1  }
0x1: {  	s2 =	rddreg [dreg:$0x0]  }
0x2: {  	s5 =	rddreg [dreg:$0x1]  }
0x3: {  	s0 =	rddreg [dreg:$0x2];
	s3 =	stileid.u32;
	[bflag:$0x3] =	sbarrier.arrive $0xFFFF  }
0x4: {  	s1 =	simm.s32 $_size_execute1_lowered;
	s29 =	srdreg.scid;
	s31 =	simm.s32 $0x2  }
0x5: {  	s13 =	simm.s32 $0x0;
	s8 =	simm.s32 $0x40;
	p0 =	sne.s32 s3, $0x0  }
0x6: {  	s1 =	sshll.u32 s1, $0x1;
	s4 =	simm.s32 @!p0 $0x1C3F;
	s6 =	simm.s32 @!p0 $0x4060  }
0x7: {  	[timem:s6], [sflag:s4] =	dma.local @!p0 [hbm:s2], s1  }
0x8: {  	s9 =	simm.s32 $0x80;
	s11 =	simm.s32 $0x0;
	s2 =	sshll.u32 s29, $0x8  }
.Ltmp0:
0x9: {  	s3 =	sshll.u32 s3, $0x9;
	s30 =	sand.u32 $0x100, s2;
	(pc) =	sbr.rel .LBB2_1-.Ltmp0, $4  }
0xa: {  	s12 =	simm.s32 $0x0;
	_ =	strace $0x8000004D;
	s3 =	sor.u32 s3, s30  }
0xb: {  	s4 =	simm.s32 $0x1;
	s2 =	sadd.s32 $0xDC0600, s5;
	s7 =	ssub.s32 $0xC300, s3  }
0xc: {  	s5 =	sadd.s32 $0xE83C00, s5;
	[sflag:s4] =	ssyncpa.u1 $0x0;
	s6 =	sshrl.u32 s7, $0xD  }
0xd: {  	[sflag:s31] =	ssyncpa.u1 $0x0;
	s10 =	smov.u32 s3;
	s7 =	sadd.s32 $0x2, s6  }
.LBB2_5:
0xe: {  	_ =	sdelay $0x3  }
0xf: {  	[tilespmem:v3+s18+$0x0 ss:$0x1] =	vst.idx.msk $0xffff, v1  }
0x10: {  	[tilespmem:v3+s17+$0x0 ss:$0x1] =	vst.idx.msk $0xffff, v2  }
0x11: {  	[tilespmem:v3+s16+$0x0 ss:$0x1] =	vst.idx.msk $0xffff, v4  }
0x12: {  	[tilespmem:v3+s19+$0x0 ss:$0x1] =	vst.idx.msk $0xffff, v5  }
.LBB2_6:
0x13: {  	s16 =	sand.u32 $0x1FFFFFF, s11  }
0x14: {  	s17 =	smulhi.u32 $0x14F8B59, s16;
	_ =	sdelay $0x1  }
0x15: {  	s17 =	sshrl.u32 s17, $0x8  }
0x16: {  	s17 =	smul.u32 $0xC350, s17;
	_ =	sdelay $0x1  }
0x17: {  	s16 =	ssub.s32 s16, s17  }
0x18: {  	s16 =	sshll.u32 s16, $0x4  }
0x19: {  	s16 =	sadd.s32 s5, s16  }
0x1a: {  	[hbm4b:s16+s8] =	stream.strided.scatter [tilespmem:s15], [sflag:$0x2], s14, s9, s8, $0x38;
	[tilespmem:$0x10000] =	vst v63  }
.LBB2_7:
0x1b: {  	p1 =	slt.u32 s12, $0x2  }
0x1c: {  	p2 =	sgt.s32 @!p1 s13, $0xC250  }
0x1d: {  	s14 =	smov.u32 s13;
	s15 =	sshra.s32 @!p1 s13, $0x1F;
	p2 =	por !p2, p1  }
0x1e: {  	s13 =	sand.u32 @!p1 s15, s13;
	s14 =	simm.s32 @p2 $0xC250  }
0x1f: {  	s13 =	ssub.s32 @!p1 s14, s13  }
0x20: {  	s13 =	sadd.s32 @!p1 $0xFFFF3DB0, s13  }
0x21: {  	s14 =	sshll.u32 @!p1 s13, $0x8  }
0x22: {  	p2 =	sgt.s32 @!p1 s13, $0xFF;
	s13 =	ssub.s32 @!p1 $0x10000, s14  }
0x23: {  	s15 =	sadd.s32 $0x2000, s10;
	p2 =	por !p2, p1;
	s13 =	sshrl.u32 @!p1 s13, $0x2  }
0x24: {  	s13 =	simm.s32 @!p2 $0x0;
	p2 =	sgt.s32 s15, $0xC34F  }
0x25: {  	s15 =	smov.u32 @p2 s3;
	p2 =	sne.s32 s12, s7  }
.Ltmp1:
0x26: {  	_ = 	snop;
	(pc) =	sbr.rel @!p2 .LBB2_8-.Ltmp1, $4  }
0x27: {  	s14 =	simm.s32 @!p1 $0x2  }
0x28: {  	_ =	swait.ge @!p1 [sflag:s14], s13;
	s16 =	ssub.s32 @!p1 $0x0, s13  }
0x29: {  	s13 =	smov.u32 s11;
	s12 =	sadd.s32 $0x1, s12;
	[sflag:s14] =	ssyncset.done @!p1 $0x0  }
0x2a: {  	s11 =	smov.u32 s10;
	s10 =	smov.u32 s15;
	[sflag:s14] =	ssyncadd.s32 @!p1 s16  }
.LBB2_1:
0x2b: {  	p1 =	sgt.u32 s12, s6  }
0x2c: {  	s15 =	smov.u32 s10;
	p2 =	sgt.s32 @!p1 s10, $0xC250  }
0x2d: {  	s14 =	sand.u32 @!p1 $0x1FFFFFF, s10;
	s16 =	sshra.s32 @!p1 s10, $0x1F;
	p2 =	por !p2, p1  }
0x2e: {  	s17 =	smulhi.u32 @!p1 $0x14F8B59, s14;
	s16 =	sand.u32 @!p1 s16, s10;
	s15 =	simm.s32 @p2 $0xC250  }
0x2f: {  	s15 =	ssub.s32 @!p1 s15, s16  }
0x30: {  	s16 =	sshrl.u32 @!p1 s17, $0x8;
	s15 =	sadd.s32 @!p1 $0xFFFF3DB0, s15  }
0x31: {  	s17 =	sxor.u32 @!p1 $0xFFFFFFFF, s12;
	s16 =	smul.u32 @!p1 $0xC350, s16;
	s18 =	sshll.u32 @!p1 s15, $0x8  }
0x32: {  	s17 =	sshll.u32 @!p1 s17, $0xE;
	p2 =	sgt.s32 @!p1 s15, $0xFF;
	s15 =	ssub.s32 @!p1 $0x10000, s18  }
0x33: {  	s14 =	ssub.s32 @!p1 s14, s16;
	p2 =	por !p2, p1;
	s16 =	sand.u32 @!p1 $0x4000, s17  }
0x34: {  	s17 =	simm.s32 @!p1 $0x40;
	s15 =	sshrl.u32 @!p1 s15, $0x2;
	s14 =	sshll.u32 @!p1 s14, $0x4  }
0x35: {  	s18 =	simm.s32 @!p1 $0x80;
	s15 =	simm.s32 @!p2 $0x0;
	s14 =	sadd.s32 @!p1 s2, s14  }
0x36: {  	[tilespmem:s16], [sflag:$0x1] =	stream.strided.gather @!p1 [hbm4b:s14+s17], s15, s18, s17, $0x38;
	[tilespmem:$0x10000] =	vst v63  }
0x37: {  	p1 =	seq.s32 s12, $0x0  }
0x38: {  	p2 =	sge.u32 @!p1 s12, s7  }
0x39: {  	p1 =	por p1, p2  }
.Ltmp2:
0x3a: {  	_ = 	snop;
	(pc) =	sbr.rel @p1 .LBB2_7-.Ltmp2, $1  }
0x3b: {  	_ =	sdelay $0x3  }
0x3c: {  	p1 =	sgt.s32 s11, $0xC250;
	s14 =	smov.u32 s11;
	s15 =	sshra.s32 s11, $0x1F  }
0x3d: {  	s14 =	simm.s32 @!p1 $0xC250;
	s15 =	sand.u32 s15, s11  }
0x3e: {  	s14 =	ssub.s32 s14, s15  }
0x3f: {  	s14 =	sadd.s32 $0xFFFF3DB0, s14  }
0x40: {  	s31 =	sshll.u32 s14, $0x8  }
0x41: {  	s15 =	ssub.s32 $0x10000, s31  }
0x42: {  	p1 =	sgt.s32 s14, $0xFF;
	s14 =	sshrl.u32 s15, $0x2;
	s15 =	sadd.s32 $0x100, s11  }
0x43: {  	s14 =	simm.s32 @p1 $0x0;
	p1 =	slt.s32 s15, $0xC350  }
0x44: {  	s15 =	simm.s32 @!p1 $0xC350  }
0x45: {  	s20 =	ssub.s32 s15, s11  }
0x46: {  	p1 =	slt.s32 s20, $0x1  }
.Ltmp3:
0x47: {  	_ = 	snop;
	(pc) =	sbr.rel @p1 .LBB2_6-.Ltmp3, $4  }
0x48: {  	_ = 	snop  }
0x49: {  	s16 =	sshll.u32 s12, $0xE;
	_ =	swait.ge [sflag:s4], s14  }
0x4a: {  	s16 =	sand.u32 $0x4000, s16;
	s17 =	ssub.s32 $0x0, s14;
	[sflag:s4] =	ssyncset.done $0x0  }
0x4b: {  	s15 =	sor.u32 $0x8000, s16;
	[sflag:s4] =	ssyncadd.s32 s17  }
0x4c: {  	v0 =	vmov s16;
	_ =	sdelay $0x2  }
0x4d: {  	s31 =	simm.s32 $0x0;
	p1 =	sne.s32 s20, $0x1  }
.Ltmp4:
0x4e: {  	s18 =	sand.u32 $0x3FC0, s31;
	(pc) =	sbr.rel @!p1 .LBB2_5-.Ltmp4, $4  }
0x4f: {  	s17 =	sor.u32 $0x30, s18;
	v1 =	vld.idx.msk [tilespmem:v0+s18+$0x0 ss:$0x1], $0xffff  }
0x50: {  	v3 =	vmov s15;
	s16 =	sor.u32 $0x10, s18;
	v2 =	vld.idx.msk [tilespmem:v0+s17+$0x0 ss:$0x1], $0xffff  }
0x51: {  	s19 =	sor.u32 $0x20, s18;
	v4 =	vld.idx.msk [tilespmem:v0+s16+$0x0 ss:$0x1], $0xffff  }
0x52: {  	s20 =	sadd.s32 $0xFFFFFFFF, s20;
	s21 =	simm.s32 $0x40;
	v5 =	vld.idx.msk [tilespmem:v0+s19+$0x0 ss:$0x1], $0xffff  }
.LBB2_4:
0x53: {  	s22 =	sand.u32 $0x3FC0, s21  }
0x54: {  	p1 =	sne.s32 s20, $0x1;
	s20 =	sadd.s32 $0xFFFFFFFF, s20;
	s23 =	sor.u32 $0x10, s22  }
.Ltmp5:
0x55: {  	s24 =	sor.u32 $0x20, s22;
	s25 =	sor.u32 $0x30, s22;
	[tilespmem:v3+s18+$0x0 ss:$0x1] =	vst.idx.msk $0xffff, v1;
	v1 =	vld.idx.msk [tilespmem:v0+s22+$0x0 ss:$0x1], $0xffff;
	(pc) =	sbr.rel @p1 .LBB2_4-.Ltmp5, $4  }
0x56: {  	s18 =	smov.u32 s22;
	[tilespmem:v3+s17+$0x0 ss:$0x1] =	vst.idx.msk $0xffff, v2;
	v2 =	vld.idx.msk [tilespmem:v0+s25+$0x0 ss:$0x1], $0xffff;
	s17 =	smov.u32 s25  }
0x57: {  	[tilespmem:v3+s16+$0x0 ss:$0x1] =	vst.idx.msk $0xffff, v4;
	v4 =	vld.idx.msk [tilespmem:v0+s23+$0x0 ss:$0x1], $0xffff;
	s16 =	smov.u32 s23  }
0x58: {  	[tilespmem:v3+s19+$0x0 ss:$0x1] =	vst.idx.msk $0xffff, v5;
	v5 =	vld.idx.msk [tilespmem:v0+s24+$0x0 ss:$0x1], $0xffff;
	s19 =	smov.u32 s24  }
0x59: {  	s21 =	sadd.s32 $0x40, s21  }
.Ltmp6:
0x5a: {  	_ = 	snop;
	(pc) =	sbr.rel .LBB2_5-.Ltmp6, $1  }
0x5b: {  	_ =	sdelay $0x3  }
.LBB2_8:
0x5c: {  	_ =	sfence.sel $0x180000  }
0x5d: {  	s2 =	simm.s32 $0x1;
	[bflag:$0x0] =	sbarrier.arrive $0xFFFF  }
0x5e: {  	s31 =	simm.s32 $0x2;
	[sflag:s2] =	ssyncpa.u1 $0x1  }
0x5f: {  	[sflag:s31] =	ssyncpa.u1 $0x1  }
0x60: {  	_ =	strace $0x9000004D  }
0x61: {  	s0 =	sadd.s32 @!p0 $0x100000, s0;
	[bflag:$0x2] =	sbarrier.arrive $0xFFFF  }
0x62: {  	[sflag:s0] =	ssyncadd.tile.s32 @!p0 $0x1;
	s0 =	simm.s32 @!p0 $0x3F  }
0x63: {  	_ =	swait.ge @!p0 [sflag:s0], s1  }
0x64: {  	s1 =	ssub.s32 @!p0 $0x0, s1;
	[sflag:s0] =	ssyncset.done @!p0 $0x0  }
0x65: {  	[sflag:s0] =	ssyncadd.s32 @!p0 s1  }
0x66: {  	[bflag:$0x3] =	sbarrier.arrive $0xFFFF  }
0x67: {  	_ =	shalt  }
.Lfunc_end2:
execute1_lowered:
.L_overlay_start_2:
0x68: {  	(tag) =	ssettag $0x2  }
0x69: {  	s2 =	rddreg [dreg:$0x0]  }
0x6a: {  	s4 =	rddreg [dreg:$0x1];
	_ =	strace $0x80000050;
	s0 =	simm.s32 $0x1  }
0x6b: {  	s3 =	simm.s32 $0x88;
	v0 =	vimm.s32 $0x0;
	[sflag:s0] =	ssyncpa.u1 $0x0  }
0x6c: {  	s1 =	sadd.s32 $0xE83C00, s2;
	[tilespmem:s3+$0x30] =	vst v0  }
0x6d: {  	s0 =	sadd.s32 $0x31C00, s2;
	s6 =	sadd.s32 $0x13EA00, s2;
	[tilespmem:s3+$0x20] =	vst v0  }
0x6e: {  	s2 =	sadd.s32 $0xDA7E00, s2;
	s7 =	sand.u32 $0x1, s4;
	s4 =	simm.s32 $0x40;
	[tilespmem:s3+$0x10] =	vst v0  }
.LBB3_1:
0x6f: {  	s4 =	sadd.s32 $0x40, s4  }
0x70: {  	[tilespmem:s3+$0x0] =	vst v0;
	s3 =	sadd.s32 $0x40, s3;
	p0 =	slt.u32 s4, $0x5040  }
.Ltmp7:
0x71: {  	(pc) =	sbr.rel @p0 .LBB3_1-.Ltmp7, $4  }
0x72: {  	_ = 	snop  }
0x73: {  	[tilespmem:s3+$0x30] =	vst v0  }
0x74: {  	[tilespmem:s3+$0x20] =	vst v0  }
0x75: {  	[tilespmem:s3+$0x10] =	vst v0  }
0x76: {  	s8 =	stileid.u32  }
0x77: {  	s4 =	smul.u32 $0x4E, s8  }
0x78: {  	s5 =	smin.u32 s8, $0x2  }
0x79: {  	s4 =	sadd.s32 s5, s4  }
0x7a: {  	p0 =	slt.u32 s8, $0x2;
	s12 =	smul.u32 $0x140, s4;
	s4 =	simm.s32 $0x62C0  }
0x7b: {  	s4 =	simm.s32 @!p0 $0x6180  }
0x7c: {  	s25 =	simm.s32 $0x2;
	s4 =	sadd.s32 s4, s12  }
0x7d: {  	s28 =	simm.s32 $0x9;
	s9 =	simm.s32 $0xA;
	s14 =	smin.u32 s4, $0x61A80  }
0x7e: {  	s30 =	simm.s32 $0xB;
	[dreg:$0x4] =	wrdreg s7;
	s4 =	ssub.s32 s14, s12  }
0x7f: {  	s31 =	smul.u32 $0xC350, s7;
	s13 =	simm.s32 $0x1;
	p0 =	sgt.s32 s4, $0x0  }
0x80: {  	s19 =	simm.s32 $0x0;
	s20 =	simm.s32 $0xA808;
	s4 =	simm.s32 @!p0 $0x0  }
0x81: {  	s21 =	simm.s32 $0xFFFFFFFF;
	p1 =	por $0x0, $0x0;
	s26 =	smulhi.u32 $0x66666667, s4  }
0x82: {  	[tilespmem:s3+$0x0] =	vst v0;
	s23 =	simm.s32 $0x0;
	[sflag:s25] =	ssyncpa.u1 $0x0;
	s18 =	sshll.u32 s8, $0x7  }
0x83: {  	s0 =	sadd.s32 s31, s0;
	[dreg:$0xa] =	wrdreg s18;
	s3 =	sshrl.u32 s26, $0x7  }
0x84: {  	v0 =	vimm.s32 $0xFFFFFFFF;
	s17 =	sadd.s32 s31, s2;
	[dreg:$0x9] =	wrdreg s0;
	s29 =	smul.u32 $0x140, s3  }
0x85: {  	s25 =	simm.s32 $0x0;
	[tilespmem:$0xA108] =	vst v0;
	[sflag:s28] =	ssyncpa.u1 $0x0;
	[dreg:$0x8] =	wrdreg s17  }
.Ltmp8:
0x86: {  	p0 =	sne.s32 s4, s29;
	s4 =	simm.s32 $0x1;
	(pc) =	sbr.rel .LBB3_3-.Ltmp8, $4  }
0x87: {  	[sflag:s9] =	ssyncpa.u1 $0x0;
	[dreg:$0x5] =	wrdreg s12;
	s4 =	simm.s32 @!p0 $0x0  }
0x88: {  	[sflag:s30] =	ssyncpa.u1 $0x0;
	[dreg:$0x6] =	wrdreg s14;
	s15 =	sadd.s32 s4, s3  }
0x89: {  	s24 =	smov.u32 s12;
	s22 =	sadd.s32 $0x1, s15;
	[dreg:$0x7] =	wrdreg s15  }
0x8a: {  	v0 =	vlaneseq.u32;
	s26 =	simm.s32 $0x0;
	p0 =	por $0x1, $0x1;
	[dreg:$0xb] =	wrdreg s22  }
.LBB3_22:
0x8b: {  	s0 =	sshrl.u32 s3, $0x2  }
.LBB3_24:
0x8c: {  	s3 =	simm.s32 $0xC  }
0x8d: {  	_ =	swait.ge [sflag:s3], s0  }
0x8e: {  	s31 =	ssub.s32 $0x0, s0;
	v1 =	vmov s4;
	vm0 =	veq.s32 v0, $0x0;
	[sflag:s3] =	ssyncset.done $0x0  }
0x8f: {  	vm15 =	veq.s32 v0, $0x2;
	v1 =	vsel vm0, s2, v1;
	[sflag:s3] =	ssyncadd.s32 s31  }
0x90: {  	v1 =	vsel vm15, s26, v1;
	[sflag:s3] =	ssyncpa.u1 $0x1  }
0x91: {  	[tilespmem:$0xA108] =	vst v1  }
.LBB3_25:
0x92: {  	s0 =	sadd.s32 $0x140, s24  }
0x93: {  	s2 =	smov.u32 s12;
	p2 =	slt.s32 s0, s14  }
0x94: {  	s2 =	smov.u32 @p2 s0;
	p2 =	sne.s32 s25, s22  }
.Ltmp9:
0x95: {  	_ = 	snop;
	(pc) =	sbr.rel @!p2 .LBB3_26-.Ltmp9, $4  }
0x96: {  	_ = 	snop  }
0x97: {  	s26 =	smov.u32 s23;
	s31 =	sadd.s32 $0x1, s25;
	p0 =	por !p0, !p0  }
0x98: {  	s23 =	smov.u32 s24;
	s20 =	sadd.s32 $0x140, s20;
	s21 =	sadd.s32 $0x1, s21  }
0x99: {  	p1 =	por !p1, !p1;
	s25 =	smov.u32 s31;
	s24 =	smov.u32 s2  }
.LBB3_3:
0x9a: {  	p2 =	sge.u32 s25, s15  }
0x9b: {  	s0 =	smulhi.u32 @!p2 $0xAAAAAAAB, s25  }
0x9c: {  	s2 =	smov.u32 s24;
	p3 =	sgt.s32 @!p2 s24, $0x61940  }
0x9d: {  	s3 =	sshra.s32 @!p2 s24, $0x1F;
	p3 =	por !p3, p2;
	s0 =	sshrl.u32 @!p2 s0, $0x1  }
0x9e: {  	s3 =	sand.u32 @!p2 s3, s24;
	s2 =	simm.s32 @p3 $0x61940;
	s0 =	smul.u32 @!p2 $0x3, s0  }
0x9f: {  	s2 =	ssub.s32 @!p2 s2, s3  }
0xa0: {  	s2 =	sadd.s32 @!p2 $0xFFF9E6C0, s2;
	s0 =	ssub.s32 @!p2 s25, s0  }
0xa1: {  	s3 =	sshll.u32 @!p2 s2, $0x2;
	p3 =	sgt.s32 @!p2 s2, $0x13F;
	s0 =	smul.u32 @!p2 $0x500, s0  }
0xa2: {  	s4 =	sand.u32 @!p2 $0x7, s24;
	s2 =	ssub.s32 @!p2 $0x500, s3;
	p3 =	por !p3, p2  }
0xa3: {  	s3 =	sshrl.u32 @!p2 s24, $0x3;
	s2 =	sshrl.u32 @!p2 s2, $0x2;
	s0 =	sshrl.u32 @!p2 s0, $0x2  }
0xa4: {  	s3 =	sadd.s32 @!p2 s3, s17;
	s2 =	simm.s32 @!p3 $0x0;
	s0 =	sadd.s32 @!p2 $0xA948, s0  }
0xa5: {  	[tilespmem:s0], [sflag:$0xA] =	stream.linear.gather @!p2 [hbm4b:s3+s4], s2, $0x38;
	[tilespmem:$0x1EF88] =	vst v63  }
0xa6: {  	s0 =	sadd.s32 $0xFFFFFFFF, s25  }
0xa7: {  	p2 =	sge.u32 s0, s15  }
.Ltmp10:
0xa8: {  	_ = 	snop;
	(pc) =	sbr.rel @p2 .LBB3_7-.Ltmp10, $1  }
0xa9: {  	_ =	sdelay $0x3  }
0xaa: {  	p2 =	sgt.s32 s23, $0x61940;
	s2 =	smov.u32 s23;
	s3 =	sshra.s32 s23, $0x1F  }
0xab: {  	s2 =	simm.s32 @!p2 $0x61940;
	s3 =	sand.u32 s3, s23  }
0xac: {  	s17 =	smulhi.u32 $0xAAAAAAAB, s21;
	s2 =	ssub.s32 s2, s3  }
0xad: {  	s0 =	sand.u32 $0x1, s0;
	s2 =	sadd.s32 $0xFFF9E6C0, s2  }
0xae: {  	s5 =	simm.s32 $0xA;
	s3 =	sshrl.u32 s17, $0x1;
	s4 =	sshll.u32 s2, $0x2  }
0xaf: {  	s7 =	sshrl.u32 s23, $0x3;
	s3 =	smul.u32 $0xFFFFF100, s3;
	s4 =	ssub.s32 $0x500, s4  }
0xb0: {  	s18 =	smul.u32 $0x500, s0;
	p2 =	sgt.s32 s2, $0x13F;
	s2 =	sshrl.u32 s4, $0x2  }
0xb1: {  	s9 =	sand.u32 $0x7, s23;
	s3 =	sshra.s32 s3, $0x2;
	s2 =	simm.s32 @p2 $0x0  }
0xb2: {  	s0 =	sadd.s32 s3, s20;
	s4 =	sshrl.u32 s18, $0x2;
	_ =	swait.ge [sflag:s5], s2  }
0xb3: {  	s22 =	ssub.s32 $0x0, s2;
	[sflag:s5] =	ssyncset.done $0x0;
	s8 =	rddreg [dreg:$0x9]  }
0xb4: {  	s4 =	sadd.s32 $0xAD08, s4;
	[sflag:s5] =	ssyncadd.s32 s22;
	s3 =	sadd.s32 s7, s8  }
0xb5: {  	[tilespmem:s4], [sflag:$0xB] =	stream.linear.gather [hbm4b:s3+s9], s2, $0x38;
	[tilespmem:$0x1EF88] =	vst v63  }
0xb6: {  	v1 =	vld.msk [tilespmem:s0+$0x0], $0xffff;
	_ =	sdelay $0x4  }
0xb7: {  	v1 =	vshll.u32 v1, $0x4  }
0xb8: {  	(v2sf) =	vpush v1, $0x0  }
0xb9: {  	(v2sf) =	vpush v1, $0x1  }
0xba: {  	(v2sf) =	vpush v1, $0x2;
	_ =	sdelay $0x3  }
0xbb: {  	(v2sf) =	vpush v1, $0x3;
	_ =	sdelay $0x1  }
0xbc: {  	(v2sf) =	vpush v1, $0x4  }
0xbd: {  	s2 =	simm.s32 $0x1;
	(v2sf) =	vpush v1, $0x5  }
0xbe: {  	s2 =	simm.s32 @!p0 $0x0  }
0xbf: {  	s2 =	smul.u32 $0x28000, s2;
	(v2sf) =	vpush v1, $0x6;
	_ =	sdelay $0x1  }
0xc0: {  	s2 =	sshrl.u32 s2, $0x2  }
0xc1: {  	s28 =	sadd.s32 $0xB708, s2  }
0xc2: {  	s12 =	sadd.s32 $0xFFFFF880, s28;
	s17 =	sadd.s32 $0xFFFFF900, s28;
	s10 =	spop (v2sf);
	(v2sf) =	vpush v1, $0x7  }
0xc3: {  	s18 =	sadd.s32 $0xFFFFF980, s28;
	s11 =	sand.u32 $0x1FFFFFF0, s10;
	s14 =	spop (v2sf)  }
0xc4: {  	(v2sf) =	vpush v1, $0x8;
	s2 =	sadd.s32 s6, s11;
	s15 =	sand.u32 $0x1FFFFFF0, s14;
	s16 =	spop (v2sf)  }
0xc5: {  	[tilespmem:s12], [sflag:$0x9] =	stream.linear.gather [hbm4b:s2+s19], $0x40, $0x38;
	[tilespmem:$0x1EF88] =	vst v63  }
0xc6: {  	s5 =	sadd.s32 $0xFFFFFA00, s28;
	s2 =	sadd.s32 s6, s15;
	s3 =	sand.u32 $0x1FFFFFF0, s16  }
0xc7: {  	(v2sf) =	vpush v1, $0x9;
	[tilespmem:s17], [sflag:$0x9] =	stream.linear.gather [hbm4b:s2+s19], $0x40, $0x38;
	[tilespmem:$0x1EF88] =	vst v63  }
0xc8: {  	s7 =	sadd.s32 $0xFFFFFA80, s28;
	s22 =	spop (v2sf);
	s3 =	sadd.s32 s6, s3  }
0xc9: {  	(v2sf) =	vpush v1, $0xA;
	[tilespmem:s18], [sflag:$0x9] =	stream.linear.gather [hbm4b:s3+s19], $0x40, $0x38;
	[tilespmem:$0x1EF88] =	vst v63  }
0xca: {  	s11 =	sadd.s32 $0xFFFFFB00, s28;
	s4 =	spop (v2sf);
	(v2sf) =	vpush v1, $0xB;
	s3 =	sand.u32 $0x1FFFFFF0, s22  }
0xcb: {  	s8 =	spop (v2sf);
	s2 =	sadd.s32 s6, s3;
	s3 =	sand.u32 $0x1FFFFFF0, s4  }
0xcc: {  	(v2sf) =	vpush v1, $0xC;
	[tilespmem:s5], [sflag:$0x9] =	stream.linear.gather [hbm4b:s2+s19], $0x40, $0x38;
	[tilespmem:$0x1EF88] =	vst v63  }
0xcd: {  	s9 =	sand.u32 $0x1FFFFFF0, s8;
	s10 =	spop (v2sf);
	s3 =	sadd.s32 s6, s3  }
0xce: {  	(v2sf) =	vpush v1, $0xD;
	[tilespmem:s7], [sflag:$0x9] =	stream.linear.gather [hbm4b:s3+s19], $0x40, $0x38;
	[tilespmem:$0x1EF88] =	vst v63  }
0xcf: {  	s12 =	sadd.s32 $0xFFFFFB80, s28;
	s2 =	sadd.s32 s6, s9;
	s3 =	sand.u32 $0x1FFFFFF0, s10  }
0xd0: {  	[tilespmem:s11], [sflag:$0x9] =	stream.linear.gather [hbm4b:s2+s19], $0x40, $0x38;
	[tilespmem:$0x1EF88] =	vst v63  }
0xd1: {  	s17 =	sadd.s32 $0xFFFFFC00, s28;
	s3 =	sadd.s32 s6, s3;
	s14 =	spop (v2sf)  }
0xd2: {  	[tilespmem:s12], [sflag:$0x9] =	stream.linear.gather [hbm4b:s3+s19], $0x40, $0x38;
	(v2sf) =	vpush v1, $0xE;
	[tilespmem:$0x1EF88] =	vst v63  }
0xd3: {  	s18 =	sadd.s32 $0xFFFFFC80, s28;
	s15 =	sand.u32 $0x1FFFFFF0, s14;
	s16 =	spop (v2sf)  }
0xd4: {  	s5 =	sadd.s32 $0xFFFFFD00, s28;
	(v2sf) =	vpush v1, $0xF;
	s2 =	sadd.s32 s6, s15;
	s3 =	sand.u32 $0x1FFFFFF0, s16  }
0xd5: {  	[tilespmem:s17], [sflag:$0x9] =	stream.linear.gather [hbm4b:s2+s19], $0x40, $0x38;
	[tilespmem:$0x1EF88] =	vst v63  }
0xd6: {  	s7 =	sadd.s32 $0xFFFFFD80, s28;
	s22 =	spop (v2sf);
	s3 =	sadd.s32 s6, s3  }
0xd7: {  	[tilespmem:s18], [sflag:$0x9] =	stream.linear.gather [hbm4b:s3+s19], $0x40, $0x38;
	[tilespmem:$0x1EF88] =	vst v63  }
0xd8: {  	s11 =	sadd.s32 $0xFFFFFE00, s28;
	s4 =	spop (v2sf);
	s3 =	sand.u32 $0x1FFFFFF0, s22  }
0xd9: {  	s8 =	spop (v2sf);
	s2 =	sadd.s32 s6, s3;
	s3 =	sand.u32 $0x1FFFFFF0, s4  }
0xda: {  	[tilespmem:s5], [sflag:$0x9] =	stream.linear.gather [hbm4b:s2+s19], $0x40, $0x38;
	[tilespmem:$0x1EF88] =	vst v63  }
0xdb: {  	s9 =	sand.u32 $0x1FFFFFF0, s8;
	s10 =	spop (v2sf);
	s3 =	sadd.s32 s6, s3  }
0xdc: {  	[tilespmem:s7], [sflag:$0x9] =	stream.linear.gather [hbm4b:s3+s19], $0x40, $0x38;
	[tilespmem:$0x1EF88] =	vst v63  }
0xdd: {  	s14 =	spop (v2sf);
	s2 =	sadd.s32 s6, s9;
	s3 =	sand.u32 $0x1FFFFFF0, s10  }
0xde: {  	[tilespmem:s11], [sflag:$0x9] =	stream.linear.gather [hbm4b:s2+s19], $0x40, $0x38;
	[tilespmem:$0x1EF88] =	vst v63  }
0xdf: {  	s12 =	sadd.s32 $0xFFFFFE80, s28;
	s15 =	sand.u32 $0x1FFFFFF0, s14;
	s3 =	sadd.s32 s6, s3  }
0xe0: {  	[tilespmem:s12], [sflag:$0x9] =	stream.linear.gather [hbm4b:s3+s19], $0x40, $0x38;
	[tilespmem:$0x1EF88] =	vst v63  }
0xe1: {  	s17 =	sadd.s32 $0xFFFFFF00, s28;
	s2 =	sadd.s32 s6, s15;
	s16 =	spop (v2sf)  }
0xe2: {  	[tilespmem:s17], [sflag:$0x9] =	stream.linear.gather [hbm4b:s2+s19], $0x40, $0x38;
	[tilespmem:$0x1EF88] =	vst v63  }
0xe3: {  	s29 =	simm.s32 $0x0;
	s3 =	sand.u32 $0x1FFFFFF0, s16;
	s18 =	spop (v2sf)  }
0xe4: {  	s22 =	sadd.s32 $0xFFFFFF80, s28;
	s3 =	sadd.s32 s6, s3;
	s2 =	sand.u32 $0x1FFFFFF0, s18  }
0xe5: {  	[tilespmem:s22], [sflag:$0x9] =	stream.linear.gather [hbm4b:s3+s19], $0x40, $0x38;
	[tilespmem:$0x1EF88] =	vst v63  }
0xe6: {  	s31 =	sadd.s32 $0x10, s0;
	s30 =	sadd.s32 $0x800, s28;
	s2 =	sadd.s32 s6, s2  }
.LBB3_5:
0xe7: {  	[tilespmem:s28], [sflag:$0x9] =	stream.linear.gather [hbm4b:s2+s19], $0x40, $0x38;
	[tilespmem:$0x1EF88] =	vst v63  }
0xe8: {  	s29 =	sadd.s32 $0x10, s29;
	s28 =	smov.u32 s30  }
0xe9: {  	p2 =	slt.u32 s29, $0x130;
	v1 =	vld.msk [tilespmem:s31+$0x0], $0xffff;
	_ =	sdelay $0x4  }
0xea: {  	v1 =	vshll.u32 v1, $0x4  }
0xeb: {  	(v2sf) =	vpush v1, $0x0  }
0xec: {  	(v2sf) =	vpush v1, $0x1  }
0xed: {  	(v2sf) =	vpush v1, $0x2;
	_ =	sdelay $0x1  }
0xee: {  	(v2sf) =	vpush v1, $0x3;
	_ =	sdelay $0x1  }
0xef: {  	(v2sf) =	vpush v1, $0x4;
	_ =	sdelay $0x1  }
0xf0: {  	(v2sf) =	vpush v1, $0x5;
	_ =	sdelay $0x1  }
0xf1: {  	(v2sf) =	vpush v1, $0x6  }
0xf2: {  	s4 =	sadd.s32 $0xFFFFFE80, s30;
	s0 =	sadd.s32 $0xFFFFFF00, s30  }
0xf3: {  	s3 =	sadd.s32 $0xFFFFFD00, s30;
	s2 =	sadd.s32 $0xFFFFFD80, s30;
	s5 =	sadd.s32 $0xFFFFFE00, s30;
	(v2sf) =	vpush v1, $0x7  }
0xf4: {  	s10 =	sadd.s32 $0xFFFFFB80, s30;
	s9 =	sadd.s32 $0xFFFFFC00, s30;
	s16 =	sadd.s32 $0xFFFFFC80, s30  }
0xf5: {  	s11 =	sadd.s32 $0xFFFFFA00, s30;
	s12 =	sadd.s32 $0xFFFFFA80, s30;
	s15 =	sadd.s32 $0xFFFFFB00, s30;
	(v2sf) =	vpush v1, $0x8  }
0xf6: {  	s18 =	sadd.s32 $0xFFFFF900, s30;
	s7 =	sadd.s32 $0xFFFFF980, s30;
	s22 =	spop (v2sf)  }
0xf7: {  	s8 =	sadd.s32 $0xFFFFF880, s30;
	s22 =	sand.u32 $0x1FFFFFF0, s22;
	s14 =	spop (v2sf);
	(v2sf) =	vpush v1, $0x9  }
0xf8: {  	s22 =	sadd.s32 s6, s22;
	s14 =	sand.u32 $0x1FFFFFF0, s14;
	s17 =	spop (v2sf)  }
0xf9: {  	[tilespmem:s8], [sflag:$0x9] =	stream.linear.gather [hbm4b:s22+s19], $0x40, $0x38;
	(v2sf) =	vpush v1, $0xA;
	[tilespmem:$0x1EF88] =	vst v63  }
0xfa: {  	s8 =	sadd.s32 s6, s14;
	s14 =	sand.u32 $0x1FFFFFF0, s17;
	s17 =	spop (v2sf)  }
0xfb: {  	[tilespmem:s18], [sflag:$0x9] =	stream.linear.gather [hbm4b:s8+s19], $0x40, $0x38;
	(v2sf) =	vpush v1, $0xB;
	[tilespmem:$0x1EF88] =	vst v63  }
0xfc: {  	s8 =	sadd.s32 s6, s14;
	s14 =	sand.u32 $0x1FFFFFF0, s17;
	s17 =	spop (v2sf)  }
0xfd: {  	[tilespmem:s7], [sflag:$0x9] =	stream.linear.gather [hbm4b:s8+s19], $0x40, $0x38;
	(v2sf) =	vpush v1, $0xC;
	[tilespmem:$0x1EF88] =	vst v63  }
0xfe: {  	s7 =	sadd.s32 s6, s14;
	s8 =	sand.u32 $0x1FFFFFF0, s17;
	s14 =	spop (v2sf)  }
0xff: {  	[tilespmem:s11], [sflag:$0x9] =	stream.linear.gather [hbm4b:s7+s19], $0x40, $0x38;
	(v2sf) =	vpush v1, $0xD;
	[tilespmem:$0x1EF88] =	vst v63  }
0x100: {  	s7 =	sadd.s32 s6, s8;
	s8 =	sand.u32 $0x1FFFFFF0, s14;
	s11 =	spop (v2sf)  }
0x101: {  	[tilespmem:s12], [sflag:$0x9] =	stream.linear.gather [hbm4b:s7+s19], $0x40, $0x38;
	(v2sf) =	vpush v1, $0xE;
	[tilespmem:$0x1EF88] =	vst v63  }
0x102: {  	s7 =	sadd.s32 s6, s8;
	s8 =	sand.u32 $0x1FFFFFF0, s11;
	s11 =	spop (v2sf)  }
0x103: {  	[tilespmem:s15], [sflag:$0x9] =	stream.linear.gather [hbm4b:s7+s19], $0x40, $0x38;
	(v2sf) =	vpush v1, $0xF;
	[tilespmem:$0x1EF88] =	vst v63  }
0x104: {  	s7 =	sadd.s32 s6, s8;
	s8 =	sand.u32 $0x1FFFFFF0, s11;
	s11 =	spop (v2sf)  }
0x105: {  	[tilespmem:s10], [sflag:$0x9] =	stream.linear.gather [hbm4b:s7+s19], $0x40, $0x38;
	[tilespmem:$0x1EF88] =	vst v63  }
0x106: {  	s7 =	sadd.s32 s6, s8;
	s8 =	sand.u32 $0x1FFFFFF0, s11;
	s10 =	spop (v2sf)  }
0x107: {  	[tilespmem:s9], [sflag:$0x9] =	stream.linear.gather [hbm4b:s7+s19], $0x40, $0x38;
	[tilespmem:$0x1EF88] =	vst v63  }
0x108: {  	s7 =	sadd.s32 s6, s8;
	s8 =	sand.u32 $0x1FFFFFF0, s10;
	s9 =	spop (v2sf)  }
0x109: {  	[tilespmem:s16], [sflag:$0x9] =	stream.linear.gather [hbm4b:s7+s19], $0x40, $0x38;
	[tilespmem:$0x1EF88] =	vst v63  }
0x10a: {  	s7 =	sadd.s32 s6, s8;
	s8 =	sand.u32 $0x1FFFFFF0, s9;
	s9 =	spop (v2sf)  }
0x10b: {  	[tilespmem:s3], [sflag:$0x9] =	stream.linear.gather [hbm4b:s7+s19], $0x40, $0x38;
	[tilespmem:$0x1EF88] =	vst v63  }
0x10c: {  	s3 =	sadd.s32 s6, s8;
	s7 =	sand.u32 $0x1FFFFFF0, s9;
	s8 =	spop (v2sf)  }
0x10d: {  	[tilespmem:s2], [sflag:$0x9] =	stream.linear.gather [hbm4b:s3+s19], $0x40, $0x38;
	[tilespmem:$0x1EF88] =	vst v63  }
0x10e: {  	s2 =	sadd.s32 s6, s7;
	s3 =	sand.u32 $0x1FFFFFF0, s8;
	s7 =	spop (v2sf)  }
0x10f: {  	[tilespmem:s5], [sflag:$0x9] =	stream.linear.gather [hbm4b:s2+s19], $0x40, $0x38;
	[tilespmem:$0x1EF88] =	vst v63  }
0x110: {  	s2 =	sadd.s32 s6, s3;
	s3 =	sand.u32 $0x1FFFFFF0, s7;
	s5 =	spop (v2sf)  }
0x111: {  	[tilespmem:s4], [sflag:$0x9] =	stream.linear.gather [hbm4b:s2+s19], $0x40, $0x38;
	[tilespmem:$0x1EF88] =	vst v63  }
0x112: {  	s2 =	sadd.s32 s6, s3  }
.Ltmp11:
0x113: {  	s3 =	sand.u32 $0x1FFFFFF0, s5;
	s4 =	spop (v2sf);
	(pc) =	sbr.rel @p2 .LBB3_5-.Ltmp11, $4  }
0x114: {  	[tilespmem:s0], [sflag:$0x9] =	stream.linear.gather [hbm4b:s2+s19], $0x40, $0x38;
	[tilespmem:$0x1EF88] =	vst v63  }
0x115: {  	s0 =	sadd.s32 s6, s3;
	s2 =	sadd.s32 $0xFFFFFF80, s30;
	s3 =	sand.u32 $0x1FFFFFF0, s4  }
0x116: {  	[tilespmem:s2], [sflag:$0x9] =	stream.linear.gather [hbm4b:s0+s19], $0x40, $0x38;
	[tilespmem:$0x1EF88] =	vst v63  }
0x117: {  	s31 =	sadd.s32 $0x10, s31;
	s30 =	sadd.s32 $0x800, s30;
	s2 =	sadd.s32 s6, s3  }
0x118: {  	[tilespmem:s28], [sflag:$0x9] =	stream.linear.gather [hbm4b:s2+s19], $0x40, $0x38;
	[tilespmem:$0x1EF88] =	vst v63  }
0x119: {  	s12 =	rddreg [dreg:$0x5]  }
0x11a: {  	s14 =	rddreg [dreg:$0x6]  }
0x11b: {  	s15 =	rddreg [dreg:$0x7]  }
0x11c: {  	s17 =	rddreg [dreg:$0x8]  }
0x11d: {  	s18 =	rddreg [dreg:$0xa]  }
0x11e: {  	s22 =	rddreg [dreg:$0xb]  }
.LBB3_7:
0x11f: {  	p2 =	slt.u32 s25, $0x2  }
.Ltmp12:
0x120: {  	_ = 	snop;
	(pc) =	sbr.rel @p2 .LBB3_25-.Ltmp12, $1  }
0x121: {  	_ =	sdelay $0x3  }
0x122: {  	p2 =	sgt.s32 s26, $0x61940;
	s0 =	smov.u32 s26;
	s2 =	sshra.s32 s26, $0x1F  }
0x123: {  	s0 =	simm.s32 @!p2 $0x61940;
	s2 =	sand.u32 s2, s26  }
0x124: {  	s0 =	ssub.s32 s0, s2  }
0x125: {  	s0 =	sadd.s32 $0xFFF9E6C0, s0  }
0x126: {  	s3 =	simm.s32 $0x9;
	s29 =	sshll.u32 s0, $0x2  }
0x127: {  	_ =	swait.ge [sflag:s3], $0x5000;
	s2 =	ssub.s32 $0x500, s29  }
0x128: {  	[sflag:s3] =	ssyncset.done $0x0;
	p2 =	sgt.s32 s0, $0x13F;
	s0 =	sshrl.u32 s2, $0x2  }
0x129: {  	s30 =	simm.s32 $0xB;
	[sflag:s3] =	ssyncadd.s32 $0xFFFFB000;
	s0 =	simm.s32 @p2 $0x0  }
0x12a: {  	_ =	swait.ge [sflag:s30], s0  }
0x12b: {  	s0 =	ssub.s32 $0x0, s0;
	[sflag:s30] =	ssyncset.done $0x0  }
0x12c: {  	[sflag:s30] =	ssyncadd.s32 s0  }
0x12d: {  	v1 =	vld [tilespmem:$0xA108];
	_ =	sdelay $0x4  }
0x12e: {  	(v2sf) =	vpush v1, $0x0  }
0x12f: {  	(v2sf) =	vpush v1, $0x1  }
0x130: {  	(v2sf) =	vpush v1, $0x2;
	_ =	sdelay $0x3  }
0x131: {  	s0 =	sadd.s32 $0x140, s26  }
0x132: {  	s4 =	ssub.s32 $0xC3500, s26;
	p2 =	slt.s32 s14, s0  }
0x133: {  	s0 =	smov.u32 @p2 s14;
	p2 =	sgt.s32 s4, $0x0  }
0x134: {  	s0 =	ssub.s32 s0, s26;
	s4 =	simm.s32 @!p2 $0x0  }
0x135: {  	p2 =	slt.s32 s4, s0  }
0x136: {  	s0 =	smov.u32 @p2 s4  }
0x137: {  	s2 =	simm.s32 $0x1;
	p2 =	slt.s32 s0, $0x1  }
.Ltmp13:
0x138: {  	s2 =	simm.s32 @!p1 $0x0;
	(pc) =	sbr.rel @p2 .LBB3_12-.Ltmp13, $4  }
0x139: {  	s7 =	smul.u32 $0x500, s2  }
0x13a: {  	s3 =	spop (v2sf)  }
0x13b: {  	s31 =	sshrl.u32 s7, $0x2;
	s5 =	spop (v2sf)  }
0x13c: {  	s28 =	sadd.s32 $0xAD08, s31;
	s26 =	spop (v2sf)  }
0x13d: {  	s4 =	smin.u32 s0, $0x10  }
0x13e: {  	v1 =	vmov s4  }
0x13f: {  	p3 =	sgt.s32 s0, $0x10;
	vm1 =	vgt.u32 v1, v0  }
.Ltmp14:
0x140: {  	_ = 	snop;
	(pc) =	sbr.rel @!p3 .LBB3_11-.Ltmp14, $2  }
0x141: {  	_ =	sdelay $0x2  }
0x142: {  	s9 =	simm.s32 $0x10;
	s10 =	sadd.s32 $0xFFFFFFF0, s0;
	s4 =	smov.u32 s28;
	vm0 =	vmmov vm1  }
.LBB3_10:
0x143: {  	s7 =	smin.u32 s10, $0x10;
	s9 =	sadd.s32 $0x10, s9;
	v1 =	vld.msk [tilespmem:s4+$0x0 ss:$0x1], vm1  }
0x144: {  	v2 =	vmov s7;
	p3 =	slt.s32 s9, s0  }
0x145: {  	vm1 =	vgt.u32 v2, v0  }
.Ltmp15:
0x146: {  	(pc) =	sbr.rel @p3 .LBB3_10-.Ltmp15, $3  }
0x147: {  	_ =	sdelay $0x1  }
0x148: {  	v1 =	vshll.u32 v1, $0x4  }
0x149: {  	s10 =	sadd.s32 $0xFFFFFFF0, s10;
	[tilespmem:s4+$0x0] =	vst.msk vm0, v1;
	s4 =	sadd.s32 $0x10, s4;
	vm0 =	vmmov vm1  }
.LBB3_11:
0x14a: {  	_ =	sdelay $0x4  }
0x14b: {  	v1 =	vld.msk [tilespmem:s4+$0x0 ss:$0x1], vm1;
	_ =	sdelay $0x4  }
0x14c: {  	v1 =	vshll.u32 v1, $0x4  }
0x14d: {  	[tilespmem:s4+$0x0] =	vst.msk vm0, v1  }
.LBB3_12:
0x14e: {  	s4 =	sand.u32 $0x1, s25  }
0x14f: {  	s4 =	smul.u32 $0x140, s4  }
0x150: {  	p3 =	sne.s32 s5, $0xFFFFFFFF  }
0x151: {  	v1 =	vld.msk @!p3 [tilespmem:s4+$0xAD08], $0x1;
	_ =	sdelay $0x4  }
0x152: {  	(v2sf) =	vpush @!p3 v1, $0x0;
	_ =	sdelay $0xc  }
.Ltmp16:
0x153: {  	_ = 	snop;
	(pc) =	sbr.rel @p2 .LBB3_23-.Ltmp16, $4  }
0x154: {  	_ = 	snop  }
0x155: {  	s29 =	spop @!p3 (v2sf)  }
0x156: {  	s31 =	simm.s32 $0xC;
	s26 =	simm.s32 @!p3 $0x0;
	s4 =	smov.u32 s29  }
0x157: {  	[sflag:s31] =	ssyncpa.u1 $0x0;
	s29 =	smov.u32 @p3 s3;
	s4 =	smov.u32 @p3 s5  }
0x158: {  	v1 =	vld.msk [tilespmem:s28+$0x0], $0x1;
	_ =	sdelay $0x4  }
0x159: {  	(v2sf) =	vpush v1, $0x0;
	_ =	sdelay $0xe  }
0x15a: {  	s2 =	smul.u32 $0x28000, s2;
	s5 =	spop (v2sf)  }
0x15b: {  	s31 =	ssub.s32 $0x0, s0;
	p2 =	seq.s32 s29, s5  }
0x15c: {  	s3 =	smov.u32 s29;
	s2 =	sshrl.u32 s2, $0x2;
	p3 =	sgt.s32 @!p2 s29, $0x0  }
0x15d: {  	s30 =	sadd.s32 $0xAFA8, s2;
	s2 =	sadd.s32 $0x1, s31;
	p3 =	por !p3, p2  }
0x15e: {  	s3 =	simm.s32 @p3 $0x0;
	p3 =	seq.s32 s2, $0x0  }
.Ltmp17:
0x15f: {  	_ = 	snop;
	(pc) =	sbr.rel @p3 .LBB3_15-.Ltmp17, $4  }
0x160: {  	_ = 	snop  }
0x161: {  	s0 =	simm.s32 $0x0;
	s9 =	simm.s32 @!p2 $0x1;
	s3 =	smin.u32 @!p2 s3, $0xC34F8  }
0x162: {  	s10 =	simm.s32 @!p2 $0x50C8;
	s9 =	smov.u32 @p2 s0;
	s7 =	sand.u32 @!p2 $0xFFFF8, s3  }
0x163: {  	s16 =	sand.u32 @!p2 $0x7, s3;
	s3 =	sadd.s32 $0x1, s28;
	s11 =	sadd.s32 @!p2 s1, s7  }
.LBB3_14:
0x164: {  	s7 =	smov.u32 s9  }
0x165: {  	[tilespmem:s10], [sflag:$0x2] =	stream.linear.gather @!p2 [hbm4b:s11+s16], $0x40, $0x38;
	[tilespmem:$0x1EF88] =	vst v63  }
0x166: {  	s2 =	sadd.s32 $0x1, s2;
	s8 =	smov.u32 s5;
	v1 =	vld.msk [tilespmem:s3+$0x0], $0x1  }
0x167: {  	p3 =	seq.s32 s2, $0x0;
	_ =	sdelay $0x3  }
0x168: {  	(v2sf) =	vpush v1, $0x0;
	_ =	sdelay $0xe  }
0x169: {  	s5 =	spop (v2sf)  }
0x16a: {  	p2 =	seq.s32 s8, s5  }
0x16b: {  	p4 =	sgt.s32 @!p2 s8, $0x0;
	s10 =	sshll.u32 @!p2 s9, $0x8;
	s9 =	sadd.s32 @!p2 $0x1, s9  }
.Ltmp18:
0x16c: {  	p4 =	por !p4, p2;
	s10 =	sshra.s32 @!p2 s10, $0x2;
	(pc) =	sbr.rel @!p3 .LBB3_14-.Ltmp18, $4  }
0x16d: {  	s9 =	smov.u32 @p2 s7;
	s8 =	simm.s32 @p4 $0x0;
	s10 =	sadd.s32 @!p2 $0x50C8, s10  }
0x16e: {  	s7 =	smin.u32 @!p2 s8, $0xC34F8  }
0x16f: {  	s8 =	sand.u32 @!p2 $0xFFFF8, s7;
	s16 =	sand.u32 @!p2 $0x7, s7  }
0x170: {  	s3 =	sadd.s32 $0x1, s3;
	s11 =	sadd.s32 @!p2 s1, s8  }
.LBB3_15:
0x171: {  	[tilespmem:s10], [sflag:$0x2] =	stream.linear.gather @!p2 [hbm4b:s11+s16], $0x40, $0x38;
	[tilespmem:$0x1EF88] =	vst v63  }
.Ltmp19:
0x172: {  	s2 =	sshll.u32 s9, $0x6;
	(pc) =	sbr.rel .LBB3_16-.Ltmp19, $4  }
0x173: {  	s3 =	simm.s32 $0x2;
	s2 =	sand.u32 $0x3FFFFFC0, s2  }
0x174: {  	_ =	swait.ge [sflag:s3], s2  }
0x175: {  	s2 =	ssub.s32 $0x0, s2;
	[sflag:s3] =	ssyncset.done $0x0  }
0x176: {  	[sflag:s3] =	ssyncadd.s32 s2;
	s3 =	simm.s32 $0x0  }
.LBB3_17:
0x177: {  	v1 =	vld [tilespmem:s30+$0xFFFFFFE0];
	_ =	sdelay $0x4  }
0x178: {  	[tilespmem:s5+$0x88] =	vst.add.f32.msk $0xffff, v1  }
0x179: {  	v1 =	vld [tilespmem:s30+$0xFFFFFFF0];
	_ =	sdelay $0x4  }
0x17a: {  	[tilespmem:s5+$0x98] =	vst.add.f32.msk $0xffff, v1  }
0x17b: {  	v1 =	vld [tilespmem:s30+$0x0];
	_ =	sdelay $0x4  }
0x17c: {  	[tilespmem:s5+$0xA8] =	vst.add.f32.msk $0xffff, v1  }
0x17d: {  	v1 =	vld [tilespmem:s30+$0x10];
	_ =	sdelay $0x4  }
0x17e: {  	[tilespmem:s5+$0xB8] =	vst.add.f32.msk $0xffff, v1  }
.LBB3_21:
0x17f: {  	s31 =	sadd.s32 $0x1, s31  }
0x180: {  	p2 =	seq.s32 s31, $0x0  }
.Ltmp20:
0x181: {  	_ = 	snop;
	(pc) =	sbr.rel @p2 .LBB3_22-.Ltmp20, $2  }
0x182: {  	_ =	sdelay $0x2  }
0x183: {  	s30 =	sadd.s32 $0x80, s30;
	s28 =	sadd.s32 $0x1, s28;
	s29 =	smov.u32 s2  }
.LBB3_16:
0x184: {  	v1 =	vld.msk [tilespmem:s28+$0x0], $0x1;
	_ =	sdelay $0x4  }
0x185: {  	(v2sf) =	vpush v1, $0x0;
	_ =	sdelay $0xe  }
0x186: {  	s2 =	spop (v2sf)  }
0x187: {  	p2 =	sne.s32 s29, s2  }
.Ltmp21:
0x188: {  	_ = 	snop;
	(pc) =	sbr.rel @!p2 .LBB3_17-.Ltmp21, $3  }
0x189: {  	_ =	sdelay $0x1  }
0x18a: {  	s5 =	sshll.u32 s26, $0x8  }
0x18b: {  	s5 =	sshra.s32 s5, $0x2  }
0x18c: {  	p2 =	seq.s32 s29, s4  }
.Ltmp22:
0x18d: {  	_ = 	snop;
	(pc) =	sbr.rel @!p2 .LBB3_19-.Ltmp22, $1  }
0x18e: {  	_ =	sdelay $0x3  }
.Ltmp23:
0x18f: {  	s5 =	sadd.s32 $0x88, s5;
	(pc) =	sbr.rel .LBB3_20-.Ltmp23, $4  }
0x190: {  	[spmem:s18] =	stream.linear.scatter [tilespmem:s5], [sflag:$0x1], $0x40, $0x38;
	[tilespmem:$0x1EF88] =	vst v63  }
0x191: {  	_ =	swait.ge [sflag:s13], $0x40  }
0x192: {  	[sflag:s13] =	ssyncset.done $0x0  }
0x193: {  	[sflag:s13] =	ssyncadd.s32 $0xFFFFFFC0  }
.LBB3_19:
0x194: {  	s7 =	sshll.u32 s0, $0x8  }
0x195: {  	s7 =	sshra.s32 s7, $0x2  }
0x196: {  	v1 =	vld [tilespmem:s7+$0x50C8];
	_ =	sdelay $0x4  }
0x197: {  	[tilespmem:s5+$0x88] =	vst.add.f32.msk $0xffff, v1  }
0x198: {  	v1 =	vld [tilespmem:s7+$0x50D8];
	_ =	sdelay $0x4  }
0x199: {  	[tilespmem:s5+$0x98] =	vst.add.f32.msk $0xffff, v1  }
0x19a: {  	v1 =	vld [tilespmem:s7+$0x50E8];
	_ =	sdelay $0x4  }
0x19b: {  	[tilespmem:s5+$0xA8] =	vst.add.f32.msk $0xffff, v1  }
0x19c: {  	v1 =	vld [tilespmem:s7+$0x50F8];
	_ =	sdelay $0x2  }
0x19d: {  	p2 =	sgt.u32 s29, $0xC34F8  }
0x19e: {  	s7 =	sand.u32 @!p2 $0xFFFF8, s29  }
0x19f: {  	s8 =	sadd.s32 $0x88, s5;
	[tilespmem:s5+$0xB8] =	vst.add.f32.msk $0xffff, v1;
	s5 =	sadd.s32 @!p2 s1, s7;
	s7 =	sand.u32 @!p2 $0x7, s29  }
0x1a0: {  	[hbm4b:s5+s7] =	stream.linear.scatter @!p2 [tilespmem:s8], [sflag:$0xC], $0x40, $0x38;
	[tilespmem:$0x1EF88] =	vst v63  }
0x1a1: {  	s5 =	simm.s32 $0x0  }
0x1a2: {  	s5 =	simm.s32 @!p2 $0x100  }
0x1a3: {  	s3 =	sadd.s32 s5, s3  }
.LBB3_20:
0x1a4: {  	s5 =	sadd.s32 $0x1, s26  }
0x1a5: {  	s7 =	smulhi.u32 $0xCCCCCCCD, s5;
	_ =	sdelay $0x1  }
0x1a6: {  	v1 =	vld [tilespmem:s30+$0xFFFFFFE0];
	s7 =	sshrl.u32 s7, $0x8  }
0x1a7: {  	s7 =	smul.u32 $0x140, s7;
	_ =	sdelay $0x1  }
0x1a8: {  	s26 =	ssub.s32 s5, s7  }
0x1a9: {  	s5 =	sshll.u32 s26, $0x6  }
0x1aa: {  	[tilespmem:s5+$0x88] =	vst v1  }
0x1ab: {  	v1 =	vld [tilespmem:s30+$0xFFFFFFF0];
	_ =	sdelay $0x4  }
0x1ac: {  	[tilespmem:s5+$0x98] =	vst v1  }
0x1ad: {  	v1 =	vld [tilespmem:s30+$0x0];
	_ =	sdelay $0x4  }
0x1ae: {  	[tilespmem:s5+$0xA8] =	vst v1  }
0x1af: {  	v1 =	vld [tilespmem:s30+$0x10]  }
.Ltmp24:
0x1b0: {  	_ = 	snop;
	(pc) =	sbr.rel .LBB3_21-.Ltmp24, $2  }
0x1b1: {  	_ =	sdelay $0x2  }
0x1b2: {  	s0 =	sadd.s32 $0x1, s0;
	[tilespmem:s5+$0xB8] =	vst v1  }
.LBB3_23:
.Ltmp25:
0x1b3: {  	(pc) =	sbr.rel .LBB3_24-.Ltmp25, $4  }
0x1b4: {  	_ = 	snop  }
0x1b5: {  	s0 =	simm.s32 $0x2  }
0x1b6: {  	_ =	swait.ge [sflag:s0], $0x0  }
0x1b7: {  	s2 =	smov.u32 s29;
	[sflag:s0] =	ssyncset.done $0x0;
	s0 =	simm.s32 $0x0  }
.LBB3_26:
0x1b8: {  	_ =	sfence.sel $0x180000  }
0x1b9: {  	s0 =	simm.s32 $0x9;
	[bflag:$0x0] =	sbarrier.arrive $0xFFFF  }
0x1ba: {  	s24 =	simm.s32 $0xA;
	[sflag:s0] =	ssyncpa.u1 $0x1  }
0x1bb: {  	s25 =	simm.s32 $0xB;
	[sflag:s24] =	ssyncpa.u1 $0x1  }
0x1bc: {  	s26 =	simm.s32 $0x2;
	[sflag:s25] =	ssyncpa.u1 $0x1  }
0x1bd: {  	[sflag:s26] =	ssyncpa.u1 $0x1  }
0x1be: {  	v0 =	vld [tilespmem:$0xA108];
	_ =	sdelay $0x4  }
0x1bf: {  	(v2sf) =	vpush v0, $0x0  }
0x1c0: {  	(v2sf) =	vpush v0, $0x1;
	_ =	sdelay $0x1  }
0x1c1: {  	(v2sf) =	vpush v0, $0x2;
	_ =	sdelay $0xb  }
0x1c2: {  	s0 =	spop (v2sf)  }
0x1c3: {  	s2 =	spop (v2sf)  }
0x1c4: {  	s3 =	smov.u32 s0;
	p0 =	sne.s32 s0, s2  }
0x1c5: {  	s4 =	spop (v2sf);
	s3 =	simm.s32 @!p0 $0xFFFFFFFF  }
0x1c6: {  	v2 =	vimm.s32 $0x1;
	v3 =	vlaneseq.u32;
	p0 =	seq.s32 s4, $0xFFFFFFFF;
	v1 =	vmov s3  }
0x1c7: {  	s14 =	stileid.u32;
	v0 =	vperm.xlane v0, v2;
	p1 =	sne.s32 @!p0 s0, s2;
	v1 =	vperm.xlane v1, v3  }
0x1c8: {  	vm0 =	vcmask $0x3F04;
	s6 =	simm.s32 $0xA108;
	s0 =	simm.s32 @!p0 $0x1;
	p1 =	por !p1, p0  }
0x1c9: {  	s3 =	sshll.u32 s14, $0x1;
	s2 =	sshll.u32 @!p0 s4, $0x8;
	s0 =	simm.s32 @p1 $0x0;
	v0 =	vsel vm0, v1, v0  }
0x1ca: {  	s5 =	sor.u32 $0x800, s3;
	s2 =	sshra.s32 @!p0 s2, $0x2;
	s0 =	sor.u32 @!p0 s0, s3;
	[tilespmem:$0xA108] =	vst v0  }
0x1cb: {  	[spmem:s5] =	stream.linear.scatter [tilespmem:s6], [sflag:$0x1], $0x2, $0x38;
	[tilespmem:$0x1EF88] =	vst v63  }
0x1cc: {  	s2 =	sadd.s32 @!p0 $0x88, s2;
	s0 =	sshll.u32 @!p0 s0, $0x6  }
0x1cd: {  	[spmem:s0] =	stream.linear.scatter @!p0 [tilespmem:s2], [sflag:$0x1], $0x40, $0x38;
	[tilespmem:$0x1EF88] =	vst v63  }
0x1ce: {  	s0 =	simm.s32 @!p0 $0x42  }
0x1cf: {  	s28 =	simm.s32 $0x1;
	s0 =	simm.s32 @p0 $0x2  }
0x1d0: {  	_ =	swait.ge [sflag:s28], s0  }
0x1d1: {  	s0 =	ssub.s32 $0x0, s0;
	[sflag:s28] =	ssyncset.done $0x0  }
0x1d2: {  	p0 =	sne.s32 s14, $0x0;
	[sflag:s28] =	ssyncadd.s32 s0  }
.Ltmp26:
0x1d3: {  	_ =	sfence.stream.spmem;
	(pc) =	sbr.rel @p0 .LBB3_43-.Ltmp26, $4  }
0x1d4: {  	s29 =	simm.s32 $0x3;
	[bflag:$0x0] =	sbarrier.arrive $0xFFFF  }
0x1d5: {  	s30 =	simm.s32 $0x4;
	[sflag:s29] =	ssyncpa.u1 $0x1  }
0x1d6: {  	s31 =	simm.s32 $0x3C;
	[sflag:s30] =	ssyncpa.u1 $0x1  }
0x1d7: {  	s13 =	rddreg [dreg:$0x4];
	[sflag:s31] =	ssyncpa.u1 $0x1  }
0x1d8: {  	_ =	sfence.stream.spmem;
	s0 =	simm.s32 $0x5  }
0x1d9: {  	s2 =	simm.s32 $0x800;
	s3 =	simm.s32 $0xA118;
	[sflag:s0] =	ssyncpa.u1 $0x0  }
0x1da: {  	[tilespmem:s3], [sflag:$0x5] =	stream.linear.gather [spmem:s2], $0x20, $0x38;
	[tilespmem:$0x1EF88] =	vst v63  }
0x1db: {  	s26 =	simm.s32 $0x0;
	s28 =	simm.s32 $0xA138  }
0x1dc: {  	[tilespmem:s28], [sflag:$0x5] =	stream.linear.gather [spmem:s26], $0x800, $0x38;
	[tilespmem:$0x1EF88] =	vst v63  }
0x1dd: {  	_ =	swait.ge [sflag:s0], $0x820  }
0x1de: {  	[sflag:s0] =	ssyncset.done $0x0  }
0x1df: {  	s29 =	simm.s32 $0x0;
	[sflag:s0] =	ssyncadd.s32 $0xFFFFF7E0  }
0x1e0: {  	v0 =	vld.msk [tilespmem:s29+$0xA118], $0x1;
	_ =	sdelay $0x1  }
0x1e1: {  	s30 =	simm.s32 $0x1  }
0x1e2: {  	v1 =	vld.msk [tilespmem:s30+$0xA118], $0x1;
	_ =	sdelay $0x1  }
0x1e3: {  	(v2sf) =	vpush v0, $0x0;
	_ =	sdelay $0x2  }
0x1e4: {  	(v2sf) =	vpush v1, $0x0;
	_ =	sdelay $0x2  }
0x1e5: {  	s31 =	simm.s32 $0x2  }
0x1e6: {  	v0 =	vld.msk [tilespmem:s31+$0xA118], $0x1;
	_ =	sdelay $0x2  }
0x1e7: {  	s2 =	simm.s32 $0xFFFFFFFF;
	s3 =	simm.s32 $0xFFFFFFFF;
	s0 =	simm.s32 $0xC  }
.LBB3_28:
0x1e8: {  	s4 =	smov.u32 s3;
	s5 =	smov.u32 s2  }
0x1e9: {  	s2 =	sshra.s32 s0, $0x2;
	p1 =	sne.s32 s0, $0x7C;
	s0 =	sadd.s32 $0x4, s0;
	(v2sf) =	vpush v0, $0x0  }
0x1ea: {  	v0 =	vld.msk [tilespmem:s2+$0xA118], $0x1  }
.Ltmp27:
0x1eb: {  	(pc) =	sbr.rel @p1 .LBB3_28-.Ltmp27, $4  }
0x1ec: {  	s3 =	spop (v2sf)  }
0x1ed: {  	p2 =	sne.s32 s5, $0xFFFFFFFF;
	s2 =	smov.u32 s3  }
0x1ee: {  	p3 =	seq.s32 s3, $0xFFFFFFFF;
	s2 =	smov.u32 @p2 s5  }
0x1ef: {  	s3 =	smov.u32 @p3 s4;
	s2 =	smov.u32 @p3 s5  }
0x1f0: {  	(v2sf) =	vpush v0, $0x0;
	_ =	sdelay $0x8  }
0x1f1: {  	s0 =	spop (v2sf)  }
0x1f2: {  	p1 =	sne.s32 s2, $0xFFFFFFFF;
	s4 =	smov.u32 s0  }
0x1f3: {  	s6 =	simm.s32 $0x0;
	p2 =	seq.s32 s0, $0xFFFFFFFF;
	s4 =	smov.u32 @p1 s2  }
0x1f4: {  	s9 =	simm.s32 $0xA0C8;
	s4 =	smov.u32 @p2 s2;
	s2 =	spop (v2sf)  }
0x1f5: {  	s0 =	smov.u32 @p2 s3;
	p1 =	sne.s32 s4, $0xFFFFFFFF;
	s5 =	smov.u32 s2  }
.Ltmp28:
0x1f6: {  	p2 =	seq.s32 s2, $0xFFFFFFFF;
	s5 =	smov.u32 @p1 s4;
	(pc) =	sbr.rel .LBB3_30-.Ltmp28, $4  }
0x1f7: {  	s10 =	simm.s32 $0x0;
	s5 =	smov.u32 @p2 s4;
	s7 =	spop (v2sf)  }
0x1f8: {  	s2 =	smov.u32 @p2 s0;
	p1 =	sne.s32 s5, $0xFFFFFFFF;
	s8 =	smov.u32 s7  }
0x1f9: {  	s0 =	simm.s32 $0x6;
	p2 =	seq.s32 s7, $0xFFFFFFFF;
	s8 =	smov.u32 @p1 s5  }
0x1fa: {  	[sflag:s0] =	ssyncpa.u1 $0x0;
	s7 =	smov.u32 @p2 s2;
	s8 =	smov.u32 @p2 s5  }
.LBB3_36:
0x1fb: {  	p1 =	sgt.u32 s2, $0xC34F8  }
0x1fc: {  	p2 =	seq.s32 @!p1 s2, s8  }
0x1fd: {  	p1 =	por p1, p2  }
0x1fe: {  	p2 =	sne.s32 @!p1 s2, s7  }
0x1ff: {  	p1 =	por p1, !p2  }
0x200: {  	s2 =	sshll.u32 @p1 s10, $0x8  }
0x201: {  	s3 =	sand.u32 @!p1 $0xFFFF8, s2  }
0x202: {  	s2 =	sand.u32 @!p1 $0x7, s2;
	s3 =	sadd.s32 @!p1 s1, s3  }
0x203: {  	[tilespmem:s9], [sflag:$0x6] =	stream.linear.gather @!p1 [hbm4b:s3+s2], $0x40, $0x38;
	[tilespmem:$0x1EF88] =	vst v63  }
0x204: {  	_ =	swait.ge @!p1 [sflag:s0], $0x40  }
0x205: {  	[sflag:s0] =	ssyncset.done @!p1 $0x0  }
0x206: {  	[sflag:s0] =	ssyncadd.s32 @!p1 $0xFFFFFFC0  }
0x207: {  	v1 =	vld @!p1 [tilespmem:$0xA0C8];
	_ =	sdelay $0x2  }
0x208: {  	s2 =	sshll.u32 @!p1 s10, $0x8  }
0x209: {  	s3 =	sshrl.u32 @!p1 s2, $0x2  }
0x20a: {  	[tilespmem:s3+$0xA138] =	vst.add.f32.msk @!p1 $0xffff, v1  }
0x20b: {  	v1 =	vld @!p1 [tilespmem:$0xA0D8];
	_ =	sdelay $0x4  }
0x20c: {  	[tilespmem:s3+$0xA148] =	vst.add.f32.msk @!p1 $0xffff, v1  }
0x20d: {  	v1 =	vld @!p1 [tilespmem:$0xA0E8];
	_ =	sdelay $0x4  }
0x20e: {  	[tilespmem:s3+$0xA158] =	vst.add.f32.msk @!p1 $0xffff, v1  }
0x20f: {  	v1 =	vld @!p1 [tilespmem:$0xA0F8];
	_ =	sdelay $0x4  }
0x210: {  	[tilespmem:s3+$0xA168] =	vst.add.f32.msk @!p1 $0xffff, v1  }
0x211: {  	s2 =	sshrl.u32 s2, $0x2;
	[tilespmem:s6+$0xA118] =	vst.msk $0x1, v0  }
0x212: {  	v0 =	vld [tilespmem:s2+$0xA138];
	_ =	sdelay $0x2  }
0x213: {  	s31 =	sshll.u32 s6, $0x8  }
0x214: {  	s3 =	sshra.s32 s31, $0x2  }
0x215: {  	[tilespmem:s3+$0xA138] =	vst v0  }
0x216: {  	v0 =	vld [tilespmem:s2+$0xA148];
	_ =	sdelay $0x4  }
0x217: {  	[tilespmem:s3+$0xA148] =	vst v0  }
0x218: {  	v0 =	vld [tilespmem:s2+$0xA158];
	_ =	sdelay $0x4  }
0x219: {  	[tilespmem:s3+$0xA158] =	vst v0  }
0x21a: {  	v0 =	vld [tilespmem:s2+$0xA168];
	_ =	sdelay $0x4  }
0x21b: {  	s6 =	sadd.s32 $0x1, s6;
	[tilespmem:s3+$0xA168] =	vst v0  }
.LBB3_37:
0x21c: {  	s10 =	sadd.s32 $0x1, s10  }
0x21d: {  	p1 =	sne.s32 s10, $0x20  }
.Ltmp29:
0x21e: {  	_ = 	snop;
	(pc) =	sbr.rel @!p1 .LBB3_38-.Ltmp29, $1  }
0x21f: {  	_ =	sdelay $0x3  }
.LBB3_30:
0x220: {  	v0 =	vld.msk [tilespmem:s10+$0xA118], $0x1;
	_ =	sdelay $0x4  }
0x221: {  	(v2sf) =	vpush v0, $0x0;
	_ =	sdelay $0xe  }
0x222: {  	s2 =	spop (v2sf)  }
0x223: {  	p1 =	seq.s32 s2, $0xFFFFFFFF  }
.Ltmp30:
0x224: {  	_ = 	snop;
	(pc) =	sbr.rel @p1 .LBB3_37-.Ltmp30, $1  }
0x225: {  	_ =	sdelay $0x3  }
0x226: {  	p1 =	slt.s32 s6, $0x1  }
.Ltmp31:
0x227: {  	_ = 	snop;
	(pc) =	sbr.rel @p1 .LBB3_36-.Ltmp31, $1  }
0x228: {  	_ =	sdelay $0x3  }
0x229: {  	s3 =	simm.s32 $0xA118;
	p1 =	por $0x0, $0x0  }
0x22a: {  	v1 =	vld.msk @!p1 [tilespmem:s3+$0x0], $0x1;
	_ =	sdelay $0x4  }
0x22b: {  	(v2sf) =	vpush @!p1 v1, $0x0;
	_ =	sdelay $0xd  }
0x22c: {  	p3 =	sne.s32 s6, $0x1  }
.Ltmp32:
0x22d: {  	s4 =	spop @!p1 (v2sf);
	(pc) =	sbr.rel @!p3 .LBB3_34-.Ltmp32, $4  }
0x22e: {  	p2 =	seq.s32 @!p1 s2, s4  }
0x22f: {  	s4 =	simm.s32 $0x0;
	p2 =	por !p2, p1  }
0x230: {  	s11 =	simm.s32 $0xFFFFFFFF;
	s4 =	simm.s32 @p2 $0xFFFFFFFF  }
0x231: {  	s5 =	simm.s32 $0x1;
	s4 =	smov.u32 @p1 s11  }
.LBB3_33:
0x232: {  	s11 =	smov.u32 s4;
	p1 =	sne.s32 s4, $0xFFFFFFFF  }
0x233: {  	s3 =	sadd.s32 $0x1, s3;
	s4 =	smov.u32 s5;
	s5 =	sadd.s32 $0x1, s5  }
0x234: {  	p2 =	sne.s32 s6, s5;
	v1 =	vld.msk @!p1 [tilespmem:s3+$0x0], $0x1;
	_ =	sdelay $0x4  }
0x235: {  	(v2sf) =	vpush @!p1 v1, $0x0;
	_ =	sdelay $0xe  }
.Ltmp33:
0x236: {  	s12 =	spop @!p1 (v2sf);
	(pc) =	sbr.rel @p2 .LBB3_33-.Ltmp33, $4  }
0x237: {  	p3 =	seq.s32 @!p1 s2, s12  }
0x238: {  	p3 =	por !p3, p1  }
0x239: {  	s4 =	simm.s32 @p3 $0xFFFFFFFF  }
0x23a: {  	s4 =	smov.u32 @p1 s11  }
.LBB3_34:
0x23b: {  	p1 =	seq.s32 s4, $0xFFFFFFFF  }
.Ltmp34:
0x23c: {  	_ = 	snop;
	(pc) =	sbr.rel @p1 .LBB3_36-.Ltmp34, $1  }
0x23d: {  	_ =	sdelay $0x3  }
0x23e: {  	s2 =	sshll.u32 s10, $0x6  }
0x23f: {  	s2 =	sand.u32 $0x3FFFFFC0, s2  }
0x240: {  	v0 =	vld [tilespmem:s2+$0xA138];
	_ =	sdelay $0x2  }
0x241: {  	s3 =	sshll.u32 s4, $0x8  }
0x242: {  	s3 =	sshra.s32 s3, $0x2  }
0x243: {  	[tilespmem:s3+$0xA138] =	vst.add.f32.msk $0xffff, v0  }
0x244: {  	v0 =	vld [tilespmem:s2+$0xA148];
	_ =	sdelay $0x4  }
0x245: {  	[tilespmem:s3+$0xA148] =	vst.add.f32.msk $0xffff, v0  }
0x246: {  	v0 =	vld [tilespmem:s2+$0xA158];
	_ =	sdelay $0x4  }
0x247: {  	[tilespmem:s3+$0xA158] =	vst.add.f32.msk $0xffff, v0  }
0x248: {  	v0 =	vld [tilespmem:s2+$0xA168]  }
.Ltmp35:
0x249: {  	_ = 	snop;
	(pc) =	sbr.rel .LBB3_37-.Ltmp35, $2  }
0x24a: {  	_ =	sdelay $0x2  }
0x24b: {  	[tilespmem:s3+$0xA168] =	vst.add.f32.msk $0xffff, v0  }
.LBB3_38:
0x24c: {  	s0 =	simm.s32 $0x6;
	p1 =	seq.s32 s6, $0x0  }
0x24d: {  	[sflag:s0] =	ssyncpa.u1 $0x1;
	v0 =	vimm.s32 @p1 $0xFFFFFFFF  }
0x24e: {  	s0 =	sadd.s32 $0xFFFFFFFF, s6;
	[tilespmem:$0xA938] =	vst @p1 v0  }
0x24f: {  	v0 =	vld.msk @!p1 [tilespmem:s0+$0xA118], $0x1;
	_ =	sdelay $0x1  }
0x250: {  	v1 =	vld.msk @!p1 [tilespmem:$0xA118], $0x1;
	_ =	sdelay $0x2  }
0x251: {  	p2 =	seq.s32 @!p1 s0, $0x0;
	v0 =	vbroadcast @!p1 v0, $0x0  }
0x252: {  	vm0 =	vmmov @!p1 $0x1;
	p2 =	por !p2, p1  }
0x253: {  	v1 =	vnsel @!p1 vm0, $0xFFFFFFFF, v1;
	vm0 =	vcmask @!p1 $0x308;
	v0 =	vpsel !p2, $0xFFFFFFFF, v0  }
0x254: {  	p2 =	sne.s32 @!p1 s8, s7;
	v0 =	vsel @!p1 vm0, v1, v0  }
0x255: {  	s2 =	simm.s32 @!p1 $0xA138;
	s3 =	simm.s32 @!p1 $0x0;
	p3 =	por !p2, p1;
	[tilespmem:$0xA938] =	vst @!p1 v0  }
0x256: {  	[spmem:s3] =	stream.linear.scatter @!p1 [tilespmem:s2], [sflag:$0x1], $0x40, $0x38;
	[tilespmem:$0x1EF88] =	vst v63  }
0x257: {  	s2 =	sshll.u32 @!p3 s0, $0x8  }
0x258: {  	s2 =	sshra.s32 @!p3 s2, $0x2  }
0x259: {  	s3 =	simm.s32 @!p3 $0x40;
	s2 =	sadd.s32 @!p3 $0xA138, s2  }
0x25a: {  	[spmem:s3] =	stream.linear.scatter @!p3 [tilespmem:s2], [sflag:$0x1], $0x40, $0x38;
	[tilespmem:$0x1EF88] =	vst v63  }
0x25b: {  	s2 =	simm.s32 @!p3 $0x1  }
0x25c: {  	_ =	swait.ge @!p3 [sflag:s2], $0x80  }
0x25d: {  	p1 =	por p2, p1;
	[sflag:s2] =	ssyncset.done @!p3 $0x0  }
0x25e: {  	[sflag:s2] =	ssyncadd.s32 @!p3 $0xFFFFFF80;
	s2 =	simm.s32 @!p1 $0x1  }
0x25f: {  	_ =	swait.ge @!p1 [sflag:s2], $0x40  }
0x260: {  	s29 =	simm.s32 $0xA938;
	[sflag:s2] =	ssyncset.done @!p1 $0x0  }
0x261: {  	s30 =	simm.s32 $0x800;
	s31 =	simm.s32 $0x1;
	[sflag:s2] =	ssyncadd.s32 @!p1 $0xFFFFFFC0  }
0x262: {  	[spmem:s30] =	stream.linear.scatter [tilespmem:s29], [sflag:$0x1], $0x10, $0x38;
	[tilespmem:$0x1EF88] =	vst v63  }
0x263: {  	_ =	swait.ge [sflag:s31], $0x10  }
0x264: {  	[sflag:s31] =	ssyncset.done $0x0  }
0x265: {  	p1 =	seq.s32 s13, $0x0;
	s9 =	rddreg [dreg:$0x1];
	[sflag:s31] =	ssyncadd.s32 $0xFFFFFFF0  }
0x266: {  	s3 =	sshll.u32 @p1 s9, $0xE;
	s8 =	rddreg [dreg:$0x2]  }
0x267: {  	s2 =	sadd.s32 @p1 $0x15C3C, s3;
	s3 =	sshll.u32 @p1 s8, $0x11  }
0x268: {  	_ =	sfence.stream.spmem;
	s2 =	sor.u32 @p1 s3, s2  }
0x269: {  	[sflag:s2] =	ssyncadd.remote.s32 @p1 $0x1;
	s2 =	simm.s32 @p1 $0x4  }
0x26a: {  	s4 =	simm.s32 @!p1 $0x3C;
	s3 =	sand.u32 $0xFFFFFFFE, s9;
	_ =	swait.ge @p1 [sflag:s2], $0x12  }
0x26b: {  	s5 =	simm.s32 @!p1 $0x0;
	s3 =	sadd.s32 @!p1 $0x4, s3;
	[sflag:s2] =	ssyncset.done @p1 $0x0  }
0x26c: {  	s7 =	simm.s32 @!p1 $0x80;
	[sflag:s2] =	ssyncadd.s32 @p1 $0xFFFFFFEE;
	s2 =	sshll.u32 @!p1 s3, $0x1A  }
0x26d: {  	s3 =	sshll.u32 @!p1 s3, $0xD;
	s2 =	sor.u32 @!p1 s2, s8;
	_ =	swait.eq @!p1 [sflag:s4], $0x1  }
0x26e: {  	s3 =	sor.u32 @!p1 $0x1C04, s3;
	s4 =	simm.s32 @!p1 $0x1C03;
	s2 =	sor.u32 @!p1 $0x80004000, s2  }
0x26f: {  	[spmem:s7], [sflag:s3] =	dma.general @!p1 [spmem:s5], [sflag:s4], length:$0x10, [dreg:$0x0], stride_count:$0x0, ici_dest:s2, dma_misc:DstOpCode:WRITE  }
0x270: {  	p2 =	slt.s32 s0, $0x2;
	s5 =	simm.s32 @!p1 $0x100;
	s7 =	simm.s32 @!p1 $0x102  }
0x271: {  	[spmem:s7], [sflag:s3] =	dma.general @!p1 [spmem:s5], [sflag:s4], length:$0x2, [dreg:$0x0], stride_count:$0x0, ici_dest:s2, dma_misc:DstOpCode:WRITE  }
.Ltmp36:
0x272: {  	s2 =	simm.s32 @!p1 $0x3;
	(pc) =	sbr.rel @p2 .LBB3_42-.Ltmp36, $4  }
0x273: {  	s3 =	sshll.u32 @!p1 s9, $0xE;
	_ =	swait.ge @!p1 [sflag:s2], $0x12  }
0x274: {  	s4 =	sshll.u32 @!p1 s8, $0x11;
	s3 =	sadd.s32 @!p1 $0x11C3C, s3;
	[sflag:s2] =	ssyncset.done @!p1 $0x0  }
0x275: {  	[sflag:s2] =	ssyncadd.s32 @!p1 $0xFFFFFFEE;
	s2 =	sor.u32 @!p1 s4, s3  }
0x276: {  	s0 =	simm.s32 $0x0;
	[sflag:s2] =	ssyncadd.remote.s32 @!p1 $0xFFFFFFFF  }
0x277: {  	s0 =	simm.s32 $0xA119  }
0x278: {  	v0 =	vld.msk [tilespmem:s0+$0x0], $0x1;
	_ =	sdelay $0x4  }
0x279: {  	(v2sf) =	vpush v0, $0x0;
	_ =	sdelay $0xc  }
0x27a: {  	s2 =	sadd.s32 $0xFFFFFFFE, s6  }
0x27b: {  	s2 =	sadd.s32 $0xFFFFFFFF, s2  }
0x27c: {  	p2 =	sne.s32 s2, $0x0;
	s3 =	spop (v2sf)  }
.Ltmp37:
0x27d: {  	p1 =	sgt.u32 s3, $0xC34F8;
	(pc) =	sbr.rel @!p2 .LBB3_41-.Ltmp37, $4  }
0x27e: {  	s5 =	simm.s32 $0x0;
	s4 =	sand.u32 @!p1 $0xFFFF8, s3  }
0x27f: {  	s0 =	simm.s32 $0xA178;
	s3 =	sand.u32 @!p1 $0x7, s3;
	s4 =	sadd.s32 @!p1 s1, s4  }
0x280: {  	[hbm4b:s4+s3] =	stream.linear.scatter @!p1 [tilespmem:s0], [sflag:$0x5], $0x40, $0x38;
	[tilespmem:$0x1EF88] =	vst v63  }
0x281: {  	s5 =	simm.s32 @!p1 $0x100;
	s3 =	simm.s32 $0x0;
	s4 =	simm.s32 $0xA11A  }
.LBB3_40:
0x282: {  	v0 =	vld.msk [tilespmem:s4+$0x0], $0x1;
	s2 =	sadd.s32 $0xFFFFFFFF, s2;
	s3 =	sadd.s32 s3, s5  }
0x283: {  	p1 =	sne.s32 s2, $0x0;
	_ =	sdelay $0x3  }
0x284: {  	(v2sf) =	vpush v0, $0x0;
	_ =	sdelay $0xe  }
.Ltmp38:
0x285: {  	s6 =	spop (v2sf);
	(pc) =	sbr.rel @p1 .LBB3_40-.Ltmp38, $4  }
0x286: {  	s5 =	simm.s32 $0x0;
	p2 =	sgt.u32 s6, $0xC34F8  }
0x287: {  	s0 =	sadd.s32 $0x40, s0;
	s5 =	simm.s32 @!p2 $0x100;
	s7 =	sand.u32 @!p2 $0xFFFF8, s6  }
0x288: {  	s4 =	sadd.s32 $0x1, s4;
	s6 =	sand.u32 @!p2 $0x7, s6;
	s7 =	sadd.s32 @!p2 s1, s7  }
0x289: {  	[hbm4b:s7+s6] =	stream.linear.scatter @!p2 [tilespmem:s0], [sflag:$0x5], $0x40, $0x38;
	[tilespmem:$0x1EF88] =	vst v63  }
.LBB3_41:
0x28a: {  	s0 =	sadd.s32 s3, s5  }
0x28b: {  	s0 =	sshrl.u32 s0, $0x2  }
.LBB3_42:
0x28c: {  	s2 =	simm.s32 $0x5  }
0x28d: {  	_ =	swait.ge [sflag:s2], s0  }
0x28e: {  	s31 =	ssub.s32 $0x0, s0;
	[sflag:s2] =	ssyncset.done $0x0  }
0x28f: {  	[sflag:s2] =	ssyncadd.s32 s31  }
0x290: {  	[sflag:s2] =	ssyncpa.u1 $0x1  }
.LBB3_43:
0x291: {  	s0 =	sor.u32 s13, s14  }
0x292: {  	p1 =	sne.s32 s0, $0x0  }
.Ltmp39:
0x293: {  	_ = 	snop;
	(pc) =	sbr.rel @p1 .LBB3_58-.Ltmp39, $3  }
0x294: {  	_ =	sdelay $0x1  }
0x295: {  	[bflag:$0x0] =	sbarrier.arrive $0xFFFF  }
0x296: {  	_ =	sfence  }
0x297: {  	s2 =	simm.s32 $0x7  }
0x298: {  	s0 =	simm.s32 $0x800;
	s3 =	simm.s32 $0xA118;
	[sflag:s2] =	ssyncpa.u1 $0x0  }
0x299: {  	[tilespmem:s3], [sflag:$0x7] =	stream.linear.gather [spmem:s0], $0x20, $0x38;
	[tilespmem:$0x1EF88] =	vst v63  }
0x29a: {  	s30 =	simm.s32 $0xA138;
	s0 =	simm.s32 $0x0  }
0x29b: {  	[tilespmem:s30], [sflag:$0x7] =	stream.linear.gather [spmem:s0], $0x800, $0x38;
	[tilespmem:$0x1EF88] =	vst v63  }
.Ltmp40:
0x29c: {  	_ = 	snop;
	(pc) =	sbr.rel .LBB3_45-.Ltmp40, $4  }
0x29d: {  	_ =	swait.ge [sflag:s2], $0x820  }
0x29e: {  	[sflag:s2] =	ssyncset.done $0x0  }
0x29f: {  	s31 =	simm.s32 $0x8;
	[sflag:s2] =	ssyncadd.s32 $0xFFFFF7E0  }
0x2a0: {  	s2 =	simm.s32 $0x0;
	[sflag:s31] =	ssyncpa.u1 $0x0  }
.LBB3_51:
0x2a1: {  	p1 =	slt.u32 s3, $0xC34F9  }
0x2a2: {  	s4 =	sand.u32 @p1 $0xFFFF8, s3  }
0x2a3: {  	s3 =	sand.u32 @p1 $0x7, s3;
	s5 =	simm.s32 @p1 $0xA0C8;
	s4 =	sadd.s32 @p1 s1, s4  }
0x2a4: {  	[tilespmem:s5], [sflag:$0x8] =	stream.linear.gather @p1 [hbm4b:s4+s3], $0x40, $0x38;
	[tilespmem:$0x1EF88] =	vst v63  }
0x2a5: {  	s3 =	simm.s32 @p1 $0x8  }
0x2a6: {  	_ =	swait.ge @p1 [sflag:s3], $0x40  }
0x2a7: {  	[sflag:s3] =	ssyncset.done @p1 $0x0  }
0x2a8: {  	[sflag:s3] =	ssyncadd.s32 @p1 $0xFFFFFFC0  }
0x2a9: {  	v1 =	vld @p1 [tilespmem:$0xA0C8];
	_ =	sdelay $0x2  }
0x2aa: {  	s3 =	sshll.u32 @p1 s2, $0x8  }
0x2ab: {  	s4 =	sshrl.u32 @p1 s3, $0x2  }
0x2ac: {  	[tilespmem:s4+$0xA138] =	vst.add.f32.msk @p1 $0xffff, v1  }
0x2ad: {  	v1 =	vld @p1 [tilespmem:$0xA0D8];
	_ =	sdelay $0x4  }
0x2ae: {  	[tilespmem:s4+$0xA148] =	vst.add.f32.msk @p1 $0xffff, v1  }
0x2af: {  	v1 =	vld @p1 [tilespmem:$0xA0E8];
	_ =	sdelay $0x4  }
0x2b0: {  	[tilespmem:s4+$0xA158] =	vst.add.f32.msk @p1 $0xffff, v1  }
0x2b1: {  	v1 =	vld @p1 [tilespmem:$0xA0F8];
	_ =	sdelay $0x3  }
0x2b2: {  	s5 =	sshll.u32 @!p1 s2, $0x8  }
0x2b3: {  	s5 =	smov.u32 @p1 s3;
	[tilespmem:s4+$0xA168] =	vst.add.f32.msk @p1 $0xffff, v1  }
0x2b4: {  	s3 =	sshrl.u32 s5, $0x2;
	[tilespmem:s0+$0xA118] =	vst.msk $0x1, v0  }
0x2b5: {  	v0 =	vld [tilespmem:s3+$0xA138];
	_ =	sdelay $0x2  }
0x2b6: {  	s31 =	sshll.u32 s0, $0x8  }
0x2b7: {  	s4 =	sshra.s32 s31, $0x2  }
0x2b8: {  	[tilespmem:s4+$0xA138] =	vst v0  }
0x2b9: {  	v0 =	vld [tilespmem:s3+$0xA148];
	_ =	sdelay $0x4  }
0x2ba: {  	[tilespmem:s4+$0xA148] =	vst v0  }
0x2bb: {  	v0 =	vld [tilespmem:s3+$0xA158];
	_ =	sdelay $0x4  }
0x2bc: {  	[tilespmem:s4+$0xA158] =	vst v0  }
0x2bd: {  	v0 =	vld [tilespmem:s3+$0xA168];
	_ =	sdelay $0x4  }
0x2be: {  	s0 =	sadd.s32 $0x1, s0;
	[tilespmem:s4+$0xA168] =	vst v0  }
.LBB3_52:
0x2bf: {  	s2 =	sadd.s32 $0x1, s2  }
0x2c0: {  	p1 =	sne.s32 s2, $0x20  }
.Ltmp41:
0x2c1: {  	_ = 	snop;
	(pc) =	sbr.rel @!p1 .LBB3_53-.Ltmp41, $1  }
0x2c2: {  	_ =	sdelay $0x3  }
.LBB3_45:
0x2c3: {  	v0 =	vld.msk [tilespmem:s2+$0xA118], $0x1;
	_ =	sdelay $0x4  }
0x2c4: {  	(v2sf) =	vpush v0, $0x0;
	_ =	sdelay $0xe  }
0x2c5: {  	s3 =	spop (v2sf)  }
0x2c6: {  	p1 =	seq.s32 s3, $0xFFFFFFFF  }
.Ltmp42:
0x2c7: {  	_ = 	snop;
	(pc) =	sbr.rel @p1 .LBB3_52-.Ltmp42, $1  }
0x2c8: {  	_ =	sdelay $0x3  }
0x2c9: {  	p1 =	slt.s32 s0, $0x1  }
.Ltmp43:
0x2ca: {  	_ = 	snop;
	(pc) =	sbr.rel @p1 .LBB3_51-.Ltmp43, $1  }
0x2cb: {  	_ =	sdelay $0x3  }
0x2cc: {  	s4 =	simm.s32 $0xA118;
	p1 =	por $0x0, $0x0  }
0x2cd: {  	v1 =	vld.msk @!p1 [tilespmem:s4+$0x0], $0x1;
	_ =	sdelay $0x4  }
0x2ce: {  	(v2sf) =	vpush @!p1 v1, $0x0;
	_ =	sdelay $0xd  }
0x2cf: {  	p3 =	sne.s32 s0, $0x1  }
.Ltmp44:
0x2d0: {  	s5 =	spop @!p1 (v2sf);
	(pc) =	sbr.rel @!p3 .LBB3_49-.Ltmp44, $4  }
0x2d1: {  	p2 =	seq.s32 @!p1 s3, s5  }
0x2d2: {  	s5 =	simm.s32 $0x0;
	p2 =	por !p2, p1  }
0x2d3: {  	s7 =	simm.s32 $0xFFFFFFFF;
	s5 =	simm.s32 @p2 $0xFFFFFFFF  }
0x2d4: {  	s6 =	simm.s32 $0x1;
	s5 =	smov.u32 @p1 s7  }
.LBB3_48:
0x2d5: {  	s7 =	smov.u32 s5;
	p1 =	sne.s32 s5, $0xFFFFFFFF  }
0x2d6: {  	s4 =	sadd.s32 $0x1, s4;
	s5 =	smov.u32 s6;
	s6 =	sadd.s32 $0x1, s6  }
0x2d7: {  	p2 =	sne.s32 s0, s6;
	v1 =	vld.msk @!p1 [tilespmem:s4+$0x0], $0x1;
	_ =	sdelay $0x4  }
0x2d8: {  	(v2sf) =	vpush @!p1 v1, $0x0;
	_ =	sdelay $0xe  }
.Ltmp45:
0x2d9: {  	s8 =	spop @!p1 (v2sf);
	(pc) =	sbr.rel @p2 .LBB3_48-.Ltmp45, $4  }
0x2da: {  	p3 =	seq.s32 @!p1 s3, s8  }
0x2db: {  	p3 =	por !p3, p1  }
0x2dc: {  	s5 =	simm.s32 @p3 $0xFFFFFFFF  }
0x2dd: {  	s5 =	smov.u32 @p1 s7  }
.LBB3_49:
0x2de: {  	p1 =	seq.s32 s5, $0xFFFFFFFF  }
.Ltmp46:
0x2df: {  	_ = 	snop;
	(pc) =	sbr.rel @p1 .LBB3_51-.Ltmp46, $1  }
0x2e0: {  	_ =	sdelay $0x3  }
0x2e1: {  	s3 =	sshll.u32 s2, $0x6  }
0x2e2: {  	s3 =	sand.u32 $0x3FFFFFC0, s3  }
0x2e3: {  	v0 =	vld [tilespmem:s3+$0xA138];
	_ =	sdelay $0x2  }
0x2e4: {  	s4 =	sshll.u32 s5, $0x8  }
0x2e5: {  	s4 =	sshra.s32 s4, $0x2  }
0x2e6: {  	[tilespmem:s4+$0xA138] =	vst.add.f32.msk $0xffff, v0  }
0x2e7: {  	v0 =	vld [tilespmem:s3+$0xA148];
	_ =	sdelay $0x4  }
0x2e8: {  	[tilespmem:s4+$0xA148] =	vst.add.f32.msk $0xffff, v0  }
0x2e9: {  	v0 =	vld [tilespmem:s3+$0xA158];
	_ =	sdelay $0x4  }
0x2ea: {  	[tilespmem:s4+$0xA158] =	vst.add.f32.msk $0xffff, v0  }
0x2eb: {  	v0 =	vld [tilespmem:s3+$0xA168]  }
.Ltmp47:
0x2ec: {  	_ = 	snop;
	(pc) =	sbr.rel .LBB3_52-.Ltmp47, $2  }
0x2ed: {  	_ =	sdelay $0x2  }
0x2ee: {  	[tilespmem:s4+$0xA168] =	vst.add.f32.msk $0xffff, v0  }
.LBB3_53:
0x2ef: {  	p1 =	slt.s32 s0, $0x1  }
.Ltmp48:
0x2f0: {  	_ = 	snop;
	(pc) =	sbr.rel @p1 .LBB3_57-.Ltmp48, $3  }
0x2f1: {  	_ =	sdelay $0x1  }
0x2f2: {  	s2 =	simm.s32 $0x8  }
0x2f3: {  	[sflag:s2] =	ssyncpa.u1 $0x1;
	s2 =	simm.s32 $0x0  }
0x2f4: {  	s3 =	simm.s32 $0xA118  }
0x2f5: {  	v0 =	vld.msk [tilespmem:s3+$0x0], $0x1;
	_ =	sdelay $0x4  }
0x2f6: {  	(v2sf) =	vpush v0, $0x0;
	_ =	sdelay $0xe  }
0x2f7: {  	s0 =	sadd.s32 $0xFFFFFFFF, s0;
	s4 =	spop (v2sf)  }
0x2f8: {  	p2 =	sne.s32 s0, $0x0;
	p1 =	sgt.u32 s4, $0xC34F8  }
.Ltmp49:
0x2f9: {  	s5 =	sand.u32 @!p1 $0xFFFF8, s4;
	(pc) =	sbr.rel @!p2 .LBB3_56-.Ltmp49, $4  }
0x2fa: {  	s3 =	simm.s32 $0xA138;
	s4 =	sand.u32 @!p1 $0x7, s4;
	s5 =	sadd.s32 @!p1 s1, s5  }
0x2fb: {  	[hbm4b:s5+s4] =	stream.linear.scatter @!p1 [tilespmem:s3], [sflag:$0x7], $0x40, $0x38;
	[tilespmem:$0x1EF88] =	vst v63  }
0x2fc: {  	s5 =	simm.s32 $0x0  }
0x2fd: {  	s4 =	simm.s32 $0xA119;
	s5 =	simm.s32 @!p1 $0x100  }
.LBB3_55:
0x2fe: {  	v0 =	vld.msk [tilespmem:s4+$0x0], $0x1;
	s0 =	sadd.s32 $0xFFFFFFFF, s0;
	s2 =	sadd.s32 s2, s5  }
0x2ff: {  	p1 =	sne.s32 s0, $0x0;
	_ =	sdelay $0x3  }
0x300: {  	(v2sf) =	vpush v0, $0x0;
	_ =	sdelay $0xe  }
.Ltmp50:
0x301: {  	s6 =	spop (v2sf);
	(pc) =	sbr.rel @p1 .LBB3_55-.Ltmp50, $4  }
0x302: {  	s5 =	simm.s32 $0x0;
	p2 =	sgt.u32 s6, $0xC34F8  }
0x303: {  	s3 =	sadd.s32 $0x40, s3;
	s5 =	simm.s32 @!p2 $0x100;
	s7 =	sand.u32 @!p2 $0xFFFF8, s6  }
0x304: {  	s4 =	sadd.s32 $0x1, s4;
	s6 =	sand.u32 @!p2 $0x7, s6;
	s7 =	sadd.s32 @!p2 s1, s7  }
0x305: {  	[hbm4b:s7+s6] =	stream.linear.scatter @!p2 [tilespmem:s3], [sflag:$0x7], $0x40, $0x38;
	[tilespmem:$0x1EF88] =	vst v63  }
.LBB3_56:
0x306: {  	s0 =	sadd.s32 s2, s5  }
0x307: {  	s2 =	sshrl.u32 s0, $0x2  }
.LBB3_57:
0x308: {  	s0 =	simm.s32 $0x7  }
0x309: {  	_ =	swait.ge [sflag:s0], s2  }
0x30a: {  	s1 =	ssub.s32 $0x0, s2;
	[sflag:s0] =	ssyncset.done $0x0  }
0x30b: {  	[sflag:s0] =	ssyncadd.s32 s1  }
0x30c: {  	[sflag:s0] =	ssyncpa.u1 $0x1  }
.LBB3_58:
0x30d: {  	_ =	sfence;
	s0 =	simm.s32 $0x1  }
0x30e: {  	[sflag:s0] =	ssyncpa.u1 $0x1  }
0x30f: {  	_ =	strace $0x90000050  }
0x310: {  	[bflag:$0x2] =	sbarrier.arrive $0xFFFF  }
0x311: {  	s0 =	rddreg [dreg:$0x3]  }
0x312: {  	s0 =	sadd.s32 @!p0 $0x100000, s0  }
0x313: {  	[sflag:s0] =	ssyncadd.tile.s32 @!p0 $0x1;
	_ =	shalt  }
.Lfunc_end3:
_tile_overlayer_lowered:
.L_overlay_start_3:
0x314: {  	(tag) =	ssettag $0x3  }
0x315: {  	s0 =	rddreg [dreg:$0x0];
	s2 =	stileid.u32  }
0x316: {  	s1 =	rddreg [dreg:$0x1];
	p0 =	sne.s32 s2, $0x0  }
0x317: {  	s3 =	rddreg [dreg:$0x2];
	[bflag:$0x3] =	sbarrier.arrive $0xFFFF;
	s2 =	simm.s32 @!p0 $0x1C01  }
0x318: {  	[timem:s3], [sflag:s2] =	dma.local @!p0 [hbm:s0], s1  }
0x319: {  	s0 =	simm.s32 @!p0 $0x1  }
0x31a: {  	_ =	swait.ge @!p0 [sflag:s0], s1  }
0x31b: {  	s1 =	ssub.s32 @!p0 $0x0, s1;
	[sflag:s0] =	ssyncset.done @!p0 $0x0  }
0x31c: {  	[sflag:s0] =	ssyncadd.s32 @!p0 s1  }
0x31d: {  	[bflag:$0x3] =	sbarrier.arrive $0xFFFF  }
0x31e: {  	_ =	shalt  }

</sc_bundles>
